<compile_context>
chip_gen: v7x
topology: tpu7x:2x2x1
jax: 0.10.2.dev20260603
libtpu: 0.0.44.dev20260713+nightly
codegen_flags: <defaults>
</compile_context>

<pallas_src>
import functools

import jax
import jax.numpy as jnp
from jax import lax
from jax.experimental import pallas as pl
from jax.experimental.pallas import tpu as pltpu
from jax.experimental.pallas import tpu_sc as plsc

N_NODES = 100000
D = 128
G = 1000

NC = 2
NS = 16
NW = NC * NS

C = 80
NCHUNKS = N_NODES // C
BIG = 5
ROWS = BIG * C
NBIG = N_NODES // ROWS
TRIPS = -(-NBIG // NW)

CNT_W = 16
RPS = 64
RPS_LAST = G - (NS - 1) * RPS


def _sc_segment_sums(x, batch2d, ones_c, zrow_c, zcnt_c):
    mesh = plsc.VectorSubcoreMesh(core_axis_name="c", subcore_axis_name="s")

    @functools.partial(
        pl.kernel,
        out_type=[
            jax.ShapeDtypeStruct((NC, G, D), jnp.float32),
            jax.ShapeDtypeStruct((NC, G, CNT_W), jnp.float32),
        ],
        mesh=mesh,
        compiler_params=pltpu.CompilerParams(use_tc_tiling_on_sc=False),
        scratch_types=[
            pltpu.VMEM((ROWS, D), jnp.float32),
            pltpu.VMEM((ROWS, D), jnp.float32),
            pltpu.VMEM((BIG, C), jnp.int32),
            pltpu.VMEM((BIG, C), jnp.int32),
            pltpu.VMEM((C, CNT_W), jnp.float32),
            pltpu.VMEM((RPS, D), jnp.float32),
            pltpu.VMEM((RPS, CNT_W), jnp.float32),
            pltpu.VMEM_SHARED((G, D), jnp.float32),
            pltpu.VMEM_SHARED((G, CNT_W), jnp.float32),
            pltpu.SemaphoreType.DMA,
            pltpu.SemaphoreType.DMA,
            pltpu.SemaphoreType.DMA,
            pltpu.SemaphoreType.DMA,
            pltpu.SemaphoreType.DMA,
            pltpu.SemaphoreType.DMA,
        ],
    )
    def k(x_hbm, b_hbm, ones_hbm, zrow_hbm, zcnt_hbm, sums_hbm, cnts_hbm,
          xb0, xb1, ib0, ib1, ones, zbuf, zcbuf, acc, accc,
          slx0, slx1, sli0, sli1, ssc0, ssc1):
        cid = lax.axis_index("c")
        sid = lax.axis_index("s")
        w = cid * NS + sid

        xbufs = (xb0, xb1)
        ibufs = (ib0, ib1)
        slx = (slx0, slx1)
        sli = (sli0, sli1)
        ssc = (ssc0, ssc1)

        def start_load(i):
            p = i % 2
            big = w + i * NW

            @pl.when(big < NBIG)
            def _():
                pltpu.async_copy(x_hbm.at[pl.ds(big * ROWS, ROWS), :],
                                 xbufs[p], slx[p])
                pltpu.async_copy(b_hbm.at[pl.ds(big * BIG, BIG), :],
                                 ibufs[p], sli[p])

        def wait_load(i):
            p = i % 2
            big = w + i * NW

            @pl.when(big < NBIG)
            def _():
                pltpu.make_async_copy(x_hbm.at[pl.ds(0, ROWS), :],
                                      xbufs[p], slx[p]).wait()
                pltpu.make_async_copy(b_hbm.at[pl.ds(0, BIG), :],
                                      ibufs[p], sli[p]).wait()

        def start_scat(i):
            p = i % 2
            big = w + i * NW

            @pl.when(big < NBIG)
            def _():
                for j in range(BIG):
                    pltpu.async_copy(xbufs[p].at[pl.ds(j * C, C)],
                                     acc.at[ibufs[p].at[j]], ssc[p], add=True)
                    pltpu.async_copy(ones, accc.at[ibufs[p].at[j]],
                                     ssc[p], add=True)

        def wait_scat(i):
            p = i % 2
            big = w + i * NW

            @pl.when(big < NBIG)
            def _():
                for j in range(BIG):
                    pltpu.make_async_copy(xbufs[p].at[pl.ds(j * C, C)],
                                          acc.at[ibufs[p].at[j]], ssc[p]).wait()
                    pltpu.make_async_copy(ones, accc.at[ibufs[p].at[j]],
                                          ssc[p]).wait()

        start_load(0)
        start_load(1)
        pltpu.sync_copy(ones_hbm.at[w], ones)

        r0 = sid * RPS
        pltpu.sync_copy(zrow_hbm.at[pl.ds(r0, RPS)], zbuf)
        pltpu.sync_copy(zcnt_hbm.at[pl.ds(r0, RPS)], zcbuf)

        @pl.when(sid < NS - 1)
        def _():
            pltpu.sync_copy(zbuf, acc.at[pl.ds(r0, RPS)])
            pltpu.sync_copy(zcbuf, accc.at[pl.ds(r0, RPS)])

        @pl.when(sid == NS - 1)
        def _():
            pltpu.sync_copy(zbuf.at[pl.ds(0, RPS_LAST)],
                            acc.at[pl.ds((NS - 1) * RPS, RPS_LAST)])
            pltpu.sync_copy(zcbuf.at[pl.ds(0, RPS_LAST)],
                            accc.at[pl.ds((NS - 1) * RPS, RPS_LAST)])

        plsc.subcore_barrier()

        for i in range(TRIPS):
            wait_load(i)
            start_scat(i)
            if i >= 1:
                wait_scat(i - 1)
                if i + 1 < TRIPS:
                    start_load(i + 1)
        wait_scat(TRIPS - 1)

        plsc.subcore_barrier()

        @pl.when(sid < NS - 1)
        def _():
            pltpu.sync_copy(acc.at[pl.ds(r0, RPS)], zbuf)
            pltpu.sync_copy(accc.at[pl.ds(r0, RPS)], zcbuf)
            pltpu.sync_copy(zbuf, sums_hbm.at[cid, pl.ds(r0, RPS), :])
            pltpu.sync_copy(zcbuf, cnts_hbm.at[cid, pl.ds(r0, RPS), :])

        @pl.when(sid == NS - 1)
        def _():
            pltpu.sync_copy(acc.at[pl.ds((NS - 1) * RPS, RPS_LAST)],
                            zbuf.at[pl.ds(0, RPS_LAST)])
            pltpu.sync_copy(accc.at[pl.ds((NS - 1) * RPS, RPS_LAST)],
                            zcbuf.at[pl.ds(0, RPS_LAST)])
            pltpu.sync_copy(zbuf.at[pl.ds(0, RPS_LAST)],
                            sums_hbm.at[cid, pl.ds((NS - 1) * RPS, RPS_LAST), :])
            pltpu.sync_copy(zcbuf.at[pl.ds(0, RPS_LAST)],
                            cnts_hbm.at[cid, pl.ds((NS - 1) * RPS, RPS_LAST), :])

    return k(x, batch2d, ones_c, zrow_c, zcnt_c)


def _tc_finish(psums, pcnts, W, b2d):
    def body(ps_ref, pc_ref, w_ref, b_ref, o_ref):
        sums = ps_ref[0] + ps_ref[1]
        cnt = pc_ref[0, :, 0:1] + pc_ref[1, :, 0:1]
        pooled = sums / jnp.maximum(cnt, 1.0)
        o_ref[...] = (
            jnp.dot(pooled, w_ref[...], preferred_element_type=jnp.float32)
            + b_ref[...]
        )

    return pl.pallas_call(
        body,
        out_shape=jax.ShapeDtypeStruct((G, D), jnp.float32),
    )(psums, pcnts, W, b2d)


def kernel(x, batch, W, b):
    ones_c = jnp.ones((NW, C, CNT_W), dtype=jnp.float32)
    zrow_c = jnp.zeros((G, D), dtype=jnp.float32)
    zcnt_c = jnp.zeros((G, CNT_W), dtype=jnp.float32)
    psums, pcnts = _sc_segment_sums(x, batch.reshape(NCHUNKS, C),
                                    ones_c, zrow_c, zcnt_c)
    return _tc_finish(psums, pcnts, W, b.reshape(1, D))

# --- scband reference (transcript-rebuilt; emitter-appended) ---
"""Pipeline reference for scband-gnngraph-head-25082609008977 (READ-ONLY COPY).

The authoritative reference and input builder live on the scoring server;
editing this copy changes nothing except your own understanding.
"""

import jax, jax.numpy as jnp
import numpy as np

N_NODES = 100000
D_IN = 128
D_OUT = 128
NUM_GRAPHS = 1000


def setup_inputs(seed: int = 0) -> dict:
    key = jax.random.key(seed)
    k1, k2, k3, k4 = jax.random.split(key, 4)
    x = jax.random.normal(k1, (N_NODES, D_IN), dtype=jnp.float32)
    batch = jnp.sort(jax.random.randint(k2, (N_NODES,), 0, NUM_GRAPHS, dtype=jnp.int32))
    # post_mp MLP with a single linear layer (cfg.gnn_layers_post_mp = 1, has_act=False, has_bias=True)
    W = jax.random.normal(k3, (D_IN, D_OUT), dtype=jnp.float32) * (1.0 / np.sqrt(D_IN))
    b = jax.random.normal(k4, (D_OUT,), dtype=jnp.float32) * 0.01
    return {"x": x, "batch": batch, "W": W, "b": b}


def reference(x, batch, W, b):
    # mean pooling over nodes per graph (pooling_dict['mean'])
    sums = jax.ops.segment_sum(x, batch, num_segments=NUM_GRAPHS)
    counts = jax.ops.segment_sum(jnp.ones((x.shape[0],), dtype=x.dtype), batch, num_segments=NUM_GRAPHS)
    pooled = sums / jnp.maximum(counts, 1.0)[:, None]
    # layer_post_mp: single Linear(dim_in, dim_out) with bias, no activation
    graph_emb = pooled @ W + b
    return graph_emb

if __name__ == "__main__":
    import jax
    _d = setup_inputs()
    print(jax.jit(kernel)(*tuple(_d.values())))

</pallas_src>

<mosaic_0001>
#map = affine_map<(d0, d1) -> (0, 0)>
#map1 = affine_map<(d0, d1) -> (0, 0, 0)>
module attributes {stable_mosaic.version = 14 : i64} {
  func.func @k(%arg0: i32, %arg1: i32, %arg2: memref<100000x128xf32, #tpu.memory_space<hbm>>, %arg3: memref<1250x80xi32, #tpu.memory_space<hbm>>, %arg4: memref<32x80x16xf32, #tpu.memory_space<hbm>>, %arg5: memref<1000x128xf32, #tpu.memory_space<hbm>>, %arg6: memref<1000x16xf32, #tpu.memory_space<hbm>>, %arg7: memref<2x1000x128xf32, #tpu.memory_space<hbm>>, %arg8: memref<2x1000x16xf32, #tpu.memory_space<hbm>>, %arg9: memref<400x128xf32, #tpu.memory_space<vmem>>, %arg10: memref<400x128xf32, #tpu.memory_space<vmem>>, %arg11: memref<5x80xi32, #tpu.memory_space<vmem>>, %arg12: memref<5x80xi32, #tpu.memory_space<vmem>>, %arg13: memref<80x16xf32, #tpu.memory_space<vmem>>, %arg14: memref<64x128xf32, #tpu.memory_space<vmem>>, %arg15: memref<64x16xf32, #tpu.memory_space<vmem>>, %arg16: memref<1000x128xf32, #tpu.memory_space<vmem_shared>>, %arg17: memref<1000x16xf32, #tpu.memory_space<vmem_shared>>, %arg18: memref<!tpu.dma_semaphore, #tpu.memory_space<semaphore_mem>>, %arg19: memref<!tpu.dma_semaphore, #tpu.memory_space<semaphore_mem>>, %arg20: memref<!tpu.dma_semaphore, #tpu.memory_space<semaphore_mem>>, %arg21: memref<!tpu.dma_semaphore, #tpu.memory_space<semaphore_mem>>, %arg22: memref<!tpu.dma_semaphore, #tpu.memory_space<semaphore_mem>>, %arg23: memref<!tpu.dma_semaphore, #tpu.memory_space<semaphore_mem>>) attributes {dimension_semantics = [#tpu.dimension_semantics<core_parallel>, #tpu.dimension_semantics<subcore_parallel>], iteration_bounds = array<i64: 2, 16>, scalar_prefetch = 0 : i64, scratch_operands = 15 : i64, tpu.core_type = #tpu.core_type<sc_vector_subcore>, window_params = [{transform_indices = #map}, {transform_indices = #map}, {transform_indices = #map1}, {transform_indices = #map}, {transform_indices = #map}, {transform_indices = #map1}, {transform_indices = #map1}]} {
    %mul3A = arith.constant 16 : i32
    %mul3A_0 = arith.muli %arg0, %mul3A : i32
    %add3A = arith.addi %mul3A_0, %arg1 : i32
    %add3A_1 = arith.constant 0 : i32
    %add3A_2 = arith.addi %add3A, %add3A_1 : i32
    %lt3A = arith.constant 250 : i32
    %lt3A_3 = arith.cmpi slt, %add3A_2, %lt3A : i32
    %convert_element_type3A = arith.extui %lt3A_3 : i1 to i32
    %cond3A = arith.constant 0 : i32
    %cond3A_4 = arith.cmpi ne, %convert_element_type3A, %cond3A : i32
    scf.if %cond3A_4 {
      %mul3A_244 = arith.constant 400 : i32
      %mul3A_245 = arith.muli %add3A_2, %mul3A_244 : i32
      %dma_start3A = arith.constant 0 : i32
      %dma_start3A_246 = tpu.memref_slice %arg2[%mul3A_245, %dma_start3A] : memref<100000x128xf32, #tpu.memory_space<hbm>> -> memref<400x128xf32, #tpu.memory_space<hbm>>
      %dma_start3A_247 = arith.constant 0 : i32
      %dma_start3A_248 = tpu.memref_slice %arg2[%mul3A_245, %dma_start3A_247] : memref<100000x128xf32, #tpu.memory_space<hbm>> -> memref<400x128xf32, #tpu.memory_space<hbm>>
      tpu.enqueue_dma source(%dma_start3A_248 : memref<400x128xf32, #tpu.memory_space<hbm>>) target(%arg9 : memref<400x128xf32, #tpu.memory_space<vmem>>) target_semaphore(%arg18 : memref<!tpu.dma_semaphore, #tpu.memory_space<semaphore_mem>>)
      %mul3A_249 = arith.constant 5 : i32
      %mul3A_250 = arith.muli %add3A_2, %mul3A_249 : i32
      %dma_start3A_251 = arith.constant 0 : i32
      %dma_start3A_252 = tpu.memref_slice %arg3[%mul3A_250, %dma_start3A_251] : memref<1250x80xi32, #tpu.memory_space<hbm>> -> memref<5x80xi32, #tpu.memory_space<hbm>>
      %dma_start3A_253 = arith.constant 0 : i32
      %dma_start3A_254 = tpu.memref_slice %arg3[%mul3A_250, %dma_start3A_253] : memref<1250x80xi32, #tpu.memory_space<hbm>> -> memref<5x80xi32, #tpu.memory_space<hbm>>
      tpu.enqueue_dma source(%dma_start3A_254 : memref<5x80xi32, #tpu.memory_space<hbm>>) target(%arg11 : memref<5x80xi32, #tpu.memory_space<vmem>>) target_semaphore(%arg20 : memref<!tpu.dma_semaphore, #tpu.memory_space<semaphore_mem>>)
    } else {
    }
    %add3A_5 = arith.constant 32 : i32
    %add3A_6 = arith.addi %add3A, %add3A_5 : i32
    %lt3A_7 = arith.constant 250 : i32
    %lt3A_8 = arith.cmpi slt, %add3A_6, %lt3A_7 : i32
    %convert_element_type3A_9 = arith.extui %lt3A_8 : i1 to i32
    %cond3A_10 = arith.constant 0 : i32
    %cond3A_11 = arith.cmpi ne, %convert_element_type3A_9, %cond3A_10 : i32
    scf.if %cond3A_11 {
      %mul3A_244 = arith.constant 400 : i32
      %mul3A_245 = arith.muli %add3A_6, %mul3A_244 : i32
      %dma_start3A = arith.constant 0 : i32
      %dma_start3A_246 = tpu.memref_slice %arg2[%mul3A_245, %dma_start3A] : memref<100000x128xf32, #tpu.memory_space<hbm>> -> memref<400x128xf32, #tpu.memory_space<hbm>>
      %dma_start3A_247 = arith.constant 0 : i32
      %dma_start3A_248 = tpu.memref_slice %arg2[%mul3A_245, %dma_start3A_247] : memref<100000x128xf32, #tpu.memory_space<hbm>> -> memref<400x128xf32, #tpu.memory_space<hbm>>
      tpu.enqueue_dma source(%dma_start3A_248 : memref<400x128xf32, #tpu.memory_space<hbm>>) target(%arg10 : memref<400x128xf32, #tpu.memory_space<vmem>>) target_semaphore(%arg19 : memref<!tpu.dma_semaphore, #tpu.memory_space<semaphore_mem>>)
      %mul3A_249 = arith.constant 5 : i32
      %mul3A_250 = arith.muli %add3A_6, %mul3A_249 : i32
      %dma_start3A_251 = arith.constant 0 : i32
      %dma_start3A_252 = tpu.memref_slice %arg3[%mul3A_250, %dma_start3A_251] : memref<1250x80xi32, #tpu.memory_space<hbm>> -> memref<5x80xi32, #tpu.memory_space<hbm>>
      %dma_start3A_253 = arith.constant 0 : i32
      %dma_start3A_254 = tpu.memref_slice %arg3[%mul3A_250, %dma_start3A_253] : memref<1250x80xi32, #tpu.memory_space<hbm>> -> memref<5x80xi32, #tpu.memory_space<hbm>>
      tpu.enqueue_dma source(%dma_start3A_254 : memref<5x80xi32, #tpu.memory_space<hbm>>) target(%arg12 : memref<5x80xi32, #tpu.memory_space<vmem>>) target_semaphore(%arg21 : memref<!tpu.dma_semaphore, #tpu.memory_space<semaphore_mem>>)
    } else {
    }
    "tpu.region"() ({
      %run_scoped3A = tpu.sem_alloc : memref<!tpu.dma_semaphore, #tpu.memory_space<semaphore_mem>>
      %dma_start3A = arith.constant 0 : i32
      %dma_start3A_244 = arith.constant 0 : i32
      %dma_start3A_245 = tpu.memref_slice %arg4[%add3A, %dma_start3A, %dma_start3A_244] : memref<32x80x16xf32, #tpu.memory_space<hbm>> -> memref<1x80x16xf32, #tpu.memory_space<hbm>>
      %dma_start3A_246 = tpu.memref_squeeze %dma_start3A_245 : memref<1x80x16xf32, #tpu.memory_space<hbm>> -> memref<80x16xf32, #tpu.memory_space<hbm>>
      %dma_start3A_247 = arith.constant 0 : i32
      %dma_start3A_248 = arith.constant 0 : i32
      %dma_start3A_249 = tpu.memref_slice %arg4[%add3A, %dma_start3A_247, %dma_start3A_248] : memref<32x80x16xf32, #tpu.memory_space<hbm>> -> memref<1x80x16xf32, #tpu.memory_space<hbm>>
      %dma_start3A_250 = tpu.memref_squeeze %dma_start3A_249 : memref<1x80x16xf32, #tpu.memory_space<hbm>> -> memref<80x16xf32, #tpu.memory_space<hbm>>
      tpu.enqueue_dma source(%dma_start3A_250 : memref<80x16xf32, #tpu.memory_space<hbm>>) target(%arg13 : memref<80x16xf32, #tpu.memory_space<vmem>>) target_semaphore(%run_scoped3A : memref<!tpu.dma_semaphore, #tpu.memory_space<semaphore_mem>>)
      %dma_wait3A = arith.constant 0 : i32
      %dma_wait3A_251 = arith.constant 0 : i32
      %dma_wait3A_252 = tpu.memref_slice %arg4[%add3A, %dma_wait3A, %dma_wait3A_251] : memref<32x80x16xf32, #tpu.memory_space<hbm>> -> memref<1x80x16xf32, #tpu.memory_space<hbm>>
      %dma_wait3A_253 = tpu.memref_squeeze %dma_wait3A_252 : memref<1x80x16xf32, #tpu.memory_space<hbm>> -> memref<80x16xf32, #tpu.memory_space<hbm>>
      %dma_wait3A_254 = arith.constant 0 : i32
      %dma_wait3A_255 = arith.constant 0 : i32
      %dma_wait3A_256 = tpu.memref_slice %arg4[%add3A, %dma_wait3A_254, %dma_wait3A_255] : memref<32x80x16xf32, #tpu.memory_space<hbm>> -> memref<1x80x16xf32, #tpu.memory_space<hbm>>
      %dma_wait3A_257 = tpu.memref_squeeze %dma_wait3A_256 : memref<1x80x16xf32, #tpu.memory_space<hbm>> -> memref<80x16xf32, #tpu.memory_space<hbm>>
      tpu.wait_dma2 semaphore(%run_scoped3A : memref<!tpu.dma_semaphore, #tpu.memory_space<semaphore_mem>>) src(%dma_wait3A_257 : memref<80x16xf32, #tpu.memory_space<hbm>>) dst(%arg13 : memref<80x16xf32, #tpu.memory_space<vmem>>)
      tpu.yield
    }) : () -> ()
    %mul3A_12 = arith.constant 64 : i32
    %mul3A_13 = arith.muli %arg1, %mul3A_12 : i32
    "tpu.region"() ({
      %run_scoped3A = tpu.sem_alloc : memref<!tpu.dma_semaphore, #tpu.memory_space<semaphore_mem>>
      %dma_start3A = arith.constant 0 : i32
      %dma_start3A_244 = tpu.memref_slice %arg5[%mul3A_13, %dma_start3A] : memref<1000x128xf32, #tpu.memory_space<hbm>> -> memref<64x128xf32, #tpu.memory_space<hbm>>
      %dma_start3A_245 = arith.constant 0 : i32
      %dma_start3A_246 = tpu.memref_slice %arg5[%mul3A_13, %dma_start3A_245] : memref<1000x128xf32, #tpu.memory_space<hbm>> -> memref<64x128xf32, #tpu.memory_space<hbm>>
      tpu.enqueue_dma source(%dma_start3A_246 : memref<64x128xf32, #tpu.memory_space<hbm>>) target(%arg14 : memref<64x128xf32, #tpu.memory_space<vmem>>) target_semaphore(%run_scoped3A : memref<!tpu.dma_semaphore, #tpu.memory_space<semaphore_mem>>)
      %dma_wait3A = arith.constant 0 : i32
      %dma_wait3A_247 = tpu.memref_slice %arg5[%mul3A_13, %dma_wait3A] : memref<1000x128xf32, #tpu.memory_space<hbm>> -> memref<64x128xf32, #tpu.memory_space<hbm>>
      %dma_wait3A_248 = arith.constant 0 : i32
      %dma_wait3A_249 = tpu.memref_slice %arg5[%mul3A_13, %dma_wait3A_248] : memref<1000x128xf32, #tpu.memory_space<hbm>> -> memref<64x128xf32, #tpu.memory_space<hbm>>
      tpu.wait_dma2 semaphore(%run_scoped3A : memref<!tpu.dma_semaphore, #tpu.memory_space<semaphore_mem>>) src(%dma_wait3A_249 : memref<64x128xf32, #tpu.memory_space<hbm>>) dst(%arg14 : memref<64x128xf32, #tpu.memory_space<vmem>>)
      tpu.yield
    }) : () -> ()
    "tpu.region"() ({
      %run_scoped3A = tpu.sem_alloc : memref<!tpu.dma_semaphore, #tpu.memory_space<semaphore_mem>>
      %dma_start3A = arith.constant 0 : i32
      %dma_start3A_244 = tpu.memref_slice %arg6[%mul3A_13, %dma_start3A] : memref<1000x16xf32, #tpu.memory_space<hbm>> -> memref<64x16xf32, #tpu.memory_space<hbm>>
      %dma_start3A_245 = arith.constant 0 : i32
      %dma_start3A_246 = tpu.memref_slice %arg6[%mul3A_13, %dma_start3A_245] : memref<1000x16xf32, #tpu.memory_space<hbm>> -> memref<64x16xf32, #tpu.memory_space<hbm>>
      tpu.enqueue_dma source(%dma_start3A_246 : memref<64x16xf32, #tpu.memory_space<hbm>>) target(%arg15 : memref<64x16xf32, #tpu.memory_space<vmem>>) target_semaphore(%run_scoped3A : memref<!tpu.dma_semaphore, #tpu.memory_space<semaphore_mem>>)
      %dma_wait3A = arith.constant 0 : i32
      %dma_wait3A_247 = tpu.memref_slice %arg6[%mul3A_13, %dma_wait3A] : memref<1000x16xf32, #tpu.memory_space<hbm>> -> memref<64x16xf32, #tpu.memory_space<hbm>>
      %dma_wait3A_248 = arith.constant 0 : i32
      %dma_wait3A_249 = tpu.memref_slice %arg6[%mul3A_13, %dma_wait3A_248] : memref<1000x16xf32, #tpu.memory_space<hbm>> -> memref<64x16xf32, #tpu.memory_space<hbm>>
      tpu.wait_dma2 semaphore(%run_scoped3A : memref<!tpu.dma_semaphore, #tpu.memory_space<semaphore_mem>>) src(%dma_wait3A_249 : memref<64x16xf32, #tpu.memory_space<hbm>>) dst(%arg15 : memref<64x16xf32, #tpu.memory_space<vmem>>)
      tpu.yield
    }) : () -> ()
    %lt3A_14 = arith.constant 15 : i32
    %lt3A_15 = arith.cmpi slt, %arg1, %lt3A_14 : i32
    %convert_element_type3A_16 = arith.extui %lt3A_15 : i1 to i32
    %cond3A_17 = arith.constant 0 : i32
    %cond3A_18 = arith.cmpi ne, %convert_element_type3A_16, %cond3A_17 : i32
    scf.if %cond3A_18 {
      "tpu.region"() ({
        %run_scoped3A = tpu.sem_alloc : memref<!tpu.dma_semaphore, #tpu.memory_space<semaphore_mem>>
        %dma_start3A = arith.constant 0 : i32
        %dma_start3A_244 = tpu.memref_slice %arg16[%mul3A_13, %dma_start3A] : memref<1000x128xf32, #tpu.memory_space<vmem_shared>> -> memref<64x128xf32, #tpu.memory_space<vmem_shared>>
        %dma_start3A_245 = arith.constant 0 : i32
        %dma_start3A_246 = tpu.memref_slice %arg16[%mul3A_13, %dma_start3A_245] : memref<1000x128xf32, #tpu.memory_space<vmem_shared>> -> memref<64x128xf32, #tpu.memory_space<vmem_shared>>
        tpu.enqueue_dma source(%arg14 : memref<64x128xf32, #tpu.memory_space<vmem>>) target(%dma_start3A_246 : memref<64x128xf32, #tpu.memory_space<vmem_shared>>) target_semaphore(%run_scoped3A : memref<!tpu.dma_semaphore, #tpu.memory_space<semaphore_mem>>)
        %dma_wait3A = arith.constant 0 : i32
        %dma_wait3A_247 = tpu.memref_slice %arg16[%mul3A_13, %dma_wait3A] : memref<1000x128xf32, #tpu.memory_space<vmem_shared>> -> memref<64x128xf32, #tpu.memory_space<vmem_shared>>
        %dma_wait3A_248 = arith.constant 0 : i32
        %dma_wait3A_249 = tpu.memref_slice %arg16[%mul3A_13, %dma_wait3A_248] : memref<1000x128xf32, #tpu.memory_space<vmem_shared>> -> memref<64x128xf32, #tpu.memory_space<vmem_shared>>
        tpu.wait_dma2 semaphore(%run_scoped3A : memref<!tpu.dma_semaphore, #tpu.memory_space<semaphore_mem>>) src(%arg14 : memref<64x128xf32, #tpu.memory_space<vmem>>) dst(%dma_wait3A_249 : memref<64x128xf32, #tpu.memory_space<vmem_shared>>)
        tpu.yield
      }) : () -> ()
      "tpu.region"() ({
        %run_scoped3A = tpu.sem_alloc : memref<!tpu.dma_semaphore, #tpu.memory_space<semaphore_mem>>
        %dma_start3A = arith.constant 0 : i32
        %dma_start3A_244 = tpu.memref_slice %arg17[%mul3A_13, %dma_start3A] : memref<1000x16xf32, #tpu.memory_space<vmem_shared>> -> memref<64x16xf32, #tpu.memory_space<vmem_shared>>
        %dma_start3A_245 = arith.constant 0 : i32
        %dma_start3A_246 = tpu.memref_slice %arg17[%mul3A_13, %dma_start3A_245] : memref<1000x16xf32, #tpu.memory_space<vmem_shared>> -> memref<64x16xf32, #tpu.memory_space<vmem_shared>>
        tpu.enqueue_dma source(%arg15 : memref<64x16xf32, #tpu.memory_space<vmem>>) target(%dma_start3A_246 : memref<64x16xf32, #tpu.memory_space<vmem_shared>>) target_semaphore(%run_scoped3A : memref<!tpu.dma_semaphore, #tpu.memory_space<semaphore_mem>>)
        %dma_wait3A = arith.constant 0 : i32
        %dma_wait3A_247 = tpu.memref_slice %arg17[%mul3A_13, %dma_wait3A] : memref<1000x16xf32, #tpu.memory_space<vmem_shared>> -> memref<64x16xf32, #tpu.memory_space<vmem_shared>>
        %dma_wait3A_248 = arith.constant 0 : i32
        %dma_wait3A_249 = tpu.memref_slice %arg17[%mul3A_13, %dma_wait3A_248] : memref<1000x16xf32, #tpu.memory_space<vmem_shared>> -> memref<64x16xf32, #tpu.memory_space<vmem_shared>>
        tpu.wait_dma2 semaphore(%run_scoped3A : memref<!tpu.dma_semaphore, #tpu.memory_space<semaphore_mem>>) src(%arg15 : memref<64x16xf32, #tpu.memory_space<vmem>>) dst(%dma_wait3A_249 : memref<64x16xf32, #tpu.memory_space<vmem_shared>>)
        tpu.yield
      }) : () -> ()
    } else {
    }
    %eq3A = arith.constant 15 : i32
    %eq3A_19 = arith.cmpi eq, %arg1, %eq3A : i32
    %convert_element_type3A_20 = arith.extui %eq3A_19 : i1 to i32
    %cond3A_21 = arith.constant 0 : i32
    %cond3A_22 = arith.cmpi ne, %convert_element_type3A_20, %cond3A_21 : i32
    scf.if %cond3A_22 {
      "tpu.region"() ({
        %run_scoped3A = tpu.sem_alloc : memref<!tpu.dma_semaphore, #tpu.memory_space<semaphore_mem>>
        %dma_start3A = arith.constant 0 : i32
        %dma_start3A_244 = arith.constant 0 : i32
        %dma_start3A_245 = tpu.memref_slice %arg14[%dma_start3A, %dma_start3A_244] : memref<64x128xf32, #tpu.memory_space<vmem>> -> memref<40x128xf32, #tpu.memory_space<vmem>>
        %dma_start3A_246 = arith.constant 960 : i32
        %dma_start3A_247 = arith.constant 0 : i32
        %dma_start3A_248 = tpu.memref_slice %arg16[%dma_start3A_246, %dma_start3A_247] : memref<1000x128xf32, #tpu.memory_space<vmem_shared>> -> memref<40x128xf32, #tpu.memory_space<vmem_shared>>
        %dma_start3A_249 = arith.constant 960 : i32
        %dma_start3A_250 = arith.constant 0 : i32
        %dma_start3A_251 = tpu.memref_slice %arg16[%dma_start3A_249, %dma_start3A_250] : memref<1000x128xf32, #tpu.memory_space<vmem_shared>> -> memref<40x128xf32, #tpu.memory_space<vmem_shared>>
        %dma_start3A_252 = arith.constant 0 : i32
        %dma_start3A_253 = arith.constant 0 : i32
        %dma_start3A_254 = tpu.memref_slice %arg14[%dma_start3A_252, %dma_start3A_253] : memref<64x128xf32, #tpu.memory_space<vmem>> -> memref<40x128xf32, #tpu.memory_space<vmem>>
        tpu.enqueue_dma source(%dma_start3A_254 : memref<40x128xf32, #tpu.memory_space<vmem>>) target(%dma_start3A_251 : memref<40x128xf32, #tpu.memory_space<vmem_shared>>) target_semaphore(%run_scoped3A : memref<!tpu.dma_semaphore, #tpu.memory_space<semaphore_mem>>)
        %dma_wait3A = arith.constant 0 : i32
        %dma_wait3A_255 = arith.constant 0 : i32
        %dma_wait3A_256 = tpu.memref_slice %arg14[%dma_wait3A, %dma_wait3A_255] : memref<64x128xf32, #tpu.memory_space<vmem>> -> memref<40x128xf32, #tpu.memory_space<vmem>>
        %dma_wait3A_257 = arith.constant 960 : i32
        %dma_wait3A_258 = arith.constant 0 : i32
        %dma_wait3A_259 = tpu.memref_slice %arg16[%dma_wait3A_257, %dma_wait3A_258] : memref<1000x128xf32, #tpu.memory_space<vmem_shared>> -> memref<40x128xf32, #tpu.memory_space<vmem_shared>>
        %dma_wait3A_260 = arith.constant 960 : i32
        %dma_wait3A_261 = arith.constant 0 : i32
        %dma_wait3A_262 = tpu.memref_slice %arg16[%dma_wait3A_260, %dma_wait3A_261] : memref<1000x128xf32, #tpu.memory_space<vmem_shared>> -> memref<40x128xf32, #tpu.memory_space<vmem_shared>>
        %dma_wait3A_263 = arith.constant 0 : i32
        %dma_wait3A_264 = arith.constant 0 : i32
        %dma_wait3A_265 = tpu.memref_slice %arg14[%dma_wait3A_263, %dma_wait3A_264] : memref<64x128xf32, #tpu.memory_space<vmem>> -> memref<40x128xf32, #tpu.memory_space<vmem>>
        tpu.wait_dma2 semaphore(%run_scoped3A : memref<!tpu.dma_semaphore, #tpu.memory_space<semaphore_mem>>) src(%dma_wait3A_265 : memref<40x128xf32, #tpu.memory_space<vmem>>) dst(%dma_wait3A_262 : memref<40x128xf32, #tpu.memory_space<vmem_shared>>)
        tpu.yield
      }) : () -> ()
      "tpu.region"() ({
        %run_scoped3A = tpu.sem_alloc : memref<!tpu.dma_semaphore, #tpu.memory_space<semaphore_mem>>
        %dma_start3A = arith.constant 0 : i32
        %dma_start3A_244 = arith.constant 0 : i32
        %dma_start3A_245 = tpu.memref_slice %arg15[%dma_start3A, %dma_start3A_244] : memref<64x16xf32, #tpu.memory_space<vmem>> -> memref<40x16xf32, #tpu.memory_space<vmem>>
        %dma_start3A_246 = arith.constant 960 : i32
        %dma_start3A_247 = arith.constant 0 : i32
        %dma_start3A_248 = tpu.memref_slice %arg17[%dma_start3A_246, %dma_start3A_247] : memref<1000x16xf32, #tpu.memory_space<vmem_shared>> -> memref<40x16xf32, #tpu.memory_space<vmem_shared>>
        %dma_start3A_249 = arith.constant 960 : i32
        %dma_start3A_250 = arith.constant 0 : i32
        %dma_start3A_251 = tpu.memref_slice %arg17[%dma_start3A_249, %dma_start3A_250] : memref<1000x16xf32, #tpu.memory_space<vmem_shared>> -> memref<40x16xf32, #tpu.memory_space<vmem_shared>>
        %dma_start3A_252 = arith.constant 0 : i32
        %dma_start3A_253 = arith.constant 0 : i32
        %dma_start3A_254 = tpu.memref_slice %arg15[%dma_start3A_252, %dma_start3A_253] : memref<64x16xf32, #tpu.memory_space<vmem>> -> memref<40x16xf32, #tpu.memory_space<vmem>>
        tpu.enqueue_dma source(%dma_start3A_254 : memref<40x16xf32, #tpu.memory_space<vmem>>) target(%dma_start3A_251 : memref<40x16xf32, #tpu.memory_space<vmem_shared>>) target_semaphore(%run_scoped3A : memref<!tpu.dma_semaphore, #tpu.memory_space<semaphore_mem>>)
        %dma_wait3A = arith.constant 0 : i32
        %dma_wait3A_255 = arith.constant 0 : i32
        %dma_wait3A_256 = tpu.memref_slice %arg15[%dma_wait3A, %dma_wait3A_255] : memref<64x16xf32, #tpu.memory_space<vmem>> -> memref<40x16xf32, #tpu.memory_space<vmem>>
        %dma_wait3A_257 = arith.constant 960 : i32
        %dma_wait3A_258 = arith.constant 0 : i32
        %dma_wait3A_259 = tpu.memref_slice %arg17[%dma_wait3A_257, %dma_wait3A_258] : memref<1000x16xf32, #tpu.memory_space<vmem_shared>> -> memref<40x16xf32, #tpu.memory_space<vmem_shared>>
        %dma_wait3A_260 = arith.constant 960 : i32
        %dma_wait3A_261 = arith.constant 0 : i32
        %dma_wait3A_262 = tpu.memref_slice %arg17[%dma_wait3A_260, %dma_wait3A_261] : memref<1000x16xf32, #tpu.memory_space<vmem_shared>> -> memref<40x16xf32, #tpu.memory_space<vmem_shared>>
        %dma_wait3A_263 = arith.constant 0 : i32
        %dma_wait3A_264 = arith.constant 0 : i32
        %dma_wait3A_265 = tpu.memref_slice %arg15[%dma_wait3A_263, %dma_wait3A_264] : memref<64x16xf32, #tpu.memory_space<vmem>> -> memref<40x16xf32, #tpu.memory_space<vmem>>
        tpu.wait_dma2 semaphore(%run_scoped3A : memref<!tpu.dma_semaphore, #tpu.memory_space<semaphore_mem>>) src(%dma_wait3A_265 : memref<40x16xf32, #tpu.memory_space<vmem>>) dst(%dma_wait3A_262 : memref<40x16xf32, #tpu.memory_space<vmem_shared>>)
        tpu.yield
      }) : () -> ()
    } else {
    }
    %barrier3A = arith.constant 0 : index
    tpu.barrier barrier_id(%barrier3A)
    %add3A_23 = arith.constant 0 : i32
    %add3A_24 = arith.addi %add3A, %add3A_23 : i32
    %lt3A_25 = arith.constant 250 : i32
    %lt3A_26 = arith.cmpi slt, %add3A_24, %lt3A_25 : i32
    %convert_element_type3A_27 = arith.extui %lt3A_26 : i1 to i32
    %cond3A_28 = arith.constant 0 : i32
    %cond3A_29 = arith.cmpi ne, %convert_element_type3A_27, %cond3A_28 : i32
    scf.if %cond3A_29 {
      %dma_wait3A = arith.constant 0 : i32
      %dma_wait3A_244 = arith.constant 0 : i32
      %dma_wait3A_245 = tpu.memref_slice %arg2[%dma_wait3A, %dma_wait3A_244] : memref<100000x128xf32, #tpu.memory_space<hbm>> -> memref<400x128xf32, #tpu.memory_space<hbm>>
      %dma_wait3A_246 = arith.constant 0 : i32
      %dma_wait3A_247 = arith.constant 0 : i32
      %dma_wait3A_248 = tpu.memref_slice %arg2[%dma_wait3A_246, %dma_wait3A_247] : memref<100000x128xf32, #tpu.memory_space<hbm>> -> memref<400x128xf32, #tpu.memory_space<hbm>>
      tpu.wait_dma2 semaphore(%arg18 : memref<!tpu.dma_semaphore, #tpu.memory_space<semaphore_mem>>) src(%dma_wait3A_248 : memref<400x128xf32, #tpu.memory_space<hbm>>) dst(%arg9 : memref<400x128xf32, #tpu.memory_space<vmem>>)
      %dma_wait3A_249 = arith.constant 0 : i32
      %dma_wait3A_250 = arith.constant 0 : i32
      %dma_wait3A_251 = tpu.memref_slice %arg3[%dma_wait3A_249, %dma_wait3A_250] : memref<1250x80xi32, #tpu.memory_space<hbm>> -> memref<5x80xi32, #tpu.memory_space<hbm>>
      %dma_wait3A_252 = arith.constant 0 : i32
      %dma_wait3A_253 = arith.constant 0 : i32
      %dma_wait3A_254 = tpu.memref_slice %arg3[%dma_wait3A_252, %dma_wait3A_253] : memref<1250x80xi32, #tpu.memory_space<hbm>> -> memref<5x80xi32, #tpu.memory_space<hbm>>
      tpu.wait_dma2 semaphore(%arg20 : memref<!tpu.dma_semaphore, #tpu.memory_space<semaphore_mem>>) src(%dma_wait3A_254 : memref<5x80xi32, #tpu.memory_space<hbm>>) dst(%arg11 : memref<5x80xi32, #tpu.memory_space<vmem>>)
    } else {
    }
    %add3A_30 = arith.constant 0 : i32
    %add3A_31 = arith.addi %add3A, %add3A_30 : i32
    %lt3A_32 = arith.constant 250 : i32
    %lt3A_33 = arith.cmpi slt, %add3A_31, %lt3A_32 : i32
    %convert_element_type3A_34 = arith.extui %lt3A_33 : i1 to i32
    %cond3A_35 = arith.constant 0 : i32
    %cond3A_36 = arith.cmpi ne, %convert_element_type3A_34, %cond3A_35 : i32
    scf.if %cond3A_36 {
      %dma_start3A = arith.constant 0 : i32
      %dma_start3A_244 = arith.constant 0 : i32
      %dma_start3A_245 = arith.constant 0 : i32
      %dma_start3A_246 = tpu.memref_slice %arg9[%dma_start3A_244, %dma_start3A_245] : memref<400x128xf32, #tpu.memory_space<vmem>> -> memref<80x128xf32, #tpu.memory_space<vmem>>
      %dma_start3A_247 = arith.constant 0 : i32
      %dma_start3A_248 = tpu.memref_slice %arg11[%dma_start3A, %dma_start3A_247] : memref<5x80xi32, #tpu.memory_space<vmem>> -> memref<1x80xi32, #tpu.memory_space<vmem>>
      %dma_start3A_249 = tpu.memref_squeeze %dma_start3A_248 : memref<1x80xi32, #tpu.memory_space<vmem>> -> memref<80xi32, #tpu.memory_space<vmem>>
      %dma_start3A_250 = arith.constant 0 : i32
      %dma_start3A_251 = arith.constant 0 : i32
      %dma_start3A_252 = tpu.memref_slice %arg16[%dma_start3A_250, %dma_start3A_251] : memref<1000x128xf32, #tpu.memory_space<vmem_shared>> -> memref<1000x128xf32, #tpu.memory_space<vmem_shared>>
      tpu.enqueue_indirect_dma source(%dma_start3A_246 : memref<80x128xf32, #tpu.memory_space<vmem>>) target(%dma_start3A_252 : memref<1000x128xf32, #tpu.memory_space<vmem_shared>>) offsets(%dma_start3A_249 : memref<80xi32, #tpu.memory_space<vmem>>) semaphore(%arg22 : memref<!tpu.dma_semaphore, #tpu.memory_space<semaphore_mem>>) {add = true}
      %dma_start3A_253 = arith.constant 0 : i32
      %dma_start3A_254 = arith.constant 0 : i32
      %dma_start3A_255 = tpu.memref_slice %arg11[%dma_start3A_253, %dma_start3A_254] : memref<5x80xi32, #tpu.memory_space<vmem>> -> memref<1x80xi32, #tpu.memory_space<vmem>>
      %dma_start3A_256 = tpu.memref_squeeze %dma_start3A_255 : memref<1x80xi32, #tpu.memory_space<vmem>> -> memref<80xi32, #tpu.memory_space<vmem>>
      %dma_start3A_257 = arith.constant 0 : i32
      %dma_start3A_258 = arith.constant 0 : i32
      %dma_start3A_259 = tpu.memref_slice %arg17[%dma_start3A_257, %dma_start3A_258] : memref<1000x16xf32, #tpu.memory_space<vmem_shared>> -> memref<1000x16xf32, #tpu.memory_space<vmem_shared>>
      tpu.enqueue_indirect_dma source(%arg13 : memref<80x16xf32, #tpu.memory_space<vmem>>) target(%dma_start3A_259 : memref<1000x16xf32, #tpu.memory_space<vmem_shared>>) offsets(%dma_start3A_256 : memref<80xi32, #tpu.memory_space<vmem>>) semaphore(%arg22 : memref<!tpu.dma_semaphore, #tpu.memory_space<semaphore_mem>>) {add = true}
      %dma_start3A_260 = arith.constant 1 : i32
      %dma_start3A_261 = arith.constant 80 : i32
      %dma_start3A_262 = arith.constant 0 : i32
      %dma_start3A_263 = tpu.memref_slice %arg9[%dma_start3A_261, %dma_start3A_262] : memref<400x128xf32, #tpu.memory_space<vmem>> -> memref<80x128xf32, #tpu.memory_space<vmem>>
      %dma_start3A_264 = arith.constant 0 : i32
      %dma_start3A_265 = tpu.memref_slice %arg11[%dma_start3A_260, %dma_start3A_264] : memref<5x80xi32, #tpu.memory_space<vmem>> -> memref<1x80xi32, #tpu.memory_space<vmem>>
      %dma_start3A_266 = tpu.memref_squeeze %dma_start3A_265 : memref<1x80xi32, #tpu.memory_space<vmem>> -> memref<80xi32, #tpu.memory_space<vmem>>
      %dma_start3A_267 = arith.constant 0 : i32
      %dma_start3A_268 = arith.constant 0 : i32
      %dma_start3A_269 = tpu.memref_slice %arg16[%dma_start3A_267, %dma_start3A_268] : memref<1000x128xf32, #tpu.memory_space<vmem_shared>> -> memref<1000x128xf32, #tpu.memory_space<vmem_shared>>
      tpu.enqueue_indirect_dma source(%dma_start3A_263 : memref<80x128xf32, #tpu.memory_space<vmem>>) target(%dma_start3A_269 : memref<1000x128xf32, #tpu.memory_space<vmem_shared>>) offsets(%dma_start3A_266 : memref<80xi32, #tpu.memory_space<vmem>>) semaphore(%arg22 : memref<!tpu.dma_semaphore, #tpu.memory_space<semaphore_mem>>) {add = true}
      %dma_start3A_270 = arith.constant 1 : i32
      %dma_start3A_271 = arith.constant 0 : i32
      %dma_start3A_272 = tpu.memref_slice %arg11[%dma_start3A_270, %dma_start3A_271] : memref<5x80xi32, #tpu.memory_space<vmem>> -> memref<1x80xi32, #tpu.memory_space<vmem>>
      %dma_start3A_273 = tpu.memref_squeeze %dma_start3A_272 : memref<1x80xi32, #tpu.memory_space<vmem>> -> memref<80xi32, #tpu.memory_space<vmem>>
      %dma_start3A_274 = arith.constant 0 : i32
      %dma_start3A_275 = arith.constant 0 : i32
      %dma_start3A_276 = tpu.memref_slice %arg17[%dma_start3A_274, %dma_start3A_275] : memref<1000x16xf32, #tpu.memory_space<vmem_shared>> -> memref<1000x16xf32, #tpu.memory_space<vmem_shared>>
      tpu.enqueue_indirect_dma source(%arg13 : memref<80x16xf32, #tpu.memory_space<vmem>>) target(%dma_start3A_276 : memref<1000x16xf32, #tpu.memory_space<vmem_shared>>) offsets(%dma_start3A_273 : memref<80xi32, #tpu.memory_space<vmem>>) semaphore(%arg22 : memref<!tpu.dma_semaphore, #tpu.memory_space<semaphore_mem>>) {add = true}
      %dma_start3A_277 = arith.constant 2 : i32
      %dma_start3A_278 = arith.constant 160 : i32
      %dma_start3A_279 = arith.constant 0 : i32
      %dma_start3A_280 = tpu.memref_slice %arg9[%dma_start3A_278, %dma_start3A_279] : memref<400x128xf32, #tpu.memory_space<vmem>> -> memref<80x128xf32, #tpu.memory_space<vmem>>
      %dma_start3A_281 = arith.constant 0 : i32
      %dma_start3A_282 = tpu.memref_slice %arg11[%dma_start3A_277, %dma_start3A_281] : memref<5x80xi32, #tpu.memory_space<vmem>> -> memref<1x80xi32, #tpu.memory_space<vmem>>
      %dma_start3A_283 = tpu.memref_squeeze %dma_start3A_282 : memref<1x80xi32, #tpu.memory_space<vmem>> -> memref<80xi32, #tpu.memory_space<vmem>>
      %dma_start3A_284 = arith.constant 0 : i32
      %dma_start3A_285 = arith.constant 0 : i32
      %dma_start3A_286 = tpu.memref_slice %arg16[%dma_start3A_284, %dma_start3A_285] : memref<1000x128xf32, #tpu.memory_space<vmem_shared>> -> memref<1000x128xf32, #tpu.memory_space<vmem_shared>>
      tpu.enqueue_indirect_dma source(%dma_start3A_280 : memref<80x128xf32, #tpu.memory_space<vmem>>) target(%dma_start3A_286 : memref<1000x128xf32, #tpu.memory_space<vmem_shared>>) offsets(%dma_start3A_283 : memref<80xi32, #tpu.memory_space<vmem>>) semaphore(%arg22 : memref<!tpu.dma_semaphore, #tpu.memory_space<semaphore_mem>>) {add = true}
      %dma_start3A_287 = arith.constant 2 : i32
      %dma_start3A_288 = arith.constant 0 : i32
      %dma_start3A_289 = tpu.memref_slice %arg11[%dma_start3A_287, %dma_start3A_288] : memref<5x80xi32, #tpu.memory_space<vmem>> -> memref<1x80xi32, #tpu.memory_space<vmem>>
      %dma_start3A_290 = tpu.memref_squeeze %dma_start3A_289 : memref<1x80xi32, #tpu.memory_space<vmem>> -> memref<80xi32, #tpu.memory_space<vmem>>
      %dma_start3A_291 = arith.constant 0 : i32
      %dma_start3A_292 = arith.constant 0 : i32
      %dma_start3A_293 = tpu.memref_slice %arg17[%dma_start3A_291, %dma_start3A_292] : memref<1000x16xf32, #tpu.memory_space<vmem_shared>> -> memref<1000x16xf32, #tpu.memory_space<vmem_shared>>
      tpu.enqueue_indirect_dma source(%arg13 : memref<80x16xf32, #tpu.memory_space<vmem>>) target(%dma_start3A_293 : memref<1000x16xf32, #tpu.memory_space<vmem_shared>>) offsets(%dma_start3A_290 : memref<80xi32, #tpu.memory_space<vmem>>) semaphore(%arg22 : memref<!tpu.dma_semaphore, #tpu.memory_space<semaphore_mem>>) {add = true}
      %dma_start3A_294 = arith.constant 3 : i32
      %dma_start3A_295 = arith.constant 240 : i32
      %dma_start3A_296 = arith.constant 0 : i32
      %dma_start3A_297 = tpu.memref_slice %arg9[%dma_start3A_295, %dma_start3A_296] : memref<400x128xf32, #tpu.memory_space<vmem>> -> memref<80x128xf32, #tpu.memory_space<vmem>>
      %dma_start3A_298 = arith.constant 0 : i32
      %dma_start3A_299 = tpu.memref_slice %arg11[%dma_start3A_294, %dma_start3A_298] : memref<5x80xi32, #tpu.memory_space<vmem>> -> memref<1x80xi32, #tpu.memory_space<vmem>>
      %dma_start3A_300 = tpu.memref_squeeze %dma_start3A_299 : memref<1x80xi32, #tpu.memory_space<vmem>> -> memref<80xi32, #tpu.memory_space<vmem>>
      %dma_start3A_301 = arith.constant 0 : i32
      %dma_start3A_302 = arith.constant 0 : i32
      %dma_start3A_303 = tpu.memref_slice %arg16[%dma_start3A_301, %dma_start3A_302] : memref<1000x128xf32, #tpu.memory_space<vmem_shared>> -> memref<1000x128xf32, #tpu.memory_space<vmem_shared>>
      tpu.enqueue_indirect_dma source(%dma_start3A_297 : memref<80x128xf32, #tpu.memory_space<vmem>>) target(%dma_start3A_303 : memref<1000x128xf32, #tpu.memory_space<vmem_shared>>) offsets(%dma_start3A_300 : memref<80xi32, #tpu.memory_space<vmem>>) semaphore(%arg22 : memref<!tpu.dma_semaphore, #tpu.memory_space<semaphore_mem>>) {add = true}
      %dma_start3A_304 = arith.constant 3 : i32
      %dma_start3A_305 = arith.constant 0 : i32
      %dma_start3A_306 = tpu.memref_slice %arg11[%dma_start3A_304, %dma_start3A_305] : memref<5x80xi32, #tpu.memory_space<vmem>> -> memref<1x80xi32, #tpu.memory_space<vmem>>
      %dma_start3A_307 = tpu.memref_squeeze %dma_start3A_306 : memref<1x80xi32, #tpu.memory_space<vmem>> -> memref<80xi32, #tpu.memory_space<vmem>>
      %dma_start3A_308 = arith.constant 0 : i32
      %dma_start3A_309 = arith.constant 0 : i32
      %dma_start3A_310 = tpu.memref_slice %arg17[%dma_start3A_308, %dma_start3A_309] : memref<1000x16xf32, #tpu.memory_space<vmem_shared>> -> memref<1000x16xf32, #tpu.memory_space<vmem_shared>>
      tpu.enqueue_indirect_dma source(%arg13 : memref<80x16xf32, #tpu.memory_space<vmem>>) target(%dma_start3A_310 : memref<1000x16xf32, #tpu.memory_space<vmem_shared>>) offsets(%dma_start3A_307 : memref<80xi32, #tpu.memory_space<vmem>>) semaphore(%arg22 : memref<!tpu.dma_semaphore, #tpu.memory_space<semaphore_mem>>) {add = true}
      %dma_start3A_311 = arith.constant 4 : i32
      %dma_start3A_312 = arith.constant 320 : i32
      %dma_start3A_313 = arith.constant 0 : i32
      %dma_start3A_314 = tpu.memref_slice %arg9[%dma_start3A_312, %dma_start3A_313] : memref<400x128xf32, #tpu.memory_space<vmem>> -> memref<80x128xf32, #tpu.memory_space<vmem>>
      %dma_start3A_315 = arith.constant 0 : i32
      %dma_start3A_316 = tpu.memref_slice %arg11[%dma_start3A_311, %dma_start3A_315] : memref<5x80xi32, #tpu.memory_space<vmem>> -> memref<1x80xi32, #tpu.memory_space<vmem>>
      %dma_start3A_317 = tpu.memref_squeeze %dma_start3A_316 : memref<1x80xi32, #tpu.memory_space<vmem>> -> memref<80xi32, #tpu.memory_space<vmem>>
      %dma_start3A_318 = arith.constant 0 : i32
      %dma_start3A_319 = arith.constant 0 : i32
      %dma_start3A_320 = tpu.memref_slice %arg16[%dma_start3A_318, %dma_start3A_319] : memref<1000x128xf32, #tpu.memory_space<vmem_shared>> -> memref<1000x128xf32, #tpu.memory_space<vmem_shared>>
      tpu.enqueue_indirect_dma source(%dma_start3A_314 : memref<80x128xf32, #tpu.memory_space<vmem>>) target(%dma_start3A_320 : memref<1000x128xf32, #tpu.memory_space<vmem_shared>>) offsets(%dma_start3A_317 : memref<80xi32, #tpu.memory_space<vmem>>) semaphore(%arg22 : memref<!tpu.dma_semaphore, #tpu.memory_space<semaphore_mem>>) {add = true}
      %dma_start3A_321 = arith.constant 4 : i32
      %dma_start3A_322 = arith.constant 0 : i32
      %dma_start3A_323 = tpu.memref_slice %arg11[%dma_start3A_321, %dma_start3A_322] : memref<5x80xi32, #tpu.memory_space<vmem>> -> memref<1x80xi32, #tpu.memory_space<vmem>>
      %dma_start3A_324 = tpu.memref_squeeze %dma_start3A_323 : memref<1x80xi32, #tpu.memory_space<vmem>> -> memref<80xi32, #tpu.memory_space<vmem>>
      %dma_start3A_325 = arith.constant 0 : i32
      %dma_start3A_326 = arith.constant 0 : i32
      %dma_start3A_327 = tpu.memref_slice %arg17[%dma_start3A_325, %dma_start3A_326] : memref<1000x16xf32, #tpu.memory_space<vmem_shared>> -> memref<1000x16xf32, #tpu.memory_space<vmem_shared>>
      tpu.enqueue_indirect_dma source(%arg13 : memref<80x16xf32, #tpu.memory_space<vmem>>) target(%dma_start3A_327 : memref<1000x16xf32, #tpu.memory_space<vmem_shared>>) offsets(%dma_start3A_324 : memref<80xi32, #tpu.memory_space<vmem>>) semaphore(%arg22 : memref<!tpu.dma_semaphore, #tpu.memory_space<semaphore_mem>>) {add = true}
    } else {
    }
    %add3A_37 = arith.constant 32 : i32
    %add3A_38 = arith.addi %add3A, %add3A_37 : i32
    %lt3A_39 = arith.constant 250 : i32
    %lt3A_40 = arith.cmpi slt, %add3A_38, %lt3A_39 : i32
    %convert_element_type3A_41 = arith.extui %lt3A_40 : i1 to i32
    %cond3A_42 = arith.constant 0 : i32
    %cond3A_43 = arith.cmpi ne, %convert_element_type3A_41, %cond3A_42 : i32
    scf.if %cond3A_43 {
      %dma_wait3A = arith.constant 0 : i32
      %dma_wait3A_244 = arith.constant 0 : i32
      %dma_wait3A_245 = tpu.memref_slice %arg2[%dma_wait3A, %dma_wait3A_244] : memref<100000x128xf32, #tpu.memory_space<hbm>> -> memref<400x128xf32, #tpu.memory_space<hbm>>
      %dma_wait3A_246 = arith.constant 0 : i32
      %dma_wait3A_247 = arith.constant 0 : i32
      %dma_wait3A_248 = tpu.memref_slice %arg2[%dma_wait3A_246, %dma_wait3A_247] : memref<100000x128xf32, #tpu.memory_space<hbm>> -> memref<400x128xf32, #tpu.memory_space<hbm>>
      tpu.wait_dma2 semaphore(%arg19 : memref<!tpu.dma_semaphore, #tpu.memory_space<semaphore_mem>>) src(%dma_wait3A_248 : memref<400x128xf32, #tpu.memory_space<hbm>>) dst(%arg10 : memref<400x128xf32, #tpu.memory_space<vmem>>)
      %dma_wait3A_249 = arith.constant 0 : i32
      %dma_wait3A_250 = arith.constant 0 : i32
      %dma_wait3A_251 = tpu.memref_slice %arg3[%dma_wait3A_249, %dma_wait3A_250] : memref<1250x80xi32, #tpu.memory_space<hbm>> -> memref<5x80xi32, #tpu.memory_space<hbm>>
      %dma_wait3A_252 = arith.constant 0 : i32
      %dma_wait3A_253 = arith.constant 0 : i32
      %dma_wait3A_254 = tpu.memref_slice %arg3[%dma_wait3A_252, %dma_wait3A_253] : memref<1250x80xi32, #tpu.memory_space<hbm>> -> memref<5x80xi32, #tpu.memory_space<hbm>>
      tpu.wait_dma2 semaphore(%arg21 : memref<!tpu.dma_semaphore, #tpu.memory_space<semaphore_mem>>) src(%dma_wait3A_254 : memref<5x80xi32, #tpu.memory_space<hbm>>) dst(%arg12 : memref<5x80xi32, #tpu.memory_space<vmem>>)
    } else {
    }
    %add3A_44 = arith.constant 32 : i32
    %add3A_45 = arith.addi %add3A, %add3A_44 : i32
    %lt3A_46 = arith.constant 250 : i32
    %lt3A_47 = arith.cmpi slt, %add3A_45, %lt3A_46 : i32
    %convert_element_type3A_48 = arith.extui %lt3A_47 : i1 to i32
    %cond3A_49 = arith.constant 0 : i32
    %cond3A_50 = arith.cmpi ne, %convert_element_type3A_48, %cond3A_49 : i32
    scf.if %cond3A_50 {
      %dma_start3A = arith.constant 0 : i32
      %dma_start3A_244 = arith.constant 0 : i32
      %dma_start3A_245 = arith.constant 0 : i32
      %dma_start3A_246 = tpu.memref_slice %arg10[%dma_start3A_244, %dma_start3A_245] : memref<400x128xf32, #tpu.memory_space<vmem>> -> memref<80x128xf32, #tpu.memory_space<vmem>>
      %dma_start3A_247 = arith.constant 0 : i32
      %dma_start3A_248 = tpu.memref_slice %arg12[%dma_start3A, %dma_start3A_247] : memref<5x80xi32, #tpu.memory_space<vmem>> -> memref<1x80xi32, #tpu.memory_space<vmem>>
      %dma_start3A_249 = tpu.memref_squeeze %dma_start3A_248 : memref<1x80xi32, #tpu.memory_space<vmem>> -> memref<80xi32, #tpu.memory_space<vmem>>
      %dma_start3A_250 = arith.constant 0 : i32
      %dma_start3A_251 = arith.constant 0 : i32
      %dma_start3A_252 = tpu.memref_slice %arg16[%dma_start3A_250, %dma_start3A_251] : memref<1000x128xf32, #tpu.memory_space<vmem_shared>> -> memref<1000x128xf32, #tpu.memory_space<vmem_shared>>
      tpu.enqueue_indirect_dma source(%dma_start3A_246 : memref<80x128xf32, #tpu.memory_space<vmem>>) target(%dma_start3A_252 : memref<1000x128xf32, #tpu.memory_space<vmem_shared>>) offsets(%dma_start3A_249 : memref<80xi32, #tpu.memory_space<vmem>>) semaphore(%arg23 : memref<!tpu.dma_semaphore, #tpu.memory_space<semaphore_mem>>) {add = true}
      %dma_start3A_253 = arith.constant 0 : i32
      %dma_start3A_254 = arith.constant 0 : i32
      %dma_start3A_255 = tpu.memref_slice %arg12[%dma_start3A_253, %dma_start3A_254] : memref<5x80xi32, #tpu.memory_space<vmem>> -> memref<1x80xi32, #tpu.memory_space<vmem>>
      %dma_start3A_256 = tpu.memref_squeeze %dma_start3A_255 : memref<1x80xi32, #tpu.memory_space<vmem>> -> memref<80xi32, #tpu.memory_space<vmem>>
      %dma_start3A_257 = arith.constant 0 : i32
      %dma_start3A_258 = arith.constant 0 : i32
      %dma_start3A_259 = tpu.memref_slice %arg17[%dma_start3A_257, %dma_start3A_258] : memref<1000x16xf32, #tpu.memory_space<vmem_shared>> -> memref<1000x16xf32, #tpu.memory_space<vmem_shared>>
      tpu.enqueue_indirect_dma source(%arg13 : memref<80x16xf32, #tpu.memory_space<vmem>>) target(%dma_start3A_259 : memref<1000x16xf32, #tpu.memory_space<vmem_shared>>) offsets(%dma_start3A_256 : memref<80xi32, #tpu.memory_space<vmem>>) semaphore(%arg23 : memref<!tpu.dma_semaphore, #tpu.memory_space<semaphore_mem>>) {add = true}
      %dma_start3A_260 = arith.constant 1 : i32
      %dma_start3A_261 = arith.constant 80 : i32
      %dma_start3A_262 = arith.constant 0 : i32
      %dma_start3A_263 = tpu.memref_slice %arg10[%dma_start3A_261, %dma_start3A_262] : memref<400x128xf32, #tpu.memory_space<vmem>> -> memref<80x128xf32, #tpu.memory_space<vmem>>
      %dma_start3A_264 = arith.constant 0 : i32
      %dma_start3A_265 = tpu.memref_slice %arg12[%dma_start3A_260, %dma_start3A_264] : memref<5x80xi32, #tpu.memory_space<vmem>> -> memref<1x80xi32, #tpu.memory_space<vmem>>
      %dma_start3A_266 = tpu.memref_squeeze %dma_start3A_265 : memref<1x80xi32, #tpu.memory_space<vmem>> -> memref<80xi32, #tpu.memory_space<vmem>>
      %dma_start3A_267 = arith.constant 0 : i32
      %dma_start3A_268 = arith.constant 0 : i32
      %dma_start3A_269 = tpu.memref_slice %arg16[%dma_start3A_267, %dma_start3A_268] : memref<1000x128xf32, #tpu.memory_space<vmem_shared>> -> memref<1000x128xf32, #tpu.memory_space<vmem_shared>>
      tpu.enqueue_indirect_dma source(%dma_start3A_263 : memref<80x128xf32, #tpu.memory_space<vmem>>) target(%dma_start3A_269 : memref<1000x128xf32, #tpu.memory_space<vmem_shared>>) offsets(%dma_start3A_266 : memref<80xi32, #tpu.memory_space<vmem>>) semaphore(%arg23 : memref<!tpu.dma_semaphore, #tpu.memory_space<semaphore_mem>>) {add = true}
      %dma_start3A_270 = arith.constant 1 : i32
      %dma_start3A_271 = arith.constant 0 : i32
      %dma_start3A_272 = tpu.memref_slice %arg12[%dma_start3A_270, %dma_start3A_271] : memref<5x80xi32, #tpu.memory_space<vmem>> -> memref<1x80xi32, #tpu.memory_space<vmem>>
      %dma_start3A_273 = tpu.memref_squeeze %dma_start3A_272 : memref<1x80xi32, #tpu.memory_space<vmem>> -> memref<80xi32, #tpu.memory_space<vmem>>
      %dma_start3A_274 = arith.constant 0 : i32
      %dma_start3A_275 = arith.constant 0 : i32
      %dma_start3A_276 = tpu.memref_slice %arg17[%dma_start3A_274, %dma_start3A_275] : memref<1000x16xf32, #tpu.memory_space<vmem_shared>> -> memref<1000x16xf32, #tpu.memory_space<vmem_shared>>
      tpu.enqueue_indirect_dma source(%arg13 : memref<80x16xf32, #tpu.memory_space<vmem>>) target(%dma_start3A_276 : memref<1000x16xf32, #tpu.memory_space<vmem_shared>>) offsets(%dma_start3A_273 : memref<80xi32, #tpu.memory_space<vmem>>) semaphore(%arg23 : memref<!tpu.dma_semaphore, #tpu.memory_space<semaphore_mem>>) {add = true}
      %dma_start3A_277 = arith.constant 2 : i32
      %dma_start3A_278 = arith.constant 160 : i32
      %dma_start3A_279 = arith.constant 0 : i32
      %dma_start3A_280 = tpu.memref_slice %arg10[%dma_start3A_278, %dma_start3A_279] : memref<400x128xf32, #tpu.memory_space<vmem>> -> memref<80x128xf32, #tpu.memory_space<vmem>>
      %dma_start3A_281 = arith.constant 0 : i32
      %dma_start3A_282 = tpu.memref_slice %arg12[%dma_start3A_277, %dma_start3A_281] : memref<5x80xi32, #tpu.memory_space<vmem>> -> memref<1x80xi32, #tpu.memory_space<vmem>>
      %dma_start3A_283 = tpu.memref_squeeze %dma_start3A_282 : memref<1x80xi32, #tpu.memory_space<vmem>> -> memref<80xi32, #tpu.memory_space<vmem>>
      %dma_start3A_284 = arith.constant 0 : i32
      %dma_start3A_285 = arith.constant 0 : i32
      %dma_start3A_286 = tpu.memref_slice %arg16[%dma_start3A_284, %dma_start3A_285] : memref<1000x128xf32, #tpu.memory_space<vmem_shared>> -> memref<1000x128xf32, #tpu.memory_space<vmem_shared>>
      tpu.enqueue_indirect_dma source(%dma_start3A_280 : memref<80x128xf32, #tpu.memory_space<vmem>>) target(%dma_start3A_286 : memref<1000x128xf32, #tpu.memory_space<vmem_shared>>) offsets(%dma_start3A_283 : memref<80xi32, #tpu.memory_space<vmem>>) semaphore(%arg23 : memref<!tpu.dma_semaphore, #tpu.memory_space<semaphore_mem>>) {add = true}
      %dma_start3A_287 = arith.constant 2 : i32
      %dma_start3A_288 = arith.constant 0 : i32
      %dma_start3A_289 = tpu.memref_slice %arg12[%dma_start3A_287, %dma_start3A_288] : memref<5x80xi32, #tpu.memory_space<vmem>> -> memref<1x80xi32, #tpu.memory_space<vmem>>
      %dma_start3A_290 = tpu.memref_squeeze %dma_start3A_289 : memref<1x80xi32, #tpu.memory_space<vmem>> -> memref<80xi32, #tpu.memory_space<vmem>>
      %dma_start3A_291 = arith.constant 0 : i32
      %dma_start3A_292 = arith.constant 0 : i32
      %dma_start3A_293 = tpu.memref_slice %arg17[%dma_start3A_291, %dma_start3A_292] : memref<1000x16xf32, #tpu.memory_space<vmem_shared>> -> memref<1000x16xf32, #tpu.memory_space<vmem_shared>>
      tpu.enqueue_indirect_dma source(%arg13 : memref<80x16xf32, #tpu.memory_space<vmem>>) target(%dma_start3A_293 : memref<1000x16xf32, #tpu.memory_space<vmem_shared>>) offsets(%dma_start3A_290 : memref<80xi32, #tpu.memory_space<vmem>>) semaphore(%arg23 : memref<!tpu.dma_semaphore, #tpu.memory_space<semaphore_mem>>) {add = true}
      %dma_start3A_294 = arith.constant 3 : i32
      %dma_start3A_295 = arith.constant 240 : i32
      %dma_start3A_296 = arith.constant 0 : i32
      %dma_start3A_297 = tpu.memref_slice %arg10[%dma_start3A_295, %dma_start3A_296] : memref<400x128xf32, #tpu.memory_space<vmem>> -> memref<80x128xf32, #tpu.memory_space<vmem>>
      %dma_start3A_298 = arith.constant 0 : i32
      %dma_start3A_299 = tpu.memref_slice %arg12[%dma_start3A_294, %dma_start3A_298] : memref<5x80xi32, #tpu.memory_space<vmem>> -> memref<1x80xi32, #tpu.memory_space<vmem>>
      %dma_start3A_300 = tpu.memref_squeeze %dma_start3A_299 : memref<1x80xi32, #tpu.memory_space<vmem>> -> memref<80xi32, #tpu.memory_space<vmem>>
      %dma_start3A_301 = arith.constant 0 : i32
      %dma_start3A_302 = arith.constant 0 : i32
      %dma_start3A_303 = tpu.memref_slice %arg16[%dma_start3A_301, %dma_start3A_302] : memref<1000x128xf32, #tpu.memory_space<vmem_shared>> -> memref<1000x128xf32, #tpu.memory_space<vmem_shared>>
      tpu.enqueue_indirect_dma source(%dma_start3A_297 : memref<80x128xf32, #tpu.memory_space<vmem>>) target(%dma_start3A_303 : memref<1000x128xf32, #tpu.memory_space<vmem_shared>>) offsets(%dma_start3A_300 : memref<80xi32, #tpu.memory_space<vmem>>) semaphore(%arg23 : memref<!tpu.dma_semaphore, #tpu.memory_space<semaphore_mem>>) {add = true}
      %dma_start3A_304 = arith.constant 3 : i32
      %dma_start3A_305 = arith.constant 0 : i32
      %dma_start3A_306 = tpu.memref_slice %arg12[%dma_start3A_304, %dma_start3A_305] : memref<5x80xi32, #tpu.memory_space<vmem>> -> memref<1x80xi32, #tpu.memory_space<vmem>>
      %dma_start3A_307 = tpu.memref_squeeze %dma_start3A_306 : memref<1x80xi32, #tpu.memory_space<vmem>> -> memref<80xi32, #tpu.memory_space<vmem>>
      %dma_start3A_308 = arith.constant 0 : i32
      %dma_start3A_309 = arith.constant 0 : i32
      %dma_start3A_310 = tpu.memref_slice %arg17[%dma_start3A_308, %dma_start3A_309] : memref<1000x16xf32, #tpu.memory_space<vmem_shared>> -> memref<1000x16xf32, #tpu.memory_space<vmem_shared>>
      tpu.enqueue_indirect_dma source(%arg13 : memref<80x16xf32, #tpu.memory_space<vmem>>) target(%dma_start3A_310 : memref<1000x16xf32, #tpu.memory_space<vmem_shared>>) offsets(%dma_start3A_307 : memref<80xi32, #tpu.memory_space<vmem>>) semaphore(%arg23 : memref<!tpu.dma_semaphore, #tpu.memory_space<semaphore_mem>>) {add = true}
      %dma_start3A_311 = arith.constant 4 : i32
      %dma_start3A_312 = arith.constant 320 : i32
      %dma_start3A_313 = arith.constant 0 : i32
      %dma_start3A_314 = tpu.memref_slice %arg10[%dma_start3A_312, %dma_start3A_313] : memref<400x128xf32, #tpu.memory_space<vmem>> -> memref<80x128xf32, #tpu.memory_space<vmem>>
      %dma_start3A_315 = arith.constant 0 : i32
      %dma_start3A_316 = tpu.memref_slice %arg12[%dma_start3A_311, %dma_start3A_315] : memref<5x80xi32, #tpu.memory_space<vmem>> -> memref<1x80xi32, #tpu.memory_space<vmem>>
      %dma_start3A_317 = tpu.memref_squeeze %dma_start3A_316 : memref<1x80xi32, #tpu.memory_space<vmem>> -> memref<80xi32, #tpu.memory_space<vmem>>
      %dma_start3A_318 = arith.constant 0 : i32
      %dma_start3A_319 = arith.constant 0 : i32
      %dma_start3A_320 = tpu.memref_slice %arg16[%dma_start3A_318, %dma_start3A_319] : memref<1000x128xf32, #tpu.memory_space<vmem_shared>> -> memref<1000x128xf32, #tpu.memory_space<vmem_shared>>
      tpu.enqueue_indirect_dma source(%dma_start3A_314 : memref<80x128xf32, #tpu.memory_space<vmem>>) target(%dma_start3A_320 : memref<1000x128xf32, #tpu.memory_space<vmem_shared>>) offsets(%dma_start3A_317 : memref<80xi32, #tpu.memory_space<vmem>>) semaphore(%arg23 : memref<!tpu.dma_semaphore, #tpu.memory_space<semaphore_mem>>) {add = true}
      %dma_start3A_321 = arith.constant 4 : i32
      %dma_start3A_322 = arith.constant 0 : i32
      %dma_start3A_323 = tpu.memref_slice %arg12[%dma_start3A_321, %dma_start3A_322] : memref<5x80xi32, #tpu.memory_space<vmem>> -> memref<1x80xi32, #tpu.memory_space<vmem>>
      %dma_start3A_324 = tpu.memref_squeeze %dma_start3A_323 : memref<1x80xi32, #tpu.memory_space<vmem>> -> memref<80xi32, #tpu.memory_space<vmem>>
      %dma_start3A_325 = arith.constant 0 : i32
      %dma_start3A_326 = arith.constant 0 : i32
      %dma_start3A_327 = tpu.memref_slice %arg17[%dma_start3A_325, %dma_start3A_326] : memref<1000x16xf32, #tpu.memory_space<vmem_shared>> -> memref<1000x16xf32, #tpu.memory_space<vmem_shared>>
      tpu.enqueue_indirect_dma source(%arg13 : memref<80x16xf32, #tpu.memory_space<vmem>>) target(%dma_start3A_327 : memref<1000x16xf32, #tpu.memory_space<vmem_shared>>) offsets(%dma_start3A_324 : memref<80xi32, #tpu.memory_space<vmem>>) semaphore(%arg23 : memref<!tpu.dma_semaphore, #tpu.memory_space<semaphore_mem>>) {add = true}
    } else {
    }
    %add3A_51 = arith.constant 0 : i32
    %add3A_52 = arith.addi %add3A, %add3A_51 : i32
    %lt3A_53 = arith.constant 250 : i32
    %lt3A_54 = arith.cmpi slt, %add3A_52, %lt3A_53 : i32
    %convert_element_type3A_55 = arith.extui %lt3A_54 : i1 to i32
    %cond3A_56 = arith.constant 0 : i32
    %cond3A_57 = arith.cmpi ne, %convert_element_type3A_55, %cond3A_56 : i32
    scf.if %cond3A_57 {
      %dma_wait3A = arith.constant 0 : i32
      %dma_wait3A_244 = arith.constant 0 : i32
      %dma_wait3A_245 = arith.constant 0 : i32
      %dma_wait3A_246 = tpu.memref_slice %arg9[%dma_wait3A_244, %dma_wait3A_245] : memref<400x128xf32, #tpu.memory_space<vmem>> -> memref<80x128xf32, #tpu.memory_space<vmem>>
      %dma_wait3A_247 = arith.constant 0 : i32
      %dma_wait3A_248 = tpu.memref_slice %arg11[%dma_wait3A, %dma_wait3A_247] : memref<5x80xi32, #tpu.memory_space<vmem>> -> memref<1x80xi32, #tpu.memory_space<vmem>>
      %dma_wait3A_249 = tpu.memref_squeeze %dma_wait3A_248 : memref<1x80xi32, #tpu.memory_space<vmem>> -> memref<80xi32, #tpu.memory_space<vmem>>
      %dma_wait3A_250 = arith.constant 0 : i32
      %dma_wait3A_251 = arith.constant 0 : i32
      %dma_wait3A_252 = tpu.memref_slice %arg16[%dma_wait3A_250, %dma_wait3A_251] : memref<1000x128xf32, #tpu.memory_space<vmem_shared>> -> memref<1000x128xf32, #tpu.memory_space<vmem_shared>>
      tpu.wait_indirect_dma semaphore(%arg22 : memref<!tpu.dma_semaphore, #tpu.memory_space<semaphore_mem>>) src(%dma_wait3A_246 : memref<80x128xf32, #tpu.memory_space<vmem>>) dst(%dma_wait3A_252 : memref<1000x128xf32, #tpu.memory_space<vmem_shared>>)
      %dma_wait3A_253 = arith.constant 0 : i32
      %dma_wait3A_254 = arith.constant 0 : i32
      %dma_wait3A_255 = tpu.memref_slice %arg11[%dma_wait3A_253, %dma_wait3A_254] : memref<5x80xi32, #tpu.memory_space<vmem>> -> memref<1x80xi32, #tpu.memory_space<vmem>>
      %dma_wait3A_256 = tpu.memref_squeeze %dma_wait3A_255 : memref<1x80xi32, #tpu.memory_space<vmem>> -> memref<80xi32, #tpu.memory_space<vmem>>
      %dma_wait3A_257 = arith.constant 0 : i32
      %dma_wait3A_258 = arith.constant 0 : i32
      %dma_wait3A_259 = tpu.memref_slice %arg17[%dma_wait3A_257, %dma_wait3A_258] : memref<1000x16xf32, #tpu.memory_space<vmem_shared>> -> memref<1000x16xf32, #tpu.memory_space<vmem_shared>>
      tpu.wait_indirect_dma semaphore(%arg22 : memref<!tpu.dma_semaphore, #tpu.memory_space<semaphore_mem>>) src(%arg13 : memref<80x16xf32, #tpu.memory_space<vmem>>) dst(%dma_wait3A_259 : memref<1000x16xf32, #tpu.memory_space<vmem_shared>>)
      %dma_wait3A_260 = arith.constant 1 : i32
      %dma_wait3A_261 = arith.constant 80 : i32
      %dma_wait3A_262 = arith.constant 0 : i32
      %dma_wait3A_263 = tpu.memref_slice %arg9[%dma_wait3A_261, %dma_wait3A_262] : memref<400x128xf32, #tpu.memory_space<vmem>> -> memref<80x128xf32, #tpu.memory_space<vmem>>
      %dma_wait3A_264 = arith.constant 0 : i32
      %dma_wait3A_265 = tpu.memref_slice %arg11[%dma_wait3A_260, %dma_wait3A_264] : memref<5x80xi32, #tpu.memory_space<vmem>> -> memref<1x80xi32, #tpu.memory_space<vmem>>
      %dma_wait3A_266 = tpu.memref_squeeze %dma_wait3A_265 : memref<1x80xi32, #tpu.memory_space<vmem>> -> memref<80xi32, #tpu.memory_space<vmem>>
      %dma_wait3A_267 = arith.constant 0 : i32
      %dma_wait3A_268 = arith.constant 0 : i32
      %dma_wait3A_269 = tpu.memref_slice %arg16[%dma_wait3A_267, %dma_wait3A_268] : memref<1000x128xf32, #tpu.memory_space<vmem_shared>> -> memref<1000x128xf32, #tpu.memory_space<vmem_shared>>
      tpu.wait_indirect_dma semaphore(%arg22 : memref<!tpu.dma_semaphore, #tpu.memory_space<semaphore_mem>>) src(%dma_wait3A_263 : memref<80x128xf32, #tpu.memory_space<vmem>>) dst(%dma_wait3A_269 : memref<1000x128xf32, #tpu.memory_space<vmem_shared>>)
      %dma_wait3A_270 = arith.constant 1 : i32
      %dma_wait3A_271 = arith.constant 0 : i32
      %dma_wait3A_272 = tpu.memref_slice %arg11[%dma_wait3A_270, %dma_wait3A_271] : memref<5x80xi32, #tpu.memory_space<vmem>> -> memref<1x80xi32, #tpu.memory_space<vmem>>
      %dma_wait3A_273 = tpu.memref_squeeze %dma_wait3A_272 : memref<1x80xi32, #tpu.memory_space<vmem>> -> memref<80xi32, #tpu.memory_space<vmem>>
      %dma_wait3A_274 = arith.constant 0 : i32
      %dma_wait3A_275 = arith.constant 0 : i32
      %dma_wait3A_276 = tpu.memref_slice %arg17[%dma_wait3A_274, %dma_wait3A_275] : memref<1000x16xf32, #tpu.memory_space<vmem_shared>> -> memref<1000x16xf32, #tpu.memory_space<vmem_shared>>
      tpu.wait_indirect_dma semaphore(%arg22 : memref<!tpu.dma_semaphore, #tpu.memory_space<semaphore_mem>>) src(%arg13 : memref<80x16xf32, #tpu.memory_space<vmem>>) dst(%dma_wait3A_276 : memref<1000x16xf32, #tpu.memory_space<vmem_shared>>)
      %dma_wait3A_277 = arith.constant 2 : i32
      %dma_wait3A_278 = arith.constant 160 : i32
      %dma_wait3A_279 = arith.constant 0 : i32
      %dma_wait3A_280 = tpu.memref_slice %arg9[%dma_wait3A_278, %dma_wait3A_279] : memref<400x128xf32, #tpu.memory_space<vmem>> -> memref<80x128xf32, #tpu.memory_space<vmem>>
      %dma_wait3A_281 = arith.constant 0 : i32
      %dma_wait3A_282 = tpu.memref_slice %arg11[%dma_wait3A_277, %dma_wait3A_281] : memref<5x80xi32, #tpu.memory_space<vmem>> -> memref<1x80xi32, #tpu.memory_space<vmem>>
      %dma_wait3A_283 = tpu.memref_squeeze %dma_wait3A_282 : memref<1x80xi32, #tpu.memory_space<vmem>> -> memref<80xi32, #tpu.memory_space<vmem>>
      %dma_wait3A_284 = arith.constant 0 : i32
      %dma_wait3A_285 = arith.constant 0 : i32
      %dma_wait3A_286 = tpu.memref_slice %arg16[%dma_wait3A_284, %dma_wait3A_285] : memref<1000x128xf32, #tpu.memory_space<vmem_shared>> -> memref<1000x128xf32, #tpu.memory_space<vmem_shared>>
      tpu.wait_indirect_dma semaphore(%arg22 : memref<!tpu.dma_semaphore, #tpu.memory_space<semaphore_mem>>) src(%dma_wait3A_280 : memref<80x128xf32, #tpu.memory_space<vmem>>) dst(%dma_wait3A_286 : memref<1000x128xf32, #tpu.memory_space<vmem_shared>>)
      %dma_wait3A_287 = arith.constant 2 : i32
      %dma_wait3A_288 = arith.constant 0 : i32
      %dma_wait3A_289 = tpu.memref_slice %arg11[%dma_wait3A_287, %dma_wait3A_288] : memref<5x80xi32, #tpu.memory_space<vmem>> -> memref<1x80xi32, #tpu.memory_space<vmem>>
      %dma_wait3A_290 = tpu.memref_squeeze %dma_wait3A_289 : memref<1x80xi32, #tpu.memory_space<vmem>> -> memref<80xi32, #tpu.memory_space<vmem>>
      %dma_wait3A_291 = arith.constant 0 : i32
      %dma_wait3A_292 = arith.constant 0 : i32
      %dma_wait3A_293 = tpu.memref_slice %arg17[%dma_wait3A_291, %dma_wait3A_292] : memref<1000x16xf32, #tpu.memory_space<vmem_shared>> -> memref<1000x16xf32, #tpu.memory_space<vmem_shared>>
      tpu.wait_indirect_dma semaphore(%arg22 : memref<!tpu.dma_semaphore, #tpu.memory_space<semaphore_mem>>) src(%arg13 : memref<80x16xf32, #tpu.memory_space<vmem>>) dst(%dma_wait3A_293 : memref<1000x16xf32, #tpu.memory_space<vmem_shared>>)
      %dma_wait3A_294 = arith.constant 3 : i32
      %dma_wait3A_295 = arith.constant 240 : i32
      %dma_wait3A_296 = arith.constant 0 : i32
      %dma_wait3A_297 = tpu.memref_slice %arg9[%dma_wait3A_295, %dma_wait3A_296] : memref<400x128xf32, #tpu.memory_space<vmem>> -> memref<80x128xf32, #tpu.memory_space<vmem>>
      %dma_wait3A_298 = arith.constant 0 : i32
      %dma_wait3A_299 = tpu.memref_slice %arg11[%dma_wait3A_294, %dma_wait3A_298] : memref<5x80xi32, #tpu.memory_space<vmem>> -> memref<1x80xi32, #tpu.memory_space<vmem>>
      %dma_wait3A_300 = tpu.memref_squeeze %dma_wait3A_299 : memref<1x80xi32, #tpu.memory_space<vmem>> -> memref<80xi32, #tpu.memory_space<vmem>>
      %dma_wait3A_301 = arith.constant 0 : i32
      %dma_wait3A_302 = arith.constant 0 : i32
      %dma_wait3A_303 = tpu.memref_slice %arg16[%dma_wait3A_301, %dma_wait3A_302] : memref<1000x128xf32, #tpu.memory_space<vmem_shared>> -> memref<1000x128xf32, #tpu.memory_space<vmem_shared>>
      tpu.wait_indirect_dma semaphore(%arg22 : memref<!tpu.dma_semaphore, #tpu.memory_space<semaphore_mem>>) src(%dma_wait3A_297 : memref<80x128xf32, #tpu.memory_space<vmem>>) dst(%dma_wait3A_303 : memref<1000x128xf32, #tpu.memory_space<vmem_shared>>)
      %dma_wait3A_304 = arith.constant 3 : i32
      %dma_wait3A_305 = arith.constant 0 : i32
      %dma_wait3A_306 = tpu.memref_slice %arg11[%dma_wait3A_304, %dma_wait3A_305] : memref<5x80xi32, #tpu.memory_space<vmem>> -> memref<1x80xi32, #tpu.memory_space<vmem>>
      %dma_wait3A_307 = tpu.memref_squeeze %dma_wait3A_306 : memref<1x80xi32, #tpu.memory_space<vmem>> -> memref<80xi32, #tpu.memory_space<vmem>>
      %dma_wait3A_308 = arith.constant 0 : i32
      %dma_wait3A_309 = arith.constant 0 : i32
      %dma_wait3A_310 = tpu.memref_slice %arg17[%dma_wait3A_308, %dma_wait3A_309] : memref<1000x16xf32, #tpu.memory_space<vmem_shared>> -> memref<1000x16xf32, #tpu.memory_space<vmem_shared>>
      tpu.wait_indirect_dma semaphore(%arg22 : memref<!tpu.dma_semaphore, #tpu.memory_space<semaphore_mem>>) src(%arg13 : memref<80x16xf32, #tpu.memory_space<vmem>>) dst(%dma_wait3A_310 : memref<1000x16xf32, #tpu.memory_space<vmem_shared>>)
      %dma_wait3A_311 = arith.constant 4 : i32
      %dma_wait3A_312 = arith.constant 320 : i32
      %dma_wait3A_313 = arith.constant 0 : i32
      %dma_wait3A_314 = tpu.memref_slice %arg9[%dma_wait3A_312, %dma_wait3A_313] : memref<400x128xf32, #tpu.memory_space<vmem>> -> memref<80x128xf32, #tpu.memory_space<vmem>>
      %dma_wait3A_315 = arith.constant 0 : i32
      %dma_wait3A_316 = tpu.memref_slice %arg11[%dma_wait3A_311, %dma_wait3A_315] : memref<5x80xi32, #tpu.memory_space<vmem>> -> memref<1x80xi32, #tpu.memory_space<vmem>>
      %dma_wait3A_317 = tpu.memref_squeeze %dma_wait3A_316 : memref<1x80xi32, #tpu.memory_space<vmem>> -> memref<80xi32, #tpu.memory_space<vmem>>
      %dma_wait3A_318 = arith.constant 0 : i32
      %dma_wait3A_319 = arith.constant 0 : i32
      %dma_wait3A_320 = tpu.memref_slice %arg16[%dma_wait3A_318, %dma_wait3A_319] : memref<1000x128xf32, #tpu.memory_space<vmem_shared>> -> memref<1000x128xf32, #tpu.memory_space<vmem_shared>>
      tpu.wait_indirect_dma semaphore(%arg22 : memref<!tpu.dma_semaphore, #tpu.memory_space<semaphore_mem>>) src(%dma_wait3A_314 : memref<80x128xf32, #tpu.memory_space<vmem>>) dst(%dma_wait3A_320 : memref<1000x128xf32, #tpu.memory_space<vmem_shared>>)
      %dma_wait3A_321 = arith.constant 4 : i32
      %dma_wait3A_322 = arith.constant 0 : i32
      %dma_wait3A_323 = tpu.memref_slice %arg11[%dma_wait3A_321, %dma_wait3A_322] : memref<5x80xi32, #tpu.memory_space<vmem>> -> memref<1x80xi32, #tpu.memory_space<vmem>>
      %dma_wait3A_324 = tpu.memref_squeeze %dma_wait3A_323 : memref<1x80xi32, #tpu.memory_space<vmem>> -> memref<80xi32, #tpu.memory_space<vmem>>
      %dma_wait3A_325 = arith.constant 0 : i32
      %dma_wait3A_326 = arith.constant 0 : i32
      %dma_wait3A_327 = tpu.memref_slice %arg17[%dma_wait3A_325, %dma_wait3A_326] : memref<1000x16xf32, #tpu.memory_space<vmem_shared>> -> memref<1000x16xf32, #tpu.memory_space<vmem_shared>>
      tpu.wait_indirect_dma semaphore(%arg22 : memref<!tpu.dma_semaphore, #tpu.memory_space<semaphore_mem>>) src(%arg13 : memref<80x16xf32, #tpu.memory_space<vmem>>) dst(%dma_wait3A_327 : memref<1000x16xf32, #tpu.memory_space<vmem_shared>>)
    } else {
    }
    %add3A_58 = arith.constant 64 : i32
    %add3A_59 = arith.addi %add3A, %add3A_58 : i32
    %lt3A_60 = arith.constant 250 : i32
    %lt3A_61 = arith.cmpi slt, %add3A_59, %lt3A_60 : i32
    %convert_element_type3A_62 = arith.extui %lt3A_61 : i1 to i32
    %cond3A_63 = arith.constant 0 : i32
    %cond3A_64 = arith.cmpi ne, %convert_element_type3A_62, %cond3A_63 : i32
    scf.if %cond3A_64 {
      %mul3A_244 = arith.constant 400 : i32
      %mul3A_245 = arith.muli %add3A_59, %mul3A_244 : i32
      %dma_start3A = arith.constant 0 : i32
      %dma_start3A_246 = tpu.memref_slice %arg2[%mul3A_245, %dma_start3A] : memref<100000x128xf32, #tpu.memory_space<hbm>> -> memref<400x128xf32, #tpu.memory_space<hbm>>
      %dma_start3A_247 = arith.constant 0 : i32
      %dma_start3A_248 = tpu.memref_slice %arg2[%mul3A_245, %dma_start3A_247] : memref<100000x128xf32, #tpu.memory_space<hbm>> -> memref<400x128xf32, #tpu.memory_space<hbm>>
      tpu.enqueue_dma source(%dma_start3A_248 : memref<400x128xf32, #tpu.memory_space<hbm>>) target(%arg9 : memref<400x128xf32, #tpu.memory_space<vmem>>) target_semaphore(%arg18 : memref<!tpu.dma_semaphore, #tpu.memory_space<semaphore_mem>>)
      %mul3A_249 = arith.constant 5 : i32
      %mul3A_250 = arith.muli %add3A_59, %mul3A_249 : i32
      %dma_start3A_251 = arith.constant 0 : i32
      %dma_start3A_252 = tpu.memref_slice %arg3[%mul3A_250, %dma_start3A_251] : memref<1250x80xi32, #tpu.memory_space<hbm>> -> memref<5x80xi32, #tpu.memory_space<hbm>>
      %dma_start3A_253 = arith.constant 0 : i32
      %dma_start3A_254 = tpu.memref_slice %arg3[%mul3A_250, %dma_start3A_253] : memref<1250x80xi32, #tpu.memory_space<hbm>> -> memref<5x80xi32, #tpu.memory_space<hbm>>
      tpu.enqueue_dma source(%dma_start3A_254 : memref<5x80xi32, #tpu.memory_space<hbm>>) target(%arg11 : memref<5x80xi32, #tpu.memory_space<vmem>>) target_semaphore(%arg20 : memref<!tpu.dma_semaphore, #tpu.memory_space<semaphore_mem>>)
    } else {
    }
    %add3A_65 = arith.constant 64 : i32
    %add3A_66 = arith.addi %add3A, %add3A_65 : i32
    %lt3A_67 = arith.constant 250 : i32
    %lt3A_68 = arith.cmpi slt, %add3A_66, %lt3A_67 : i32
    %convert_element_type3A_69 = arith.extui %lt3A_68 : i1 to i32
    %cond3A_70 = arith.constant 0 : i32
    %cond3A_71 = arith.cmpi ne, %convert_element_type3A_69, %cond3A_70 : i32
    scf.if %cond3A_71 {
      %dma_wait3A = arith.constant 0 : i32
      %dma_wait3A_244 = arith.constant 0 : i32
      %dma_wait3A_245 = tpu.memref_slice %arg2[%dma_wait3A, %dma_wait3A_244] : memref<100000x128xf32, #tpu.memory_space<hbm>> -> memref<400x128xf32, #tpu.memory_space<hbm>>
      %dma_wait3A_246 = arith.constant 0 : i32
      %dma_wait3A_247 = arith.constant 0 : i32
      %dma_wait3A_248 = tpu.memref_slice %arg2[%dma_wait3A_246, %dma_wait3A_247] : memref<100000x128xf32, #tpu.memory_space<hbm>> -> memref<400x128xf32, #tpu.memory_space<hbm>>
      tpu.wait_dma2 semaphore(%arg18 : memref<!tpu.dma_semaphore, #tpu.memory_space<semaphore_mem>>) src(%dma_wait3A_248 : memref<400x128xf32, #tpu.memory_space<hbm>>) dst(%arg9 : memref<400x128xf32, #tpu.memory_space<vmem>>)
      %dma_wait3A_249 = arith.constant 0 : i32
      %dma_wait3A_250 = arith.constant 0 : i32
      %dma_wait3A_251 = tpu.memref_slice %arg3[%dma_wait3A_249, %dma_wait3A_250] : memref<1250x80xi32, #tpu.memory_space<hbm>> -> memref<5x80xi32, #tpu.memory_space<hbm>>
      %dma_wait3A_252 = arith.constant 0 : i32
      %dma_wait3A_253 = arith.constant 0 : i32
      %dma_wait3A_254 = tpu.memref_slice %arg3[%dma_wait3A_252, %dma_wait3A_253] : memref<1250x80xi32, #tpu.memory_space<hbm>> -> memref<5x80xi32, #tpu.memory_space<hbm>>
      tpu.wait_dma2 semaphore(%arg20 : memref<!tpu.dma_semaphore, #tpu.memory_space<semaphore_mem>>) src(%dma_wait3A_254 : memref<5x80xi32, #tpu.memory_space<hbm>>) dst(%arg11 : memref<5x80xi32, #tpu.memory_space<vmem>>)
    } else {
    }
    %add3A_72 = arith.constant 64 : i32
    %add3A_73 = arith.addi %add3A, %add3A_72 : i32
    %lt3A_74 = arith.constant 250 : i32
    %lt3A_75 = arith.cmpi slt, %add3A_73, %lt3A_74 : i32
    %convert_element_type3A_76 = arith.extui %lt3A_75 : i1 to i32
    %cond3A_77 = arith.constant 0 : i32
    %cond3A_78 = arith.cmpi ne, %convert_element_type3A_76, %cond3A_77 : i32
    scf.if %cond3A_78 {
      %dma_start3A = arith.constant 0 : i32
      %dma_start3A_244 = arith.constant 0 : i32
      %dma_start3A_245 = arith.constant 0 : i32
      %dma_start3A_246 = tpu.memref_slice %arg9[%dma_start3A_244, %dma_start3A_245] : memref<400x128xf32, #tpu.memory_space<vmem>> -> memref<80x128xf32, #tpu.memory_space<vmem>>
      %dma_start3A_247 = arith.constant 0 : i32
      %dma_start3A_248 = tpu.memref_slice %arg11[%dma_start3A, %dma_start3A_247] : memref<5x80xi32, #tpu.memory_space<vmem>> -> memref<1x80xi32, #tpu.memory_space<vmem>>
      %dma_start3A_249 = tpu.memref_squeeze %dma_start3A_248 : memref<1x80xi32, #tpu.memory_space<vmem>> -> memref<80xi32, #tpu.memory_space<vmem>>
      %dma_start3A_250 = arith.constant 0 : i32
      %dma_start3A_251 = arith.constant 0 : i32
      %dma_start3A_252 = tpu.memref_slice %arg16[%dma_start3A_250, %dma_start3A_251] : memref<1000x128xf32, #tpu.memory_space<vmem_shared>> -> memref<1000x128xf32, #tpu.memory_space<vmem_shared>>
      tpu.enqueue_indirect_dma source(%dma_start3A_246 : memref<80x128xf32, #tpu.memory_space<vmem>>) target(%dma_start3A_252 : memref<1000x128xf32, #tpu.memory_space<vmem_shared>>) offsets(%dma_start3A_249 : memref<80xi32, #tpu.memory_space<vmem>>) semaphore(%arg22 : memref<!tpu.dma_semaphore, #tpu.memory_space<semaphore_mem>>) {add = true}
      %dma_start3A_253 = arith.constant 0 : i32
      %dma_start3A_254 = arith.constant 0 : i32
      %dma_start3A_255 = tpu.memref_slice %arg11[%dma_start3A_253, %dma_start3A_254] : memref<5x80xi32, #tpu.memory_space<vmem>> -> memref<1x80xi32, #tpu.memory_space<vmem>>
      %dma_start3A_256 = tpu.memref_squeeze %dma_start3A_255 : memref<1x80xi32, #tpu.memory_space<vmem>> -> memref<80xi32, #tpu.memory_space<vmem>>
      %dma_start3A_257 = arith.constant 0 : i32
      %dma_start3A_258 = arith.constant 0 : i32
      %dma_start3A_259 = tpu.memref_slice %arg17[%dma_start3A_257, %dma_start3A_258] : memref<1000x16xf32, #tpu.memory_space<vmem_shared>> -> memref<1000x16xf32, #tpu.memory_space<vmem_shared>>
      tpu.enqueue_indirect_dma source(%arg13 : memref<80x16xf32, #tpu.memory_space<vmem>>) target(%dma_start3A_259 : memref<1000x16xf32, #tpu.memory_space<vmem_shared>>) offsets(%dma_start3A_256 : memref<80xi32, #tpu.memory_space<vmem>>) semaphore(%arg22 : memref<!tpu.dma_semaphore, #tpu.memory_space<semaphore_mem>>) {add = true}
      %dma_start3A_260 = arith.constant 1 : i32
      %dma_start3A_261 = arith.constant 80 : i32
      %dma_start3A_262 = arith.constant 0 : i32
      %dma_start3A_263 = tpu.memref_slice %arg9[%dma_start3A_261, %dma_start3A_262] : memref<400x128xf32, #tpu.memory_space<vmem>> -> memref<80x128xf32, #tpu.memory_space<vmem>>
      %dma_start3A_264 = arith.constant 0 : i32
      %dma_start3A_265 = tpu.memref_slice %arg11[%dma_start3A_260, %dma_start3A_264] : memref<5x80xi32, #tpu.memory_space<vmem>> -> memref<1x80xi32, #tpu.memory_space<vmem>>
      %dma_start3A_266 = tpu.memref_squeeze %dma_start3A_265 : memref<1x80xi32, #tpu.memory_space<vmem>> -> memref<80xi32, #tpu.memory_space<vmem>>
      %dma_start3A_267 = arith.constant 0 : i32
      %dma_start3A_268 = arith.constant 0 : i32
      %dma_start3A_269 = tpu.memref_slice %arg16[%dma_start3A_267, %dma_start3A_268] : memref<1000x128xf32, #tpu.memory_space<vmem_shared>> -> memref<1000x128xf32, #tpu.memory_space<vmem_shared>>
      tpu.enqueue_indirect_dma source(%dma_start3A_263 : memref<80x128xf32, #tpu.memory_space<vmem>>) target(%dma_start3A_269 : memref<1000x128xf32, #tpu.memory_space<vmem_shared>>) offsets(%dma_start3A_266 : memref<80xi32, #tpu.memory_space<vmem>>) semaphore(%arg22 : memref<!tpu.dma_semaphore, #tpu.memory_space<semaphore_mem>>) {add = true}
      %dma_start3A_270 = arith.constant 1 : i32
      %dma_start3A_271 = arith.constant 0 : i32
      %dma_start3A_272 = tpu.memref_slice %arg11[%dma_start3A_270, %dma_start3A_271] : memref<5x80xi32, #tpu.memory_space<vmem>> -> memref<1x80xi32, #tpu.memory_space<vmem>>
      %dma_start3A_273 = tpu.memref_squeeze %dma_start3A_272 : memref<1x80xi32, #tpu.memory_space<vmem>> -> memref<80xi32, #tpu.memory_space<vmem>>
      %dma_start3A_274 = arith.constant 0 : i32
      %dma_start3A_275 = arith.constant 0 : i32
      %dma_start3A_276 = tpu.memref_slice %arg17[%dma_start3A_274, %dma_start3A_275] : memref<1000x16xf32, #tpu.memory_space<vmem_shared>> -> memref<1000x16xf32, #tpu.memory_space<vmem_shared>>
      tpu.enqueue_indirect_dma source(%arg13 : memref<80x16xf32, #tpu.memory_space<vmem>>) target(%dma_start3A_276 : memref<1000x16xf32, #tpu.memory_space<vmem_shared>>) offsets(%dma_start3A_273 : memref<80xi32, #tpu.memory_space<vmem>>) semaphore(%arg22 : memref<!tpu.dma_semaphore, #tpu.memory_space<semaphore_mem>>) {add = true}
      %dma_start3A_277 = arith.constant 2 : i32
      %dma_start3A_278 = arith.constant 160 : i32
      %dma_start3A_279 = arith.constant 0 : i32
      %dma_start3A_280 = tpu.memref_slice %arg9[%dma_start3A_278, %dma_start3A_279] : memref<400x128xf32, #tpu.memory_space<vmem>> -> memref<80x128xf32, #tpu.memory_space<vmem>>
      %dma_start3A_281 = arith.constant 0 : i32
      %dma_start3A_282 = tpu.memref_slice %arg11[%dma_start3A_277, %dma_start3A_281] : memref<5x80xi32, #tpu.memory_space<vmem>> -> memref<1x80xi32, #tpu.memory_space<vmem>>
      %dma_start3A_283 = tpu.memref_squeeze %dma_start3A_282 : memref<1x80xi32, #tpu.memory_space<vmem>> -> memref<80xi32, #tpu.memory_space<vmem>>
      %dma_start3A_284 = arith.constant 0 : i32
      %dma_start3A_285 = arith.constant 0 : i32
      %dma_start3A_286 = tpu.memref_slice %arg16[%dma_start3A_284, %dma_start3A_285] : memref<1000x128xf32, #tpu.memory_space<vmem_shared>> -> memref<1000x128xf32, #tpu.memory_space<vmem_shared>>
      tpu.enqueue_indirect_dma source(%dma_start3A_280 : memref<80x128xf32, #tpu.memory_space<vmem>>) target(%dma_start3A_286 : memref<1000x128xf32, #tpu.memory_space<vmem_shared>>) offsets(%dma_start3A_283 : memref<80xi32, #tpu.memory_space<vmem>>) semaphore(%arg22 : memref<!tpu.dma_semaphore, #tpu.memory_space<semaphore_mem>>) {add = true}
      %dma_start3A_287 = arith.constant 2 : i32
      %dma_start3A_288 = arith.constant 0 : i32
      %dma_start3A_289 = tpu.memref_slice %arg11[%dma_start3A_287, %dma_start3A_288] : memref<5x80xi32, #tpu.memory_space<vmem>> -> memref<1x80xi32, #tpu.memory_space<vmem>>
      %dma_start3A_290 = tpu.memref_squeeze %dma_start3A_289 : memref<1x80xi32, #tpu.memory_space<vmem>> -> memref<80xi32, #tpu.memory_space<vmem>>
      %dma_start3A_291 = arith.constant 0 : i32
      %dma_start3A_292 = arith.constant 0 : i32
      %dma_start3A_293 = tpu.memref_slice %arg17[%dma_start3A_291, %dma_start3A_292] : memref<1000x16xf32, #tpu.memory_space<vmem_shared>> -> memref<1000x16xf32, #tpu.memory_space<vmem_shared>>
      tpu.enqueue_indirect_dma source(%arg13 : memref<80x16xf32, #tpu.memory_space<vmem>>) target(%dma_start3A_293 : memref<1000x16xf32, #tpu.memory_space<vmem_shared>>) offsets(%dma_start3A_290 : memref<80xi32, #tpu.memory_space<vmem>>) semaphore(%arg22 : memref<!tpu.dma_semaphore, #tpu.memory_space<semaphore_mem>>) {add = true}
      %dma_start3A_294 = arith.constant 3 : i32
      %dma_start3A_295 = arith.constant 240 : i32
      %dma_start3A_296 = arith.constant 0 : i32
      %dma_start3A_297 = tpu.memref_slice %arg9[%dma_start3A_295, %dma_start3A_296] : memref<400x128xf32, #tpu.memory_space<vmem>> -> memref<80x128xf32, #tpu.memory_space<vmem>>
      %dma_start3A_298 = arith.constant 0 : i32
      %dma_start3A_299 = tpu.memref_slice %arg11[%dma_start3A_294, %dma_start3A_298] : memref<5x80xi32, #tpu.memory_space<vmem>> -> memref<1x80xi32, #tpu.memory_space<vmem>>
      %dma_start3A_300 = tpu.memref_squeeze %dma_start3A_299 : memref<1x80xi32, #tpu.memory_space<vmem>> -> memref<80xi32, #tpu.memory_space<vmem>>
      %dma_start3A_301 = arith.constant 0 : i32
      %dma_start3A_302 = arith.constant 0 : i32
      %dma_start3A_303 = tpu.memref_slice %arg16[%dma_start3A_301, %dma_start3A_302] : memref<1000x128xf32, #tpu.memory_space<vmem_shared>> -> memref<1000x128xf32, #tpu.memory_space<vmem_shared>>
      tpu.enqueue_indirect_dma source(%dma_start3A_297 : memref<80x128xf32, #tpu.memory_space<vmem>>) target(%dma_start3A_303 : memref<1000x128xf32, #tpu.memory_space<vmem_shared>>) offsets(%dma_start3A_300 : memref<80xi32, #tpu.memory_space<vmem>>) semaphore(%arg22 : memref<!tpu.dma_semaphore, #tpu.memory_space<semaphore_mem>>) {add = true}
      %dma_start3A_304 = arith.constant 3 : i32
      %dma_start3A_305 = arith.constant 0 : i32
      %dma_start3A_306 = tpu.memref_slice %arg11[%dma_start3A_304, %dma_start3A_305] : memref<5x80xi32, #tpu.memory_space<vmem>> -> memref<1x80xi32, #tpu.memory_space<vmem>>
      %dma_start3A_307 = tpu.memref_squeeze %dma_start3A_306 : memref<1x80xi32, #tpu.memory_space<vmem>> -> memref<80xi32, #tpu.memory_space<vmem>>
      %dma_start3A_308 = arith.constant 0 : i32
      %dma_start3A_309 = arith.constant 0 : i32
      %dma_start3A_310 = tpu.memref_slice %arg17[%dma_start3A_308, %dma_start3A_309] : memref<1000x16xf32, #tpu.memory_space<vmem_shared>> -> memref<1000x16xf32, #tpu.memory_space<vmem_shared>>
      tpu.enqueue_indirect_dma source(%arg13 : memref<80x16xf32, #tpu.memory_space<vmem>>) target(%dma_start3A_310 : memref<1000x16xf32, #tpu.memory_space<vmem_shared>>) offsets(%dma_start3A_307 : memref<80xi32, #tpu.memory_space<vmem>>) semaphore(%arg22 : memref<!tpu.dma_semaphore, #tpu.memory_space<semaphore_mem>>) {add = true}
      %dma_start3A_311 = arith.constant 4 : i32
      %dma_start3A_312 = arith.constant 320 : i32
      %dma_start3A_313 = arith.constant 0 : i32
      %dma_start3A_314 = tpu.memref_slice %arg9[%dma_start3A_312, %dma_start3A_313] : memref<400x128xf32, #tpu.memory_space<vmem>> -> memref<80x128xf32, #tpu.memory_space<vmem>>
      %dma_start3A_315 = arith.constant 0 : i32
      %dma_start3A_316 = tpu.memref_slice %arg11[%dma_start3A_311, %dma_start3A_315] : memref<5x80xi32, #tpu.memory_space<vmem>> -> memref<1x80xi32, #tpu.memory_space<vmem>>
      %dma_start3A_317 = tpu.memref_squeeze %dma_start3A_316 : memref<1x80xi32, #tpu.memory_space<vmem>> -> memref<80xi32, #tpu.memory_space<vmem>>
      %dma_start3A_318 = arith.constant 0 : i32
      %dma_start3A_319 = arith.constant 0 : i32
      %dma_start3A_320 = tpu.memref_slice %arg16[%dma_start3A_318, %dma_start3A_319] : memref<1000x128xf32, #tpu.memory_space<vmem_shared>> -> memref<1000x128xf32, #tpu.memory_space<vmem_shared>>
      tpu.enqueue_indirect_dma source(%dma_start3A_314 : memref<80x128xf32, #tpu.memory_space<vmem>>) target(%dma_start3A_320 : memref<1000x128xf32, #tpu.memory_space<vmem_shared>>) offsets(%dma_start3A_317 : memref<80xi32, #tpu.memory_space<vmem>>) semaphore(%arg22 : memref<!tpu.dma_semaphore, #tpu.memory_space<semaphore_mem>>) {add = true}
      %dma_start3A_321 = arith.constant 4 : i32
      %dma_start3A_322 = arith.constant 0 : i32
      %dma_start3A_323 = tpu.memref_slice %arg11[%dma_start3A_321, %dma_start3A_322] : memref<5x80xi32, #tpu.memory_space<vmem>> -> memref<1x80xi32, #tpu.memory_space<vmem>>
      %dma_start3A_324 = tpu.memref_squeeze %dma_start3A_323 : memref<1x80xi32, #tpu.memory_space<vmem>> -> memref<80xi32, #tpu.memory_space<vmem>>
      %dma_start3A_325 = arith.constant 0 : i32
      %dma_start3A_326 = arith.constant 0 : i32
      %dma_start3A_327 = tpu.memref_slice %arg17[%dma_start3A_325, %dma_start3A_326] : memref<1000x16xf32, #tpu.memory_space<vmem_shared>> -> memref<1000x16xf32, #tpu.memory_space<vmem_shared>>
      tpu.enqueue_indirect_dma source(%arg13 : memref<80x16xf32, #tpu.memory_space<vmem>>) target(%dma_start3A_327 : memref<1000x16xf32, #tpu.memory_space<vmem_shared>>) offsets(%dma_start3A_324 : memref<80xi32, #tpu.memory_space<vmem>>) semaphore(%arg22 : memref<!tpu.dma_semaphore, #tpu.memory_space<semaphore_mem>>) {add = true}
    } else {
    }
    %add3A_79 = arith.constant 32 : i32
    %add3A_80 = arith.addi %add3A, %add3A_79 : i32
    %lt3A_81 = arith.constant 250 : i32
    %lt3A_82 = arith.cmpi slt, %add3A_80, %lt3A_81 : i32
    %convert_element_type3A_83 = arith.extui %lt3A_82 : i1 to i32
    %cond3A_84 = arith.constant 0 : i32
    %cond3A_85 = arith.cmpi ne, %convert_element_type3A_83, %cond3A_84 : i32
    scf.if %cond3A_85 {
      %dma_wait3A = arith.constant 0 : i32
      %dma_wait3A_244 = arith.constant 0 : i32
      %dma_wait3A_245 = arith.constant 0 : i32
      %dma_wait3A_246 = tpu.memref_slice %arg10[%dma_wait3A_244, %dma_wait3A_245] : memref<400x128xf32, #tpu.memory_space<vmem>> -> memref<80x128xf32, #tpu.memory_space<vmem>>
      %dma_wait3A_247 = arith.constant 0 : i32
      %dma_wait3A_248 = tpu.memref_slice %arg12[%dma_wait3A, %dma_wait3A_247] : memref<5x80xi32, #tpu.memory_space<vmem>> -> memref<1x80xi32, #tpu.memory_space<vmem>>
      %dma_wait3A_249 = tpu.memref_squeeze %dma_wait3A_248 : memref<1x80xi32, #tpu.memory_space<vmem>> -> memref<80xi32, #tpu.memory_space<vmem>>
      %dma_wait3A_250 = arith.constant 0 : i32
      %dma_wait3A_251 = arith.constant 0 : i32
      %dma_wait3A_252 = tpu.memref_slice %arg16[%dma_wait3A_250, %dma_wait3A_251] : memref<1000x128xf32, #tpu.memory_space<vmem_shared>> -> memref<1000x128xf32, #tpu.memory_space<vmem_shared>>
      tpu.wait_indirect_dma semaphore(%arg23 : memref<!tpu.dma_semaphore, #tpu.memory_space<semaphore_mem>>) src(%dma_wait3A_246 : memref<80x128xf32, #tpu.memory_space<vmem>>) dst(%dma_wait3A_252 : memref<1000x128xf32, #tpu.memory_space<vmem_shared>>)
      %dma_wait3A_253 = arith.constant 0 : i32
      %dma_wait3A_254 = arith.constant 0 : i32
      %dma_wait3A_255 = tpu.memref_slice %arg12[%dma_wait3A_253, %dma_wait3A_254] : memref<5x80xi32, #tpu.memory_space<vmem>> -> memref<1x80xi32, #tpu.memory_space<vmem>>
      %dma_wait3A_256 = tpu.memref_squeeze %dma_wait3A_255 : memref<1x80xi32, #tpu.memory_space<vmem>> -> memref<80xi32, #tpu.memory_space<vmem>>
      %dma_wait3A_257 = arith.constant 0 : i32
      %dma_wait3A_258 = arith.constant 0 : i32
      %dma_wait3A_259 = tpu.memref_slice %arg17[%dma_wait3A_257, %dma_wait3A_258] : memref<1000x16xf32, #tpu.memory_space<vmem_shared>> -> memref<1000x16xf32, #tpu.memory_space<vmem_shared>>
      tpu.wait_indirect_dma semaphore(%arg23 : memref<!tpu.dma_semaphore, #tpu.memory_space<semaphore_mem>>) src(%arg13 : memref<80x16xf32, #tpu.memory_space<vmem>>) dst(%dma_wait3A_259 : memref<1000x16xf32, #tpu.memory_space<vmem_shared>>)
      %dma_wait3A_260 = arith.constant 1 : i32
      %dma_wait3A_261 = arith.constant 80 : i32
      %dma_wait3A_262 = arith.constant 0 : i32
      %dma_wait3A_263 = tpu.memref_slice %arg10[%dma_wait3A_261, %dma_wait3A_262] : memref<400x128xf32, #tpu.memory_space<vmem>> -> memref<80x128xf32, #tpu.memory_space<vmem>>
      %dma_wait3A_264 = arith.constant 0 : i32
      %dma_wait3A_265 = tpu.memref_slice %arg12[%dma_wait3A_260, %dma_wait3A_264] : memref<5x80xi32, #tpu.memory_space<vmem>> -> memref<1x80xi32, #tpu.memory_space<vmem>>
      %dma_wait3A_266 = tpu.memref_squeeze %dma_wait3A_265 : memref<1x80xi32, #tpu.memory_space<vmem>> -> memref<80xi32, #tpu.memory_space<vmem>>
      %dma_wait3A_267 = arith.constant 0 : i32
      %dma_wait3A_268 = arith.constant 0 : i32
      %dma_wait3A_269 = tpu.memref_slice %arg16[%dma_wait3A_267, %dma_wait3A_268] : memref<1000x128xf32, #tpu.memory_space<vmem_shared>> -> memref<1000x128xf32, #tpu.memory_space<vmem_shared>>
      tpu.wait_indirect_dma semaphore(%arg23 : memref<!tpu.dma_semaphore, #tpu.memory_space<semaphore_mem>>) src(%dma_wait3A_263 : memref<80x128xf32, #tpu.memory_space<vmem>>) dst(%dma_wait3A_269 : memref<1000x128xf32, #tpu.memory_space<vmem_shared>>)
      %dma_wait3A_270 = arith.constant 1 : i32
      %dma_wait3A_271 = arith.constant 0 : i32
      %dma_wait3A_272 = tpu.memref_slice %arg12[%dma_wait3A_270, %dma_wait3A_271] : memref<5x80xi32, #tpu.memory_space<vmem>> -> memref<1x80xi32, #tpu.memory_space<vmem>>
      %dma_wait3A_273 = tpu.memref_squeeze %dma_wait3A_272 : memref<1x80xi32, #tpu.memory_space<vmem>> -> memref<80xi32, #tpu.memory_space<vmem>>
      %dma_wait3A_274 = arith.constant 0 : i32
      %dma_wait3A_275 = arith.constant 0 : i32
      %dma_wait3A_276 = tpu.memref_slice %arg17[%dma_wait3A_274, %dma_wait3A_275] : memref<1000x16xf32, #tpu.memory_space<vmem_shared>> -> memref<1000x16xf32, #tpu.memory_space<vmem_shared>>
      tpu.wait_indirect_dma semaphore(%arg23 : memref<!tpu.dma_semaphore, #tpu.memory_space<semaphore_mem>>) src(%arg13 : memref<80x16xf32, #tpu.memory_space<vmem>>) dst(%dma_wait3A_276 : memref<1000x16xf32, #tpu.memory_space<vmem_shared>>)
      %dma_wait3A_277 = arith.constant 2 : i32
      %dma_wait3A_278 = arith.constant 160 : i32
      %dma_wait3A_279 = arith.constant 0 : i32
      %dma_wait3A_280 = tpu.memref_slice %arg10[%dma_wait3A_278, %dma_wait3A_279] : memref<400x128xf32, #tpu.memory_space<vmem>> -> memref<80x128xf32, #tpu.memory_space<vmem>>
      %dma_wait3A_281 = arith.constant 0 : i32
      %dma_wait3A_282 = tpu.memref_slice %arg12[%dma_wait3A_277, %dma_wait3A_281] : memref<5x80xi32, #tpu.memory_space<vmem>> -> memref<1x80xi32, #tpu.memory_space<vmem>>
      %dma_wait3A_283 = tpu.memref_squeeze %dma_wait3A_282 : memref<1x80xi32, #tpu.memory_space<vmem>> -> memref<80xi32, #tpu.memory_space<vmem>>
      %dma_wait3A_284 = arith.constant 0 : i32
      %dma_wait3A_285 = arith.constant 0 : i32
      %dma_wait3A_286 = tpu.memref_slice %arg16[%dma_wait3A_284, %dma_wait3A_285] : memref<1000x128xf32, #tpu.memory_space<vmem_shared>> -> memref<1000x128xf32, #tpu.memory_space<vmem_shared>>
      tpu.wait_indirect_dma semaphore(%arg23 : memref<!tpu.dma_semaphore, #tpu.memory_space<semaphore_mem>>) src(%dma_wait3A_280 : memref<80x128xf32, #tpu.memory_space<vmem>>) dst(%dma_wait3A_286 : memref<1000x128xf32, #tpu.memory_space<vmem_shared>>)
      %dma_wait3A_287 = arith.constant 2 : i32
      %dma_wait3A_288 = arith.constant 0 : i32
      %dma_wait3A_289 = tpu.memref_slice %arg12[%dma_wait3A_287, %dma_wait3A_288] : memref<5x80xi32, #tpu.memory_space<vmem>> -> memref<1x80xi32, #tpu.memory_space<vmem>>
      %dma_wait3A_290 = tpu.memref_squeeze %dma_wait3A_289 : memref<1x80xi32, #tpu.memory_space<vmem>> -> memref<80xi32, #tpu.memory_space<vmem>>
      %dma_wait3A_291 = arith.constant 0 : i32
      %dma_wait3A_292 = arith.constant 0 : i32
      %dma_wait3A_293 = tpu.memref_slice %arg17[%dma_wait3A_291, %dma_wait3A_292] : memref<1000x16xf32, #tpu.memory_space<vmem_shared>> -> memref<1000x16xf32, #tpu.memory_space<vmem_shared>>
      tpu.wait_indirect_dma semaphore(%arg23 : memref<!tpu.dma_semaphore, #tpu.memory_space<semaphore_mem>>) src(%arg13 : memref<80x16xf32, #tpu.memory_space<vmem>>) dst(%dma_wait3A_293 : memref<1000x16xf32, #tpu.memory_space<vmem_shared>>)
      %dma_wait3A_294 = arith.constant 3 : i32
      %dma_wait3A_295 = arith.constant 240 : i32
      %dma_wait3A_296 = arith.constant 0 : i32
      %dma_wait3A_297 = tpu.memref_slice %arg10[%dma_wait3A_295, %dma_wait3A_296] : memref<400x128xf32, #tpu.memory_space<vmem>> -> memref<80x128xf32, #tpu.memory_space<vmem>>
      %dma_wait3A_298 = arith.constant 0 : i32
      %dma_wait3A_299 = tpu.memref_slice %arg12[%dma_wait3A_294, %dma_wait3A_298] : memref<5x80xi32, #tpu.memory_space<vmem>> -> memref<1x80xi32, #tpu.memory_space<vmem>>
      %dma_wait3A_300 = tpu.memref_squeeze %dma_wait3A_299 : memref<1x80xi32, #tpu.memory_space<vmem>> -> memref<80xi32, #tpu.memory_space<vmem>>
      %dma_wait3A_301 = arith.constant 0 : i32
      %dma_wait3A_302 = arith.constant 0 : i32
      %dma_wait3A_303 = tpu.memref_slice %arg16[%dma_wait3A_301, %dma_wait3A_302] : memref<1000x128xf32, #tpu.memory_space<vmem_shared>> -> memref<1000x128xf32, #tpu.memory_space<vmem_shared>>
      tpu.wait_indirect_dma semaphore(%arg23 : memref<!tpu.dma_semaphore, #tpu.memory_space<semaphore_mem>>) src(%dma_wait3A_297 : memref<80x128xf32, #tpu.memory_space<vmem>>) dst(%dma_wait3A_303 : memref<1000x128xf32, #tpu.memory_space<vmem_shared>>)
      %dma_wait3A_304 = arith.constant 3 : i32
      %dma_wait3A_305 = arith.constant 0 : i32
      %dma_wait3A_306 = tpu.memref_slice %arg12[%dma_wait3A_304, %dma_wait3A_305] : memref<5x80xi32, #tpu.memory_space<vmem>> -> memref<1x80xi32, #tpu.memory_space<vmem>>
      %dma_wait3A_307 = tpu.memref_squeeze %dma_wait3A_306 : memref<1x80xi32, #tpu.memory_space<vmem>> -> memref<80xi32, #tpu.memory_space<vmem>>
      %dma_wait3A_308 = arith.constant 0 : i32
      %dma_wait3A_309 = arith.constant 0 : i32
      %dma_wait3A_310 = tpu.memref_slice %arg17[%dma_wait3A_308, %dma_wait3A_309] : memref<1000x16xf32, #tpu.memory_space<vmem_shared>> -> memref<1000x16xf32, #tpu.memory_space<vmem_shared>>
      tpu.wait_indirect_dma semaphore(%arg23 : memref<!tpu.dma_semaphore, #tpu.memory_space<semaphore_mem>>) src(%arg13 : memref<80x16xf32, #tpu.memory_space<vmem>>) dst(%dma_wait3A_310 : memref<1000x16xf32, #tpu.memory_space<vmem_shared>>)
      %dma_wait3A_311 = arith.constant 4 : i32
      %dma_wait3A_312 = arith.constant 320 : i32
      %dma_wait3A_313 = arith.constant 0 : i32
      %dma_wait3A_314 = tpu.memref_slice %arg10[%dma_wait3A_312, %dma_wait3A_313] : memref<400x128xf32, #tpu.memory_space<vmem>> -> memref<80x128xf32, #tpu.memory_space<vmem>>
      %dma_wait3A_315 = arith.constant 0 : i32
      %dma_wait3A_316 = tpu.memref_slice %arg12[%dma_wait3A_311, %dma_wait3A_315] : memref<5x80xi32, #tpu.memory_space<vmem>> -> memref<1x80xi32, #tpu.memory_space<vmem>>
      %dma_wait3A_317 = tpu.memref_squeeze %dma_wait3A_316 : memref<1x80xi32, #tpu.memory_space<vmem>> -> memref<80xi32, #tpu.memory_space<vmem>>
      %dma_wait3A_318 = arith.constant 0 : i32
      %dma_wait3A_319 = arith.constant 0 : i32
      %dma_wait3A_320 = tpu.memref_slice %arg16[%dma_wait3A_318, %dma_wait3A_319] : memref<1000x128xf32, #tpu.memory_space<vmem_shared>> -> memref<1000x128xf32, #tpu.memory_space<vmem_shared>>
      tpu.wait_indirect_dma semaphore(%arg23 : memref<!tpu.dma_semaphore, #tpu.memory_space<semaphore_mem>>) src(%dma_wait3A_314 : memref<80x128xf32, #tpu.memory_space<vmem>>) dst(%dma_wait3A_320 : memref<1000x128xf32, #tpu.memory_space<vmem_shared>>)
      %dma_wait3A_321 = arith.constant 4 : i32
      %dma_wait3A_322 = arith.constant 0 : i32
      %dma_wait3A_323 = tpu.memref_slice %arg12[%dma_wait3A_321, %dma_wait3A_322] : memref<5x80xi32, #tpu.memory_space<vmem>> -> memref<1x80xi32, #tpu.memory_space<vmem>>
      %dma_wait3A_324 = tpu.memref_squeeze %dma_wait3A_323 : memref<1x80xi32, #tpu.memory_space<vmem>> -> memref<80xi32, #tpu.memory_space<vmem>>
      %dma_wait3A_325 = arith.constant 0 : i32
      %dma_wait3A_326 = arith.constant 0 : i32
      %dma_wait3A_327 = tpu.memref_slice %arg17[%dma_wait3A_325, %dma_wait3A_326] : memref<1000x16xf32, #tpu.memory_space<vmem_shared>> -> memref<1000x16xf32, #tpu.memory_space<vmem_shared>>
      tpu.wait_indirect_dma semaphore(%arg23 : memref<!tpu.dma_semaphore, #tpu.memory_space<semaphore_mem>>) src(%arg13 : memref<80x16xf32, #tpu.memory_space<vmem>>) dst(%dma_wait3A_327 : memref<1000x16xf32, #tpu.memory_space<vmem_shared>>)
    } else {
    }
    %add3A_86 = arith.constant 96 : i32
    %add3A_87 = arith.addi %add3A, %add3A_86 : i32
    %lt3A_88 = arith.constant 250 : i32
    %lt3A_89 = arith.cmpi slt, %add3A_87, %lt3A_88 : i32
    %convert_element_type3A_90 = arith.extui %lt3A_89 : i1 to i32
    %cond3A_91 = arith.constant 0 : i32
    %cond3A_92 = arith.cmpi ne, %convert_element_type3A_90, %cond3A_91 : i32
    scf.if %cond3A_92 {
      %mul3A_244 = arith.constant 400 : i32
      %mul3A_245 = arith.muli %add3A_87, %mul3A_244 : i32
      %dma_start3A = arith.constant 0 : i32
      %dma_start3A_246 = tpu.memref_slice %arg2[%mul3A_245, %dma_start3A] : memref<100000x128xf32, #tpu.memory_space<hbm>> -> memref<400x128xf32, #tpu.memory_space<hbm>>
      %dma_start3A_247 = arith.constant 0 : i32
      %dma_start3A_248 = tpu.memref_slice %arg2[%mul3A_245, %dma_start3A_247] : memref<100000x128xf32, #tpu.memory_space<hbm>> -> memref<400x128xf32, #tpu.memory_space<hbm>>
      tpu.enqueue_dma source(%dma_start3A_248 : memref<400x128xf32, #tpu.memory_space<hbm>>) target(%arg10 : memref<400x128xf32, #tpu.memory_space<vmem>>) target_semaphore(%arg19 : memref<!tpu.dma_semaphore, #tpu.memory_space<semaphore_mem>>)
      %mul3A_249 = arith.constant 5 : i32
      %mul3A_250 = arith.muli %add3A_87, %mul3A_249 : i32
      %dma_start3A_251 = arith.constant 0 : i32
      %dma_start3A_252 = tpu.memref_slice %arg3[%mul3A_250, %dma_start3A_251] : memref<1250x80xi32, #tpu.memory_space<hbm>> -> memref<5x80xi32, #tpu.memory_space<hbm>>
      %dma_start3A_253 = arith.constant 0 : i32
      %dma_start3A_254 = tpu.memref_slice %arg3[%mul3A_250, %dma_start3A_253] : memref<1250x80xi32, #tpu.memory_space<hbm>> -> memref<5x80xi32, #tpu.memory_space<hbm>>
      tpu.enqueue_dma source(%dma_start3A_254 : memref<5x80xi32, #tpu.memory_space<hbm>>) target(%arg12 : memref<5x80xi32, #tpu.memory_space<vmem>>) target_semaphore(%arg21 : memref<!tpu.dma_semaphore, #tpu.memory_space<semaphore_mem>>)
    } else {
    }
    %add3A_93 = arith.constant 96 : i32
    %add3A_94 = arith.addi %add3A, %add3A_93 : i32
    %lt3A_95 = arith.constant 250 : i32
    %lt3A_96 = arith.cmpi slt, %add3A_94, %lt3A_95 : i32
    %convert_element_type3A_97 = arith.extui %lt3A_96 : i1 to i32
    %cond3A_98 = arith.constant 0 : i32
    %cond3A_99 = arith.cmpi ne, %convert_element_type3A_97, %cond3A_98 : i32
    scf.if %cond3A_99 {
      %dma_wait3A = arith.constant 0 : i32
      %dma_wait3A_244 = arith.constant 0 : i32
      %dma_wait3A_245 = tpu.memref_slice %arg2[%dma_wait3A, %dma_wait3A_244] : memref<100000x128xf32, #tpu.memory_space<hbm>> -> memref<400x128xf32, #tpu.memory_space<hbm>>
      %dma_wait3A_246 = arith.constant 0 : i32
      %dma_wait3A_247 = arith.constant 0 : i32
      %dma_wait3A_248 = tpu.memref_slice %arg2[%dma_wait3A_246, %dma_wait3A_247] : memref<100000x128xf32, #tpu.memory_space<hbm>> -> memref<400x128xf32, #tpu.memory_space<hbm>>
      tpu.wait_dma2 semaphore(%arg19 : memref<!tpu.dma_semaphore, #tpu.memory_space<semaphore_mem>>) src(%dma_wait3A_248 : memref<400x128xf32, #tpu.memory_space<hbm>>) dst(%arg10 : memref<400x128xf32, #tpu.memory_space<vmem>>)
      %dma_wait3A_249 = arith.constant 0 : i32
      %dma_wait3A_250 = arith.constant 0 : i32
      %dma_wait3A_251 = tpu.memref_slice %arg3[%dma_wait3A_249, %dma_wait3A_250] : memref<1250x80xi32, #tpu.memory_space<hbm>> -> memref<5x80xi32, #tpu.memory_space<hbm>>
      %dma_wait3A_252 = arith.constant 0 : i32
      %dma_wait3A_253 = arith.constant 0 : i32
      %dma_wait3A_254 = tpu.memref_slice %arg3[%dma_wait3A_252, %dma_wait3A_253] : memref<1250x80xi32, #tpu.memory_space<hbm>> -> memref<5x80xi32, #tpu.memory_space<hbm>>
      tpu.wait_dma2 semaphore(%arg21 : memref<!tpu.dma_semaphore, #tpu.memory_space<semaphore_mem>>) src(%dma_wait3A_254 : memref<5x80xi32, #tpu.memory_space<hbm>>) dst(%arg12 : memref<5x80xi32, #tpu.memory_space<vmem>>)
    } else {
    }
    %add3A_100 = arith.constant 96 : i32
    %add3A_101 = arith.addi %add3A, %add3A_100 : i32
    %lt3A_102 = arith.constant 250 : i32
    %lt3A_103 = arith.cmpi slt, %add3A_101, %lt3A_102 : i32
    %convert_element_type3A_104 = arith.extui %lt3A_103 : i1 to i32
    %cond3A_105 = arith.constant 0 : i32
    %cond3A_106 = arith.cmpi ne, %convert_element_type3A_104, %cond3A_105 : i32
    scf.if %cond3A_106 {
      %dma_start3A = arith.constant 0 : i32
      %dma_start3A_244 = arith.constant 0 : i32
      %dma_start3A_245 = arith.constant 0 : i32
      %dma_start3A_246 = tpu.memref_slice %arg10[%dma_start3A_244, %dma_start3A_245] : memref<400x128xf32, #tpu.memory_space<vmem>> -> memref<80x128xf32, #tpu.memory_space<vmem>>
      %dma_start3A_247 = arith.constant 0 : i32
      %dma_start3A_248 = tpu.memref_slice %arg12[%dma_start3A, %dma_start3A_247] : memref<5x80xi32, #tpu.memory_space<vmem>> -> memref<1x80xi32, #tpu.memory_space<vmem>>
      %dma_start3A_249 = tpu.memref_squeeze %dma_start3A_248 : memref<1x80xi32, #tpu.memory_space<vmem>> -> memref<80xi32, #tpu.memory_space<vmem>>
      %dma_start3A_250 = arith.constant 0 : i32
      %dma_start3A_251 = arith.constant 0 : i32
      %dma_start3A_252 = tpu.memref_slice %arg16[%dma_start3A_250, %dma_start3A_251] : memref<1000x128xf32, #tpu.memory_space<vmem_shared>> -> memref<1000x128xf32, #tpu.memory_space<vmem_shared>>
      tpu.enqueue_indirect_dma source(%dma_start3A_246 : memref<80x128xf32, #tpu.memory_space<vmem>>) target(%dma_start3A_252 : memref<1000x128xf32, #tpu.memory_space<vmem_shared>>) offsets(%dma_start3A_249 : memref<80xi32, #tpu.memory_space<vmem>>) semaphore(%arg23 : memref<!tpu.dma_semaphore, #tpu.memory_space<semaphore_mem>>) {add = true}
      %dma_start3A_253 = arith.constant 0 : i32
      %dma_start3A_254 = arith.constant 0 : i32
      %dma_start3A_255 = tpu.memref_slice %arg12[%dma_start3A_253, %dma_start3A_254] : memref<5x80xi32, #tpu.memory_space<vmem>> -> memref<1x80xi32, #tpu.memory_space<vmem>>
      %dma_start3A_256 = tpu.memref_squeeze %dma_start3A_255 : memref<1x80xi32, #tpu.memory_space<vmem>> -> memref<80xi32, #tpu.memory_space<vmem>>
      %dma_start3A_257 = arith.constant 0 : i32
      %dma_start3A_258 = arith.constant 0 : i32
      %dma_start3A_259 = tpu.memref_slice %arg17[%dma_start3A_257, %dma_start3A_258] : memref<1000x16xf32, #tpu.memory_space<vmem_shared>> -> memref<1000x16xf32, #tpu.memory_space<vmem_shared>>
      tpu.enqueue_indirect_dma source(%arg13 : memref<80x16xf32, #tpu.memory_space<vmem>>) target(%dma_start3A_259 : memref<1000x16xf32, #tpu.memory_space<vmem_shared>>) offsets(%dma_start3A_256 : memref<80xi32, #tpu.memory_space<vmem>>) semaphore(%arg23 : memref<!tpu.dma_semaphore, #tpu.memory_space<semaphore_mem>>) {add = true}
      %dma_start3A_260 = arith.constant 1 : i32
      %dma_start3A_261 = arith.constant 80 : i32
      %dma_start3A_262 = arith.constant 0 : i32
      %dma_start3A_263 = tpu.memref_slice %arg10[%dma_start3A_261, %dma_start3A_262] : memref<400x128xf32, #tpu.memory_space<vmem>> -> memref<80x128xf32, #tpu.memory_space<vmem>>
      %dma_start3A_264 = arith.constant 0 : i32
      %dma_start3A_265 = tpu.memref_slice %arg12[%dma_start3A_260, %dma_start3A_264] : memref<5x80xi32, #tpu.memory_space<vmem>> -> memref<1x80xi32, #tpu.memory_space<vmem>>
      %dma_start3A_266 = tpu.memref_squeeze %dma_start3A_265 : memref<1x80xi32, #tpu.memory_space<vmem>> -> memref<80xi32, #tpu.memory_space<vmem>>
      %dma_start3A_267 = arith.constant 0 : i32
      %dma_start3A_268 = arith.constant 0 : i32
      %dma_start3A_269 = tpu.memref_slice %arg16[%dma_start3A_267, %dma_start3A_268] : memref<1000x128xf32, #tpu.memory_space<vmem_shared>> -> memref<1000x128xf32, #tpu.memory_space<vmem_shared>>
      tpu.enqueue_indirect_dma source(%dma_start3A_263 : memref<80x128xf32, #tpu.memory_space<vmem>>) target(%dma_start3A_269 : memref<1000x128xf32, #tpu.memory_space<vmem_shared>>) offsets(%dma_start3A_266 : memref<80xi32, #tpu.memory_space<vmem>>) semaphore(%arg23 : memref<!tpu.dma_semaphore, #tpu.memory_space<semaphore_mem>>) {add = true}
      %dma_start3A_270 = arith.constant 1 : i32
      %dma_start3A_271 = arith.constant 0 : i32
      %dma_start3A_272 = tpu.memref_slice %arg12[%dma_start3A_270, %dma_start3A_271] : memref<5x80xi32, #tpu.memory_space<vmem>> -> memref<1x80xi32, #tpu.memory_space<vmem>>
      %dma_start3A_273 = tpu.memref_squeeze %dma_start3A_272 : memref<1x80xi32, #tpu.memory_space<vmem>> -> memref<80xi32, #tpu.memory_space<vmem>>
      %dma_start3A_274 = arith.constant 0 : i32
      %dma_start3A_275 = arith.constant 0 : i32
      %dma_start3A_276 = tpu.memref_slice %arg17[%dma_start3A_274, %dma_start3A_275] : memref<1000x16xf32, #tpu.memory_space<vmem_shared>> -> memref<1000x16xf32, #tpu.memory_space<vmem_shared>>
      tpu.enqueue_indirect_dma source(%arg13 : memref<80x16xf32, #tpu.memory_space<vmem>>) target(%dma_start3A_276 : memref<1000x16xf32, #tpu.memory_space<vmem_shared>>) offsets(%dma_start3A_273 : memref<80xi32, #tpu.memory_space<vmem>>) semaphore(%arg23 : memref<!tpu.dma_semaphore, #tpu.memory_space<semaphore_mem>>) {add = true}
      %dma_start3A_277 = arith.constant 2 : i32
      %dma_start3A_278 = arith.constant 160 : i32
      %dma_start3A_279 = arith.constant 0 : i32
      %dma_start3A_280 = tpu.memref_slice %arg10[%dma_start3A_278, %dma_start3A_279] : memref<400x128xf32, #tpu.memory_space<vmem>> -> memref<80x128xf32, #tpu.memory_space<vmem>>
      %dma_start3A_281 = arith.constant 0 : i32
      %dma_start3A_282 = tpu.memref_slice %arg12[%dma_start3A_277, %dma_start3A_281] : memref<5x80xi32, #tpu.memory_space<vmem>> -> memref<1x80xi32, #tpu.memory_space<vmem>>
      %dma_start3A_283 = tpu.memref_squeeze %dma_start3A_282 : memref<1x80xi32, #tpu.memory_space<vmem>> -> memref<80xi32, #tpu.memory_space<vmem>>
      %dma_start3A_284 = arith.constant 0 : i32
      %dma_start3A_285 = arith.constant 0 : i32
      %dma_start3A_286 = tpu.memref_slice %arg16[%dma_start3A_284, %dma_start3A_285] : memref<1000x128xf32, #tpu.memory_space<vmem_shared>> -> memref<1000x128xf32, #tpu.memory_space<vmem_shared>>
      tpu.enqueue_indirect_dma source(%dma_start3A_280 : memref<80x128xf32, #tpu.memory_space<vmem>>) target(%dma_start3A_286 : memref<1000x128xf32, #tpu.memory_space<vmem_shared>>) offsets(%dma_start3A_283 : memref<80xi32, #tpu.memory_space<vmem>>) semaphore(%arg23 : memref<!tpu.dma_semaphore, #tpu.memory_space<semaphore_mem>>) {add = true}
      %dma_start3A_287 = arith.constant 2 : i32
      %dma_start3A_288 = arith.constant 0 : i32
      %dma_start3A_289 = tpu.memref_slice %arg12[%dma_start3A_287, %dma_start3A_288] : memref<5x80xi32, #tpu.memory_space<vmem>> -> memref<1x80xi32, #tpu.memory_space<vmem>>
      %dma_start3A_290 = tpu.memref_squeeze %dma_start3A_289 : memref<1x80xi32, #tpu.memory_space<vmem>> -> memref<80xi32, #tpu.memory_space<vmem>>
      %dma_start3A_291 = arith.constant 0 : i32
      %dma_start3A_292 = arith.constant 0 : i32
      %dma_start3A_293 = tpu.memref_slice %arg17[%dma_start3A_291, %dma_start3A_292] : memref<1000x16xf32, #tpu.memory_space<vmem_shared>> -> memref<1000x16xf32, #tpu.memory_space<vmem_shared>>
      tpu.enqueue_indirect_dma source(%arg13 : memref<80x16xf32, #tpu.memory_space<vmem>>) target(%dma_start3A_293 : memref<1000x16xf32, #tpu.memory_space<vmem_shared>>) offsets(%dma_start3A_290 : memref<80xi32, #tpu.memory_space<vmem>>) semaphore(%arg23 : memref<!tpu.dma_semaphore, #tpu.memory_space<semaphore_mem>>) {add = true}
      %dma_start3A_294 = arith.constant 3 : i32
      %dma_start3A_295 = arith.constant 240 : i32
      %dma_start3A_296 = arith.constant 0 : i32
      %dma_start3A_297 = tpu.memref_slice %arg10[%dma_start3A_295, %dma_start3A_296] : memref<400x128xf32, #tpu.memory_space<vmem>> -> memref<80x128xf32, #tpu.memory_space<vmem>>
      %dma_start3A_298 = arith.constant 0 : i32
      %dma_start3A_299 = tpu.memref_slice %arg12[%dma_start3A_294, %dma_start3A_298] : memref<5x80xi32, #tpu.memory_space<vmem>> -> memref<1x80xi32, #tpu.memory_space<vmem>>
      %dma_start3A_300 = tpu.memref_squeeze %dma_start3A_299 : memref<1x80xi32, #tpu.memory_space<vmem>> -> memref<80xi32, #tpu.memory_space<vmem>>
      %dma_start3A_301 = arith.constant 0 : i32
      %dma_start3A_302 = arith.constant 0 : i32
      %dma_start3A_303 = tpu.memref_slice %arg16[%dma_start3A_301, %dma_start3A_302] : memref<1000x128xf32, #tpu.memory_space<vmem_shared>> -> memref<1000x128xf32, #tpu.memory_space<vmem_shared>>
      tpu.enqueue_indirect_dma source(%dma_start3A_297 : memref<80x128xf32, #tpu.memory_space<vmem>>) target(%dma_start3A_303 : memref<1000x128xf32, #tpu.memory_space<vmem_shared>>) offsets(%dma_start3A_300 : memref<80xi32, #tpu.memory_space<vmem>>) semaphore(%arg23 : memref<!tpu.dma_semaphore, #tpu.memory_space<semaphore_mem>>) {add = true}
      %dma_start3A_304 = arith.constant 3 : i32
      %dma_start3A_305 = arith.constant 0 : i32
      %dma_start3A_306 = tpu.memref_slice %arg12[%dma_start3A_304, %dma_start3A_305] : memref<5x80xi32, #tpu.memory_space<vmem>> -> memref<1x80xi32, #tpu.memory_space<vmem>>
      %dma_start3A_307 = tpu.memref_squeeze %dma_start3A_306 : memref<1x80xi32, #tpu.memory_space<vmem>> -> memref<80xi32, #tpu.memory_space<vmem>>
      %dma_start3A_308 = arith.constant 0 : i32
      %dma_start3A_309 = arith.constant 0 : i32
      %dma_start3A_310 = tpu.memref_slice %arg17[%dma_start3A_308, %dma_start3A_309] : memref<1000x16xf32, #tpu.memory_space<vmem_shared>> -> memref<1000x16xf32, #tpu.memory_space<vmem_shared>>
      tpu.enqueue_indirect_dma source(%arg13 : memref<80x16xf32, #tpu.memory_space<vmem>>) target(%dma_start3A_310 : memref<1000x16xf32, #tpu.memory_space<vmem_shared>>) offsets(%dma_start3A_307 : memref<80xi32, #tpu.memory_space<vmem>>) semaphore(%arg23 : memref<!tpu.dma_semaphore, #tpu.memory_space<semaphore_mem>>) {add = true}
      %dma_start3A_311 = arith.constant 4 : i32
      %dma_start3A_312 = arith.constant 320 : i32
      %dma_start3A_313 = arith.constant 0 : i32
      %dma_start3A_314 = tpu.memref_slice %arg10[%dma_start3A_312, %dma_start3A_313] : memref<400x128xf32, #tpu.memory_space<vmem>> -> memref<80x128xf32, #tpu.memory_space<vmem>>
      %dma_start3A_315 = arith.constant 0 : i32
      %dma_start3A_316 = tpu.memref_slice %arg12[%dma_start3A_311, %dma_start3A_315] : memref<5x80xi32, #tpu.memory_space<vmem>> -> memref<1x80xi32, #tpu.memory_space<vmem>>
      %dma_start3A_317 = tpu.memref_squeeze %dma_start3A_316 : memref<1x80xi32, #tpu.memory_space<vmem>> -> memref<80xi32, #tpu.memory_space<vmem>>
      %dma_start3A_318 = arith.constant 0 : i32
      %dma_start3A_319 = arith.constant 0 : i32
      %dma_start3A_320 = tpu.memref_slice %arg16[%dma_start3A_318, %dma_start3A_319] : memref<1000x128xf32, #tpu.memory_space<vmem_shared>> -> memref<1000x128xf32, #tpu.memory_space<vmem_shared>>
      tpu.enqueue_indirect_dma source(%dma_start3A_314 : memref<80x128xf32, #tpu.memory_space<vmem>>) target(%dma_start3A_320 : memref<1000x128xf32, #tpu.memory_space<vmem_shared>>) offsets(%dma_start3A_317 : memref<80xi32, #tpu.memory_space<vmem>>) semaphore(%arg23 : memref<!tpu.dma_semaphore, #tpu.memory_space<semaphore_mem>>) {add = true}
      %dma_start3A_321 = arith.constant 4 : i32
      %dma_start3A_322 = arith.constant 0 : i32
      %dma_start3A_323 = tpu.memref_slice %arg12[%dma_start3A_321, %dma_start3A_322] : memref<5x80xi32, #tpu.memory_space<vmem>> -> memref<1x80xi32, #tpu.memory_space<vmem>>
      %dma_start3A_324 = tpu.memref_squeeze %dma_start3A_323 : memref<1x80xi32, #tpu.memory_space<vmem>> -> memref<80xi32, #tpu.memory_space<vmem>>
      %dma_start3A_325 = arith.constant 0 : i32
      %dma_start3A_326 = arith.constant 0 : i32
      %dma_start3A_327 = tpu.memref_slice %arg17[%dma_start3A_325, %dma_start3A_326] : memref<1000x16xf32, #tpu.memory_space<vmem_shared>> -> memref<1000x16xf32, #tpu.memory_space<vmem_shared>>
      tpu.enqueue_indirect_dma source(%arg13 : memref<80x16xf32, #tpu.memory_space<vmem>>) target(%dma_start3A_327 : memref<1000x16xf32, #tpu.memory_space<vmem_shared>>) offsets(%dma_start3A_324 : memref<80xi32, #tpu.memory_space<vmem>>) semaphore(%arg23 : memref<!tpu.dma_semaphore, #tpu.memory_space<semaphore_mem>>) {add = true}
    } else {
    }
    %add3A_107 = arith.constant 64 : i32
    %add3A_108 = arith.addi %add3A, %add3A_107 : i32
    %lt3A_109 = arith.constant 250 : i32
    %lt3A_110 = arith.cmpi slt, %add3A_108, %lt3A_109 : i32
    %convert_element_type3A_111 = arith.extui %lt3A_110 : i1 to i32
    %cond3A_112 = arith.constant 0 : i32
    %cond3A_113 = arith.cmpi ne, %convert_element_type3A_111, %cond3A_112 : i32
    scf.if %cond3A_113 {
      %dma_wait3A = arith.constant 0 : i32
      %dma_wait3A_244 = arith.constant 0 : i32
      %dma_wait3A_245 = arith.constant 0 : i32
      %dma_wait3A_246 = tpu.memref_slice %arg9[%dma_wait3A_244, %dma_wait3A_245] : memref<400x128xf32, #tpu.memory_space<vmem>> -> memref<80x128xf32, #tpu.memory_space<vmem>>
      %dma_wait3A_247 = arith.constant 0 : i32
      %dma_wait3A_248 = tpu.memref_slice %arg11[%dma_wait3A, %dma_wait3A_247] : memref<5x80xi32, #tpu.memory_space<vmem>> -> memref<1x80xi32, #tpu.memory_space<vmem>>
      %dma_wait3A_249 = tpu.memref_squeeze %dma_wait3A_248 : memref<1x80xi32, #tpu.memory_space<vmem>> -> memref<80xi32, #tpu.memory_space<vmem>>
      %dma_wait3A_250 = arith.constant 0 : i32
      %dma_wait3A_251 = arith.constant 0 : i32
      %dma_wait3A_252 = tpu.memref_slice %arg16[%dma_wait3A_250, %dma_wait3A_251] : memref<1000x128xf32, #tpu.memory_space<vmem_shared>> -> memref<1000x128xf32, #tpu.memory_space<vmem_shared>>
      tpu.wait_indirect_dma semaphore(%arg22 : memref<!tpu.dma_semaphore, #tpu.memory_space<semaphore_mem>>) src(%dma_wait3A_246 : memref<80x128xf32, #tpu.memory_space<vmem>>) dst(%dma_wait3A_252 : memref<1000x128xf32, #tpu.memory_space<vmem_shared>>)
      %dma_wait3A_253 = arith.constant 0 : i32
      %dma_wait3A_254 = arith.constant 0 : i32
      %dma_wait3A_255 = tpu.memref_slice %arg11[%dma_wait3A_253, %dma_wait3A_254] : memref<5x80xi32, #tpu.memory_space<vmem>> -> memref<1x80xi32, #tpu.memory_space<vmem>>
      %dma_wait3A_256 = tpu.memref_squeeze %dma_wait3A_255 : memref<1x80xi32, #tpu.memory_space<vmem>> -> memref<80xi32, #tpu.memory_space<vmem>>
      %dma_wait3A_257 = arith.constant 0 : i32
      %dma_wait3A_258 = arith.constant 0 : i32
      %dma_wait3A_259 = tpu.memref_slice %arg17[%dma_wait3A_257, %dma_wait3A_258] : memref<1000x16xf32, #tpu.memory_space<vmem_shared>> -> memref<1000x16xf32, #tpu.memory_space<vmem_shared>>
      tpu.wait_indirect_dma semaphore(%arg22 : memref<!tpu.dma_semaphore, #tpu.memory_space<semaphore_mem>>) src(%arg13 : memref<80x16xf32, #tpu.memory_space<vmem>>) dst(%dma_wait3A_259 : memref<1000x16xf32, #tpu.memory_space<vmem_shared>>)
      %dma_wait3A_260 = arith.constant 1 : i32
      %dma_wait3A_261 = arith.constant 80 : i32
      %dma_wait3A_262 = arith.constant 0 : i32
      %dma_wait3A_263 = tpu.memref_slice %arg9[%dma_wait3A_261, %dma_wait3A_262] : memref<400x128xf32, #tpu.memory_space<vmem>> -> memref<80x128xf32, #tpu.memory_space<vmem>>
      %dma_wait3A_264 = arith.constant 0 : i32
      %dma_wait3A_265 = tpu.memref_slice %arg11[%dma_wait3A_260, %dma_wait3A_264] : memref<5x80xi32, #tpu.memory_space<vmem>> -> memref<1x80xi32, #tpu.memory_space<vmem>>
      %dma_wait3A_266 = tpu.memref_squeeze %dma_wait3A_265 : memref<1x80xi32, #tpu.memory_space<vmem>> -> memref<80xi32, #tpu.memory_space<vmem>>
      %dma_wait3A_267 = arith.constant 0 : i32
      %dma_wait3A_268 = arith.constant 0 : i32
      %dma_wait3A_269 = tpu.memref_slice %arg16[%dma_wait3A_267, %dma_wait3A_268] : memref<1000x128xf32, #tpu.memory_space<vmem_shared>> -> memref<1000x128xf32, #tpu.memory_space<vmem_shared>>
      tpu.wait_indirect_dma semaphore(%arg22 : memref<!tpu.dma_semaphore, #tpu.memory_space<semaphore_mem>>) src(%dma_wait3A_263 : memref<80x128xf32, #tpu.memory_space<vmem>>) dst(%dma_wait3A_269 : memref<1000x128xf32, #tpu.memory_space<vmem_shared>>)
      %dma_wait3A_270 = arith.constant 1 : i32
      %dma_wait3A_271 = arith.constant 0 : i32
      %dma_wait3A_272 = tpu.memref_slice %arg11[%dma_wait3A_270, %dma_wait3A_271] : memref<5x80xi32, #tpu.memory_space<vmem>> -> memref<1x80xi32, #tpu.memory_space<vmem>>
      %dma_wait3A_273 = tpu.memref_squeeze %dma_wait3A_272 : memref<1x80xi32, #tpu.memory_space<vmem>> -> memref<80xi32, #tpu.memory_space<vmem>>
      %dma_wait3A_274 = arith.constant 0 : i32
      %dma_wait3A_275 = arith.constant 0 : i32
      %dma_wait3A_276 = tpu.memref_slice %arg17[%dma_wait3A_274, %dma_wait3A_275] : memref<1000x16xf32, #tpu.memory_space<vmem_shared>> -> memref<1000x16xf32, #tpu.memory_space<vmem_shared>>
      tpu.wait_indirect_dma semaphore(%arg22 : memref<!tpu.dma_semaphore, #tpu.memory_space<semaphore_mem>>) src(%arg13 : memref<80x16xf32, #tpu.memory_space<vmem>>) dst(%dma_wait3A_276 : memref<1000x16xf32, #tpu.memory_space<vmem_shared>>)
      %dma_wait3A_277 = arith.constant 2 : i32
      %dma_wait3A_278 = arith.constant 160 : i32
      %dma_wait3A_279 = arith.constant 0 : i32
      %dma_wait3A_280 = tpu.memref_slice %arg9[%dma_wait3A_278, %dma_wait3A_279] : memref<400x128xf32, #tpu.memory_space<vmem>> -> memref<80x128xf32, #tpu.memory_space<vmem>>
      %dma_wait3A_281 = arith.constant 0 : i32
      %dma_wait3A_282 = tpu.memref_slice %arg11[%dma_wait3A_277, %dma_wait3A_281] : memref<5x80xi32, #tpu.memory_space<vmem>> -> memref<1x80xi32, #tpu.memory_space<vmem>>
      %dma_wait3A_283 = tpu.memref_squeeze %dma_wait3A_282 : memref<1x80xi32, #tpu.memory_space<vmem>> -> memref<80xi32, #tpu.memory_space<vmem>>
      %dma_wait3A_284 = arith.constant 0 : i32
      %dma_wait3A_285 = arith.constant 0 : i32
      %dma_wait3A_286 = tpu.memref_slice %arg16[%dma_wait3A_284, %dma_wait3A_285] : memref<1000x128xf32, #tpu.memory_space<vmem_shared>> -> memref<1000x128xf32, #tpu.memory_space<vmem_shared>>
      tpu.wait_indirect_dma semaphore(%arg22 : memref<!tpu.dma_semaphore, #tpu.memory_space<semaphore_mem>>) src(%dma_wait3A_280 : memref<80x128xf32, #tpu.memory_space<vmem>>) dst(%dma_wait3A_286 : memref<1000x128xf32, #tpu.memory_space<vmem_shared>>)
      %dma_wait3A_287 = arith.constant 2 : i32
      %dma_wait3A_288 = arith.constant 0 : i32
      %dma_wait3A_289 = tpu.memref_slice %arg11[%dma_wait3A_287, %dma_wait3A_288] : memref<5x80xi32, #tpu.memory_space<vmem>> -> memref<1x80xi32, #tpu.memory_space<vmem>>
      %dma_wait3A_290 = tpu.memref_squeeze %dma_wait3A_289 : memref<1x80xi32, #tpu.memory_space<vmem>> -> memref<80xi32, #tpu.memory_space<vmem>>
      %dma_wait3A_291 = arith.constant 0 : i32
      %dma_wait3A_292 = arith.constant 0 : i32
      %dma_wait3A_293 = tpu.memref_slice %arg17[%dma_wait3A_291, %dma_wait3A_292] : memref<1000x16xf32, #tpu.memory_space<vmem_shared>> -> memref<1000x16xf32, #tpu.memory_space<vmem_shared>>
      tpu.wait_indirect_dma semaphore(%arg22 : memref<!tpu.dma_semaphore, #tpu.memory_space<semaphore_mem>>) src(%arg13 : memref<80x16xf32, #tpu.memory_space<vmem>>) dst(%dma_wait3A_293 : memref<1000x16xf32, #tpu.memory_space<vmem_shared>>)
      %dma_wait3A_294 = arith.constant 3 : i32
      %dma_wait3A_295 = arith.constant 240 : i32
      %dma_wait3A_296 = arith.constant 0 : i32
      %dma_wait3A_297 = tpu.memref_slice %arg9[%dma_wait3A_295, %dma_wait3A_296] : memref<400x128xf32, #tpu.memory_space<vmem>> -> memref<80x128xf32, #tpu.memory_space<vmem>>
      %dma_wait3A_298 = arith.constant 0 : i32
      %dma_wait3A_299 = tpu.memref_slice %arg11[%dma_wait3A_294, %dma_wait3A_298] : memref<5x80xi32, #tpu.memory_space<vmem>> -> memref<1x80xi32, #tpu.memory_space<vmem>>
      %dma_wait3A_300 = tpu.memref_squeeze %dma_wait3A_299 : memref<1x80xi32, #tpu.memory_space<vmem>> -> memref<80xi32, #tpu.memory_space<vmem>>
      %dma_wait3A_301 = arith.constant 0 : i32
      %dma_wait3A_302 = arith.constant 0 : i32
      %dma_wait3A_303 = tpu.memref_slice %arg16[%dma_wait3A_301, %dma_wait3A_302] : memref<1000x128xf32, #tpu.memory_space<vmem_shared>> -> memref<1000x128xf32, #tpu.memory_space<vmem_shared>>
      tpu.wait_indirect_dma semaphore(%arg22 : memref<!tpu.dma_semaphore, #tpu.memory_space<semaphore_mem>>) src(%dma_wait3A_297 : memref<80x128xf32, #tpu.memory_space<vmem>>) dst(%dma_wait3A_303 : memref<1000x128xf32, #tpu.memory_space<vmem_shared>>)
      %dma_wait3A_304 = arith.constant 3 : i32
      %dma_wait3A_305 = arith.constant 0 : i32
      %dma_wait3A_306 = tpu.memref_slice %arg11[%dma_wait3A_304, %dma_wait3A_305] : memref<5x80xi32, #tpu.memory_space<vmem>> -> memref<1x80xi32, #tpu.memory_space<vmem>>
      %dma_wait3A_307 = tpu.memref_squeeze %dma_wait3A_306 : memref<1x80xi32, #tpu.memory_space<vmem>> -> memref<80xi32, #tpu.memory_space<vmem>>
      %dma_wait3A_308 = arith.constant 0 : i32
      %dma_wait3A_309 = arith.constant 0 : i32
      %dma_wait3A_310 = tpu.memref_slice %arg17[%dma_wait3A_308, %dma_wait3A_309] : memref<1000x16xf32, #tpu.memory_space<vmem_shared>> -> memref<1000x16xf32, #tpu.memory_space<vmem_shared>>
      tpu.wait_indirect_dma semaphore(%arg22 : memref<!tpu.dma_semaphore, #tpu.memory_space<semaphore_mem>>) src(%arg13 : memref<80x16xf32, #tpu.memory_space<vmem>>) dst(%dma_wait3A_310 : memref<1000x16xf32, #tpu.memory_space<vmem_shared>>)
      %dma_wait3A_311 = arith.constant 4 : i32
      %dma_wait3A_312 = arith.constant 320 : i32
      %dma_wait3A_313 = arith.constant 0 : i32
      %dma_wait3A_314 = tpu.memref_slice %arg9[%dma_wait3A_312, %dma_wait3A_313] : memref<400x128xf32, #tpu.memory_space<vmem>> -> memref<80x128xf32, #tpu.memory_space<vmem>>
      %dma_wait3A_315 = arith.constant 0 : i32
      %dma_wait3A_316 = tpu.memref_slice %arg11[%dma_wait3A_311, %dma_wait3A_315] : memref<5x80xi32, #tpu.memory_space<vmem>> -> memref<1x80xi32, #tpu.memory_space<vmem>>
      %dma_wait3A_317 = tpu.memref_squeeze %dma_wait3A_316 : memref<1x80xi32, #tpu.memory_space<vmem>> -> memref<80xi32, #tpu.memory_space<vmem>>
      %dma_wait3A_318 = arith.constant 0 : i32
      %dma_wait3A_319 = arith.constant 0 : i32
      %dma_wait3A_320 = tpu.memref_slice %arg16[%dma_wait3A_318, %dma_wait3A_319] : memref<1000x128xf32, #tpu.memory_space<vmem_shared>> -> memref<1000x128xf32, #tpu.memory_space<vmem_shared>>
      tpu.wait_indirect_dma semaphore(%arg22 : memref<!tpu.dma_semaphore, #tpu.memory_space<semaphore_mem>>) src(%dma_wait3A_314 : memref<80x128xf32, #tpu.memory_space<vmem>>) dst(%dma_wait3A_320 : memref<1000x128xf32, #tpu.memory_space<vmem_shared>>)
      %dma_wait3A_321 = arith.constant 4 : i32
      %dma_wait3A_322 = arith.constant 0 : i32
      %dma_wait3A_323 = tpu.memref_slice %arg11[%dma_wait3A_321, %dma_wait3A_322] : memref<5x80xi32, #tpu.memory_space<vmem>> -> memref<1x80xi32, #tpu.memory_space<vmem>>
      %dma_wait3A_324 = tpu.memref_squeeze %dma_wait3A_323 : memref<1x80xi32, #tpu.memory_space<vmem>> -> memref<80xi32, #tpu.memory_space<vmem>>
      %dma_wait3A_325 = arith.constant 0 : i32
      %dma_wait3A_326 = arith.constant 0 : i32
      %dma_wait3A_327 = tpu.memref_slice %arg17[%dma_wait3A_325, %dma_wait3A_326] : memref<1000x16xf32, #tpu.memory_space<vmem_shared>> -> memref<1000x16xf32, #tpu.memory_space<vmem_shared>>
      tpu.wait_indirect_dma semaphore(%arg22 : memref<!tpu.dma_semaphore, #tpu.memory_space<semaphore_mem>>) src(%arg13 : memref<80x16xf32, #tpu.memory_space<vmem>>) dst(%dma_wait3A_327 : memref<1000x16xf32, #tpu.memory_space<vmem_shared>>)
    } else {
    }
    %add3A_114 = arith.constant 128 : i32
    %add3A_115 = arith.addi %add3A, %add3A_114 : i32
    %lt3A_116 = arith.constant 250 : i32
    %lt3A_117 = arith.cmpi slt, %add3A_115, %lt3A_116 : i32
    %convert_element_type3A_118 = arith.extui %lt3A_117 : i1 to i32
    %cond3A_119 = arith.constant 0 : i32
    %cond3A_120 = arith.cmpi ne, %convert_element_type3A_118, %cond3A_119 : i32
    scf.if %cond3A_120 {
      %mul3A_244 = arith.constant 400 : i32
      %mul3A_245 = arith.muli %add3A_115, %mul3A_244 : i32
      %dma_start3A = arith.constant 0 : i32
      %dma_start3A_246 = tpu.memref_slice %arg2[%mul3A_245, %dma_start3A] : memref<100000x128xf32, #tpu.memory_space<hbm>> -> memref<400x128xf32, #tpu.memory_space<hbm>>
      %dma_start3A_247 = arith.constant 0 : i32
      %dma_start3A_248 = tpu.memref_slice %arg2[%mul3A_245, %dma_start3A_247] : memref<100000x128xf32, #tpu.memory_space<hbm>> -> memref<400x128xf32, #tpu.memory_space<hbm>>
      tpu.enqueue_dma source(%dma_start3A_248 : memref<400x128xf32, #tpu.memory_space<hbm>>) target(%arg9 : memref<400x128xf32, #tpu.memory_space<vmem>>) target_semaphore(%arg18 : memref<!tpu.dma_semaphore, #tpu.memory_space<semaphore_mem>>)
      %mul3A_249 = arith.constant 5 : i32
      %mul3A_250 = arith.muli %add3A_115, %mul3A_249 : i32
      %dma_start3A_251 = arith.constant 0 : i32
      %dma_start3A_252 = tpu.memref_slice %arg3[%mul3A_250, %dma_start3A_251] : memref<1250x80xi32, #tpu.memory_space<hbm>> -> memref<5x80xi32, #tpu.memory_space<hbm>>
      %dma_start3A_253 = arith.constant 0 : i32
      %dma_start3A_254 = tpu.memref_slice %arg3[%mul3A_250, %dma_start3A_253] : memref<1250x80xi32, #tpu.memory_space<hbm>> -> memref<5x80xi32, #tpu.memory_space<hbm>>
      tpu.enqueue_dma source(%dma_start3A_254 : memref<5x80xi32, #tpu.memory_space<hbm>>) target(%arg11 : memref<5x80xi32, #tpu.memory_space<vmem>>) target_semaphore(%arg20 : memref<!tpu.dma_semaphore, #tpu.memory_space<semaphore_mem>>)
    } else {
    }
    %add3A_121 = arith.constant 128 : i32
    %add3A_122 = arith.addi %add3A, %add3A_121 : i32
    %lt3A_123 = arith.constant 250 : i32
    %lt3A_124 = arith.cmpi slt, %add3A_122, %lt3A_123 : i32
    %convert_element_type3A_125 = arith.extui %lt3A_124 : i1 to i32
    %cond3A_126 = arith.constant 0 : i32
    %cond3A_127 = arith.cmpi ne, %convert_element_type3A_125, %cond3A_126 : i32
    scf.if %cond3A_127 {
      %dma_wait3A = arith.constant 0 : i32
      %dma_wait3A_244 = arith.constant 0 : i32
      %dma_wait3A_245 = tpu.memref_slice %arg2[%dma_wait3A, %dma_wait3A_244] : memref<100000x128xf32, #tpu.memory_space<hbm>> -> memref<400x128xf32, #tpu.memory_space<hbm>>
      %dma_wait3A_246 = arith.constant 0 : i32
      %dma_wait3A_247 = arith.constant 0 : i32
      %dma_wait3A_248 = tpu.memref_slice %arg2[%dma_wait3A_246, %dma_wait3A_247] : memref<100000x128xf32, #tpu.memory_space<hbm>> -> memref<400x128xf32, #tpu.memory_space<hbm>>
      tpu.wait_dma2 semaphore(%arg18 : memref<!tpu.dma_semaphore, #tpu.memory_space<semaphore_mem>>) src(%dma_wait3A_248 : memref<400x128xf32, #tpu.memory_space<hbm>>) dst(%arg9 : memref<400x128xf32, #tpu.memory_space<vmem>>)
      %dma_wait3A_249 = arith.constant 0 : i32
      %dma_wait3A_250 = arith.constant 0 : i32
      %dma_wait3A_251 = tpu.memref_slice %arg3[%dma_wait3A_249, %dma_wait3A_250] : memref<1250x80xi32, #tpu.memory_space<hbm>> -> memref<5x80xi32, #tpu.memory_space<hbm>>
      %dma_wait3A_252 = arith.constant 0 : i32
      %dma_wait3A_253 = arith.constant 0 : i32
      %dma_wait3A_254 = tpu.memref_slice %arg3[%dma_wait3A_252, %dma_wait3A_253] : memref<1250x80xi32, #tpu.memory_space<hbm>> -> memref<5x80xi32, #tpu.memory_space<hbm>>
      tpu.wait_dma2 semaphore(%arg20 : memref<!tpu.dma_semaphore, #tpu.memory_space<semaphore_mem>>) src(%dma_wait3A_254 : memref<5x80xi32, #tpu.memory_space<hbm>>) dst(%arg11 : memref<5x80xi32, #tpu.memory_space<vmem>>)
    } else {
    }
    %add3A_128 = arith.constant 128 : i32
    %add3A_129 = arith.addi %add3A, %add3A_128 : i32
    %lt3A_130 = arith.constant 250 : i32
    %lt3A_131 = arith.cmpi slt, %add3A_129, %lt3A_130 : i32
    %convert_element_type3A_132 = arith.extui %lt3A_131 : i1 to i32
    %cond3A_133 = arith.constant 0 : i32
    %cond3A_134 = arith.cmpi ne, %convert_element_type3A_132, %cond3A_133 : i32
    scf.if %cond3A_134 {
      %dma_start3A = arith.constant 0 : i32
      %dma_start3A_244 = arith.constant 0 : i32
      %dma_start3A_245 = arith.constant 0 : i32
      %dma_start3A_246 = tpu.memref_slice %arg9[%dma_start3A_244, %dma_start3A_245] : memref<400x128xf32, #tpu.memory_space<vmem>> -> memref<80x128xf32, #tpu.memory_space<vmem>>
      %dma_start3A_247 = arith.constant 0 : i32
      %dma_start3A_248 = tpu.memref_slice %arg11[%dma_start3A, %dma_start3A_247] : memref<5x80xi32, #tpu.memory_space<vmem>> -> memref<1x80xi32, #tpu.memory_space<vmem>>
      %dma_start3A_249 = tpu.memref_squeeze %dma_start3A_248 : memref<1x80xi32, #tpu.memory_space<vmem>> -> memref<80xi32, #tpu.memory_space<vmem>>
      %dma_start3A_250 = arith.constant 0 : i32
      %dma_start3A_251 = arith.constant 0 : i32
      %dma_start3A_252 = tpu.memref_slice %arg16[%dma_start3A_250, %dma_start3A_251] : memref<1000x128xf32, #tpu.memory_space<vmem_shared>> -> memref<1000x128xf32, #tpu.memory_space<vmem_shared>>
      tpu.enqueue_indirect_dma source(%dma_start3A_246 : memref<80x128xf32, #tpu.memory_space<vmem>>) target(%dma_start3A_252 : memref<1000x128xf32, #tpu.memory_space<vmem_shared>>) offsets(%dma_start3A_249 : memref<80xi32, #tpu.memory_space<vmem>>) semaphore(%arg22 : memref<!tpu.dma_semaphore, #tpu.memory_space<semaphore_mem>>) {add = true}
      %dma_start3A_253 = arith.constant 0 : i32
      %dma_start3A_254 = arith.constant 0 : i32
      %dma_start3A_255 = tpu.memref_slice %arg11[%dma_start3A_253, %dma_start3A_254] : memref<5x80xi32, #tpu.memory_space<vmem>> -> memref<1x80xi32, #tpu.memory_space<vmem>>
      %dma_start3A_256 = tpu.memref_squeeze %dma_start3A_255 : memref<1x80xi32, #tpu.memory_space<vmem>> -> memref<80xi32, #tpu.memory_space<vmem>>
      %dma_start3A_257 = arith.constant 0 : i32
      %dma_start3A_258 = arith.constant 0 : i32
      %dma_start3A_259 = tpu.memref_slice %arg17[%dma_start3A_257, %dma_start3A_258] : memref<1000x16xf32, #tpu.memory_space<vmem_shared>> -> memref<1000x16xf32, #tpu.memory_space<vmem_shared>>
      tpu.enqueue_indirect_dma source(%arg13 : memref<80x16xf32, #tpu.memory_space<vmem>>) target(%dma_start3A_259 : memref<1000x16xf32, #tpu.memory_space<vmem_shared>>) offsets(%dma_start3A_256 : memref<80xi32, #tpu.memory_space<vmem>>) semaphore(%arg22 : memref<!tpu.dma_semaphore, #tpu.memory_space<semaphore_mem>>) {add = true}
      %dma_start3A_260 = arith.constant 1 : i32
      %dma_start3A_261 = arith.constant 80 : i32
      %dma_start3A_262 = arith.constant 0 : i32
      %dma_start3A_263 = tpu.memref_slice %arg9[%dma_start3A_261, %dma_start3A_262] : memref<400x128xf32, #tpu.memory_space<vmem>> -> memref<80x128xf32, #tpu.memory_space<vmem>>
      %dma_start3A_264 = arith.constant 0 : i32
      %dma_start3A_265 = tpu.memref_slice %arg11[%dma_start3A_260, %dma_start3A_264] : memref<5x80xi32, #tpu.memory_space<vmem>> -> memref<1x80xi32, #tpu.memory_space<vmem>>
      %dma_start3A_266 = tpu.memref_squeeze %dma_start3A_265 : memref<1x80xi32, #tpu.memory_space<vmem>> -> memref<80xi32, #tpu.memory_space<vmem>>
      %dma_start3A_267 = arith.constant 0 : i32
      %dma_start3A_268 = arith.constant 0 : i32
      %dma_start3A_269 = tpu.memref_slice %arg16[%dma_start3A_267, %dma_start3A_268] : memref<1000x128xf32, #tpu.memory_space<vmem_shared>> -> memref<1000x128xf32, #tpu.memory_space<vmem_shared>>
      tpu.enqueue_indirect_dma source(%dma_start3A_263 : memref<80x128xf32, #tpu.memory_space<vmem>>) target(%dma_start3A_269 : memref<1000x128xf32, #tpu.memory_space<vmem_shared>>) offsets(%dma_start3A_266 : memref<80xi32, #tpu.memory_space<vmem>>) semaphore(%arg22 : memref<!tpu.dma_semaphore, #tpu.memory_space<semaphore_mem>>) {add = true}
      %dma_start3A_270 = arith.constant 1 : i32
      %dma_start3A_271 = arith.constant 0 : i32
      %dma_start3A_272 = tpu.memref_slice %arg11[%dma_start3A_270, %dma_start3A_271] : memref<5x80xi32, #tpu.memory_space<vmem>> -> memref<1x80xi32, #tpu.memory_space<vmem>>
      %dma_start3A_273 = tpu.memref_squeeze %dma_start3A_272 : memref<1x80xi32, #tpu.memory_space<vmem>> -> memref<80xi32, #tpu.memory_space<vmem>>
      %dma_start3A_274 = arith.constant 0 : i32
      %dma_start3A_275 = arith.constant 0 : i32
      %dma_start3A_276 = tpu.memref_slice %arg17[%dma_start3A_274, %dma_start3A_275] : memref<1000x16xf32, #tpu.memory_space<vmem_shared>> -> memref<1000x16xf32, #tpu.memory_space<vmem_shared>>
      tpu.enqueue_indirect_dma source(%arg13 : memref<80x16xf32, #tpu.memory_space<vmem>>) target(%dma_start3A_276 : memref<1000x16xf32, #tpu.memory_space<vmem_shared>>) offsets(%dma_start3A_273 : memref<80xi32, #tpu.memory_space<vmem>>) semaphore(%arg22 : memref<!tpu.dma_semaphore, #tpu.memory_space<semaphore_mem>>) {add = true}
      %dma_start3A_277 = arith.constant 2 : i32
      %dma_start3A_278 = arith.constant 160 : i32
      %dma_start3A_279 = arith.constant 0 : i32
      %dma_start3A_280 = tpu.memref_slice %arg9[%dma_start3A_278, %dma_start3A_279] : memref<400x128xf32, #tpu.memory_space<vmem>> -> memref<80x128xf32, #tpu.memory_space<vmem>>
      %dma_start3A_281 = arith.constant 0 : i32
      %dma_start3A_282 = tpu.memref_slice %arg11[%dma_start3A_277, %dma_start3A_281] : memref<5x80xi32, #tpu.memory_space<vmem>> -> memref<1x80xi32, #tpu.memory_space<vmem>>
      %dma_start3A_283 = tpu.memref_squeeze %dma_start3A_282 : memref<1x80xi32, #tpu.memory_space<vmem>> -> memref<80xi32, #tpu.memory_space<vmem>>
      %dma_start3A_284 = arith.constant 0 : i32
      %dma_start3A_285 = arith.constant 0 : i32
      %dma_start3A_286 = tpu.memref_slice %arg16[%dma_start3A_284, %dma_start3A_285] : memref<1000x128xf32, #tpu.memory_space<vmem_shared>> -> memref<1000x128xf32, #tpu.memory_space<vmem_shared>>
      tpu.enqueue_indirect_dma source(%dma_start3A_280 : memref<80x128xf32, #tpu.memory_space<vmem>>) target(%dma_start3A_286 : memref<1000x128xf32, #tpu.memory_space<vmem_shared>>) offsets(%dma_start3A_283 : memref<80xi32, #tpu.memory_space<vmem>>) semaphore(%arg22 : memref<!tpu.dma_semaphore, #tpu.memory_space<semaphore_mem>>) {add = true}
      %dma_start3A_287 = arith.constant 2 : i32
      %dma_start3A_288 = arith.constant 0 : i32
      %dma_start3A_289 = tpu.memref_slice %arg11[%dma_start3A_287, %dma_start3A_288] : memref<5x80xi32, #tpu.memory_space<vmem>> -> memref<1x80xi32, #tpu.memory_space<vmem>>
      %dma_start3A_290 = tpu.memref_squeeze %dma_start3A_289 : memref<1x80xi32, #tpu.memory_space<vmem>> -> memref<80xi32, #tpu.memory_space<vmem>>
      %dma_start3A_291 = arith.constant 0 : i32
      %dma_start3A_292 = arith.constant 0 : i32
      %dma_start3A_293 = tpu.memref_slice %arg17[%dma_start3A_291, %dma_start3A_292] : memref<1000x16xf32, #tpu.memory_space<vmem_shared>> -> memref<1000x16xf32, #tpu.memory_space<vmem_shared>>
      tpu.enqueue_indirect_dma source(%arg13 : memref<80x16xf32, #tpu.memory_space<vmem>>) target(%dma_start3A_293 : memref<1000x16xf32, #tpu.memory_space<vmem_shared>>) offsets(%dma_start3A_290 : memref<80xi32, #tpu.memory_space<vmem>>) semaphore(%arg22 : memref<!tpu.dma_semaphore, #tpu.memory_space<semaphore_mem>>) {add = true}
      %dma_start3A_294 = arith.constant 3 : i32
      %dma_start3A_295 = arith.constant 240 : i32
      %dma_start3A_296 = arith.constant 0 : i32
      %dma_start3A_297 = tpu.memref_slice %arg9[%dma_start3A_295, %dma_start3A_296] : memref<400x128xf32, #tpu.memory_space<vmem>> -> memref<80x128xf32, #tpu.memory_space<vmem>>
      %dma_start3A_298 = arith.constant 0 : i32
      %dma_start3A_299 = tpu.memref_slice %arg11[%dma_start3A_294, %dma_start3A_298] : memref<5x80xi32, #tpu.memory_space<vmem>> -> memref<1x80xi32, #tpu.memory_space<vmem>>
      %dma_start3A_300 = tpu.memref_squeeze %dma_start3A_299 : memref<1x80xi32, #tpu.memory_space<vmem>> -> memref<80xi32, #tpu.memory_space<vmem>>
      %dma_start3A_301 = arith.constant 0 : i32
      %dma_start3A_302 = arith.constant 0 : i32
      %dma_start3A_303 = tpu.memref_slice %arg16[%dma_start3A_301, %dma_start3A_302] : memref<1000x128xf32, #tpu.memory_space<vmem_shared>> -> memref<1000x128xf32, #tpu.memory_space<vmem_shared>>
      tpu.enqueue_indirect_dma source(%dma_start3A_297 : memref<80x128xf32, #tpu.memory_space<vmem>>) target(%dma_start3A_303 : memref<1000x128xf32, #tpu.memory_space<vmem_shared>>) offsets(%dma_start3A_300 : memref<80xi32, #tpu.memory_space<vmem>>) semaphore(%arg22 : memref<!tpu.dma_semaphore, #tpu.memory_space<semaphore_mem>>) {add = true}
      %dma_start3A_304 = arith.constant 3 : i32
      %dma_start3A_305 = arith.constant 0 : i32
      %dma_start3A_306 = tpu.memref_slice %arg11[%dma_start3A_304, %dma_start3A_305] : memref<5x80xi32, #tpu.memory_space<vmem>> -> memref<1x80xi32, #tpu.memory_space<vmem>>
      %dma_start3A_307 = tpu.memref_squeeze %dma_start3A_306 : memref<1x80xi32, #tpu.memory_space<vmem>> -> memref<80xi32, #tpu.memory_space<vmem>>
      %dma_start3A_308 = arith.constant 0 : i32
      %dma_start3A_309 = arith.constant 0 : i32
      %dma_start3A_310 = tpu.memref_slice %arg17[%dma_start3A_308, %dma_start3A_309] : memref<1000x16xf32, #tpu.memory_space<vmem_shared>> -> memref<1000x16xf32, #tpu.memory_space<vmem_shared>>
      tpu.enqueue_indirect_dma source(%arg13 : memref<80x16xf32, #tpu.memory_space<vmem>>) target(%dma_start3A_310 : memref<1000x16xf32, #tpu.memory_space<vmem_shared>>) offsets(%dma_start3A_307 : memref<80xi32, #tpu.memory_space<vmem>>) semaphore(%arg22 : memref<!tpu.dma_semaphore, #tpu.memory_space<semaphore_mem>>) {add = true}
      %dma_start3A_311 = arith.constant 4 : i32
      %dma_start3A_312 = arith.constant 320 : i32
      %dma_start3A_313 = arith.constant 0 : i32
      %dma_start3A_314 = tpu.memref_slice %arg9[%dma_start3A_312, %dma_start3A_313] : memref<400x128xf32, #tpu.memory_space<vmem>> -> memref<80x128xf32, #tpu.memory_space<vmem>>
      %dma_start3A_315 = arith.constant 0 : i32
      %dma_start3A_316 = tpu.memref_slice %arg11[%dma_start3A_311, %dma_start3A_315] : memref<5x80xi32, #tpu.memory_space<vmem>> -> memref<1x80xi32, #tpu.memory_space<vmem>>
      %dma_start3A_317 = tpu.memref_squeeze %dma_start3A_316 : memref<1x80xi32, #tpu.memory_space<vmem>> -> memref<80xi32, #tpu.memory_space<vmem>>
      %dma_start3A_318 = arith.constant 0 : i32
      %dma_start3A_319 = arith.constant 0 : i32
      %dma_start3A_320 = tpu.memref_slice %arg16[%dma_start3A_318, %dma_start3A_319] : memref<1000x128xf32, #tpu.memory_space<vmem_shared>> -> memref<1000x128xf32, #tpu.memory_space<vmem_shared>>
      tpu.enqueue_indirect_dma source(%dma_start3A_314 : memref<80x128xf32, #tpu.memory_space<vmem>>) target(%dma_start3A_320 : memref<1000x128xf32, #tpu.memory_space<vmem_shared>>) offsets(%dma_start3A_317 : memref<80xi32, #tpu.memory_space<vmem>>) semaphore(%arg22 : memref<!tpu.dma_semaphore, #tpu.memory_space<semaphore_mem>>) {add = true}
      %dma_start3A_321 = arith.constant 4 : i32
      %dma_start3A_322 = arith.constant 0 : i32
      %dma_start3A_323 = tpu.memref_slice %arg11[%dma_start3A_321, %dma_start3A_322] : memref<5x80xi32, #tpu.memory_space<vmem>> -> memref<1x80xi32, #tpu.memory_space<vmem>>
      %dma_start3A_324 = tpu.memref_squeeze %dma_start3A_323 : memref<1x80xi32, #tpu.memory_space<vmem>> -> memref<80xi32, #tpu.memory_space<vmem>>
      %dma_start3A_325 = arith.constant 0 : i32
      %dma_start3A_326 = arith.constant 0 : i32
      %dma_start3A_327 = tpu.memref_slice %arg17[%dma_start3A_325, %dma_start3A_326] : memref<1000x16xf32, #tpu.memory_space<vmem_shared>> -> memref<1000x16xf32, #tpu.memory_space<vmem_shared>>
      tpu.enqueue_indirect_dma source(%arg13 : memref<80x16xf32, #tpu.memory_space<vmem>>) target(%dma_start3A_327 : memref<1000x16xf32, #tpu.memory_space<vmem_shared>>) offsets(%dma_start3A_324 : memref<80xi32, #tpu.memory_space<vmem>>) semaphore(%arg22 : memref<!tpu.dma_semaphore, #tpu.memory_space<semaphore_mem>>) {add = true}
    } else {
    }
    %add3A_135 = arith.constant 96 : i32
    %add3A_136 = arith.addi %add3A, %add3A_135 : i32
    %lt3A_137 = arith.constant 250 : i32
    %lt3A_138 = arith.cmpi slt, %add3A_136, %lt3A_137 : i32
    %convert_element_type3A_139 = arith.extui %lt3A_138 : i1 to i32
    %cond3A_140 = arith.constant 0 : i32
    %cond3A_141 = arith.cmpi ne, %convert_element_type3A_139, %cond3A_140 : i32
    scf.if %cond3A_141 {
      %dma_wait3A = arith.constant 0 : i32
      %dma_wait3A_244 = arith.constant 0 : i32
      %dma_wait3A_245 = arith.constant 0 : i32
      %dma_wait3A_246 = tpu.memref_slice %arg10[%dma_wait3A_244, %dma_wait3A_245] : memref<400x128xf32, #tpu.memory_space<vmem>> -> memref<80x128xf32, #tpu.memory_space<vmem>>
      %dma_wait3A_247 = arith.constant 0 : i32
      %dma_wait3A_248 = tpu.memref_slice %arg12[%dma_wait3A, %dma_wait3A_247] : memref<5x80xi32, #tpu.memory_space<vmem>> -> memref<1x80xi32, #tpu.memory_space<vmem>>
      %dma_wait3A_249 = tpu.memref_squeeze %dma_wait3A_248 : memref<1x80xi32, #tpu.memory_space<vmem>> -> memref<80xi32, #tpu.memory_space<vmem>>
      %dma_wait3A_250 = arith.constant 0 : i32
      %dma_wait3A_251 = arith.constant 0 : i32
      %dma_wait3A_252 = tpu.memref_slice %arg16[%dma_wait3A_250, %dma_wait3A_251] : memref<1000x128xf32, #tpu.memory_space<vmem_shared>> -> memref<1000x128xf32, #tpu.memory_space<vmem_shared>>
      tpu.wait_indirect_dma semaphore(%arg23 : memref<!tpu.dma_semaphore, #tpu.memory_space<semaphore_mem>>) src(%dma_wait3A_246 : memref<80x128xf32, #tpu.memory_space<vmem>>) dst(%dma_wait3A_252 : memref<1000x128xf32, #tpu.memory_space<vmem_shared>>)
      %dma_wait3A_253 = arith.constant 0 : i32
      %dma_wait3A_254 = arith.constant 0 : i32
      %dma_wait3A_255 = tpu.memref_slice %arg12[%dma_wait3A_253, %dma_wait3A_254] : memref<5x80xi32, #tpu.memory_space<vmem>> -> memref<1x80xi32, #tpu.memory_space<vmem>>
      %dma_wait3A_256 = tpu.memref_squeeze %dma_wait3A_255 : memref<1x80xi32, #tpu.memory_space<vmem>> -> memref<80xi32, #tpu.memory_space<vmem>>
      %dma_wait3A_257 = arith.constant 0 : i32
      %dma_wait3A_258 = arith.constant 0 : i32
      %dma_wait3A_259 = tpu.memref_slice %arg17[%dma_wait3A_257, %dma_wait3A_258] : memref<1000x16xf32, #tpu.memory_space<vmem_shared>> -> memref<1000x16xf32, #tpu.memory_space<vmem_shared>>
      tpu.wait_indirect_dma semaphore(%arg23 : memref<!tpu.dma_semaphore, #tpu.memory_space<semaphore_mem>>) src(%arg13 : memref<80x16xf32, #tpu.memory_space<vmem>>) dst(%dma_wait3A_259 : memref<1000x16xf32, #tpu.memory_space<vmem_shared>>)
      %dma_wait3A_260 = arith.constant 1 : i32
      %dma_wait3A_261 = arith.constant 80 : i32
      %dma_wait3A_262 = arith.constant 0 : i32
      %dma_wait3A_263 = tpu.memref_slice %arg10[%dma_wait3A_261, %dma_wait3A_262] : memref<400x128xf32, #tpu.memory_space<vmem>> -> memref<80x128xf32, #tpu.memory_space<vmem>>
      %dma_wait3A_264 = arith.constant 0 : i32
      %dma_wait3A_265 = tpu.memref_slice %arg12[%dma_wait3A_260, %dma_wait3A_264] : memref<5x80xi32, #tpu.memory_space<vmem>> -> memref<1x80xi32, #tpu.memory_space<vmem>>
      %dma_wait3A_266 = tpu.memref_squeeze %dma_wait3A_265 : memref<1x80xi32, #tpu.memory_space<vmem>> -> memref<80xi32, #tpu.memory_space<vmem>>
      %dma_wait3A_267 = arith.constant 0 : i32
      %dma_wait3A_268 = arith.constant 0 : i32
      %dma_wait3A_269 = tpu.memref_slice %arg16[%dma_wait3A_267, %dma_wait3A_268] : memref<1000x128xf32, #tpu.memory_space<vmem_shared>> -> memref<1000x128xf32, #tpu.memory_space<vmem_shared>>
      tpu.wait_indirect_dma semaphore(%arg23 : memref<!tpu.dma_semaphore, #tpu.memory_space<semaphore_mem>>) src(%dma_wait3A_263 : memref<80x128xf32, #tpu.memory_space<vmem>>) dst(%dma_wait3A_269 : memref<1000x128xf32, #tpu.memory_space<vmem_shared>>)
      %dma_wait3A_270 = arith.constant 1 : i32
      %dma_wait3A_271 = arith.constant 0 : i32
      %dma_wait3A_272 = tpu.memref_slice %arg12[%dma_wait3A_270, %dma_wait3A_271] : memref<5x80xi32, #tpu.memory_space<vmem>> -> memref<1x80xi32, #tpu.memory_space<vmem>>
      %dma_wait3A_273 = tpu.memref_squeeze %dma_wait3A_272 : memref<1x80xi32, #tpu.memory_space<vmem>> -> memref<80xi32, #tpu.memory_space<vmem>>
      %dma_wait3A_274 = arith.constant 0 : i32
      %dma_wait3A_275 = arith.constant 0 : i32
      %dma_wait3A_276 = tpu.memref_slice %arg17[%dma_wait3A_274, %dma_wait3A_275] : memref<1000x16xf32, #tpu.memory_space<vmem_shared>> -> memref<1000x16xf32, #tpu.memory_space<vmem_shared>>
      tpu.wait_indirect_dma semaphore(%arg23 : memref<!tpu.dma_semaphore, #tpu.memory_space<semaphore_mem>>) src(%arg13 : memref<80x16xf32, #tpu.memory_space<vmem>>) dst(%dma_wait3A_276 : memref<1000x16xf32, #tpu.memory_space<vmem_shared>>)
      %dma_wait3A_277 = arith.constant 2 : i32
      %dma_wait3A_278 = arith.constant 160 : i32
      %dma_wait3A_279 = arith.constant 0 : i32
      %dma_wait3A_280 = tpu.memref_slice %arg10[%dma_wait3A_278, %dma_wait3A_279] : memref<400x128xf32, #tpu.memory_space<vmem>> -> memref<80x128xf32, #tpu.memory_space<vmem>>
      %dma_wait3A_281 = arith.constant 0 : i32
      %dma_wait3A_282 = tpu.memref_slice %arg12[%dma_wait3A_277, %dma_wait3A_281] : memref<5x80xi32, #tpu.memory_space<vmem>> -> memref<1x80xi32, #tpu.memory_space<vmem>>
      %dma_wait3A_283 = tpu.memref_squeeze %dma_wait3A_282 : memref<1x80xi32, #tpu.memory_space<vmem>> -> memref<80xi32, #tpu.memory_space<vmem>>
      %dma_wait3A_284 = arith.constant 0 : i32
      %dma_wait3A_285 = arith.constant 0 : i32
      %dma_wait3A_286 = tpu.memref_slice %arg16[%dma_wait3A_284, %dma_wait3A_285] : memref<1000x128xf32, #tpu.memory_space<vmem_shared>> -> memref<1000x128xf32, #tpu.memory_space<vmem_shared>>
      tpu.wait_indirect_dma semaphore(%arg23 : memref<!tpu.dma_semaphore, #tpu.memory_space<semaphore_mem>>) src(%dma_wait3A_280 : memref<80x128xf32, #tpu.memory_space<vmem>>) dst(%dma_wait3A_286 : memref<1000x128xf32, #tpu.memory_space<vmem_shared>>)
      %dma_wait3A_287 = arith.constant 2 : i32
      %dma_wait3A_288 = arith.constant 0 : i32
      %dma_wait3A_289 = tpu.memref_slice %arg12[%dma_wait3A_287, %dma_wait3A_288] : memref<5x80xi32, #tpu.memory_space<vmem>> -> memref<1x80xi32, #tpu.memory_space<vmem>>
      %dma_wait3A_290 = tpu.memref_squeeze %dma_wait3A_289 : memref<1x80xi32, #tpu.memory_space<vmem>> -> memref<80xi32, #tpu.memory_space<vmem>>
      %dma_wait3A_291 = arith.constant 0 : i32
      %dma_wait3A_292 = arith.constant 0 : i32
      %dma_wait3A_293 = tpu.memref_slice %arg17[%dma_wait3A_291, %dma_wait3A_292] : memref<1000x16xf32, #tpu.memory_space<vmem_shared>> -> memref<1000x16xf32, #tpu.memory_space<vmem_shared>>
      tpu.wait_indirect_dma semaphore(%arg23 : memref<!tpu.dma_semaphore, #tpu.memory_space<semaphore_mem>>) src(%arg13 : memref<80x16xf32, #tpu.memory_space<vmem>>) dst(%dma_wait3A_293 : memref<1000x16xf32, #tpu.memory_space<vmem_shared>>)
      %dma_wait3A_294 = arith.constant 3 : i32
      %dma_wait3A_295 = arith.constant 240 : i32
      %dma_wait3A_296 = arith.constant 0 : i32
      %dma_wait3A_297 = tpu.memref_slice %arg10[%dma_wait3A_295, %dma_wait3A_296] : memref<400x128xf32, #tpu.memory_space<vmem>> -> memref<80x128xf32, #tpu.memory_space<vmem>>
      %dma_wait3A_298 = arith.constant 0 : i32
      %dma_wait3A_299 = tpu.memref_slice %arg12[%dma_wait3A_294, %dma_wait3A_298] : memref<5x80xi32, #tpu.memory_space<vmem>> -> memref<1x80xi32, #tpu.memory_space<vmem>>
      %dma_wait3A_300 = tpu.memref_squeeze %dma_wait3A_299 : memref<1x80xi32, #tpu.memory_space<vmem>> -> memref<80xi32, #tpu.memory_space<vmem>>
      %dma_wait3A_301 = arith.constant 0 : i32
      %dma_wait3A_302 = arith.constant 0 : i32
      %dma_wait3A_303 = tpu.memref_slice %arg16[%dma_wait3A_301, %dma_wait3A_302] : memref<1000x128xf32, #tpu.memory_space<vmem_shared>> -> memref<1000x128xf32, #tpu.memory_space<vmem_shared>>
      tpu.wait_indirect_dma semaphore(%arg23 : memref<!tpu.dma_semaphore, #tpu.memory_space<semaphore_mem>>) src(%dma_wait3A_297 : memref<80x128xf32, #tpu.memory_space<vmem>>) dst(%dma_wait3A_303 : memref<1000x128xf32, #tpu.memory_space<vmem_shared>>)
      %dma_wait3A_304 = arith.constant 3 : i32
      %dma_wait3A_305 = arith.constant 0 : i32
      %dma_wait3A_306 = tpu.memref_slice %arg12[%dma_wait3A_304, %dma_wait3A_305] : memref<5x80xi32, #tpu.memory_space<vmem>> -> memref<1x80xi32, #tpu.memory_space<vmem>>
      %dma_wait3A_307 = tpu.memref_squeeze %dma_wait3A_306 : memref<1x80xi32, #tpu.memory_space<vmem>> -> memref<80xi32, #tpu.memory_space<vmem>>
      %dma_wait3A_308 = arith.constant 0 : i32
      %dma_wait3A_309 = arith.constant 0 : i32
      %dma_wait3A_310 = tpu.memref_slice %arg17[%dma_wait3A_308, %dma_wait3A_309] : memref<1000x16xf32, #tpu.memory_space<vmem_shared>> -> memref<1000x16xf32, #tpu.memory_space<vmem_shared>>
      tpu.wait_indirect_dma semaphore(%arg23 : memref<!tpu.dma_semaphore, #tpu.memory_space<semaphore_mem>>) src(%arg13 : memref<80x16xf32, #tpu.memory_space<vmem>>) dst(%dma_wait3A_310 : memref<1000x16xf32, #tpu.memory_space<vmem_shared>>)
      %dma_wait3A_311 = arith.constant 4 : i32
      %dma_wait3A_312 = arith.constant 320 : i32
      %dma_wait3A_313 = arith.constant 0 : i32
      %dma_wait3A_314 = tpu.memref_slice %arg10[%dma_wait3A_312, %dma_wait3A_313] : memref<400x128xf32, #tpu.memory_space<vmem>> -> memref<80x128xf32, #tpu.memory_space<vmem>>
      %dma_wait3A_315 = arith.constant 0 : i32
      %dma_wait3A_316 = tpu.memref_slice %arg12[%dma_wait3A_311, %dma_wait3A_315] : memref<5x80xi32, #tpu.memory_space<vmem>> -> memref<1x80xi32, #tpu.memory_space<vmem>>
      %dma_wait3A_317 = tpu.memref_squeeze %dma_wait3A_316 : memref<1x80xi32, #tpu.memory_space<vmem>> -> memref<80xi32, #tpu.memory_space<vmem>>
      %dma_wait3A_318 = arith.constant 0 : i32
      %dma_wait3A_319 = arith.constant 0 : i32
      %dma_wait3A_320 = tpu.memref_slice %arg16[%dma_wait3A_318, %dma_wait3A_319] : memref<1000x128xf32, #tpu.memory_space<vmem_shared>> -> memref<1000x128xf32, #tpu.memory_space<vmem_shared>>
      tpu.wait_indirect_dma semaphore(%arg23 : memref<!tpu.dma_semaphore, #tpu.memory_space<semaphore_mem>>) src(%dma_wait3A_314 : memref<80x128xf32, #tpu.memory_space<vmem>>) dst(%dma_wait3A_320 : memref<1000x128xf32, #tpu.memory_space<vmem_shared>>)
      %dma_wait3A_321 = arith.constant 4 : i32
      %dma_wait3A_322 = arith.constant 0 : i32
      %dma_wait3A_323 = tpu.memref_slice %arg12[%dma_wait3A_321, %dma_wait3A_322] : memref<5x80xi32, #tpu.memory_space<vmem>> -> memref<1x80xi32, #tpu.memory_space<vmem>>
      %dma_wait3A_324 = tpu.memref_squeeze %dma_wait3A_323 : memref<1x80xi32, #tpu.memory_space<vmem>> -> memref<80xi32, #tpu.memory_space<vmem>>
      %dma_wait3A_325 = arith.constant 0 : i32
      %dma_wait3A_326 = arith.constant 0 : i32
      %dma_wait3A_327 = tpu.memref_slice %arg17[%dma_wait3A_325, %dma_wait3A_326] : memref<1000x16xf32, #tpu.memory_space<vmem_shared>> -> memref<1000x16xf32, #tpu.memory_space<vmem_shared>>
      tpu.wait_indirect_dma semaphore(%arg23 : memref<!tpu.dma_semaphore, #tpu.memory_space<semaphore_mem>>) src(%arg13 : memref<80x16xf32, #tpu.memory_space<vmem>>) dst(%dma_wait3A_327 : memref<1000x16xf32, #tpu.memory_space<vmem_shared>>)
    } else {
    }
    %add3A_142 = arith.constant 160 : i32
    %add3A_143 = arith.addi %add3A, %add3A_142 : i32
    %lt3A_144 = arith.constant 250 : i32
    %lt3A_145 = arith.cmpi slt, %add3A_143, %lt3A_144 : i32
    %convert_element_type3A_146 = arith.extui %lt3A_145 : i1 to i32
    %cond3A_147 = arith.constant 0 : i32
    %cond3A_148 = arith.cmpi ne, %convert_element_type3A_146, %cond3A_147 : i32
    scf.if %cond3A_148 {
      %mul3A_244 = arith.constant 400 : i32
      %mul3A_245 = arith.muli %add3A_143, %mul3A_244 : i32
      %dma_start3A = arith.constant 0 : i32
      %dma_start3A_246 = tpu.memref_slice %arg2[%mul3A_245, %dma_start3A] : memref<100000x128xf32, #tpu.memory_space<hbm>> -> memref<400x128xf32, #tpu.memory_space<hbm>>
      %dma_start3A_247 = arith.constant 0 : i32
      %dma_start3A_248 = tpu.memref_slice %arg2[%mul3A_245, %dma_start3A_247] : memref<100000x128xf32, #tpu.memory_space<hbm>> -> memref<400x128xf32, #tpu.memory_space<hbm>>
      tpu.enqueue_dma source(%dma_start3A_248 : memref<400x128xf32, #tpu.memory_space<hbm>>) target(%arg10 : memref<400x128xf32, #tpu.memory_space<vmem>>) target_semaphore(%arg19 : memref<!tpu.dma_semaphore, #tpu.memory_space<semaphore_mem>>)
      %mul3A_249 = arith.constant 5 : i32
      %mul3A_250 = arith.muli %add3A_143, %mul3A_249 : i32
      %dma_start3A_251 = arith.constant 0 : i32
      %dma_start3A_252 = tpu.memref_slice %arg3[%mul3A_250, %dma_start3A_251] : memref<1250x80xi32, #tpu.memory_space<hbm>> -> memref<5x80xi32, #tpu.memory_space<hbm>>
      %dma_start3A_253 = arith.constant 0 : i32
      %dma_start3A_254 = tpu.memref_slice %arg3[%mul3A_250, %dma_start3A_253] : memref<1250x80xi32, #tpu.memory_space<hbm>> -> memref<5x80xi32, #tpu.memory_space<hbm>>
      tpu.enqueue_dma source(%dma_start3A_254 : memref<5x80xi32, #tpu.memory_space<hbm>>) target(%arg12 : memref<5x80xi32, #tpu.memory_space<vmem>>) target_semaphore(%arg21 : memref<!tpu.dma_semaphore, #tpu.memory_space<semaphore_mem>>)
    } else {
    }
    %add3A_149 = arith.constant 160 : i32
    %add3A_150 = arith.addi %add3A, %add3A_149 : i32
    %lt3A_151 = arith.constant 250 : i32
    %lt3A_152 = arith.cmpi slt, %add3A_150, %lt3A_151 : i32
    %convert_element_type3A_153 = arith.extui %lt3A_152 : i1 to i32
    %cond3A_154 = arith.constant 0 : i32
    %cond3A_155 = arith.cmpi ne, %convert_element_type3A_153, %cond3A_154 : i32
    scf.if %cond3A_155 {
      %dma_wait3A = arith.constant 0 : i32
      %dma_wait3A_244 = arith.constant 0 : i32
      %dma_wait3A_245 = tpu.memref_slice %arg2[%dma_wait3A, %dma_wait3A_244] : memref<100000x128xf32, #tpu.memory_space<hbm>> -> memref<400x128xf32, #tpu.memory_space<hbm>>
      %dma_wait3A_246 = arith.constant 0 : i32
      %dma_wait3A_247 = arith.constant 0 : i32
      %dma_wait3A_248 = tpu.memref_slice %arg2[%dma_wait3A_246, %dma_wait3A_247] : memref<100000x128xf32, #tpu.memory_space<hbm>> -> memref<400x128xf32, #tpu.memory_space<hbm>>
      tpu.wait_dma2 semaphore(%arg19 : memref<!tpu.dma_semaphore, #tpu.memory_space<semaphore_mem>>) src(%dma_wait3A_248 : memref<400x128xf32, #tpu.memory_space<hbm>>) dst(%arg10 : memref<400x128xf32, #tpu.memory_space<vmem>>)
      %dma_wait3A_249 = arith.constant 0 : i32
      %dma_wait3A_250 = arith.constant 0 : i32
      %dma_wait3A_251 = tpu.memref_slice %arg3[%dma_wait3A_249, %dma_wait3A_250] : memref<1250x80xi32, #tpu.memory_space<hbm>> -> memref<5x80xi32, #tpu.memory_space<hbm>>
      %dma_wait3A_252 = arith.constant 0 : i32
      %dma_wait3A_253 = arith.constant 0 : i32
      %dma_wait3A_254 = tpu.memref_slice %arg3[%dma_wait3A_252, %dma_wait3A_253] : memref<1250x80xi32, #tpu.memory_space<hbm>> -> memref<5x80xi32, #tpu.memory_space<hbm>>
      tpu.wait_dma2 semaphore(%arg21 : memref<!tpu.dma_semaphore, #tpu.memory_space<semaphore_mem>>) src(%dma_wait3A_254 : memref<5x80xi32, #tpu.memory_space<hbm>>) dst(%arg12 : memref<5x80xi32, #tpu.memory_space<vmem>>)
    } else {
    }
    %add3A_156 = arith.constant 160 : i32
    %add3A_157 = arith.addi %add3A, %add3A_156 : i32
    %lt3A_158 = arith.constant 250 : i32
    %lt3A_159 = arith.cmpi slt, %add3A_157, %lt3A_158 : i32
    %convert_element_type3A_160 = arith.extui %lt3A_159 : i1 to i32
    %cond3A_161 = arith.constant 0 : i32
    %cond3A_162 = arith.cmpi ne, %convert_element_type3A_160, %cond3A_161 : i32
    scf.if %cond3A_162 {
      %dma_start3A = arith.constant 0 : i32
      %dma_start3A_244 = arith.constant 0 : i32
      %dma_start3A_245 = arith.constant 0 : i32
      %dma_start3A_246 = tpu.memref_slice %arg10[%dma_start3A_244, %dma_start3A_245] : memref<400x128xf32, #tpu.memory_space<vmem>> -> memref<80x128xf32, #tpu.memory_space<vmem>>
      %dma_start3A_247 = arith.constant 0 : i32
      %dma_start3A_248 = tpu.memref_slice %arg12[%dma_start3A, %dma_start3A_247] : memref<5x80xi32, #tpu.memory_space<vmem>> -> memref<1x80xi32, #tpu.memory_space<vmem>>
      %dma_start3A_249 = tpu.memref_squeeze %dma_start3A_248 : memref<1x80xi32, #tpu.memory_space<vmem>> -> memref<80xi32, #tpu.memory_space<vmem>>
      %dma_start3A_250 = arith.constant 0 : i32
      %dma_start3A_251 = arith.constant 0 : i32
      %dma_start3A_252 = tpu.memref_slice %arg16[%dma_start3A_250, %dma_start3A_251] : memref<1000x128xf32, #tpu.memory_space<vmem_shared>> -> memref<1000x128xf32, #tpu.memory_space<vmem_shared>>
      tpu.enqueue_indirect_dma source(%dma_start3A_246 : memref<80x128xf32, #tpu.memory_space<vmem>>) target(%dma_start3A_252 : memref<1000x128xf32, #tpu.memory_space<vmem_shared>>) offsets(%dma_start3A_249 : memref<80xi32, #tpu.memory_space<vmem>>) semaphore(%arg23 : memref<!tpu.dma_semaphore, #tpu.memory_space<semaphore_mem>>) {add = true}
      %dma_start3A_253 = arith.constant 0 : i32
      %dma_start3A_254 = arith.constant 0 : i32
      %dma_start3A_255 = tpu.memref_slice %arg12[%dma_start3A_253, %dma_start3A_254] : memref<5x80xi32, #tpu.memory_space<vmem>> -> memref<1x80xi32, #tpu.memory_space<vmem>>
      %dma_start3A_256 = tpu.memref_squeeze %dma_start3A_255 : memref<1x80xi32, #tpu.memory_space<vmem>> -> memref<80xi32, #tpu.memory_space<vmem>>
      %dma_start3A_257 = arith.constant 0 : i32
      %dma_start3A_258 = arith.constant 0 : i32
      %dma_start3A_259 = tpu.memref_slice %arg17[%dma_start3A_257, %dma_start3A_258] : memref<1000x16xf32, #tpu.memory_space<vmem_shared>> -> memref<1000x16xf32, #tpu.memory_space<vmem_shared>>
      tpu.enqueue_indirect_dma source(%arg13 : memref<80x16xf32, #tpu.memory_space<vmem>>) target(%dma_start3A_259 : memref<1000x16xf32, #tpu.memory_space<vmem_shared>>) offsets(%dma_start3A_256 : memref<80xi32, #tpu.memory_space<vmem>>) semaphore(%arg23 : memref<!tpu.dma_semaphore, #tpu.memory_space<semaphore_mem>>) {add = true}
      %dma_start3A_260 = arith.constant 1 : i32
      %dma_start3A_261 = arith.constant 80 : i32
      %dma_start3A_262 = arith.constant 0 : i32
      %dma_start3A_263 = tpu.memref_slice %arg10[%dma_start3A_261, %dma_start3A_262] : memref<400x128xf32, #tpu.memory_space<vmem>> -> memref<80x128xf32, #tpu.memory_space<vmem>>
      %dma_start3A_264 = arith.constant 0 : i32
      %dma_start3A_265 = tpu.memref_slice %arg12[%dma_start3A_260, %dma_start3A_264] : memref<5x80xi32, #tpu.memory_space<vmem>> -> memref<1x80xi32, #tpu.memory_space<vmem>>
      %dma_start3A_266 = tpu.memref_squeeze %dma_start3A_265 : memref<1x80xi32, #tpu.memory_space<vmem>> -> memref<80xi32, #tpu.memory_space<vmem>>
      %dma_start3A_267 = arith.constant 0 : i32
      %dma_start3A_268 = arith.constant 0 : i32
      %dma_start3A_269 = tpu.memref_slice %arg16[%dma_start3A_267, %dma_start3A_268] : memref<1000x128xf32, #tpu.memory_space<vmem_shared>> -> memref<1000x128xf32, #tpu.memory_space<vmem_shared>>
      tpu.enqueue_indirect_dma source(%dma_start3A_263 : memref<80x128xf32, #tpu.memory_space<vmem>>) target(%dma_start3A_269 : memref<1000x128xf32, #tpu.memory_space<vmem_shared>>) offsets(%dma_start3A_266 : memref<80xi32, #tpu.memory_space<vmem>>) semaphore(%arg23 : memref<!tpu.dma_semaphore, #tpu.memory_space<semaphore_mem>>) {add = true}
      %dma_start3A_270 = arith.constant 1 : i32
      %dma_start3A_271 = arith.constant 0 : i32
      %dma_start3A_272 = tpu.memref_slice %arg12[%dma_start3A_270, %dma_start3A_271] : memref<5x80xi32, #tpu.memory_space<vmem>> -> memref<1x80xi32, #tpu.memory_space<vmem>>
      %dma_start3A_273 = tpu.memref_squeeze %dma_start3A_272 : memref<1x80xi32, #tpu.memory_space<vmem>> -> memref<80xi32, #tpu.memory_space<vmem>>
      %dma_start3A_274 = arith.constant 0 : i32
      %dma_start3A_275 = arith.constant 0 : i32
      %dma_start3A_276 = tpu.memref_slice %arg17[%dma_start3A_274, %dma_start3A_275] : memref<1000x16xf32, #tpu.memory_space<vmem_shared>> -> memref<1000x16xf32, #tpu.memory_space<vmem_shared>>
      tpu.enqueue_indirect_dma source(%arg13 : memref<80x16xf32, #tpu.memory_space<vmem>>) target(%dma_start3A_276 : memref<1000x16xf32, #tpu.memory_space<vmem_shared>>) offsets(%dma_start3A_273 : memref<80xi32, #tpu.memory_space<vmem>>) semaphore(%arg23 : memref<!tpu.dma_semaphore, #tpu.memory_space<semaphore_mem>>) {add = true}
      %dma_start3A_277 = arith.constant 2 : i32
      %dma_start3A_278 = arith.constant 160 : i32
      %dma_start3A_279 = arith.constant 0 : i32
      %dma_start3A_280 = tpu.memref_slice %arg10[%dma_start3A_278, %dma_start3A_279] : memref<400x128xf32, #tpu.memory_space<vmem>> -> memref<80x128xf32, #tpu.memory_space<vmem>>
      %dma_start3A_281 = arith.constant 0 : i32
      %dma_start3A_282 = tpu.memref_slice %arg12[%dma_start3A_277, %dma_start3A_281] : memref<5x80xi32, #tpu.memory_space<vmem>> -> memref<1x80xi32, #tpu.memory_space<vmem>>
      %dma_start3A_283 = tpu.memref_squeeze %dma_start3A_282 : memref<1x80xi32, #tpu.memory_space<vmem>> -> memref<80xi32, #tpu.memory_space<vmem>>
      %dma_start3A_284 = arith.constant 0 : i32
      %dma_start3A_285 = arith.constant 0 : i32
      %dma_start3A_286 = tpu.memref_slice %arg16[%dma_start3A_284, %dma_start3A_285] : memref<1000x128xf32, #tpu.memory_space<vmem_shared>> -> memref<1000x128xf32, #tpu.memory_space<vmem_shared>>
      tpu.enqueue_indirect_dma source(%dma_start3A_280 : memref<80x128xf32, #tpu.memory_space<vmem>>) target(%dma_start3A_286 : memref<1000x128xf32, #tpu.memory_space<vmem_shared>>) offsets(%dma_start3A_283 : memref<80xi32, #tpu.memory_space<vmem>>) semaphore(%arg23 : memref<!tpu.dma_semaphore, #tpu.memory_space<semaphore_mem>>) {add = true}
      %dma_start3A_287 = arith.constant 2 : i32
      %dma_start3A_288 = arith.constant 0 : i32
      %dma_start3A_289 = tpu.memref_slice %arg12[%dma_start3A_287, %dma_start3A_288] : memref<5x80xi32, #tpu.memory_space<vmem>> -> memref<1x80xi32, #tpu.memory_space<vmem>>
      %dma_start3A_290 = tpu.memref_squeeze %dma_start3A_289 : memref<1x80xi32, #tpu.memory_space<vmem>> -> memref<80xi32, #tpu.memory_space<vmem>>
      %dma_start3A_291 = arith.constant 0 : i32
      %dma_start3A_292 = arith.constant 0 : i32
      %dma_start3A_293 = tpu.memref_slice %arg17[%dma_start3A_291, %dma_start3A_292] : memref<1000x16xf32, #tpu.memory_space<vmem_shared>> -> memref<1000x16xf32, #tpu.memory_space<vmem_shared>>
      tpu.enqueue_indirect_dma source(%arg13 : memref<80x16xf32, #tpu.memory_space<vmem>>) target(%dma_start3A_293 : memref<1000x16xf32, #tpu.memory_space<vmem_shared>>) offsets(%dma_start3A_290 : memref<80xi32, #tpu.memory_space<vmem>>) semaphore(%arg23 : memref<!tpu.dma_semaphore, #tpu.memory_space<semaphore_mem>>) {add = true}
      %dma_start3A_294 = arith.constant 3 : i32
      %dma_start3A_295 = arith.constant 240 : i32
      %dma_start3A_296 = arith.constant 0 : i32
      %dma_start3A_297 = tpu.memref_slice %arg10[%dma_start3A_295, %dma_start3A_296] : memref<400x128xf32, #tpu.memory_space<vmem>> -> memref<80x128xf32, #tpu.memory_space<vmem>>
      %dma_start3A_298 = arith.constant 0 : i32
      %dma_start3A_299 = tpu.memref_slice %arg12[%dma_start3A_294, %dma_start3A_298] : memref<5x80xi32, #tpu.memory_space<vmem>> -> memref<1x80xi32, #tpu.memory_space<vmem>>
      %dma_start3A_300 = tpu.memref_squeeze %dma_start3A_299 : memref<1x80xi32, #tpu.memory_space<vmem>> -> memref<80xi32, #tpu.memory_space<vmem>>
      %dma_start3A_301 = arith.constant 0 : i32
      %dma_start3A_302 = arith.constant 0 : i32
      %dma_start3A_303 = tpu.memref_slice %arg16[%dma_start3A_301, %dma_start3A_302] : memref<1000x128xf32, #tpu.memory_space<vmem_shared>> -> memref<1000x128xf32, #tpu.memory_space<vmem_shared>>
      tpu.enqueue_indirect_dma source(%dma_start3A_297 : memref<80x128xf32, #tpu.memory_space<vmem>>) target(%dma_start3A_303 : memref<1000x128xf32, #tpu.memory_space<vmem_shared>>) offsets(%dma_start3A_300 : memref<80xi32, #tpu.memory_space<vmem>>) semaphore(%arg23 : memref<!tpu.dma_semaphore, #tpu.memory_space<semaphore_mem>>) {add = true}
      %dma_start3A_304 = arith.constant 3 : i32
      %dma_start3A_305 = arith.constant 0 : i32
      %dma_start3A_306 = tpu.memref_slice %arg12[%dma_start3A_304, %dma_start3A_305] : memref<5x80xi32, #tpu.memory_space<vmem>> -> memref<1x80xi32, #tpu.memory_space<vmem>>
      %dma_start3A_307 = tpu.memref_squeeze %dma_start3A_306 : memref<1x80xi32, #tpu.memory_space<vmem>> -> memref<80xi32, #tpu.memory_space<vmem>>
      %dma_start3A_308 = arith.constant 0 : i32
      %dma_start3A_309 = arith.constant 0 : i32
      %dma_start3A_310 = tpu.memref_slice %arg17[%dma_start3A_308, %dma_start3A_309] : memref<1000x16xf32, #tpu.memory_space<vmem_shared>> -> memref<1000x16xf32, #tpu.memory_space<vmem_shared>>
      tpu.enqueue_indirect_dma source(%arg13 : memref<80x16xf32, #tpu.memory_space<vmem>>) target(%dma_start3A_310 : memref<1000x16xf32, #tpu.memory_space<vmem_shared>>) offsets(%dma_start3A_307 : memref<80xi32, #tpu.memory_space<vmem>>) semaphore(%arg23 : memref<!tpu.dma_semaphore, #tpu.memory_space<semaphore_mem>>) {add = true}
      %dma_start3A_311 = arith.constant 4 : i32
      %dma_start3A_312 = arith.constant 320 : i32
      %dma_start3A_313 = arith.constant 0 : i32
      %dma_start3A_314 = tpu.memref_slice %arg10[%dma_start3A_312, %dma_start3A_313] : memref<400x128xf32, #tpu.memory_space<vmem>> -> memref<80x128xf32, #tpu.memory_space<vmem>>
      %dma_start3A_315 = arith.constant 0 : i32
      %dma_start3A_316 = tpu.memref_slice %arg12[%dma_start3A_311, %dma_start3A_315] : memref<5x80xi32, #tpu.memory_space<vmem>> -> memref<1x80xi32, #tpu.memory_space<vmem>>
      %dma_start3A_317 = tpu.memref_squeeze %dma_start3A_316 : memref<1x80xi32, #tpu.memory_space<vmem>> -> memref<80xi32, #tpu.memory_space<vmem>>
      %dma_start3A_318 = arith.constant 0 : i32
      %dma_start3A_319 = arith.constant 0 : i32
      %dma_start3A_320 = tpu.memref_slice %arg16[%dma_start3A_318, %dma_start3A_319] : memref<1000x128xf32, #tpu.memory_space<vmem_shared>> -> memref<1000x128xf32, #tpu.memory_space<vmem_shared>>
      tpu.enqueue_indirect_dma source(%dma_start3A_314 : memref<80x128xf32, #tpu.memory_space<vmem>>) target(%dma_start3A_320 : memref<1000x128xf32, #tpu.memory_space<vmem_shared>>) offsets(%dma_start3A_317 : memref<80xi32, #tpu.memory_space<vmem>>) semaphore(%arg23 : memref<!tpu.dma_semaphore, #tpu.memory_space<semaphore_mem>>) {add = true}
      %dma_start3A_321 = arith.constant 4 : i32
      %dma_start3A_322 = arith.constant 0 : i32
      %dma_start3A_323 = tpu.memref_slice %arg12[%dma_start3A_321, %dma_start3A_322] : memref<5x80xi32, #tpu.memory_space<vmem>> -> memref<1x80xi32, #tpu.memory_space<vmem>>
      %dma_start3A_324 = tpu.memref_squeeze %dma_start3A_323 : memref<1x80xi32, #tpu.memory_space<vmem>> -> memref<80xi32, #tpu.memory_space<vmem>>
      %dma_start3A_325 = arith.constant 0 : i32
      %dma_start3A_326 = arith.constant 0 : i32
      %dma_start3A_327 = tpu.memref_slice %arg17[%dma_start3A_325, %dma_start3A_326] : memref<1000x16xf32, #tpu.memory_space<vmem_shared>> -> memref<1000x16xf32, #tpu.memory_space<vmem_shared>>
      tpu.enqueue_indirect_dma source(%arg13 : memref<80x16xf32, #tpu.memory_space<vmem>>) target(%dma_start3A_327 : memref<1000x16xf32, #tpu.memory_space<vmem_shared>>) offsets(%dma_start3A_324 : memref<80xi32, #tpu.memory_space<vmem>>) semaphore(%arg23 : memref<!tpu.dma_semaphore, #tpu.memory_space<semaphore_mem>>) {add = true}
    } else {
    }
    %add3A_163 = arith.constant 128 : i32
    %add3A_164 = arith.addi %add3A, %add3A_163 : i32
    %lt3A_165 = arith.constant 250 : i32
    %lt3A_166 = arith.cmpi slt, %add3A_164, %lt3A_165 : i32
    %convert_element_type3A_167 = arith.extui %lt3A_166 : i1 to i32
    %cond3A_168 = arith.constant 0 : i32
    %cond3A_169 = arith.cmpi ne, %convert_element_type3A_167, %cond3A_168 : i32
    scf.if %cond3A_169 {
      %dma_wait3A = arith.constant 0 : i32
      %dma_wait3A_244 = arith.constant 0 : i32
      %dma_wait3A_245 = arith.constant 0 : i32
      %dma_wait3A_246 = tpu.memref_slice %arg9[%dma_wait3A_244, %dma_wait3A_245] : memref<400x128xf32, #tpu.memory_space<vmem>> -> memref<80x128xf32, #tpu.memory_space<vmem>>
      %dma_wait3A_247 = arith.constant 0 : i32
      %dma_wait3A_248 = tpu.memref_slice %arg11[%dma_wait3A, %dma_wait3A_247] : memref<5x80xi32, #tpu.memory_space<vmem>> -> memref<1x80xi32, #tpu.memory_space<vmem>>
      %dma_wait3A_249 = tpu.memref_squeeze %dma_wait3A_248 : memref<1x80xi32, #tpu.memory_space<vmem>> -> memref<80xi32, #tpu.memory_space<vmem>>
      %dma_wait3A_250 = arith.constant 0 : i32
      %dma_wait3A_251 = arith.constant 0 : i32
      %dma_wait3A_252 = tpu.memref_slice %arg16[%dma_wait3A_250, %dma_wait3A_251] : memref<1000x128xf32, #tpu.memory_space<vmem_shared>> -> memref<1000x128xf32, #tpu.memory_space<vmem_shared>>
      tpu.wait_indirect_dma semaphore(%arg22 : memref<!tpu.dma_semaphore, #tpu.memory_space<semaphore_mem>>) src(%dma_wait3A_246 : memref<80x128xf32, #tpu.memory_space<vmem>>) dst(%dma_wait3A_252 : memref<1000x128xf32, #tpu.memory_space<vmem_shared>>)
      %dma_wait3A_253 = arith.constant 0 : i32
      %dma_wait3A_254 = arith.constant 0 : i32
      %dma_wait3A_255 = tpu.memref_slice %arg11[%dma_wait3A_253, %dma_wait3A_254] : memref<5x80xi32, #tpu.memory_space<vmem>> -> memref<1x80xi32, #tpu.memory_space<vmem>>
      %dma_wait3A_256 = tpu.memref_squeeze %dma_wait3A_255 : memref<1x80xi32, #tpu.memory_space<vmem>> -> memref<80xi32, #tpu.memory_space<vmem>>
      %dma_wait3A_257 = arith.constant 0 : i32
      %dma_wait3A_258 = arith.constant 0 : i32
      %dma_wait3A_259 = tpu.memref_slice %arg17[%dma_wait3A_257, %dma_wait3A_258] : memref<1000x16xf32, #tpu.memory_space<vmem_shared>> -> memref<1000x16xf32, #tpu.memory_space<vmem_shared>>
      tpu.wait_indirect_dma semaphore(%arg22 : memref<!tpu.dma_semaphore, #tpu.memory_space<semaphore_mem>>) src(%arg13 : memref<80x16xf32, #tpu.memory_space<vmem>>) dst(%dma_wait3A_259 : memref<1000x16xf32, #tpu.memory_space<vmem_shared>>)
      %dma_wait3A_260 = arith.constant 1 : i32
      %dma_wait3A_261 = arith.constant 80 : i32
      %dma_wait3A_262 = arith.constant 0 : i32
      %dma_wait3A_263 = tpu.memref_slice %arg9[%dma_wait3A_261, %dma_wait3A_262] : memref<400x128xf32, #tpu.memory_space<vmem>> -> memref<80x128xf32, #tpu.memory_space<vmem>>
      %dma_wait3A_264 = arith.constant 0 : i32
      %dma_wait3A_265 = tpu.memref_slice %arg11[%dma_wait3A_260, %dma_wait3A_264] : memref<5x80xi32, #tpu.memory_space<vmem>> -> memref<1x80xi32, #tpu.memory_space<vmem>>
      %dma_wait3A_266 = tpu.memref_squeeze %dma_wait3A_265 : memref<1x80xi32, #tpu.memory_space<vmem>> -> memref<80xi32, #tpu.memory_space<vmem>>
      %dma_wait3A_267 = arith.constant 0 : i32
      %dma_wait3A_268 = arith.constant 0 : i32
      %dma_wait3A_269 = tpu.memref_slice %arg16[%dma_wait3A_267, %dma_wait3A_268] : memref<1000x128xf32, #tpu.memory_space<vmem_shared>> -> memref<1000x128xf32, #tpu.memory_space<vmem_shared>>
      tpu.wait_indirect_dma semaphore(%arg22 : memref<!tpu.dma_semaphore, #tpu.memory_space<semaphore_mem>>) src(%dma_wait3A_263 : memref<80x128xf32, #tpu.memory_space<vmem>>) dst(%dma_wait3A_269 : memref<1000x128xf32, #tpu.memory_space<vmem_shared>>)
      %dma_wait3A_270 = arith.constant 1 : i32
      %dma_wait3A_271 = arith.constant 0 : i32
      %dma_wait3A_272 = tpu.memref_slice %arg11[%dma_wait3A_270, %dma_wait3A_271] : memref<5x80xi32, #tpu.memory_space<vmem>> -> memref<1x80xi32, #tpu.memory_space<vmem>>
      %dma_wait3A_273 = tpu.memref_squeeze %dma_wait3A_272 : memref<1x80xi32, #tpu.memory_space<vmem>> -> memref<80xi32, #tpu.memory_space<vmem>>
      %dma_wait3A_274 = arith.constant 0 : i32
      %dma_wait3A_275 = arith.constant 0 : i32
      %dma_wait3A_276 = tpu.memref_slice %arg17[%dma_wait3A_274, %dma_wait3A_275] : memref<1000x16xf32, #tpu.memory_space<vmem_shared>> -> memref<1000x16xf32, #tpu.memory_space<vmem_shared>>
      tpu.wait_indirect_dma semaphore(%arg22 : memref<!tpu.dma_semaphore, #tpu.memory_space<semaphore_mem>>) src(%arg13 : memref<80x16xf32, #tpu.memory_space<vmem>>) dst(%dma_wait3A_276 : memref<1000x16xf32, #tpu.memory_space<vmem_shared>>)
      %dma_wait3A_277 = arith.constant 2 : i32
      %dma_wait3A_278 = arith.constant 160 : i32
      %dma_wait3A_279 = arith.constant 0 : i32
      %dma_wait3A_280 = tpu.memref_slice %arg9[%dma_wait3A_278, %dma_wait3A_279] : memref<400x128xf32, #tpu.memory_space<vmem>> -> memref<80x128xf32, #tpu.memory_space<vmem>>
      %dma_wait3A_281 = arith.constant 0 : i32
      %dma_wait3A_282 = tpu.memref_slice %arg11[%dma_wait3A_277, %dma_wait3A_281] : memref<5x80xi32, #tpu.memory_space<vmem>> -> memref<1x80xi32, #tpu.memory_space<vmem>>
      %dma_wait3A_283 = tpu.memref_squeeze %dma_wait3A_282 : memref<1x80xi32, #tpu.memory_space<vmem>> -> memref<80xi32, #tpu.memory_space<vmem>>
      %dma_wait3A_284 = arith.constant 0 : i32
      %dma_wait3A_285 = arith.constant 0 : i32
      %dma_wait3A_286 = tpu.memref_slice %arg16[%dma_wait3A_284, %dma_wait3A_285] : memref<1000x128xf32, #tpu.memory_space<vmem_shared>> -> memref<1000x128xf32, #tpu.memory_space<vmem_shared>>
      tpu.wait_indirect_dma semaphore(%arg22 : memref<!tpu.dma_semaphore, #tpu.memory_space<semaphore_mem>>) src(%dma_wait3A_280 : memref<80x128xf32, #tpu.memory_space<vmem>>) dst(%dma_wait3A_286 : memref<1000x128xf32, #tpu.memory_space<vmem_shared>>)
      %dma_wait3A_287 = arith.constant 2 : i32
      %dma_wait3A_288 = arith.constant 0 : i32
      %dma_wait3A_289 = tpu.memref_slice %arg11[%dma_wait3A_287, %dma_wait3A_288] : memref<5x80xi32, #tpu.memory_space<vmem>> -> memref<1x80xi32, #tpu.memory_space<vmem>>
      %dma_wait3A_290 = tpu.memref_squeeze %dma_wait3A_289 : memref<1x80xi32, #tpu.memory_space<vmem>> -> memref<80xi32, #tpu.memory_space<vmem>>
      %dma_wait3A_291 = arith.constant 0 : i32
      %dma_wait3A_292 = arith.constant 0 : i32
      %dma_wait3A_293 = tpu.memref_slice %arg17[%dma_wait3A_291, %dma_wait3A_292] : memref<1000x16xf32, #tpu.memory_space<vmem_shared>> -> memref<1000x16xf32, #tpu.memory_space<vmem_shared>>
      tpu.wait_indirect_dma semaphore(%arg22 : memref<!tpu.dma_semaphore, #tpu.memory_space<semaphore_mem>>) src(%arg13 : memref<80x16xf32, #tpu.memory_space<vmem>>) dst(%dma_wait3A_293 : memref<1000x16xf32, #tpu.memory_space<vmem_shared>>)
      %dma_wait3A_294 = arith.constant 3 : i32
      %dma_wait3A_295 = arith.constant 240 : i32
      %dma_wait3A_296 = arith.constant 0 : i32
      %dma_wait3A_297 = tpu.memref_slice %arg9[%dma_wait3A_295, %dma_wait3A_296] : memref<400x128xf32, #tpu.memory_space<vmem>> -> memref<80x128xf32, #tpu.memory_space<vmem>>
      %dma_wait3A_298 = arith.constant 0 : i32
      %dma_wait3A_299 = tpu.memref_slice %arg11[%dma_wait3A_294, %dma_wait3A_298] : memref<5x80xi32, #tpu.memory_space<vmem>> -> memref<1x80xi32, #tpu.memory_space<vmem>>
      %dma_wait3A_300 = tpu.memref_squeeze %dma_wait3A_299 : memref<1x80xi32, #tpu.memory_space<vmem>> -> memref<80xi32, #tpu.memory_space<vmem>>
      %dma_wait3A_301 = arith.constant 0 : i32
      %dma_wait3A_302 = arith.constant 0 : i32
      %dma_wait3A_303 = tpu.memref_slice %arg16[%dma_wait3A_301, %dma_wait3A_302] : memref<1000x128xf32, #tpu.memory_space<vmem_shared>> -> memref<1000x128xf32, #tpu.memory_space<vmem_shared>>
      tpu.wait_indirect_dma semaphore(%arg22 : memref<!tpu.dma_semaphore, #tpu.memory_space<semaphore_mem>>) src(%dma_wait3A_297 : memref<80x128xf32, #tpu.memory_space<vmem>>) dst(%dma_wait3A_303 : memref<1000x128xf32, #tpu.memory_space<vmem_shared>>)
      %dma_wait3A_304 = arith.constant 3 : i32
      %dma_wait3A_305 = arith.constant 0 : i32
      %dma_wait3A_306 = tpu.memref_slice %arg11[%dma_wait3A_304, %dma_wait3A_305] : memref<5x80xi32, #tpu.memory_space<vmem>> -> memref<1x80xi32, #tpu.memory_space<vmem>>
      %dma_wait3A_307 = tpu.memref_squeeze %dma_wait3A_306 : memref<1x80xi32, #tpu.memory_space<vmem>> -> memref<80xi32, #tpu.memory_space<vmem>>
      %dma_wait3A_308 = arith.constant 0 : i32
      %dma_wait3A_309 = arith.constant 0 : i32
      %dma_wait3A_310 = tpu.memref_slice %arg17[%dma_wait3A_308, %dma_wait3A_309] : memref<1000x16xf32, #tpu.memory_space<vmem_shared>> -> memref<1000x16xf32, #tpu.memory_space<vmem_shared>>
      tpu.wait_indirect_dma semaphore(%arg22 : memref<!tpu.dma_semaphore, #tpu.memory_space<semaphore_mem>>) src(%arg13 : memref<80x16xf32, #tpu.memory_space<vmem>>) dst(%dma_wait3A_310 : memref<1000x16xf32, #tpu.memory_space<vmem_shared>>)
      %dma_wait3A_311 = arith.constant 4 : i32
      %dma_wait3A_312 = arith.constant 320 : i32
      %dma_wait3A_313 = arith.constant 0 : i32
      %dma_wait3A_314 = tpu.memref_slice %arg9[%dma_wait3A_312, %dma_wait3A_313] : memref<400x128xf32, #tpu.memory_space<vmem>> -> memref<80x128xf32, #tpu.memory_space<vmem>>
      %dma_wait3A_315 = arith.constant 0 : i32
      %dma_wait3A_316 = tpu.memref_slice %arg11[%dma_wait3A_311, %dma_wait3A_315] : memref<5x80xi32, #tpu.memory_space<vmem>> -> memref<1x80xi32, #tpu.memory_space<vmem>>
      %dma_wait3A_317 = tpu.memref_squeeze %dma_wait3A_316 : memref<1x80xi32, #tpu.memory_space<vmem>> -> memref<80xi32, #tpu.memory_space<vmem>>
      %dma_wait3A_318 = arith.constant 0 : i32
      %dma_wait3A_319 = arith.constant 0 : i32
      %dma_wait3A_320 = tpu.memref_slice %arg16[%dma_wait3A_318, %dma_wait3A_319] : memref<1000x128xf32, #tpu.memory_space<vmem_shared>> -> memref<1000x128xf32, #tpu.memory_space<vmem_shared>>
      tpu.wait_indirect_dma semaphore(%arg22 : memref<!tpu.dma_semaphore, #tpu.memory_space<semaphore_mem>>) src(%dma_wait3A_314 : memref<80x128xf32, #tpu.memory_space<vmem>>) dst(%dma_wait3A_320 : memref<1000x128xf32, #tpu.memory_space<vmem_shared>>)
      %dma_wait3A_321 = arith.constant 4 : i32
      %dma_wait3A_322 = arith.constant 0 : i32
      %dma_wait3A_323 = tpu.memref_slice %arg11[%dma_wait3A_321, %dma_wait3A_322] : memref<5x80xi32, #tpu.memory_space<vmem>> -> memref<1x80xi32, #tpu.memory_space<vmem>>
      %dma_wait3A_324 = tpu.memref_squeeze %dma_wait3A_323 : memref<1x80xi32, #tpu.memory_space<vmem>> -> memref<80xi32, #tpu.memory_space<vmem>>
      %dma_wait3A_325 = arith.constant 0 : i32
      %dma_wait3A_326 = arith.constant 0 : i32
      %dma_wait3A_327 = tpu.memref_slice %arg17[%dma_wait3A_325, %dma_wait3A_326] : memref<1000x16xf32, #tpu.memory_space<vmem_shared>> -> memref<1000x16xf32, #tpu.memory_space<vmem_shared>>
      tpu.wait_indirect_dma semaphore(%arg22 : memref<!tpu.dma_semaphore, #tpu.memory_space<semaphore_mem>>) src(%arg13 : memref<80x16xf32, #tpu.memory_space<vmem>>) dst(%dma_wait3A_327 : memref<1000x16xf32, #tpu.memory_space<vmem_shared>>)
    } else {
    }
    %add3A_170 = arith.constant 192 : i32
    %add3A_171 = arith.addi %add3A, %add3A_170 : i32
    %lt3A_172 = arith.constant 250 : i32
    %lt3A_173 = arith.cmpi slt, %add3A_171, %lt3A_172 : i32
    %convert_element_type3A_174 = arith.extui %lt3A_173 : i1 to i32
    %cond3A_175 = arith.constant 0 : i32
    %cond3A_176 = arith.cmpi ne, %convert_element_type3A_174, %cond3A_175 : i32
    scf.if %cond3A_176 {
      %mul3A_244 = arith.constant 400 : i32
      %mul3A_245 = arith.muli %add3A_171, %mul3A_244 : i32
      %dma_start3A = arith.constant 0 : i32
      %dma_start3A_246 = tpu.memref_slice %arg2[%mul3A_245, %dma_start3A] : memref<100000x128xf32, #tpu.memory_space<hbm>> -> memref<400x128xf32, #tpu.memory_space<hbm>>
      %dma_start3A_247 = arith.constant 0 : i32
      %dma_start3A_248 = tpu.memref_slice %arg2[%mul3A_245, %dma_start3A_247] : memref<100000x128xf32, #tpu.memory_space<hbm>> -> memref<400x128xf32, #tpu.memory_space<hbm>>
      tpu.enqueue_dma source(%dma_start3A_248 : memref<400x128xf32, #tpu.memory_space<hbm>>) target(%arg9 : memref<400x128xf32, #tpu.memory_space<vmem>>) target_semaphore(%arg18 : memref<!tpu.dma_semaphore, #tpu.memory_space<semaphore_mem>>)
      %mul3A_249 = arith.constant 5 : i32
      %mul3A_250 = arith.muli %add3A_171, %mul3A_249 : i32
      %dma_start3A_251 = arith.constant 0 : i32
      %dma_start3A_252 = tpu.memref_slice %arg3[%mul3A_250, %dma_start3A_251] : memref<1250x80xi32, #tpu.memory_space<hbm>> -> memref<5x80xi32, #tpu.memory_space<hbm>>
      %dma_start3A_253 = arith.constant 0 : i32
      %dma_start3A_254 = tpu.memref_slice %arg3[%mul3A_250, %dma_start3A_253] : memref<1250x80xi32, #tpu.memory_space<hbm>> -> memref<5x80xi32, #tpu.memory_space<hbm>>
      tpu.enqueue_dma source(%dma_start3A_254 : memref<5x80xi32, #tpu.memory_space<hbm>>) target(%arg11 : memref<5x80xi32, #tpu.memory_space<vmem>>) target_semaphore(%arg20 : memref<!tpu.dma_semaphore, #tpu.memory_space<semaphore_mem>>)
    } else {
    }
    %add3A_177 = arith.constant 192 : i32
    %add3A_178 = arith.addi %add3A, %add3A_177 : i32
    %lt3A_179 = arith.constant 250 : i32
    %lt3A_180 = arith.cmpi slt, %add3A_178, %lt3A_179 : i32
    %convert_element_type3A_181 = arith.extui %lt3A_180 : i1 to i32
    %cond3A_182 = arith.constant 0 : i32
    %cond3A_183 = arith.cmpi ne, %convert_element_type3A_181, %cond3A_182 : i32
    scf.if %cond3A_183 {
      %dma_wait3A = arith.constant 0 : i32
      %dma_wait3A_244 = arith.constant 0 : i32
      %dma_wait3A_245 = tpu.memref_slice %arg2[%dma_wait3A, %dma_wait3A_244] : memref<100000x128xf32, #tpu.memory_space<hbm>> -> memref<400x128xf32, #tpu.memory_space<hbm>>
      %dma_wait3A_246 = arith.constant 0 : i32
      %dma_wait3A_247 = arith.constant 0 : i32
      %dma_wait3A_248 = tpu.memref_slice %arg2[%dma_wait3A_246, %dma_wait3A_247] : memref<100000x128xf32, #tpu.memory_space<hbm>> -> memref<400x128xf32, #tpu.memory_space<hbm>>
      tpu.wait_dma2 semaphore(%arg18 : memref<!tpu.dma_semaphore, #tpu.memory_space<semaphore_mem>>) src(%dma_wait3A_248 : memref<400x128xf32, #tpu.memory_space<hbm>>) dst(%arg9 : memref<400x128xf32, #tpu.memory_space<vmem>>)
      %dma_wait3A_249 = arith.constant 0 : i32
      %dma_wait3A_250 = arith.constant 0 : i32
      %dma_wait3A_251 = tpu.memref_slice %arg3[%dma_wait3A_249, %dma_wait3A_250] : memref<1250x80xi32, #tpu.memory_space<hbm>> -> memref<5x80xi32, #tpu.memory_space<hbm>>
      %dma_wait3A_252 = arith.constant 0 : i32
      %dma_wait3A_253 = arith.constant 0 : i32
      %dma_wait3A_254 = tpu.memref_slice %arg3[%dma_wait3A_252, %dma_wait3A_253] : memref<1250x80xi32, #tpu.memory_space<hbm>> -> memref<5x80xi32, #tpu.memory_space<hbm>>
      tpu.wait_dma2 semaphore(%arg20 : memref<!tpu.dma_semaphore, #tpu.memory_space<semaphore_mem>>) src(%dma_wait3A_254 : memref<5x80xi32, #tpu.memory_space<hbm>>) dst(%arg11 : memref<5x80xi32, #tpu.memory_space<vmem>>)
    } else {
    }
    %add3A_184 = arith.constant 192 : i32
    %add3A_185 = arith.addi %add3A, %add3A_184 : i32
    %lt3A_186 = arith.constant 250 : i32
    %lt3A_187 = arith.cmpi slt, %add3A_185, %lt3A_186 : i32
    %convert_element_type3A_188 = arith.extui %lt3A_187 : i1 to i32
    %cond3A_189 = arith.constant 0 : i32
    %cond3A_190 = arith.cmpi ne, %convert_element_type3A_188, %cond3A_189 : i32
    scf.if %cond3A_190 {
      %dma_start3A = arith.constant 0 : i32
      %dma_start3A_244 = arith.constant 0 : i32
      %dma_start3A_245 = arith.constant 0 : i32
      %dma_start3A_246 = tpu.memref_slice %arg9[%dma_start3A_244, %dma_start3A_245] : memref<400x128xf32, #tpu.memory_space<vmem>> -> memref<80x128xf32, #tpu.memory_space<vmem>>
      %dma_start3A_247 = arith.constant 0 : i32
      %dma_start3A_248 = tpu.memref_slice %arg11[%dma_start3A, %dma_start3A_247] : memref<5x80xi32, #tpu.memory_space<vmem>> -> memref<1x80xi32, #tpu.memory_space<vmem>>
      %dma_start3A_249 = tpu.memref_squeeze %dma_start3A_248 : memref<1x80xi32, #tpu.memory_space<vmem>> -> memref<80xi32, #tpu.memory_space<vmem>>
      %dma_start3A_250 = arith.constant 0 : i32
      %dma_start3A_251 = arith.constant 0 : i32
      %dma_start3A_252 = tpu.memref_slice %arg16[%dma_start3A_250, %dma_start3A_251] : memref<1000x128xf32, #tpu.memory_space<vmem_shared>> -> memref<1000x128xf32, #tpu.memory_space<vmem_shared>>
      tpu.enqueue_indirect_dma source(%dma_start3A_246 : memref<80x128xf32, #tpu.memory_space<vmem>>) target(%dma_start3A_252 : memref<1000x128xf32, #tpu.memory_space<vmem_shared>>) offsets(%dma_start3A_249 : memref<80xi32, #tpu.memory_space<vmem>>) semaphore(%arg22 : memref<!tpu.dma_semaphore, #tpu.memory_space<semaphore_mem>>) {add = true}
      %dma_start3A_253 = arith.constant 0 : i32
      %dma_start3A_254 = arith.constant 0 : i32
      %dma_start3A_255 = tpu.memref_slice %arg11[%dma_start3A_253, %dma_start3A_254] : memref<5x80xi32, #tpu.memory_space<vmem>> -> memref<1x80xi32, #tpu.memory_space<vmem>>
      %dma_start3A_256 = tpu.memref_squeeze %dma_start3A_255 : memref<1x80xi32, #tpu.memory_space<vmem>> -> memref<80xi32, #tpu.memory_space<vmem>>
      %dma_start3A_257 = arith.constant 0 : i32
      %dma_start3A_258 = arith.constant 0 : i32
      %dma_start3A_259 = tpu.memref_slice %arg17[%dma_start3A_257, %dma_start3A_258] : memref<1000x16xf32, #tpu.memory_space<vmem_shared>> -> memref<1000x16xf32, #tpu.memory_space<vmem_shared>>
      tpu.enqueue_indirect_dma source(%arg13 : memref<80x16xf32, #tpu.memory_space<vmem>>) target(%dma_start3A_259 : memref<1000x16xf32, #tpu.memory_space<vmem_shared>>) offsets(%dma_start3A_256 : memref<80xi32, #tpu.memory_space<vmem>>) semaphore(%arg22 : memref<!tpu.dma_semaphore, #tpu.memory_space<semaphore_mem>>) {add = true}
      %dma_start3A_260 = arith.constant 1 : i32
      %dma_start3A_261 = arith.constant 80 : i32
      %dma_start3A_262 = arith.constant 0 : i32
      %dma_start3A_263 = tpu.memref_slice %arg9[%dma_start3A_261, %dma_start3A_262] : memref<400x128xf32, #tpu.memory_space<vmem>> -> memref<80x128xf32, #tpu.memory_space<vmem>>
      %dma_start3A_264 = arith.constant 0 : i32
      %dma_start3A_265 = tpu.memref_slice %arg11[%dma_start3A_260, %dma_start3A_264] : memref<5x80xi32, #tpu.memory_space<vmem>> -> memref<1x80xi32, #tpu.memory_space<vmem>>
      %dma_start3A_266 = tpu.memref_squeeze %dma_start3A_265 : memref<1x80xi32, #tpu.memory_space<vmem>> -> memref<80xi32, #tpu.memory_space<vmem>>
      %dma_start3A_267 = arith.constant 0 : i32
      %dma_start3A_268 = arith.constant 0 : i32
      %dma_start3A_269 = tpu.memref_slice %arg16[%dma_start3A_267, %dma_start3A_268] : memref<1000x128xf32, #tpu.memory_space<vmem_shared>> -> memref<1000x128xf32, #tpu.memory_space<vmem_shared>>
      tpu.enqueue_indirect_dma source(%dma_start3A_263 : memref<80x128xf32, #tpu.memory_space<vmem>>) target(%dma_start3A_269 : memref<1000x128xf32, #tpu.memory_space<vmem_shared>>) offsets(%dma_start3A_266 : memref<80xi32, #tpu.memory_space<vmem>>) semaphore(%arg22 : memref<!tpu.dma_semaphore, #tpu.memory_space<semaphore_mem>>) {add = true}
      %dma_start3A_270 = arith.constant 1 : i32
      %dma_start3A_271 = arith.constant 0 : i32
      %dma_start3A_272 = tpu.memref_slice %arg11[%dma_start3A_270, %dma_start3A_271] : memref<5x80xi32, #tpu.memory_space<vmem>> -> memref<1x80xi32, #tpu.memory_space<vmem>>
      %dma_start3A_273 = tpu.memref_squeeze %dma_start3A_272 : memref<1x80xi32, #tpu.memory_space<vmem>> -> memref<80xi32, #tpu.memory_space<vmem>>
      %dma_start3A_274 = arith.constant 0 : i32
      %dma_start3A_275 = arith.constant 0 : i32
      %dma_start3A_276 = tpu.memref_slice %arg17[%dma_start3A_274, %dma_start3A_275] : memref<1000x16xf32, #tpu.memory_space<vmem_shared>> -> memref<1000x16xf32, #tpu.memory_space<vmem_shared>>
      tpu.enqueue_indirect_dma source(%arg13 : memref<80x16xf32, #tpu.memory_space<vmem>>) target(%dma_start3A_276 : memref<1000x16xf32, #tpu.memory_space<vmem_shared>>) offsets(%dma_start3A_273 : memref<80xi32, #tpu.memory_space<vmem>>) semaphore(%arg22 : memref<!tpu.dma_semaphore, #tpu.memory_space<semaphore_mem>>) {add = true}
      %dma_start3A_277 = arith.constant 2 : i32
      %dma_start3A_278 = arith.constant 160 : i32
      %dma_start3A_279 = arith.constant 0 : i32
      %dma_start3A_280 = tpu.memref_slice %arg9[%dma_start3A_278, %dma_start3A_279] : memref<400x128xf32, #tpu.memory_space<vmem>> -> memref<80x128xf32, #tpu.memory_space<vmem>>
      %dma_start3A_281 = arith.constant 0 : i32
      %dma_start3A_282 = tpu.memref_slice %arg11[%dma_start3A_277, %dma_start3A_281] : memref<5x80xi32, #tpu.memory_space<vmem>> -> memref<1x80xi32, #tpu.memory_space<vmem>>
      %dma_start3A_283 = tpu.memref_squeeze %dma_start3A_282 : memref<1x80xi32, #tpu.memory_space<vmem>> -> memref<80xi32, #tpu.memory_space<vmem>>
      %dma_start3A_284 = arith.constant 0 : i32
      %dma_start3A_285 = arith.constant 0 : i32
      %dma_start3A_286 = tpu.memref_slice %arg16[%dma_start3A_284, %dma_start3A_285] : memref<1000x128xf32, #tpu.memory_space<vmem_shared>> -> memref<1000x128xf32, #tpu.memory_space<vmem_shared>>
      tpu.enqueue_indirect_dma source(%dma_start3A_280 : memref<80x128xf32, #tpu.memory_space<vmem>>) target(%dma_start3A_286 : memref<1000x128xf32, #tpu.memory_space<vmem_shared>>) offsets(%dma_start3A_283 : memref<80xi32, #tpu.memory_space<vmem>>) semaphore(%arg22 : memref<!tpu.dma_semaphore, #tpu.memory_space<semaphore_mem>>) {add = true}
      %dma_start3A_287 = arith.constant 2 : i32
      %dma_start3A_288 = arith.constant 0 : i32
      %dma_start3A_289 = tpu.memref_slice %arg11[%dma_start3A_287, %dma_start3A_288] : memref<5x80xi32, #tpu.memory_space<vmem>> -> memref<1x80xi32, #tpu.memory_space<vmem>>
      %dma_start3A_290 = tpu.memref_squeeze %dma_start3A_289 : memref<1x80xi32, #tpu.memory_space<vmem>> -> memref<80xi32, #tpu.memory_space<vmem>>
      %dma_start3A_291 = arith.constant 0 : i32
      %dma_start3A_292 = arith.constant 0 : i32
      %dma_start3A_293 = tpu.memref_slice %arg17[%dma_start3A_291, %dma_start3A_292] : memref<1000x16xf32, #tpu.memory_space<vmem_shared>> -> memref<1000x16xf32, #tpu.memory_space<vmem_shared>>
      tpu.enqueue_indirect_dma source(%arg13 : memref<80x16xf32, #tpu.memory_space<vmem>>) target(%dma_start3A_293 : memref<1000x16xf32, #tpu.memory_space<vmem_shared>>) offsets(%dma_start3A_290 : memref<80xi32, #tpu.memory_space<vmem>>) semaphore(%arg22 : memref<!tpu.dma_semaphore, #tpu.memory_space<semaphore_mem>>) {add = true}
      %dma_start3A_294 = arith.constant 3 : i32
      %dma_start3A_295 = arith.constant 240 : i32
      %dma_start3A_296 = arith.constant 0 : i32
      %dma_start3A_297 = tpu.memref_slice %arg9[%dma_start3A_295, %dma_start3A_296] : memref<400x128xf32, #tpu.memory_space<vmem>> -> memref<80x128xf32, #tpu.memory_space<vmem>>
      %dma_start3A_298 = arith.constant 0 : i32
      %dma_start3A_299 = tpu.memref_slice %arg11[%dma_start3A_294, %dma_start3A_298] : memref<5x80xi32, #tpu.memory_space<vmem>> -> memref<1x80xi32, #tpu.memory_space<vmem>>
      %dma_start3A_300 = tpu.memref_squeeze %dma_start3A_299 : memref<1x80xi32, #tpu.memory_space<vmem>> -> memref<80xi32, #tpu.memory_space<vmem>>
      %dma_start3A_301 = arith.constant 0 : i32
      %dma_start3A_302 = arith.constant 0 : i32
      %dma_start3A_303 = tpu.memref_slice %arg16[%dma_start3A_301, %dma_start3A_302] : memref<1000x128xf32, #tpu.memory_space<vmem_shared>> -> memref<1000x128xf32, #tpu.memory_space<vmem_shared>>
      tpu.enqueue_indirect_dma source(%dma_start3A_297 : memref<80x128xf32, #tpu.memory_space<vmem>>) target(%dma_start3A_303 : memref<1000x128xf32, #tpu.memory_space<vmem_shared>>) offsets(%dma_start3A_300 : memref<80xi32, #tpu.memory_space<vmem>>) semaphore(%arg22 : memref<!tpu.dma_semaphore, #tpu.memory_space<semaphore_mem>>) {add = true}
      %dma_start3A_304 = arith.constant 3 : i32
      %dma_start3A_305 = arith.constant 0 : i32
      %dma_start3A_306 = tpu.memref_slice %arg11[%dma_start3A_304, %dma_start3A_305] : memref<5x80xi32, #tpu.memory_space<vmem>> -> memref<1x80xi32, #tpu.memory_space<vmem>>
      %dma_start3A_307 = tpu.memref_squeeze %dma_start3A_306 : memref<1x80xi32, #tpu.memory_space<vmem>> -> memref<80xi32, #tpu.memory_space<vmem>>
      %dma_start3A_308 = arith.constant 0 : i32
      %dma_start3A_309 = arith.constant 0 : i32
      %dma_start3A_310 = tpu.memref_slice %arg17[%dma_start3A_308, %dma_start3A_309] : memref<1000x16xf32, #tpu.memory_space<vmem_shared>> -> memref<1000x16xf32, #tpu.memory_space<vmem_shared>>
      tpu.enqueue_indirect_dma source(%arg13 : memref<80x16xf32, #tpu.memory_space<vmem>>) target(%dma_start3A_310 : memref<1000x16xf32, #tpu.memory_space<vmem_shared>>) offsets(%dma_start3A_307 : memref<80xi32, #tpu.memory_space<vmem>>) semaphore(%arg22 : memref<!tpu.dma_semaphore, #tpu.memory_space<semaphore_mem>>) {add = true}
      %dma_start3A_311 = arith.constant 4 : i32
      %dma_start3A_312 = arith.constant 320 : i32
      %dma_start3A_313 = arith.constant 0 : i32
      %dma_start3A_314 = tpu.memref_slice %arg9[%dma_start3A_312, %dma_start3A_313] : memref<400x128xf32, #tpu.memory_space<vmem>> -> memref<80x128xf32, #tpu.memory_space<vmem>>
      %dma_start3A_315 = arith.constant 0 : i32
      %dma_start3A_316 = tpu.memref_slice %arg11[%dma_start3A_311, %dma_start3A_315] : memref<5x80xi32, #tpu.memory_space<vmem>> -> memref<1x80xi32, #tpu.memory_space<vmem>>
      %dma_start3A_317 = tpu.memref_squeeze %dma_start3A_316 : memref<1x80xi32, #tpu.memory_space<vmem>> -> memref<80xi32, #tpu.memory_space<vmem>>
      %dma_start3A_318 = arith.constant 0 : i32
      %dma_start3A_319 = arith.constant 0 : i32
      %dma_start3A_320 = tpu.memref_slice %arg16[%dma_start3A_318, %dma_start3A_319] : memref<1000x128xf32, #tpu.memory_space<vmem_shared>> -> memref<1000x128xf32, #tpu.memory_space<vmem_shared>>
      tpu.enqueue_indirect_dma source(%dma_start3A_314 : memref<80x128xf32, #tpu.memory_space<vmem>>) target(%dma_start3A_320 : memref<1000x128xf32, #tpu.memory_space<vmem_shared>>) offsets(%dma_start3A_317 : memref<80xi32, #tpu.memory_space<vmem>>) semaphore(%arg22 : memref<!tpu.dma_semaphore, #tpu.memory_space<semaphore_mem>>) {add = true}
      %dma_start3A_321 = arith.constant 4 : i32
      %dma_start3A_322 = arith.constant 0 : i32
      %dma_start3A_323 = tpu.memref_slice %arg11[%dma_start3A_321, %dma_start3A_322] : memref<5x80xi32, #tpu.memory_space<vmem>> -> memref<1x80xi32, #tpu.memory_space<vmem>>
      %dma_start3A_324 = tpu.memref_squeeze %dma_start3A_323 : memref<1x80xi32, #tpu.memory_space<vmem>> -> memref<80xi32, #tpu.memory_space<vmem>>
      %dma_start3A_325 = arith.constant 0 : i32
      %dma_start3A_326 = arith.constant 0 : i32
      %dma_start3A_327 = tpu.memref_slice %arg17[%dma_start3A_325, %dma_start3A_326] : memref<1000x16xf32, #tpu.memory_space<vmem_shared>> -> memref<1000x16xf32, #tpu.memory_space<vmem_shared>>
      tpu.enqueue_indirect_dma source(%arg13 : memref<80x16xf32, #tpu.memory_space<vmem>>) target(%dma_start3A_327 : memref<1000x16xf32, #tpu.memory_space<vmem_shared>>) offsets(%dma_start3A_324 : memref<80xi32, #tpu.memory_space<vmem>>) semaphore(%arg22 : memref<!tpu.dma_semaphore, #tpu.memory_space<semaphore_mem>>) {add = true}
    } else {
    }
    %add3A_191 = arith.constant 160 : i32
    %add3A_192 = arith.addi %add3A, %add3A_191 : i32
    %lt3A_193 = arith.constant 250 : i32
    %lt3A_194 = arith.cmpi slt, %add3A_192, %lt3A_193 : i32
    %convert_element_type3A_195 = arith.extui %lt3A_194 : i1 to i32
    %cond3A_196 = arith.constant 0 : i32
    %cond3A_197 = arith.cmpi ne, %convert_element_type3A_195, %cond3A_196 : i32
    scf.if %cond3A_197 {
      %dma_wait3A = arith.constant 0 : i32
      %dma_wait3A_244 = arith.constant 0 : i32
      %dma_wait3A_245 = arith.constant 0 : i32
      %dma_wait3A_246 = tpu.memref_slice %arg10[%dma_wait3A_244, %dma_wait3A_245] : memref<400x128xf32, #tpu.memory_space<vmem>> -> memref<80x128xf32, #tpu.memory_space<vmem>>
      %dma_wait3A_247 = arith.constant 0 : i32
      %dma_wait3A_248 = tpu.memref_slice %arg12[%dma_wait3A, %dma_wait3A_247] : memref<5x80xi32, #tpu.memory_space<vmem>> -> memref<1x80xi32, #tpu.memory_space<vmem>>
      %dma_wait3A_249 = tpu.memref_squeeze %dma_wait3A_248 : memref<1x80xi32, #tpu.memory_space<vmem>> -> memref<80xi32, #tpu.memory_space<vmem>>
      %dma_wait3A_250 = arith.constant 0 : i32
      %dma_wait3A_251 = arith.constant 0 : i32
      %dma_wait3A_252 = tpu.memref_slice %arg16[%dma_wait3A_250, %dma_wait3A_251] : memref<1000x128xf32, #tpu.memory_space<vmem_shared>> -> memref<1000x128xf32, #tpu.memory_space<vmem_shared>>
      tpu.wait_indirect_dma semaphore(%arg23 : memref<!tpu.dma_semaphore, #tpu.memory_space<semaphore_mem>>) src(%dma_wait3A_246 : memref<80x128xf32, #tpu.memory_space<vmem>>) dst(%dma_wait3A_252 : memref<1000x128xf32, #tpu.memory_space<vmem_shared>>)
      %dma_wait3A_253 = arith.constant 0 : i32
      %dma_wait3A_254 = arith.constant 0 : i32
      %dma_wait3A_255 = tpu.memref_slice %arg12[%dma_wait3A_253, %dma_wait3A_254] : memref<5x80xi32, #tpu.memory_space<vmem>> -> memref<1x80xi32, #tpu.memory_space<vmem>>
      %dma_wait3A_256 = tpu.memref_squeeze %dma_wait3A_255 : memref<1x80xi32, #tpu.memory_space<vmem>> -> memref<80xi32, #tpu.memory_space<vmem>>
      %dma_wait3A_257 = arith.constant 0 : i32
      %dma_wait3A_258 = arith.constant 0 : i32
      %dma_wait3A_259 = tpu.memref_slice %arg17[%dma_wait3A_257, %dma_wait3A_258] : memref<1000x16xf32, #tpu.memory_space<vmem_shared>> -> memref<1000x16xf32, #tpu.memory_space<vmem_shared>>
      tpu.wait_indirect_dma semaphore(%arg23 : memref<!tpu.dma_semaphore, #tpu.memory_space<semaphore_mem>>) src(%arg13 : memref<80x16xf32, #tpu.memory_space<vmem>>) dst(%dma_wait3A_259 : memref<1000x16xf32, #tpu.memory_space<vmem_shared>>)
      %dma_wait3A_260 = arith.constant 1 : i32
      %dma_wait3A_261 = arith.constant 80 : i32
      %dma_wait3A_262 = arith.constant 0 : i32
      %dma_wait3A_263 = tpu.memref_slice %arg10[%dma_wait3A_261, %dma_wait3A_262] : memref<400x128xf32, #tpu.memory_space<vmem>> -> memref<80x128xf32, #tpu.memory_space<vmem>>
      %dma_wait3A_264 = arith.constant 0 : i32
      %dma_wait3A_265 = tpu.memref_slice %arg12[%dma_wait3A_260, %dma_wait3A_264] : memref<5x80xi32, #tpu.memory_space<vmem>> -> memref<1x80xi32, #tpu.memory_space<vmem>>
      %dma_wait3A_266 = tpu.memref_squeeze %dma_wait3A_265 : memref<1x80xi32, #tpu.memory_space<vmem>> -> memref<80xi32, #tpu.memory_space<vmem>>
      %dma_wait3A_267 = arith.constant 0 : i32
      %dma_wait3A_268 = arith.constant 0 : i32
      %dma_wait3A_269 = tpu.memref_slice %arg16[%dma_wait3A_267, %dma_wait3A_268] : memref<1000x128xf32, #tpu.memory_space<vmem_shared>> -> memref<1000x128xf32, #tpu.memory_space<vmem_shared>>
      tpu.wait_indirect_dma semaphore(%arg23 : memref<!tpu.dma_semaphore, #tpu.memory_space<semaphore_mem>>) src(%dma_wait3A_263 : memref<80x128xf32, #tpu.memory_space<vmem>>) dst(%dma_wait3A_269 : memref<1000x128xf32, #tpu.memory_space<vmem_shared>>)
      %dma_wait3A_270 = arith.constant 1 : i32
      %dma_wait3A_271 = arith.constant 0 : i32
      %dma_wait3A_272 = tpu.memref_slice %arg12[%dma_wait3A_270, %dma_wait3A_271] : memref<5x80xi32, #tpu.memory_space<vmem>> -> memref<1x80xi32, #tpu.memory_space<vmem>>
      %dma_wait3A_273 = tpu.memref_squeeze %dma_wait3A_272 : memref<1x80xi32, #tpu.memory_space<vmem>> -> memref<80xi32, #tpu.memory_space<vmem>>
      %dma_wait3A_274 = arith.constant 0 : i32
      %dma_wait3A_275 = arith.constant 0 : i32
      %dma_wait3A_276 = tpu.memref_slice %arg17[%dma_wait3A_274, %dma_wait3A_275] : memref<1000x16xf32, #tpu.memory_space<vmem_shared>> -> memref<1000x16xf32, #tpu.memory_space<vmem_shared>>
      tpu.wait_indirect_dma semaphore(%arg23 : memref<!tpu.dma_semaphore, #tpu.memory_space<semaphore_mem>>) src(%arg13 : memref<80x16xf32, #tpu.memory_space<vmem>>) dst(%dma_wait3A_276 : memref<1000x16xf32, #tpu.memory_space<vmem_shared>>)
      %dma_wait3A_277 = arith.constant 2 : i32
      %dma_wait3A_278 = arith.constant 160 : i32
      %dma_wait3A_279 = arith.constant 0 : i32
      %dma_wait3A_280 = tpu.memref_slice %arg10[%dma_wait3A_278, %dma_wait3A_279] : memref<400x128xf32, #tpu.memory_space<vmem>> -> memref<80x128xf32, #tpu.memory_space<vmem>>
      %dma_wait3A_281 = arith.constant 0 : i32
      %dma_wait3A_282 = tpu.memref_slice %arg12[%dma_wait3A_277, %dma_wait3A_281] : memref<5x80xi32, #tpu.memory_space<vmem>> -> memref<1x80xi32, #tpu.memory_space<vmem>>
      %dma_wait3A_283 = tpu.memref_squeeze %dma_wait3A_282 : memref<1x80xi32, #tpu.memory_space<vmem>> -> memref<80xi32, #tpu.memory_space<vmem>>
      %dma_wait3A_284 = arith.constant 0 : i32
      %dma_wait3A_285 = arith.constant 0 : i32
      %dma_wait3A_286 = tpu.memref_slice %arg16[%dma_wait3A_284, %dma_wait3A_285] : memref<1000x128xf32, #tpu.memory_space<vmem_shared>> -> memref<1000x128xf32, #tpu.memory_space<vmem_shared>>
      tpu.wait_indirect_dma semaphore(%arg23 : memref<!tpu.dma_semaphore, #tpu.memory_space<semaphore_mem>>) src(%dma_wait3A_280 : memref<80x128xf32, #tpu.memory_space<vmem>>) dst(%dma_wait3A_286 : memref<1000x128xf32, #tpu.memory_space<vmem_shared>>)
      %dma_wait3A_287 = arith.constant 2 : i32
      %dma_wait3A_288 = arith.constant 0 : i32
      %dma_wait3A_289 = tpu.memref_slice %arg12[%dma_wait3A_287, %dma_wait3A_288] : memref<5x80xi32, #tpu.memory_space<vmem>> -> memref<1x80xi32, #tpu.memory_space<vmem>>
      %dma_wait3A_290 = tpu.memref_squeeze %dma_wait3A_289 : memref<1x80xi32, #tpu.memory_space<vmem>> -> memref<80xi32, #tpu.memory_space<vmem>>
      %dma_wait3A_291 = arith.constant 0 : i32
      %dma_wait3A_292 = arith.constant 0 : i32
      %dma_wait3A_293 = tpu.memref_slice %arg17[%dma_wait3A_291, %dma_wait3A_292] : memref<1000x16xf32, #tpu.memory_space<vmem_shared>> -> memref<1000x16xf32, #tpu.memory_space<vmem_shared>>
      tpu.wait_indirect_dma semaphore(%arg23 : memref<!tpu.dma_semaphore, #tpu.memory_space<semaphore_mem>>) src(%arg13 : memref<80x16xf32, #tpu.memory_space<vmem>>) dst(%dma_wait3A_293 : memref<1000x16xf32, #tpu.memory_space<vmem_shared>>)
      %dma_wait3A_294 = arith.constant 3 : i32
      %dma_wait3A_295 = arith.constant 240 : i32
      %dma_wait3A_296 = arith.constant 0 : i32
      %dma_wait3A_297 = tpu.memref_slice %arg10[%dma_wait3A_295, %dma_wait3A_296] : memref<400x128xf32, #tpu.memory_space<vmem>> -> memref<80x128xf32, #tpu.memory_space<vmem>>
      %dma_wait3A_298 = arith.constant 0 : i32
      %dma_wait3A_299 = tpu.memref_slice %arg12[%dma_wait3A_294, %dma_wait3A_298] : memref<5x80xi32, #tpu.memory_space<vmem>> -> memref<1x80xi32, #tpu.memory_space<vmem>>
      %dma_wait3A_300 = tpu.memref_squeeze %dma_wait3A_299 : memref<1x80xi32, #tpu.memory_space<vmem>> -> memref<80xi32, #tpu.memory_space<vmem>>
      %dma_wait3A_301 = arith.constant 0 : i32
      %dma_wait3A_302 = arith.constant 0 : i32
      %dma_wait3A_303 = tpu.memref_slice %arg16[%dma_wait3A_301, %dma_wait3A_302] : memref<1000x128xf32, #tpu.memory_space<vmem_shared>> -> memref<1000x128xf32, #tpu.memory_space<vmem_shared>>
      tpu.wait_indirect_dma semaphore(%arg23 : memref<!tpu.dma_semaphore, #tpu.memory_space<semaphore_mem>>) src(%dma_wait3A_297 : memref<80x128xf32, #tpu.memory_space<vmem>>) dst(%dma_wait3A_303 : memref<1000x128xf32, #tpu.memory_space<vmem_shared>>)
      %dma_wait3A_304 = arith.constant 3 : i32
      %dma_wait3A_305 = arith.constant 0 : i32
      %dma_wait3A_306 = tpu.memref_slice %arg12[%dma_wait3A_304, %dma_wait3A_305] : memref<5x80xi32, #tpu.memory_space<vmem>> -> memref<1x80xi32, #tpu.memory_space<vmem>>
      %dma_wait3A_307 = tpu.memref_squeeze %dma_wait3A_306 : memref<1x80xi32, #tpu.memory_space<vmem>> -> memref<80xi32, #tpu.memory_space<vmem>>
      %dma_wait3A_308 = arith.constant 0 : i32
      %dma_wait3A_309 = arith.constant 0 : i32
      %dma_wait3A_310 = tpu.memref_slice %arg17[%dma_wait3A_308, %dma_wait3A_309] : memref<1000x16xf32, #tpu.memory_space<vmem_shared>> -> memref<1000x16xf32, #tpu.memory_space<vmem_shared>>
      tpu.wait_indirect_dma semaphore(%arg23 : memref<!tpu.dma_semaphore, #tpu.memory_space<semaphore_mem>>) src(%arg13 : memref<80x16xf32, #tpu.memory_space<vmem>>) dst(%dma_wait3A_310 : memref<1000x16xf32, #tpu.memory_space<vmem_shared>>)
      %dma_wait3A_311 = arith.constant 4 : i32
      %dma_wait3A_312 = arith.constant 320 : i32
      %dma_wait3A_313 = arith.constant 0 : i32
      %dma_wait3A_314 = tpu.memref_slice %arg10[%dma_wait3A_312, %dma_wait3A_313] : memref<400x128xf32, #tpu.memory_space<vmem>> -> memref<80x128xf32, #tpu.memory_space<vmem>>
      %dma_wait3A_315 = arith.constant 0 : i32
      %dma_wait3A_316 = tpu.memref_slice %arg12[%dma_wait3A_311, %dma_wait3A_315] : memref<5x80xi32, #tpu.memory_space<vmem>> -> memref<1x80xi32, #tpu.memory_space<vmem>>
      %dma_wait3A_317 = tpu.memref_squeeze %dma_wait3A_316 : memref<1x80xi32, #tpu.memory_space<vmem>> -> memref<80xi32, #tpu.memory_space<vmem>>
      %dma_wait3A_318 = arith.constant 0 : i32
      %dma_wait3A_319 = arith.constant 0 : i32
      %dma_wait3A_320 = tpu.memref_slice %arg16[%dma_wait3A_318, %dma_wait3A_319] : memref<1000x128xf32, #tpu.memory_space<vmem_shared>> -> memref<1000x128xf32, #tpu.memory_space<vmem_shared>>
      tpu.wait_indirect_dma semaphore(%arg23 : memref<!tpu.dma_semaphore, #tpu.memory_space<semaphore_mem>>) src(%dma_wait3A_314 : memref<80x128xf32, #tpu.memory_space<vmem>>) dst(%dma_wait3A_320 : memref<1000x128xf32, #tpu.memory_space<vmem_shared>>)
      %dma_wait3A_321 = arith.constant 4 : i32
      %dma_wait3A_322 = arith.constant 0 : i32
      %dma_wait3A_323 = tpu.memref_slice %arg12[%dma_wait3A_321, %dma_wait3A_322] : memref<5x80xi32, #tpu.memory_space<vmem>> -> memref<1x80xi32, #tpu.memory_space<vmem>>
      %dma_wait3A_324 = tpu.memref_squeeze %dma_wait3A_323 : memref<1x80xi32, #tpu.memory_space<vmem>> -> memref<80xi32, #tpu.memory_space<vmem>>
      %dma_wait3A_325 = arith.constant 0 : i32
      %dma_wait3A_326 = arith.constant 0 : i32
      %dma_wait3A_327 = tpu.memref_slice %arg17[%dma_wait3A_325, %dma_wait3A_326] : memref<1000x16xf32, #tpu.memory_space<vmem_shared>> -> memref<1000x16xf32, #tpu.memory_space<vmem_shared>>
      tpu.wait_indirect_dma semaphore(%arg23 : memref<!tpu.dma_semaphore, #tpu.memory_space<semaphore_mem>>) src(%arg13 : memref<80x16xf32, #tpu.memory_space<vmem>>) dst(%dma_wait3A_327 : memref<1000x16xf32, #tpu.memory_space<vmem_shared>>)
    } else {
    }
    %add3A_198 = arith.constant 224 : i32
    %add3A_199 = arith.addi %add3A, %add3A_198 : i32
    %lt3A_200 = arith.constant 250 : i32
    %lt3A_201 = arith.cmpi slt, %add3A_199, %lt3A_200 : i32
    %convert_element_type3A_202 = arith.extui %lt3A_201 : i1 to i32
    %cond3A_203 = arith.constant 0 : i32
    %cond3A_204 = arith.cmpi ne, %convert_element_type3A_202, %cond3A_203 : i32
    scf.if %cond3A_204 {
      %mul3A_244 = arith.constant 400 : i32
      %mul3A_245 = arith.muli %add3A_199, %mul3A_244 : i32
      %dma_start3A = arith.constant 0 : i32
      %dma_start3A_246 = tpu.memref_slice %arg2[%mul3A_245, %dma_start3A] : memref<100000x128xf32, #tpu.memory_space<hbm>> -> memref<400x128xf32, #tpu.memory_space<hbm>>
      %dma_start3A_247 = arith.constant 0 : i32
      %dma_start3A_248 = tpu.memref_slice %arg2[%mul3A_245, %dma_start3A_247] : memref<100000x128xf32, #tpu.memory_space<hbm>> -> memref<400x128xf32, #tpu.memory_space<hbm>>
      tpu.enqueue_dma source(%dma_start3A_248 : memref<400x128xf32, #tpu.memory_space<hbm>>) target(%arg10 : memref<400x128xf32, #tpu.memory_space<vmem>>) target_semaphore(%arg19 : memref<!tpu.dma_semaphore, #tpu.memory_space<semaphore_mem>>)
      %mul3A_249 = arith.constant 5 : i32
      %mul3A_250 = arith.muli %add3A_199, %mul3A_249 : i32
      %dma_start3A_251 = arith.constant 0 : i32
      %dma_start3A_252 = tpu.memref_slice %arg3[%mul3A_250, %dma_start3A_251] : memref<1250x80xi32, #tpu.memory_space<hbm>> -> memref<5x80xi32, #tpu.memory_space<hbm>>
      %dma_start3A_253 = arith.constant 0 : i32
      %dma_start3A_254 = tpu.memref_slice %arg3[%mul3A_250, %dma_start3A_253] : memref<1250x80xi32, #tpu.memory_space<hbm>> -> memref<5x80xi32, #tpu.memory_space<hbm>>
      tpu.enqueue_dma source(%dma_start3A_254 : memref<5x80xi32, #tpu.memory_space<hbm>>) target(%arg12 : memref<5x80xi32, #tpu.memory_space<vmem>>) target_semaphore(%arg21 : memref<!tpu.dma_semaphore, #tpu.memory_space<semaphore_mem>>)
    } else {
    }
    %add3A_205 = arith.constant 224 : i32
    %add3A_206 = arith.addi %add3A, %add3A_205 : i32
    %lt3A_207 = arith.constant 250 : i32
    %lt3A_208 = arith.cmpi slt, %add3A_206, %lt3A_207 : i32
    %convert_element_type3A_209 = arith.extui %lt3A_208 : i1 to i32
    %cond3A_210 = arith.constant 0 : i32
    %cond3A_211 = arith.cmpi ne, %convert_element_type3A_209, %cond3A_210 : i32
    scf.if %cond3A_211 {
      %dma_wait3A = arith.constant 0 : i32
      %dma_wait3A_244 = arith.constant 0 : i32
      %dma_wait3A_245 = tpu.memref_slice %arg2[%dma_wait3A, %dma_wait3A_244] : memref<100000x128xf32, #tpu.memory_space<hbm>> -> memref<400x128xf32, #tpu.memory_space<hbm>>
      %dma_wait3A_246 = arith.constant 0 : i32
      %dma_wait3A_247 = arith.constant 0 : i32
      %dma_wait3A_248 = tpu.memref_slice %arg2[%dma_wait3A_246, %dma_wait3A_247] : memref<100000x128xf32, #tpu.memory_space<hbm>> -> memref<400x128xf32, #tpu.memory_space<hbm>>
      tpu.wait_dma2 semaphore(%arg19 : memref<!tpu.dma_semaphore, #tpu.memory_space<semaphore_mem>>) src(%dma_wait3A_248 : memref<400x128xf32, #tpu.memory_space<hbm>>) dst(%arg10 : memref<400x128xf32, #tpu.memory_space<vmem>>)
      %dma_wait3A_249 = arith.constant 0 : i32
      %dma_wait3A_250 = arith.constant 0 : i32
      %dma_wait3A_251 = tpu.memref_slice %arg3[%dma_wait3A_249, %dma_wait3A_250] : memref<1250x80xi32, #tpu.memory_space<hbm>> -> memref<5x80xi32, #tpu.memory_space<hbm>>
      %dma_wait3A_252 = arith.constant 0 : i32
      %dma_wait3A_253 = arith.constant 0 : i32
      %dma_wait3A_254 = tpu.memref_slice %arg3[%dma_wait3A_252, %dma_wait3A_253] : memref<1250x80xi32, #tpu.memory_space<hbm>> -> memref<5x80xi32, #tpu.memory_space<hbm>>
      tpu.wait_dma2 semaphore(%arg21 : memref<!tpu.dma_semaphore, #tpu.memory_space<semaphore_mem>>) src(%dma_wait3A_254 : memref<5x80xi32, #tpu.memory_space<hbm>>) dst(%arg12 : memref<5x80xi32, #tpu.memory_space<vmem>>)
    } else {
    }
    %add3A_212 = arith.constant 224 : i32
    %add3A_213 = arith.addi %add3A, %add3A_212 : i32
    %lt3A_214 = arith.constant 250 : i32
    %lt3A_215 = arith.cmpi slt, %add3A_213, %lt3A_214 : i32
    %convert_element_type3A_216 = arith.extui %lt3A_215 : i1 to i32
    %cond3A_217 = arith.constant 0 : i32
    %cond3A_218 = arith.cmpi ne, %convert_element_type3A_216, %cond3A_217 : i32
    scf.if %cond3A_218 {
      %dma_start3A = arith.constant 0 : i32
      %dma_start3A_244 = arith.constant 0 : i32
      %dma_start3A_245 = arith.constant 0 : i32
      %dma_start3A_246 = tpu.memref_slice %arg10[%dma_start3A_244, %dma_start3A_245] : memref<400x128xf32, #tpu.memory_space<vmem>> -> memref<80x128xf32, #tpu.memory_space<vmem>>
      %dma_start3A_247 = arith.constant 0 : i32
      %dma_start3A_248 = tpu.memref_slice %arg12[%dma_start3A, %dma_start3A_247] : memref<5x80xi32, #tpu.memory_space<vmem>> -> memref<1x80xi32, #tpu.memory_space<vmem>>
      %dma_start3A_249 = tpu.memref_squeeze %dma_start3A_248 : memref<1x80xi32, #tpu.memory_space<vmem>> -> memref<80xi32, #tpu.memory_space<vmem>>
      %dma_start3A_250 = arith.constant 0 : i32
      %dma_start3A_251 = arith.constant 0 : i32
      %dma_start3A_252 = tpu.memref_slice %arg16[%dma_start3A_250, %dma_start3A_251] : memref<1000x128xf32, #tpu.memory_space<vmem_shared>> -> memref<1000x128xf32, #tpu.memory_space<vmem_shared>>
      tpu.enqueue_indirect_dma source(%dma_start3A_246 : memref<80x128xf32, #tpu.memory_space<vmem>>) target(%dma_start3A_252 : memref<1000x128xf32, #tpu.memory_space<vmem_shared>>) offsets(%dma_start3A_249 : memref<80xi32, #tpu.memory_space<vmem>>) semaphore(%arg23 : memref<!tpu.dma_semaphore, #tpu.memory_space<semaphore_mem>>) {add = true}
      %dma_start3A_253 = arith.constant 0 : i32
      %dma_start3A_254 = arith.constant 0 : i32
      %dma_start3A_255 = tpu.memref_slice %arg12[%dma_start3A_253, %dma_start3A_254] : memref<5x80xi32, #tpu.memory_space<vmem>> -> memref<1x80xi32, #tpu.memory_space<vmem>>
      %dma_start3A_256 = tpu.memref_squeeze %dma_start3A_255 : memref<1x80xi32, #tpu.memory_space<vmem>> -> memref<80xi32, #tpu.memory_space<vmem>>
      %dma_start3A_257 = arith.constant 0 : i32
      %dma_start3A_258 = arith.constant 0 : i32
      %dma_start3A_259 = tpu.memref_slice %arg17[%dma_start3A_257, %dma_start3A_258] : memref<1000x16xf32, #tpu.memory_space<vmem_shared>> -> memref<1000x16xf32, #tpu.memory_space<vmem_shared>>
      tpu.enqueue_indirect_dma source(%arg13 : memref<80x16xf32, #tpu.memory_space<vmem>>) target(%dma_start3A_259 : memref<1000x16xf32, #tpu.memory_space<vmem_shared>>) offsets(%dma_start3A_256 : memref<80xi32, #tpu.memory_space<vmem>>) semaphore(%arg23 : memref<!tpu.dma_semaphore, #tpu.memory_space<semaphore_mem>>) {add = true}
      %dma_start3A_260 = arith.constant 1 : i32
      %dma_start3A_261 = arith.constant 80 : i32
      %dma_start3A_262 = arith.constant 0 : i32
      %dma_start3A_263 = tpu.memref_slice %arg10[%dma_start3A_261, %dma_start3A_262] : memref<400x128xf32, #tpu.memory_space<vmem>> -> memref<80x128xf32, #tpu.memory_space<vmem>>
      %dma_start3A_264 = arith.constant 0 : i32
      %dma_start3A_265 = tpu.memref_slice %arg12[%dma_start3A_260, %dma_start3A_264] : memref<5x80xi32, #tpu.memory_space<vmem>> -> memref<1x80xi32, #tpu.memory_space<vmem>>
      %dma_start3A_266 = tpu.memref_squeeze %dma_start3A_265 : memref<1x80xi32, #tpu.memory_space<vmem>> -> memref<80xi32, #tpu.memory_space<vmem>>
      %dma_start3A_267 = arith.constant 0 : i32
      %dma_start3A_268 = arith.constant 0 : i32
      %dma_start3A_269 = tpu.memref_slice %arg16[%dma_start3A_267, %dma_start3A_268] : memref<1000x128xf32, #tpu.memory_space<vmem_shared>> -> memref<1000x128xf32, #tpu.memory_space<vmem_shared>>
      tpu.enqueue_indirect_dma source(%dma_start3A_263 : memref<80x128xf32, #tpu.memory_space<vmem>>) target(%dma_start3A_269 : memref<1000x128xf32, #tpu.memory_space<vmem_shared>>) offsets(%dma_start3A_266 : memref<80xi32, #tpu.memory_space<vmem>>) semaphore(%arg23 : memref<!tpu.dma_semaphore, #tpu.memory_space<semaphore_mem>>) {add = true}
      %dma_start3A_270 = arith.constant 1 : i32
      %dma_start3A_271 = arith.constant 0 : i32
      %dma_start3A_272 = tpu.memref_slice %arg12[%dma_start3A_270, %dma_start3A_271] : memref<5x80xi32, #tpu.memory_space<vmem>> -> memref<1x80xi32, #tpu.memory_space<vmem>>
      %dma_start3A_273 = tpu.memref_squeeze %dma_start3A_272 : memref<1x80xi32, #tpu.memory_space<vmem>> -> memref<80xi32, #tpu.memory_space<vmem>>
      %dma_start3A_274 = arith.constant 0 : i32
      %dma_start3A_275 = arith.constant 0 : i32
      %dma_start3A_276 = tpu.memref_slice %arg17[%dma_start3A_274, %dma_start3A_275] : memref<1000x16xf32, #tpu.memory_space<vmem_shared>> -> memref<1000x16xf32, #tpu.memory_space<vmem_shared>>
      tpu.enqueue_indirect_dma source(%arg13 : memref<80x16xf32, #tpu.memory_space<vmem>>) target(%dma_start3A_276 : memref<1000x16xf32, #tpu.memory_space<vmem_shared>>) offsets(%dma_start3A_273 : memref<80xi32, #tpu.memory_space<vmem>>) semaphore(%arg23 : memref<!tpu.dma_semaphore, #tpu.memory_space<semaphore_mem>>) {add = true}
      %dma_start3A_277 = arith.constant 2 : i32
      %dma_start3A_278 = arith.constant 160 : i32
      %dma_start3A_279 = arith.constant 0 : i32
      %dma_start3A_280 = tpu.memref_slice %arg10[%dma_start3A_278, %dma_start3A_279] : memref<400x128xf32, #tpu.memory_space<vmem>> -> memref<80x128xf32, #tpu.memory_space<vmem>>
      %dma_start3A_281 = arith.constant 0 : i32
      %dma_start3A_282 = tpu.memref_slice %arg12[%dma_start3A_277, %dma_start3A_281] : memref<5x80xi32, #tpu.memory_space<vmem>> -> memref<1x80xi32, #tpu.memory_space<vmem>>
      %dma_start3A_283 = tpu.memref_squeeze %dma_start3A_282 : memref<1x80xi32, #tpu.memory_space<vmem>> -> memref<80xi32, #tpu.memory_space<vmem>>
      %dma_start3A_284 = arith.constant 0 : i32
      %dma_start3A_285 = arith.constant 0 : i32
      %dma_start3A_286 = tpu.memref_slice %arg16[%dma_start3A_284, %dma_start3A_285] : memref<1000x128xf32, #tpu.memory_space<vmem_shared>> -> memref<1000x128xf32, #tpu.memory_space<vmem_shared>>
      tpu.enqueue_indirect_dma source(%dma_start3A_280 : memref<80x128xf32, #tpu.memory_space<vmem>>) target(%dma_start3A_286 : memref<1000x128xf32, #tpu.memory_space<vmem_shared>>) offsets(%dma_start3A_283 : memref<80xi32, #tpu.memory_space<vmem>>) semaphore(%arg23 : memref<!tpu.dma_semaphore, #tpu.memory_space<semaphore_mem>>) {add = true}
      %dma_start3A_287 = arith.constant 2 : i32
      %dma_start3A_288 = arith.constant 0 : i32
      %dma_start3A_289 = tpu.memref_slice %arg12[%dma_start3A_287, %dma_start3A_288] : memref<5x80xi32, #tpu.memory_space<vmem>> -> memref<1x80xi32, #tpu.memory_space<vmem>>
      %dma_start3A_290 = tpu.memref_squeeze %dma_start3A_289 : memref<1x80xi32, #tpu.memory_space<vmem>> -> memref<80xi32, #tpu.memory_space<vmem>>
      %dma_start3A_291 = arith.constant 0 : i32
      %dma_start3A_292 = arith.constant 0 : i32
      %dma_start3A_293 = tpu.memref_slice %arg17[%dma_start3A_291, %dma_start3A_292] : memref<1000x16xf32, #tpu.memory_space<vmem_shared>> -> memref<1000x16xf32, #tpu.memory_space<vmem_shared>>
      tpu.enqueue_indirect_dma source(%arg13 : memref<80x16xf32, #tpu.memory_space<vmem>>) target(%dma_start3A_293 : memref<1000x16xf32, #tpu.memory_space<vmem_shared>>) offsets(%dma_start3A_290 : memref<80xi32, #tpu.memory_space<vmem>>) semaphore(%arg23 : memref<!tpu.dma_semaphore, #tpu.memory_space<semaphore_mem>>) {add = true}
      %dma_start3A_294 = arith.constant 3 : i32
      %dma_start3A_295 = arith.constant 240 : i32
      %dma_start3A_296 = arith.constant 0 : i32
      %dma_start3A_297 = tpu.memref_slice %arg10[%dma_start3A_295, %dma_start3A_296] : memref<400x128xf32, #tpu.memory_space<vmem>> -> memref<80x128xf32, #tpu.memory_space<vmem>>
      %dma_start3A_298 = arith.constant 0 : i32
      %dma_start3A_299 = tpu.memref_slice %arg12[%dma_start3A_294, %dma_start3A_298] : memref<5x80xi32, #tpu.memory_space<vmem>> -> memref<1x80xi32, #tpu.memory_space<vmem>>
      %dma_start3A_300 = tpu.memref_squeeze %dma_start3A_299 : memref<1x80xi32, #tpu.memory_space<vmem>> -> memref<80xi32, #tpu.memory_space<vmem>>
      %dma_start3A_301 = arith.constant 0 : i32
      %dma_start3A_302 = arith.constant 0 : i32
      %dma_start3A_303 = tpu.memref_slice %arg16[%dma_start3A_301, %dma_start3A_302] : memref<1000x128xf32, #tpu.memory_space<vmem_shared>> -> memref<1000x128xf32, #tpu.memory_space<vmem_shared>>
      tpu.enqueue_indirect_dma source(%dma_start3A_297 : memref<80x128xf32, #tpu.memory_space<vmem>>) target(%dma_start3A_303 : memref<1000x128xf32, #tpu.memory_space<vmem_shared>>) offsets(%dma_start3A_300 : memref<80xi32, #tpu.memory_space<vmem>>) semaphore(%arg23 : memref<!tpu.dma_semaphore, #tpu.memory_space<semaphore_mem>>) {add = true}
      %dma_start3A_304 = arith.constant 3 : i32
      %dma_start3A_305 = arith.constant 0 : i32
      %dma_start3A_306 = tpu.memref_slice %arg12[%dma_start3A_304, %dma_start3A_305] : memref<5x80xi32, #tpu.memory_space<vmem>> -> memref<1x80xi32, #tpu.memory_space<vmem>>
      %dma_start3A_307 = tpu.memref_squeeze %dma_start3A_306 : memref<1x80xi32, #tpu.memory_space<vmem>> -> memref<80xi32, #tpu.memory_space<vmem>>
      %dma_start3A_308 = arith.constant 0 : i32
      %dma_start3A_309 = arith.constant 0 : i32
      %dma_start3A_310 = tpu.memref_slice %arg17[%dma_start3A_308, %dma_start3A_309] : memref<1000x16xf32, #tpu.memory_space<vmem_shared>> -> memref<1000x16xf32, #tpu.memory_space<vmem_shared>>
      tpu.enqueue_indirect_dma source(%arg13 : memref<80x16xf32, #tpu.memory_space<vmem>>) target(%dma_start3A_310 : memref<1000x16xf32, #tpu.memory_space<vmem_shared>>) offsets(%dma_start3A_307 : memref<80xi32, #tpu.memory_space<vmem>>) semaphore(%arg23 : memref<!tpu.dma_semaphore, #tpu.memory_space<semaphore_mem>>) {add = true}
      %dma_start3A_311 = arith.constant 4 : i32
      %dma_start3A_312 = arith.constant 320 : i32
      %dma_start3A_313 = arith.constant 0 : i32
      %dma_start3A_314 = tpu.memref_slice %arg10[%dma_start3A_312, %dma_start3A_313] : memref<400x128xf32, #tpu.memory_space<vmem>> -> memref<80x128xf32, #tpu.memory_space<vmem>>
      %dma_start3A_315 = arith.constant 0 : i32
      %dma_start3A_316 = tpu.memref_slice %arg12[%dma_start3A_311, %dma_start3A_315] : memref<5x80xi32, #tpu.memory_space<vmem>> -> memref<1x80xi32, #tpu.memory_space<vmem>>
      %dma_start3A_317 = tpu.memref_squeeze %dma_start3A_316 : memref<1x80xi32, #tpu.memory_space<vmem>> -> memref<80xi32, #tpu.memory_space<vmem>>
      %dma_start3A_318 = arith.constant 0 : i32
      %dma_start3A_319 = arith.constant 0 : i32
      %dma_start3A_320 = tpu.memref_slice %arg16[%dma_start3A_318, %dma_start3A_319] : memref<1000x128xf32, #tpu.memory_space<vmem_shared>> -> memref<1000x128xf32, #tpu.memory_space<vmem_shared>>
      tpu.enqueue_indirect_dma source(%dma_start3A_314 : memref<80x128xf32, #tpu.memory_space<vmem>>) target(%dma_start3A_320 : memref<1000x128xf32, #tpu.memory_space<vmem_shared>>) offsets(%dma_start3A_317 : memref<80xi32, #tpu.memory_space<vmem>>) semaphore(%arg23 : memref<!tpu.dma_semaphore, #tpu.memory_space<semaphore_mem>>) {add = true}
      %dma_start3A_321 = arith.constant 4 : i32
      %dma_start3A_322 = arith.constant 0 : i32
      %dma_start3A_323 = tpu.memref_slice %arg12[%dma_start3A_321, %dma_start3A_322] : memref<5x80xi32, #tpu.memory_space<vmem>> -> memref<1x80xi32, #tpu.memory_space<vmem>>
      %dma_start3A_324 = tpu.memref_squeeze %dma_start3A_323 : memref<1x80xi32, #tpu.memory_space<vmem>> -> memref<80xi32, #tpu.memory_space<vmem>>
      %dma_start3A_325 = arith.constant 0 : i32
      %dma_start3A_326 = arith.constant 0 : i32
      %dma_start3A_327 = tpu.memref_slice %arg17[%dma_start3A_325, %dma_start3A_326] : memref<1000x16xf32, #tpu.memory_space<vmem_shared>> -> memref<1000x16xf32, #tpu.memory_space<vmem_shared>>
      tpu.enqueue_indirect_dma source(%arg13 : memref<80x16xf32, #tpu.memory_space<vmem>>) target(%dma_start3A_327 : memref<1000x16xf32, #tpu.memory_space<vmem_shared>>) offsets(%dma_start3A_324 : memref<80xi32, #tpu.memory_space<vmem>>) semaphore(%arg23 : memref<!tpu.dma_semaphore, #tpu.memory_space<semaphore_mem>>) {add = true}
    } else {
    }
    %add3A_219 = arith.constant 192 : i32
    %add3A_220 = arith.addi %add3A, %add3A_219 : i32
    %lt3A_221 = arith.constant 250 : i32
    %lt3A_222 = arith.cmpi slt, %add3A_220, %lt3A_221 : i32
    %convert_element_type3A_223 = arith.extui %lt3A_222 : i1 to i32
    %cond3A_224 = arith.constant 0 : i32
    %cond3A_225 = arith.cmpi ne, %convert_element_type3A_223, %cond3A_224 : i32
    scf.if %cond3A_225 {
      %dma_wait3A = arith.constant 0 : i32
      %dma_wait3A_244 = arith.constant 0 : i32
      %dma_wait3A_245 = arith.constant 0 : i32
      %dma_wait3A_246 = tpu.memref_slice %arg9[%dma_wait3A_244, %dma_wait3A_245] : memref<400x128xf32, #tpu.memory_space<vmem>> -> memref<80x128xf32, #tpu.memory_space<vmem>>
      %dma_wait3A_247 = arith.constant 0 : i32
      %dma_wait3A_248 = tpu.memref_slice %arg11[%dma_wait3A, %dma_wait3A_247] : memref<5x80xi32, #tpu.memory_space<vmem>> -> memref<1x80xi32, #tpu.memory_space<vmem>>
      %dma_wait3A_249 = tpu.memref_squeeze %dma_wait3A_248 : memref<1x80xi32, #tpu.memory_space<vmem>> -> memref<80xi32, #tpu.memory_space<vmem>>
      %dma_wait3A_250 = arith.constant 0 : i32
      %dma_wait3A_251 = arith.constant 0 : i32
      %dma_wait3A_252 = tpu.memref_slice %arg16[%dma_wait3A_250, %dma_wait3A_251] : memref<1000x128xf32, #tpu.memory_space<vmem_shared>> -> memref<1000x128xf32, #tpu.memory_space<vmem_shared>>
      tpu.wait_indirect_dma semaphore(%arg22 : memref<!tpu.dma_semaphore, #tpu.memory_space<semaphore_mem>>) src(%dma_wait3A_246 : memref<80x128xf32, #tpu.memory_space<vmem>>) dst(%dma_wait3A_252 : memref<1000x128xf32, #tpu.memory_space<vmem_shared>>)
      %dma_wait3A_253 = arith.constant 0 : i32
      %dma_wait3A_254 = arith.constant 0 : i32
      %dma_wait3A_255 = tpu.memref_slice %arg11[%dma_wait3A_253, %dma_wait3A_254] : memref<5x80xi32, #tpu.memory_space<vmem>> -> memref<1x80xi32, #tpu.memory_space<vmem>>
      %dma_wait3A_256 = tpu.memref_squeeze %dma_wait3A_255 : memref<1x80xi32, #tpu.memory_space<vmem>> -> memref<80xi32, #tpu.memory_space<vmem>>
      %dma_wait3A_257 = arith.constant 0 : i32
      %dma_wait3A_258 = arith.constant 0 : i32
      %dma_wait3A_259 = tpu.memref_slice %arg17[%dma_wait3A_257, %dma_wait3A_258] : memref<1000x16xf32, #tpu.memory_space<vmem_shared>> -> memref<1000x16xf32, #tpu.memory_space<vmem_shared>>
      tpu.wait_indirect_dma semaphore(%arg22 : memref<!tpu.dma_semaphore, #tpu.memory_space<semaphore_mem>>) src(%arg13 : memref<80x16xf32, #tpu.memory_space<vmem>>) dst(%dma_wait3A_259 : memref<1000x16xf32, #tpu.memory_space<vmem_shared>>)
      %dma_wait3A_260 = arith.constant 1 : i32
      %dma_wait3A_261 = arith.constant 80 : i32
      %dma_wait3A_262 = arith.constant 0 : i32
      %dma_wait3A_263 = tpu.memref_slice %arg9[%dma_wait3A_261, %dma_wait3A_262] : memref<400x128xf32, #tpu.memory_space<vmem>> -> memref<80x128xf32, #tpu.memory_space<vmem>>
      %dma_wait3A_264 = arith.constant 0 : i32
      %dma_wait3A_265 = tpu.memref_slice %arg11[%dma_wait3A_260, %dma_wait3A_264] : memref<5x80xi32, #tpu.memory_space<vmem>> -> memref<1x80xi32, #tpu.memory_space<vmem>>
      %dma_wait3A_266 = tpu.memref_squeeze %dma_wait3A_265 : memref<1x80xi32, #tpu.memory_space<vmem>> -> memref<80xi32, #tpu.memory_space<vmem>>
      %dma_wait3A_267 = arith.constant 0 : i32
      %dma_wait3A_268 = arith.constant 0 : i32
      %dma_wait3A_269 = tpu.memref_slice %arg16[%dma_wait3A_267, %dma_wait3A_268] : memref<1000x128xf32, #tpu.memory_space<vmem_shared>> -> memref<1000x128xf32, #tpu.memory_space<vmem_shared>>
      tpu.wait_indirect_dma semaphore(%arg22 : memref<!tpu.dma_semaphore, #tpu.memory_space<semaphore_mem>>) src(%dma_wait3A_263 : memref<80x128xf32, #tpu.memory_space<vmem>>) dst(%dma_wait3A_269 : memref<1000x128xf32, #tpu.memory_space<vmem_shared>>)
      %dma_wait3A_270 = arith.constant 1 : i32
      %dma_wait3A_271 = arith.constant 0 : i32
      %dma_wait3A_272 = tpu.memref_slice %arg11[%dma_wait3A_270, %dma_wait3A_271] : memref<5x80xi32, #tpu.memory_space<vmem>> -> memref<1x80xi32, #tpu.memory_space<vmem>>
      %dma_wait3A_273 = tpu.memref_squeeze %dma_wait3A_272 : memref<1x80xi32, #tpu.memory_space<vmem>> -> memref<80xi32, #tpu.memory_space<vmem>>
      %dma_wait3A_274 = arith.constant 0 : i32
      %dma_wait3A_275 = arith.constant 0 : i32
      %dma_wait3A_276 = tpu.memref_slice %arg17[%dma_wait3A_274, %dma_wait3A_275] : memref<1000x16xf32, #tpu.memory_space<vmem_shared>> -> memref<1000x16xf32, #tpu.memory_space<vmem_shared>>
      tpu.wait_indirect_dma semaphore(%arg22 : memref<!tpu.dma_semaphore, #tpu.memory_space<semaphore_mem>>) src(%arg13 : memref<80x16xf32, #tpu.memory_space<vmem>>) dst(%dma_wait3A_276 : memref<1000x16xf32, #tpu.memory_space<vmem_shared>>)
      %dma_wait3A_277 = arith.constant 2 : i32
      %dma_wait3A_278 = arith.constant 160 : i32
      %dma_wait3A_279 = arith.constant 0 : i32
      %dma_wait3A_280 = tpu.memref_slice %arg9[%dma_wait3A_278, %dma_wait3A_279] : memref<400x128xf32, #tpu.memory_space<vmem>> -> memref<80x128xf32, #tpu.memory_space<vmem>>
      %dma_wait3A_281 = arith.constant 0 : i32
      %dma_wait3A_282 = tpu.memref_slice %arg11[%dma_wait3A_277, %dma_wait3A_281] : memref<5x80xi32, #tpu.memory_space<vmem>> -> memref<1x80xi32, #tpu.memory_space<vmem>>
      %dma_wait3A_283 = tpu.memref_squeeze %dma_wait3A_282 : memref<1x80xi32, #tpu.memory_space<vmem>> -> memref<80xi32, #tpu.memory_space<vmem>>
      %dma_wait3A_284 = arith.constant 0 : i32
      %dma_wait3A_285 = arith.constant 0 : i32
      %dma_wait3A_286 = tpu.memref_slice %arg16[%dma_wait3A_284, %dma_wait3A_285] : memref<1000x128xf32, #tpu.memory_space<vmem_shared>> -> memref<1000x128xf32, #tpu.memory_space<vmem_shared>>
      tpu.wait_indirect_dma semaphore(%arg22 : memref<!tpu.dma_semaphore, #tpu.memory_space<semaphore_mem>>) src(%dma_wait3A_280 : memref<80x128xf32, #tpu.memory_space<vmem>>) dst(%dma_wait3A_286 : memref<1000x128xf32, #tpu.memory_space<vmem_shared>>)
      %dma_wait3A_287 = arith.constant 2 : i32
      %dma_wait3A_288 = arith.constant 0 : i32
      %dma_wait3A_289 = tpu.memref_slice %arg11[%dma_wait3A_287, %dma_wait3A_288] : memref<5x80xi32, #tpu.memory_space<vmem>> -> memref<1x80xi32, #tpu.memory_space<vmem>>
      %dma_wait3A_290 = tpu.memref_squeeze %dma_wait3A_289 : memref<1x80xi32, #tpu.memory_space<vmem>> -> memref<80xi32, #tpu.memory_space<vmem>>
      %dma_wait3A_291 = arith.constant 0 : i32
      %dma_wait3A_292 = arith.constant 0 : i32
      %dma_wait3A_293 = tpu.memref_slice %arg17[%dma_wait3A_291, %dma_wait3A_292] : memref<1000x16xf32, #tpu.memory_space<vmem_shared>> -> memref<1000x16xf32, #tpu.memory_space<vmem_shared>>
      tpu.wait_indirect_dma semaphore(%arg22 : memref<!tpu.dma_semaphore, #tpu.memory_space<semaphore_mem>>) src(%arg13 : memref<80x16xf32, #tpu.memory_space<vmem>>) dst(%dma_wait3A_293 : memref<1000x16xf32, #tpu.memory_space<vmem_shared>>)
      %dma_wait3A_294 = arith.constant 3 : i32
      %dma_wait3A_295 = arith.constant 240 : i32
      %dma_wait3A_296 = arith.constant 0 : i32
      %dma_wait3A_297 = tpu.memref_slice %arg9[%dma_wait3A_295, %dma_wait3A_296] : memref<400x128xf32, #tpu.memory_space<vmem>> -> memref<80x128xf32, #tpu.memory_space<vmem>>
      %dma_wait3A_298 = arith.constant 0 : i32
      %dma_wait3A_299 = tpu.memref_slice %arg11[%dma_wait3A_294, %dma_wait3A_298] : memref<5x80xi32, #tpu.memory_space<vmem>> -> memref<1x80xi32, #tpu.memory_space<vmem>>
      %dma_wait3A_300 = tpu.memref_squeeze %dma_wait3A_299 : memref<1x80xi32, #tpu.memory_space<vmem>> -> memref<80xi32, #tpu.memory_space<vmem>>
      %dma_wait3A_301 = arith.constant 0 : i32
      %dma_wait3A_302 = arith.constant 0 : i32
      %dma_wait3A_303 = tpu.memref_slice %arg16[%dma_wait3A_301, %dma_wait3A_302] : memref<1000x128xf32, #tpu.memory_space<vmem_shared>> -> memref<1000x128xf32, #tpu.memory_space<vmem_shared>>
      tpu.wait_indirect_dma semaphore(%arg22 : memref<!tpu.dma_semaphore, #tpu.memory_space<semaphore_mem>>) src(%dma_wait3A_297 : memref<80x128xf32, #tpu.memory_space<vmem>>) dst(%dma_wait3A_303 : memref<1000x128xf32, #tpu.memory_space<vmem_shared>>)
      %dma_wait3A_304 = arith.constant 3 : i32
      %dma_wait3A_305 = arith.constant 0 : i32
      %dma_wait3A_306 = tpu.memref_slice %arg11[%dma_wait3A_304, %dma_wait3A_305] : memref<5x80xi32, #tpu.memory_space<vmem>> -> memref<1x80xi32, #tpu.memory_space<vmem>>
      %dma_wait3A_307 = tpu.memref_squeeze %dma_wait3A_306 : memref<1x80xi32, #tpu.memory_space<vmem>> -> memref<80xi32, #tpu.memory_space<vmem>>
      %dma_wait3A_308 = arith.constant 0 : i32
      %dma_wait3A_309 = arith.constant 0 : i32
      %dma_wait3A_310 = tpu.memref_slice %arg17[%dma_wait3A_308, %dma_wait3A_309] : memref<1000x16xf32, #tpu.memory_space<vmem_shared>> -> memref<1000x16xf32, #tpu.memory_space<vmem_shared>>
      tpu.wait_indirect_dma semaphore(%arg22 : memref<!tpu.dma_semaphore, #tpu.memory_space<semaphore_mem>>) src(%arg13 : memref<80x16xf32, #tpu.memory_space<vmem>>) dst(%dma_wait3A_310 : memref<1000x16xf32, #tpu.memory_space<vmem_shared>>)
      %dma_wait3A_311 = arith.constant 4 : i32
      %dma_wait3A_312 = arith.constant 320 : i32
      %dma_wait3A_313 = arith.constant 0 : i32
      %dma_wait3A_314 = tpu.memref_slice %arg9[%dma_wait3A_312, %dma_wait3A_313] : memref<400x128xf32, #tpu.memory_space<vmem>> -> memref<80x128xf32, #tpu.memory_space<vmem>>
      %dma_wait3A_315 = arith.constant 0 : i32
      %dma_wait3A_316 = tpu.memref_slice %arg11[%dma_wait3A_311, %dma_wait3A_315] : memref<5x80xi32, #tpu.memory_space<vmem>> -> memref<1x80xi32, #tpu.memory_space<vmem>>
      %dma_wait3A_317 = tpu.memref_squeeze %dma_wait3A_316 : memref<1x80xi32, #tpu.memory_space<vmem>> -> memref<80xi32, #tpu.memory_space<vmem>>
      %dma_wait3A_318 = arith.constant 0 : i32
      %dma_wait3A_319 = arith.constant 0 : i32
      %dma_wait3A_320 = tpu.memref_slice %arg16[%dma_wait3A_318, %dma_wait3A_319] : memref<1000x128xf32, #tpu.memory_space<vmem_shared>> -> memref<1000x128xf32, #tpu.memory_space<vmem_shared>>
      tpu.wait_indirect_dma semaphore(%arg22 : memref<!tpu.dma_semaphore, #tpu.memory_space<semaphore_mem>>) src(%dma_wait3A_314 : memref<80x128xf32, #tpu.memory_space<vmem>>) dst(%dma_wait3A_320 : memref<1000x128xf32, #tpu.memory_space<vmem_shared>>)
      %dma_wait3A_321 = arith.constant 4 : i32
      %dma_wait3A_322 = arith.constant 0 : i32
      %dma_wait3A_323 = tpu.memref_slice %arg11[%dma_wait3A_321, %dma_wait3A_322] : memref<5x80xi32, #tpu.memory_space<vmem>> -> memref<1x80xi32, #tpu.memory_space<vmem>>
      %dma_wait3A_324 = tpu.memref_squeeze %dma_wait3A_323 : memref<1x80xi32, #tpu.memory_space<vmem>> -> memref<80xi32, #tpu.memory_space<vmem>>
      %dma_wait3A_325 = arith.constant 0 : i32
      %dma_wait3A_326 = arith.constant 0 : i32
      %dma_wait3A_327 = tpu.memref_slice %arg17[%dma_wait3A_325, %dma_wait3A_326] : memref<1000x16xf32, #tpu.memory_space<vmem_shared>> -> memref<1000x16xf32, #tpu.memory_space<vmem_shared>>
      tpu.wait_indirect_dma semaphore(%arg22 : memref<!tpu.dma_semaphore, #tpu.memory_space<semaphore_mem>>) src(%arg13 : memref<80x16xf32, #tpu.memory_space<vmem>>) dst(%dma_wait3A_327 : memref<1000x16xf32, #tpu.memory_space<vmem_shared>>)
    } else {
    }
    %add3A_226 = arith.constant 224 : i32
    %add3A_227 = arith.addi %add3A, %add3A_226 : i32
    %lt3A_228 = arith.constant 250 : i32
    %lt3A_229 = arith.cmpi slt, %add3A_227, %lt3A_228 : i32
    %convert_element_type3A_230 = arith.extui %lt3A_229 : i1 to i32
    %cond3A_231 = arith.constant 0 : i32
    %cond3A_232 = arith.cmpi ne, %convert_element_type3A_230, %cond3A_231 : i32
    scf.if %cond3A_232 {
      %dma_wait3A = arith.constant 0 : i32
      %dma_wait3A_244 = arith.constant 0 : i32
      %dma_wait3A_245 = arith.constant 0 : i32
      %dma_wait3A_246 = tpu.memref_slice %arg10[%dma_wait3A_244, %dma_wait3A_245] : memref<400x128xf32, #tpu.memory_space<vmem>> -> memref<80x128xf32, #tpu.memory_space<vmem>>
      %dma_wait3A_247 = arith.constant 0 : i32
      %dma_wait3A_248 = tpu.memref_slice %arg12[%dma_wait3A, %dma_wait3A_247] : memref<5x80xi32, #tpu.memory_space<vmem>> -> memref<1x80xi32, #tpu.memory_space<vmem>>
      %dma_wait3A_249 = tpu.memref_squeeze %dma_wait3A_248 : memref<1x80xi32, #tpu.memory_space<vmem>> -> memref<80xi32, #tpu.memory_space<vmem>>
      %dma_wait3A_250 = arith.constant 0 : i32
      %dma_wait3A_251 = arith.constant 0 : i32
      %dma_wait3A_252 = tpu.memref_slice %arg16[%dma_wait3A_250, %dma_wait3A_251] : memref<1000x128xf32, #tpu.memory_space<vmem_shared>> -> memref<1000x128xf32, #tpu.memory_space<vmem_shared>>
      tpu.wait_indirect_dma semaphore(%arg23 : memref<!tpu.dma_semaphore, #tpu.memory_space<semaphore_mem>>) src(%dma_wait3A_246 : memref<80x128xf32, #tpu.memory_space<vmem>>) dst(%dma_wait3A_252 : memref<1000x128xf32, #tpu.memory_space<vmem_shared>>)
      %dma_wait3A_253 = arith.constant 0 : i32
      %dma_wait3A_254 = arith.constant 0 : i32
      %dma_wait3A_255 = tpu.memref_slice %arg12[%dma_wait3A_253, %dma_wait3A_254] : memref<5x80xi32, #tpu.memory_space<vmem>> -> memref<1x80xi32, #tpu.memory_space<vmem>>
      %dma_wait3A_256 = tpu.memref_squeeze %dma_wait3A_255 : memref<1x80xi32, #tpu.memory_space<vmem>> -> memref<80xi32, #tpu.memory_space<vmem>>
      %dma_wait3A_257 = arith.constant 0 : i32
      %dma_wait3A_258 = arith.constant 0 : i32
      %dma_wait3A_259 = tpu.memref_slice %arg17[%dma_wait3A_257, %dma_wait3A_258] : memref<1000x16xf32, #tpu.memory_space<vmem_shared>> -> memref<1000x16xf32, #tpu.memory_space<vmem_shared>>
      tpu.wait_indirect_dma semaphore(%arg23 : memref<!tpu.dma_semaphore, #tpu.memory_space<semaphore_mem>>) src(%arg13 : memref<80x16xf32, #tpu.memory_space<vmem>>) dst(%dma_wait3A_259 : memref<1000x16xf32, #tpu.memory_space<vmem_shared>>)
      %dma_wait3A_260 = arith.constant 1 : i32
      %dma_wait3A_261 = arith.constant 80 : i32
      %dma_wait3A_262 = arith.constant 0 : i32
      %dma_wait3A_263 = tpu.memref_slice %arg10[%dma_wait3A_261, %dma_wait3A_262] : memref<400x128xf32, #tpu.memory_space<vmem>> -> memref<80x128xf32, #tpu.memory_space<vmem>>
      %dma_wait3A_264 = arith.constant 0 : i32
      %dma_wait3A_265 = tpu.memref_slice %arg12[%dma_wait3A_260, %dma_wait3A_264] : memref<5x80xi32, #tpu.memory_space<vmem>> -> memref<1x80xi32, #tpu.memory_space<vmem>>
      %dma_wait3A_266 = tpu.memref_squeeze %dma_wait3A_265 : memref<1x80xi32, #tpu.memory_space<vmem>> -> memref<80xi32, #tpu.memory_space<vmem>>
      %dma_wait3A_267 = arith.constant 0 : i32
      %dma_wait3A_268 = arith.constant 0 : i32
      %dma_wait3A_269 = tpu.memref_slice %arg16[%dma_wait3A_267, %dma_wait3A_268] : memref<1000x128xf32, #tpu.memory_space<vmem_shared>> -> memref<1000x128xf32, #tpu.memory_space<vmem_shared>>
      tpu.wait_indirect_dma semaphore(%arg23 : memref<!tpu.dma_semaphore, #tpu.memory_space<semaphore_mem>>) src(%dma_wait3A_263 : memref<80x128xf32, #tpu.memory_space<vmem>>) dst(%dma_wait3A_269 : memref<1000x128xf32, #tpu.memory_space<vmem_shared>>)
      %dma_wait3A_270 = arith.constant 1 : i32
      %dma_wait3A_271 = arith.constant 0 : i32
      %dma_wait3A_272 = tpu.memref_slice %arg12[%dma_wait3A_270, %dma_wait3A_271] : memref<5x80xi32, #tpu.memory_space<vmem>> -> memref<1x80xi32, #tpu.memory_space<vmem>>
      %dma_wait3A_273 = tpu.memref_squeeze %dma_wait3A_272 : memref<1x80xi32, #tpu.memory_space<vmem>> -> memref<80xi32, #tpu.memory_space<vmem>>
      %dma_wait3A_274 = arith.constant 0 : i32
      %dma_wait3A_275 = arith.constant 0 : i32
      %dma_wait3A_276 = tpu.memref_slice %arg17[%dma_wait3A_274, %dma_wait3A_275] : memref<1000x16xf32, #tpu.memory_space<vmem_shared>> -> memref<1000x16xf32, #tpu.memory_space<vmem_shared>>
      tpu.wait_indirect_dma semaphore(%arg23 : memref<!tpu.dma_semaphore, #tpu.memory_space<semaphore_mem>>) src(%arg13 : memref<80x16xf32, #tpu.memory_space<vmem>>) dst(%dma_wait3A_276 : memref<1000x16xf32, #tpu.memory_space<vmem_shared>>)
      %dma_wait3A_277 = arith.constant 2 : i32
      %dma_wait3A_278 = arith.constant 160 : i32
      %dma_wait3A_279 = arith.constant 0 : i32
      %dma_wait3A_280 = tpu.memref_slice %arg10[%dma_wait3A_278, %dma_wait3A_279] : memref<400x128xf32, #tpu.memory_space<vmem>> -> memref<80x128xf32, #tpu.memory_space<vmem>>
      %dma_wait3A_281 = arith.constant 0 : i32
      %dma_wait3A_282 = tpu.memref_slice %arg12[%dma_wait3A_277, %dma_wait3A_281] : memref<5x80xi32, #tpu.memory_space<vmem>> -> memref<1x80xi32, #tpu.memory_space<vmem>>
      %dma_wait3A_283 = tpu.memref_squeeze %dma_wait3A_282 : memref<1x80xi32, #tpu.memory_space<vmem>> -> memref<80xi32, #tpu.memory_space<vmem>>
      %dma_wait3A_284 = arith.constant 0 : i32
      %dma_wait3A_285 = arith.constant 0 : i32
      %dma_wait3A_286 = tpu.memref_slice %arg16[%dma_wait3A_284, %dma_wait3A_285] : memref<1000x128xf32, #tpu.memory_space<vmem_shared>> -> memref<1000x128xf32, #tpu.memory_space<vmem_shared>>
      tpu.wait_indirect_dma semaphore(%arg23 : memref<!tpu.dma_semaphore, #tpu.memory_space<semaphore_mem>>) src(%dma_wait3A_280 : memref<80x128xf32, #tpu.memory_space<vmem>>) dst(%dma_wait3A_286 : memref<1000x128xf32, #tpu.memory_space<vmem_shared>>)
      %dma_wait3A_287 = arith.constant 2 : i32
      %dma_wait3A_288 = arith.constant 0 : i32
      %dma_wait3A_289 = tpu.memref_slice %arg12[%dma_wait3A_287, %dma_wait3A_288] : memref<5x80xi32, #tpu.memory_space<vmem>> -> memref<1x80xi32, #tpu.memory_space<vmem>>
      %dma_wait3A_290 = tpu.memref_squeeze %dma_wait3A_289 : memref<1x80xi32, #tpu.memory_space<vmem>> -> memref<80xi32, #tpu.memory_space<vmem>>
      %dma_wait3A_291 = arith.constant 0 : i32
      %dma_wait3A_292 = arith.constant 0 : i32
      %dma_wait3A_293 = tpu.memref_slice %arg17[%dma_wait3A_291, %dma_wait3A_292] : memref<1000x16xf32, #tpu.memory_space<vmem_shared>> -> memref<1000x16xf32, #tpu.memory_space<vmem_shared>>
      tpu.wait_indirect_dma semaphore(%arg23 : memref<!tpu.dma_semaphore, #tpu.memory_space<semaphore_mem>>) src(%arg13 : memref<80x16xf32, #tpu.memory_space<vmem>>) dst(%dma_wait3A_293 : memref<1000x16xf32, #tpu.memory_space<vmem_shared>>)
      %dma_wait3A_294 = arith.constant 3 : i32
      %dma_wait3A_295 = arith.constant 240 : i32
      %dma_wait3A_296 = arith.constant 0 : i32
      %dma_wait3A_297 = tpu.memref_slice %arg10[%dma_wait3A_295, %dma_wait3A_296] : memref<400x128xf32, #tpu.memory_space<vmem>> -> memref<80x128xf32, #tpu.memory_space<vmem>>
      %dma_wait3A_298 = arith.constant 0 : i32
      %dma_wait3A_299 = tpu.memref_slice %arg12[%dma_wait3A_294, %dma_wait3A_298] : memref<5x80xi32, #tpu.memory_space<vmem>> -> memref<1x80xi32, #tpu.memory_space<vmem>>
      %dma_wait3A_300 = tpu.memref_squeeze %dma_wait3A_299 : memref<1x80xi32, #tpu.memory_space<vmem>> -> memref<80xi32, #tpu.memory_space<vmem>>
      %dma_wait3A_301 = arith.constant 0 : i32
      %dma_wait3A_302 = arith.constant 0 : i32
      %dma_wait3A_303 = tpu.memref_slice %arg16[%dma_wait3A_301, %dma_wait3A_302] : memref<1000x128xf32, #tpu.memory_space<vmem_shared>> -> memref<1000x128xf32, #tpu.memory_space<vmem_shared>>
      tpu.wait_indirect_dma semaphore(%arg23 : memref<!tpu.dma_semaphore, #tpu.memory_space<semaphore_mem>>) src(%dma_wait3A_297 : memref<80x128xf32, #tpu.memory_space<vmem>>) dst(%dma_wait3A_303 : memref<1000x128xf32, #tpu.memory_space<vmem_shared>>)
      %dma_wait3A_304 = arith.constant 3 : i32
      %dma_wait3A_305 = arith.constant 0 : i32
      %dma_wait3A_306 = tpu.memref_slice %arg12[%dma_wait3A_304, %dma_wait3A_305] : memref<5x80xi32, #tpu.memory_space<vmem>> -> memref<1x80xi32, #tpu.memory_space<vmem>>
      %dma_wait3A_307 = tpu.memref_squeeze %dma_wait3A_306 : memref<1x80xi32, #tpu.memory_space<vmem>> -> memref<80xi32, #tpu.memory_space<vmem>>
      %dma_wait3A_308 = arith.constant 0 : i32
      %dma_wait3A_309 = arith.constant 0 : i32
      %dma_wait3A_310 = tpu.memref_slice %arg17[%dma_wait3A_308, %dma_wait3A_309] : memref<1000x16xf32, #tpu.memory_space<vmem_shared>> -> memref<1000x16xf32, #tpu.memory_space<vmem_shared>>
      tpu.wait_indirect_dma semaphore(%arg23 : memref<!tpu.dma_semaphore, #tpu.memory_space<semaphore_mem>>) src(%arg13 : memref<80x16xf32, #tpu.memory_space<vmem>>) dst(%dma_wait3A_310 : memref<1000x16xf32, #tpu.memory_space<vmem_shared>>)
      %dma_wait3A_311 = arith.constant 4 : i32
      %dma_wait3A_312 = arith.constant 320 : i32
      %dma_wait3A_313 = arith.constant 0 : i32
      %dma_wait3A_314 = tpu.memref_slice %arg10[%dma_wait3A_312, %dma_wait3A_313] : memref<400x128xf32, #tpu.memory_space<vmem>> -> memref<80x128xf32, #tpu.memory_space<vmem>>
      %dma_wait3A_315 = arith.constant 0 : i32
      %dma_wait3A_316 = tpu.memref_slice %arg12[%dma_wait3A_311, %dma_wait3A_315] : memref<5x80xi32, #tpu.memory_space<vmem>> -> memref<1x80xi32, #tpu.memory_space<vmem>>
      %dma_wait3A_317 = tpu.memref_squeeze %dma_wait3A_316 : memref<1x80xi32, #tpu.memory_space<vmem>> -> memref<80xi32, #tpu.memory_space<vmem>>
      %dma_wait3A_318 = arith.constant 0 : i32
      %dma_wait3A_319 = arith.constant 0 : i32
      %dma_wait3A_320 = tpu.memref_slice %arg16[%dma_wait3A_318, %dma_wait3A_319] : memref<1000x128xf32, #tpu.memory_space<vmem_shared>> -> memref<1000x128xf32, #tpu.memory_space<vmem_shared>>
      tpu.wait_indirect_dma semaphore(%arg23 : memref<!tpu.dma_semaphore, #tpu.memory_space<semaphore_mem>>) src(%dma_wait3A_314 : memref<80x128xf32, #tpu.memory_space<vmem>>) dst(%dma_wait3A_320 : memref<1000x128xf32, #tpu.memory_space<vmem_shared>>)
      %dma_wait3A_321 = arith.constant 4 : i32
      %dma_wait3A_322 = arith.constant 0 : i32
      %dma_wait3A_323 = tpu.memref_slice %arg12[%dma_wait3A_321, %dma_wait3A_322] : memref<5x80xi32, #tpu.memory_space<vmem>> -> memref<1x80xi32, #tpu.memory_space<vmem>>
      %dma_wait3A_324 = tpu.memref_squeeze %dma_wait3A_323 : memref<1x80xi32, #tpu.memory_space<vmem>> -> memref<80xi32, #tpu.memory_space<vmem>>
      %dma_wait3A_325 = arith.constant 0 : i32
      %dma_wait3A_326 = arith.constant 0 : i32
      %dma_wait3A_327 = tpu.memref_slice %arg17[%dma_wait3A_325, %dma_wait3A_326] : memref<1000x16xf32, #tpu.memory_space<vmem_shared>> -> memref<1000x16xf32, #tpu.memory_space<vmem_shared>>
      tpu.wait_indirect_dma semaphore(%arg23 : memref<!tpu.dma_semaphore, #tpu.memory_space<semaphore_mem>>) src(%arg13 : memref<80x16xf32, #tpu.memory_space<vmem>>) dst(%dma_wait3A_327 : memref<1000x16xf32, #tpu.memory_space<vmem_shared>>)
    } else {
    }
    %barrier3A_233 = arith.constant 0 : index
    tpu.barrier barrier_id(%barrier3A_233)
    %lt3A_234 = arith.constant 15 : i32
    %lt3A_235 = arith.cmpi slt, %arg1, %lt3A_234 : i32
    %convert_element_type3A_236 = arith.extui %lt3A_235 : i1 to i32
    %cond3A_237 = arith.constant 0 : i32
    %cond3A_238 = arith.cmpi ne, %convert_element_type3A_236, %cond3A_237 : i32
    scf.if %cond3A_238 {
      "tpu.region"() ({
        %run_scoped3A = tpu.sem_alloc : memref<!tpu.dma_semaphore, #tpu.memory_space<semaphore_mem>>
        %dma_start3A = arith.constant 0 : i32
        %dma_start3A_244 = tpu.memref_slice %arg16[%mul3A_13, %dma_start3A] : memref<1000x128xf32, #tpu.memory_space<vmem_shared>> -> memref<64x128xf32, #tpu.memory_space<vmem_shared>>
        %dma_start3A_245 = arith.constant 0 : i32
        %dma_start3A_246 = tpu.memref_slice %arg16[%mul3A_13, %dma_start3A_245] : memref<1000x128xf32, #tpu.memory_space<vmem_shared>> -> memref<64x128xf32, #tpu.memory_space<vmem_shared>>
        tpu.enqueue_dma source(%dma_start3A_246 : memref<64x128xf32, #tpu.memory_space<vmem_shared>>) target(%arg14 : memref<64x128xf32, #tpu.memory_space<vmem>>) target_semaphore(%run_scoped3A : memref<!tpu.dma_semaphore, #tpu.memory_space<semaphore_mem>>)
        %dma_wait3A = arith.constant 0 : i32
        %dma_wait3A_247 = tpu.memref_slice %arg16[%mul3A_13, %dma_wait3A] : memref<1000x128xf32, #tpu.memory_space<vmem_shared>> -> memref<64x128xf32, #tpu.memory_space<vmem_shared>>
        %dma_wait3A_248 = arith.constant 0 : i32
        %dma_wait3A_249 = tpu.memref_slice %arg16[%mul3A_13, %dma_wait3A_248] : memref<1000x128xf32, #tpu.memory_space<vmem_shared>> -> memref<64x128xf32, #tpu.memory_space<vmem_shared>>
        tpu.wait_dma2 semaphore(%run_scoped3A : memref<!tpu.dma_semaphore, #tpu.memory_space<semaphore_mem>>) src(%dma_wait3A_249 : memref<64x128xf32, #tpu.memory_space<vmem_shared>>) dst(%arg14 : memref<64x128xf32, #tpu.memory_space<vmem>>)
        tpu.yield
      }) : () -> ()
      "tpu.region"() ({
        %run_scoped3A = tpu.sem_alloc : memref<!tpu.dma_semaphore, #tpu.memory_space<semaphore_mem>>
        %dma_start3A = arith.constant 0 : i32
        %dma_start3A_244 = tpu.memref_slice %arg17[%mul3A_13, %dma_start3A] : memref<1000x16xf32, #tpu.memory_space<vmem_shared>> -> memref<64x16xf32, #tpu.memory_space<vmem_shared>>
        %dma_start3A_245 = arith.constant 0 : i32
        %dma_start3A_246 = tpu.memref_slice %arg17[%mul3A_13, %dma_start3A_245] : memref<1000x16xf32, #tpu.memory_space<vmem_shared>> -> memref<64x16xf32, #tpu.memory_space<vmem_shared>>
        tpu.enqueue_dma source(%dma_start3A_246 : memref<64x16xf32, #tpu.memory_space<vmem_shared>>) target(%arg15 : memref<64x16xf32, #tpu.memory_space<vmem>>) target_semaphore(%run_scoped3A : memref<!tpu.dma_semaphore, #tpu.memory_space<semaphore_mem>>)
        %dma_wait3A = arith.constant 0 : i32
        %dma_wait3A_247 = tpu.memref_slice %arg17[%mul3A_13, %dma_wait3A] : memref<1000x16xf32, #tpu.memory_space<vmem_shared>> -> memref<64x16xf32, #tpu.memory_space<vmem_shared>>
        %dma_wait3A_248 = arith.constant 0 : i32
        %dma_wait3A_249 = tpu.memref_slice %arg17[%mul3A_13, %dma_wait3A_248] : memref<1000x16xf32, #tpu.memory_space<vmem_shared>> -> memref<64x16xf32, #tpu.memory_space<vmem_shared>>
        tpu.wait_dma2 semaphore(%run_scoped3A : memref<!tpu.dma_semaphore, #tpu.memory_space<semaphore_mem>>) src(%dma_wait3A_249 : memref<64x16xf32, #tpu.memory_space<vmem_shared>>) dst(%arg15 : memref<64x16xf32, #tpu.memory_space<vmem>>)
        tpu.yield
      }) : () -> ()
      "tpu.region"() ({
        %run_scoped3A = tpu.sem_alloc : memref<!tpu.dma_semaphore, #tpu.memory_space<semaphore_mem>>
        %dma_start3A = arith.constant 0 : i32
        %dma_start3A_244 = tpu.memref_slice %arg7[%arg0, %mul3A_13, %dma_start3A] : memref<2x1000x128xf32, #tpu.memory_space<hbm>> -> memref<1x64x128xf32, #tpu.memory_space<hbm>>
        %dma_start3A_245 = tpu.memref_squeeze %dma_start3A_244 : memref<1x64x128xf32, #tpu.memory_space<hbm>> -> memref<64x128xf32, #tpu.memory_space<hbm>>
        %dma_start3A_246 = arith.constant 0 : i32
        %dma_start3A_247 = tpu.memref_slice %arg7[%arg0, %mul3A_13, %dma_start3A_246] : memref<2x1000x128xf32, #tpu.memory_space<hbm>> -> memref<1x64x128xf32, #tpu.memory_space<hbm>>
        %dma_start3A_248 = tpu.memref_squeeze %dma_start3A_247 : memref<1x64x128xf32, #tpu.memory_space<hbm>> -> memref<64x128xf32, #tpu.memory_space<hbm>>
        tpu.enqueue_dma source(%arg14 : memref<64x128xf32, #tpu.memory_space<vmem>>) target(%dma_start3A_248 : memref<64x128xf32, #tpu.memory_space<hbm>>) target_semaphore(%run_scoped3A : memref<!tpu.dma_semaphore, #tpu.memory_space<semaphore_mem>>)
        %dma_wait3A = arith.constant 0 : i32
        %dma_wait3A_249 = tpu.memref_slice %arg7[%arg0, %mul3A_13, %dma_wait3A] : memref<2x1000x128xf32, #tpu.memory_space<hbm>> -> memref<1x64x128xf32, #tpu.memory_space<hbm>>
        %dma_wait3A_250 = tpu.memref_squeeze %dma_wait3A_249 : memref<1x64x128xf32, #tpu.memory_space<hbm>> -> memref<64x128xf32, #tpu.memory_space<hbm>>
        %dma_wait3A_251 = arith.constant 0 : i32
        %dma_wait3A_252 = tpu.memref_slice %arg7[%arg0, %mul3A_13, %dma_wait3A_251] : memref<2x1000x128xf32, #tpu.memory_space<hbm>> -> memref<1x64x128xf32, #tpu.memory_space<hbm>>
        %dma_wait3A_253 = tpu.memref_squeeze %dma_wait3A_252 : memref<1x64x128xf32, #tpu.memory_space<hbm>> -> memref<64x128xf32, #tpu.memory_space<hbm>>
        tpu.wait_dma2 semaphore(%run_scoped3A : memref<!tpu.dma_semaphore, #tpu.memory_space<semaphore_mem>>) src(%arg14 : memref<64x128xf32, #tpu.memory_space<vmem>>) dst(%dma_wait3A_253 : memref<64x128xf32, #tpu.memory_space<hbm>>)
        tpu.yield
      }) : () -> ()
      "tpu.region"() ({
        %run_scoped3A = tpu.sem_alloc : memref<!tpu.dma_semaphore, #tpu.memory_space<semaphore_mem>>
        %dma_start3A = arith.constant 0 : i32
        %dma_start3A_244 = tpu.memref_slice %arg8[%arg0, %mul3A_13, %dma_start3A] : memref<2x1000x16xf32, #tpu.memory_space<hbm>> -> memref<1x64x16xf32, #tpu.memory_space<hbm>>
        %dma_start3A_245 = tpu.memref_squeeze %dma_start3A_244 : memref<1x64x16xf32, #tpu.memory_space<hbm>> -> memref<64x16xf32, #tpu.memory_space<hbm>>
        %dma_start3A_246 = arith.constant 0 : i32
        %dma_start3A_247 = tpu.memref_slice %arg8[%arg0, %mul3A_13, %dma_start3A_246] : memref<2x1000x16xf32, #tpu.memory_space<hbm>> -> memref<1x64x16xf32, #tpu.memory_space<hbm>>
        %dma_start3A_248 = tpu.memref_squeeze %dma_start3A_247 : memref<1x64x16xf32, #tpu.memory_space<hbm>> -> memref<64x16xf32, #tpu.memory_space<hbm>>
        tpu.enqueue_dma source(%arg15 : memref<64x16xf32, #tpu.memory_space<vmem>>) target(%dma_start3A_248 : memref<64x16xf32, #tpu.memory_space<hbm>>) target_semaphore(%run_scoped3A : memref<!tpu.dma_semaphore, #tpu.memory_space<semaphore_mem>>)
        %dma_wait3A = arith.constant 0 : i32
        %dma_wait3A_249 = tpu.memref_slice %arg8[%arg0, %mul3A_13, %dma_wait3A] : memref<2x1000x16xf32, #tpu.memory_space<hbm>> -> memref<1x64x16xf32, #tpu.memory_space<hbm>>
        %dma_wait3A_250 = tpu.memref_squeeze %dma_wait3A_249 : memref<1x64x16xf32, #tpu.memory_space<hbm>> -> memref<64x16xf32, #tpu.memory_space<hbm>>
        %dma_wait3A_251 = arith.constant 0 : i32
        %dma_wait3A_252 = tpu.memref_slice %arg8[%arg0, %mul3A_13, %dma_wait3A_251] : memref<2x1000x16xf32, #tpu.memory_space<hbm>> -> memref<1x64x16xf32, #tpu.memory_space<hbm>>
        %dma_wait3A_253 = tpu.memref_squeeze %dma_wait3A_252 : memref<1x64x16xf32, #tpu.memory_space<hbm>> -> memref<64x16xf32, #tpu.memory_space<hbm>>
        tpu.wait_dma2 semaphore(%run_scoped3A : memref<!tpu.dma_semaphore, #tpu.memory_space<semaphore_mem>>) src(%arg15 : memref<64x16xf32, #tpu.memory_space<vmem>>) dst(%dma_wait3A_253 : memref<64x16xf32, #tpu.memory_space<hbm>>)
        tpu.yield
      }) : () -> ()
    } else {
    }
    %eq3A_239 = arith.constant 15 : i32
    %eq3A_240 = arith.cmpi eq, %arg1, %eq3A_239 : i32
    %convert_element_type3A_241 = arith.extui %eq3A_240 : i1 to i32
    %cond3A_242 = arith.constant 0 : i32
    %cond3A_243 = arith.cmpi ne, %convert_element_type3A_241, %cond3A_242 : i32
    scf.if %cond3A_243 {
      "tpu.region"() ({
        %run_scoped3A = tpu.sem_alloc : memref<!tpu.dma_semaphore, #tpu.memory_space<semaphore_mem>>
        %dma_start3A = arith.constant 0 : i32
        %dma_start3A_244 = arith.constant 0 : i32
        %dma_start3A_245 = tpu.memref_slice %arg14[%dma_start3A, %dma_start3A_244] : memref<64x128xf32, #tpu.memory_space<vmem>> -> memref<40x128xf32, #tpu.memory_space<vmem>>
        %dma_start3A_246 = arith.constant 960 : i32
        %dma_start3A_247 = arith.constant 0 : i32
        %dma_start3A_248 = tpu.memref_slice %arg16[%dma_start3A_246, %dma_start3A_247] : memref<1000x128xf32, #tpu.memory_space<vmem_shared>> -> memref<40x128xf32, #tpu.memory_space<vmem_shared>>
        %dma_start3A_249 = arith.constant 0 : i32
        %dma_start3A_250 = arith.constant 0 : i32
        %dma_start3A_251 = tpu.memref_slice %arg14[%dma_start3A_249, %dma_start3A_250] : memref<64x128xf32, #tpu.memory_space<vmem>> -> memref<40x128xf32, #tpu.memory_space<vmem>>
        %dma_start3A_252 = arith.constant 960 : i32
        %dma_start3A_253 = arith.constant 0 : i32
        %dma_start3A_254 = tpu.memref_slice %arg16[%dma_start3A_252, %dma_start3A_253] : memref<1000x128xf32, #tpu.memory_space<vmem_shared>> -> memref<40x128xf32, #tpu.memory_space<vmem_shared>>
        tpu.enqueue_dma source(%dma_start3A_254 : memref<40x128xf32, #tpu.memory_space<vmem_shared>>) target(%dma_start3A_251 : memref<40x128xf32, #tpu.memory_space<vmem>>) target_semaphore(%run_scoped3A : memref<!tpu.dma_semaphore, #tpu.memory_space<semaphore_mem>>)
        %dma_wait3A = arith.constant 0 : i32
        %dma_wait3A_255 = arith.constant 0 : i32
        %dma_wait3A_256 = tpu.memref_slice %arg14[%dma_wait3A, %dma_wait3A_255] : memref<64x128xf32, #tpu.memory_space<vmem>> -> memref<40x128xf32, #tpu.memory_space<vmem>>
        %dma_wait3A_257 = arith.constant 960 : i32
        %dma_wait3A_258 = arith.constant 0 : i32
        %dma_wait3A_259 = tpu.memref_slice %arg16[%dma_wait3A_257, %dma_wait3A_258] : memref<1000x128xf32, #tpu.memory_space<vmem_shared>> -> memref<40x128xf32, #tpu.memory_space<vmem_shared>>
        %dma_wait3A_260 = arith.constant 0 : i32
        %dma_wait3A_261 = arith.constant 0 : i32
        %dma_wait3A_262 = tpu.memref_slice %arg14[%dma_wait3A_260, %dma_wait3A_261] : memref<64x128xf32, #tpu.memory_space<vmem>> -> memref<40x128xf32, #tpu.memory_space<vmem>>
        %dma_wait3A_263 = arith.constant 960 : i32
        %dma_wait3A_264 = arith.constant 0 : i32
        %dma_wait3A_265 = tpu.memref_slice %arg16[%dma_wait3A_263, %dma_wait3A_264] : memref<1000x128xf32, #tpu.memory_space<vmem_shared>> -> memref<40x128xf32, #tpu.memory_space<vmem_shared>>
        tpu.wait_dma2 semaphore(%run_scoped3A : memref<!tpu.dma_semaphore, #tpu.memory_space<semaphore_mem>>) src(%dma_wait3A_265 : memref<40x128xf32, #tpu.memory_space<vmem_shared>>) dst(%dma_wait3A_262 : memref<40x128xf32, #tpu.memory_space<vmem>>)
        tpu.yield
      }) : () -> ()
      "tpu.region"() ({
        %run_scoped3A = tpu.sem_alloc : memref<!tpu.dma_semaphore, #tpu.memory_space<semaphore_mem>>
        %dma_start3A = arith.constant 0 : i32
        %dma_start3A_244 = arith.constant 0 : i32
        %dma_start3A_245 = tpu.memref_slice %arg15[%dma_start3A, %dma_start3A_244] : memref<64x16xf32, #tpu.memory_space<vmem>> -> memref<40x16xf32, #tpu.memory_space<vmem>>
        %dma_start3A_246 = arith.constant 960 : i32
        %dma_start3A_247 = arith.constant 0 : i32
        %dma_start3A_248 = tpu.memref_slice %arg17[%dma_start3A_246, %dma_start3A_247] : memref<1000x16xf32, #tpu.memory_space<vmem_shared>> -> memref<40x16xf32, #tpu.memory_space<vmem_shared>>
        %dma_start3A_249 = arith.constant 0 : i32
        %dma_start3A_250 = arith.constant 0 : i32
        %dma_start3A_251 = tpu.memref_slice %arg15[%dma_start3A_249, %dma_start3A_250] : memref<64x16xf32, #tpu.memory_space<vmem>> -> memref<40x16xf32, #tpu.memory_space<vmem>>
        %dma_start3A_252 = arith.constant 960 : i32
        %dma_start3A_253 = arith.constant 0 : i32
        %dma_start3A_254 = tpu.memref_slice %arg17[%dma_start3A_252, %dma_start3A_253] : memref<1000x16xf32, #tpu.memory_space<vmem_shared>> -> memref<40x16xf32, #tpu.memory_space<vmem_shared>>
        tpu.enqueue_dma source(%dma_start3A_254 : memref<40x16xf32, #tpu.memory_space<vmem_shared>>) target(%dma_start3A_251 : memref<40x16xf32, #tpu.memory_space<vmem>>) target_semaphore(%run_scoped3A : memref<!tpu.dma_semaphore, #tpu.memory_space<semaphore_mem>>)
        %dma_wait3A = arith.constant 0 : i32
        %dma_wait3A_255 = arith.constant 0 : i32
        %dma_wait3A_256 = tpu.memref_slice %arg15[%dma_wait3A, %dma_wait3A_255] : memref<64x16xf32, #tpu.memory_space<vmem>> -> memref<40x16xf32, #tpu.memory_space<vmem>>
        %dma_wait3A_257 = arith.constant 960 : i32
        %dma_wait3A_258 = arith.constant 0 : i32
        %dma_wait3A_259 = tpu.memref_slice %arg17[%dma_wait3A_257, %dma_wait3A_258] : memref<1000x16xf32, #tpu.memory_space<vmem_shared>> -> memref<40x16xf32, #tpu.memory_space<vmem_shared>>
        %dma_wait3A_260 = arith.constant 0 : i32
        %dma_wait3A_261 = arith.constant 0 : i32
        %dma_wait3A_262 = tpu.memref_slice %arg15[%dma_wait3A_260, %dma_wait3A_261] : memref<64x16xf32, #tpu.memory_space<vmem>> -> memref<40x16xf32, #tpu.memory_space<vmem>>
        %dma_wait3A_263 = arith.constant 960 : i32
        %dma_wait3A_264 = arith.constant 0 : i32
        %dma_wait3A_265 = tpu.memref_slice %arg17[%dma_wait3A_263, %dma_wait3A_264] : memref<1000x16xf32, #tpu.memory_space<vmem_shared>> -> memref<40x16xf32, #tpu.memory_space<vmem_shared>>
        tpu.wait_dma2 semaphore(%run_scoped3A : memref<!tpu.dma_semaphore, #tpu.memory_space<semaphore_mem>>) src(%dma_wait3A_265 : memref<40x16xf32, #tpu.memory_space<vmem_shared>>) dst(%dma_wait3A_262 : memref<40x16xf32, #tpu.memory_space<vmem>>)
        tpu.yield
      }) : () -> ()
      "tpu.region"() ({
        %run_scoped3A = tpu.sem_alloc : memref<!tpu.dma_semaphore, #tpu.memory_space<semaphore_mem>>
        %dma_start3A = arith.constant 0 : i32
        %dma_start3A_244 = arith.constant 0 : i32
        %dma_start3A_245 = tpu.memref_slice %arg14[%dma_start3A, %dma_start3A_244] : memref<64x128xf32, #tpu.memory_space<vmem>> -> memref<40x128xf32, #tpu.memory_space<vmem>>
        %dma_start3A_246 = arith.constant 960 : i32
        %dma_start3A_247 = arith.constant 0 : i32
        %dma_start3A_248 = tpu.memref_slice %arg7[%arg0, %dma_start3A_246, %dma_start3A_247] : memref<2x1000x128xf32, #tpu.memory_space<hbm>> -> memref<1x40x128xf32, #tpu.memory_space<hbm>>
        %dma_start3A_249 = tpu.memref_squeeze %dma_start3A_248 : memref<1x40x128xf32, #tpu.memory_space<hbm>> -> memref<40x128xf32, #tpu.memory_space<hbm>>
        %dma_start3A_250 = arith.constant 960 : i32
        %dma_start3A_251 = arith.constant 0 : i32
        %dma_start3A_252 = tpu.memref_slice %arg7[%arg0, %dma_start3A_250, %dma_start3A_251] : memref<2x1000x128xf32, #tpu.memory_space<hbm>> -> memref<1x40x128xf32, #tpu.memory_space<hbm>>
        %dma_start3A_253 = tpu.memref_squeeze %dma_start3A_252 : memref<1x40x128xf32, #tpu.memory_space<hbm>> -> memref<40x128xf32, #tpu.memory_space<hbm>>
        %dma_start3A_254 = arith.constant 0 : i32
        %dma_start3A_255 = arith.constant 0 : i32
        %dma_start3A_256 = tpu.memref_slice %arg14[%dma_start3A_254, %dma_start3A_255] : memref<64x128xf32, #tpu.memory_space<vmem>> -> memref<40x128xf32, #tpu.memory_space<vmem>>
        tpu.enqueue_dma source(%dma_start3A_256 : memref<40x128xf32, #tpu.memory_space<vmem>>) target(%dma_start3A_253 : memref<40x128xf32, #tpu.memory_space<hbm>>) target_semaphore(%run_scoped3A : memref<!tpu.dma_semaphore, #tpu.memory_space<semaphore_mem>>)
        %dma_wait3A = arith.constant 0 : i32
        %dma_wait3A_257 = arith.constant 0 : i32
        %dma_wait3A_258 = tpu.memref_slice %arg14[%dma_wait3A, %dma_wait3A_257] : memref<64x128xf32, #tpu.memory_space<vmem>> -> memref<40x128xf32, #tpu.memory_space<vmem>>
        %dma_wait3A_259 = arith.constant 960 : i32
        %dma_wait3A_260 = arith.constant 0 : i32
        %dma_wait3A_261 = tpu.memref_slice %arg7[%arg0, %dma_wait3A_259, %dma_wait3A_260] : memref<2x1000x128xf32, #tpu.memory_space<hbm>> -> memref<1x40x128xf32, #tpu.memory_space<hbm>>
        %dma_wait3A_262 = tpu.memref_squeeze %dma_wait3A_261 : memref<1x40x128xf32, #tpu.memory_space<hbm>> -> memref<40x128xf32, #tpu.memory_space<hbm>>
        %dma_wait3A_263 = arith.constant 960 : i32
        %dma_wait3A_264 = arith.constant 0 : i32
        %dma_wait3A_265 = tpu.memref_slice %arg7[%arg0, %dma_wait3A_263, %dma_wait3A_264] : memref<2x1000x128xf32, #tpu.memory_space<hbm>> -> memref<1x40x128xf32, #tpu.memory_space<hbm>>
        %dma_wait3A_266 = tpu.memref_squeeze %dma_wait3A_265 : memref<1x40x128xf32, #tpu.memory_space<hbm>> -> memref<40x128xf32, #tpu.memory_space<hbm>>
        %dma_wait3A_267 = arith.constant 0 : i32
        %dma_wait3A_268 = arith.constant 0 : i32
        %dma_wait3A_269 = tpu.memref_slice %arg14[%dma_wait3A_267, %dma_wait3A_268] : memref<64x128xf32, #tpu.memory_space<vmem>> -> memref<40x128xf32, #tpu.memory_space<vmem>>
        tpu.wait_dma2 semaphore(%run_scoped3A : memref<!tpu.dma_semaphore, #tpu.memory_space<semaphore_mem>>) src(%dma_wait3A_269 : memref<40x128xf32, #tpu.memory_space<vmem>>) dst(%dma_wait3A_266 : memref<40x128xf32, #tpu.memory_space<hbm>>)
        tpu.yield
      }) : () -> ()
      "tpu.region"() ({
        %run_scoped3A = tpu.sem_alloc : memref<!tpu.dma_semaphore, #tpu.memory_space<semaphore_mem>>
        %dma_start3A = arith.constant 0 : i32
        %dma_start3A_244 = arith.constant 0 : i32
        %dma_start3A_245 = tpu.memref_slice %arg15[%dma_start3A, %dma_start3A_244] : memref<64x16xf32, #tpu.memory_space<vmem>> -> memref<40x16xf32, #tpu.memory_space<vmem>>
        %dma_start3A_246 = arith.constant 960 : i32
        %dma_start3A_247 = arith.constant 0 : i32
        %dma_start3A_248 = tpu.memref_slice %arg8[%arg0, %dma_start3A_246, %dma_start3A_247] : memref<2x1000x16xf32, #tpu.memory_space<hbm>> -> memref<1x40x16xf32, #tpu.memory_space<hbm>>
        %dma_start3A_249 = tpu.memref_squeeze %dma_start3A_248 : memref<1x40x16xf32, #tpu.memory_space<hbm>> -> memref<40x16xf32, #tpu.memory_space<hbm>>
        %dma_start3A_250 = arith.constant 960 : i32
        %dma_start3A_251 = arith.constant 0 : i32
        %dma_start3A_252 = tpu.memref_slice %arg8[%arg0, %dma_start3A_250, %dma_start3A_251] : memref<2x1000x16xf32, #tpu.memory_space<hbm>> -> memref<1x40x16xf32, #tpu.memory_space<hbm>>
        %dma_start3A_253 = tpu.memref_squeeze %dma_start3A_252 : memref<1x40x16xf32, #tpu.memory_space<hbm>> -> memref<40x16xf32, #tpu.memory_space<hbm>>
        %dma_start3A_254 = arith.constant 0 : i32
        %dma_start3A_255 = arith.constant 0 : i32
        %dma_start3A_256 = tpu.memref_slice %arg15[%dma_start3A_254, %dma_start3A_255] : memref<64x16xf32, #tpu.memory_space<vmem>> -> memref<40x16xf32, #tpu.memory_space<vmem>>
        tpu.enqueue_dma source(%dma_start3A_256 : memref<40x16xf32, #tpu.memory_space<vmem>>) target(%dma_start3A_253 : memref<40x16xf32, #tpu.memory_space<hbm>>) target_semaphore(%run_scoped3A : memref<!tpu.dma_semaphore, #tpu.memory_space<semaphore_mem>>)
        %dma_wait3A = arith.constant 0 : i32
        %dma_wait3A_257 = arith.constant 0 : i32
        %dma_wait3A_258 = tpu.memref_slice %arg15[%dma_wait3A, %dma_wait3A_257] : memref<64x16xf32, #tpu.memory_space<vmem>> -> memref<40x16xf32, #tpu.memory_space<vmem>>
        %dma_wait3A_259 = arith.constant 960 : i32
        %dma_wait3A_260 = arith.constant 0 : i32
        %dma_wait3A_261 = tpu.memref_slice %arg8[%arg0, %dma_wait3A_259, %dma_wait3A_260] : memref<2x1000x16xf32, #tpu.memory_space<hbm>> -> memref<1x40x16xf32, #tpu.memory_space<hbm>>
        %dma_wait3A_262 = tpu.memref_squeeze %dma_wait3A_261 : memref<1x40x16xf32, #tpu.memory_space<hbm>> -> memref<40x16xf32, #tpu.memory_space<hbm>>
        %dma_wait3A_263 = arith.constant 960 : i32
        %dma_wait3A_264 = arith.constant 0 : i32
        %dma_wait3A_265 = tpu.memref_slice %arg8[%arg0, %dma_wait3A_263, %dma_wait3A_264] : memref<2x1000x16xf32, #tpu.memory_space<hbm>> -> memref<1x40x16xf32, #tpu.memory_space<hbm>>
        %dma_wait3A_266 = tpu.memref_squeeze %dma_wait3A_265 : memref<1x40x16xf32, #tpu.memory_space<hbm>> -> memref<40x16xf32, #tpu.memory_space<hbm>>
        %dma_wait3A_267 = arith.constant 0 : i32
        %dma_wait3A_268 = arith.constant 0 : i32
        %dma_wait3A_269 = tpu.memref_slice %arg15[%dma_wait3A_267, %dma_wait3A_268] : memref<64x16xf32, #tpu.memory_space<vmem>> -> memref<40x16xf32, #tpu.memory_space<vmem>>
        tpu.wait_dma2 semaphore(%run_scoped3A : memref<!tpu.dma_semaphore, #tpu.memory_space<semaphore_mem>>) src(%dma_wait3A_269 : memref<40x16xf32, #tpu.memory_space<vmem>>) dst(%dma_wait3A_266 : memref<40x16xf32, #tpu.memory_space<hbm>>)
        tpu.yield
      }) : () -> ()
    } else {
    }
    return
  }
}

module attributes {stable_mosaic.version = 14 : i64} {
  func.func @body(%arg0: memref<2x1000x128xf32, #tpu.memory_space<vmem>>, %arg1: memref<2x1000x16xf32, #tpu.memory_space<vmem>>, %arg2: memref<128x128xf32, #tpu.memory_space<vmem>>, %arg3: memref<1x128xf32, #tpu.memory_space<vmem>>, %arg4: memref<1000x128xf32, #tpu.memory_space<vmem>>) attributes {dimension_semantics = [], scalar_prefetch = 0 : i64, scratch_operands = 0 : i64, tpu.core_type = #tpu.core_type<tc>} {
    %get3A = arith.constant 0 : index
    %get3A_0 = arith.constant 0 : index
    %get3A_1 = arith.constant 0 : index
    %get3A_2 = vector.load %arg0[%get3A, %get3A_0, %get3A_1] : memref<2x1000x128xf32, #tpu.memory_space<vmem>>, vector<1x1000x128xf32>
    %get3A_3 = vector.shape_cast %get3A_2 : vector<1x1000x128xf32> to vector<1000x128xf32>
    %get3A_4 = arith.constant 1 : index
    %get3A_5 = arith.constant 0 : index
    %get3A_6 = arith.constant 0 : index
    %get3A_7 = vector.load %arg0[%get3A_4, %get3A_5, %get3A_6] : memref<2x1000x128xf32, #tpu.memory_space<vmem>>, vector<1x1000x128xf32>
    %get3A_8 = vector.shape_cast %get3A_7 : vector<1x1000x128xf32> to vector<1000x128xf32>
    %add3A = arith.addf %get3A_3, %get3A_8 : vector<1000x128xf32>
    %get3A_9 = arith.constant 0 : index
    %get3A_10 = arith.constant 0 : index
    %get3A_11 = arith.constant 0 : index
    %get3A_12 = vector.load %arg1[%get3A_9, %get3A_10, %get3A_11] : memref<2x1000x16xf32, #tpu.memory_space<vmem>>, vector<1x1000x1xf32>
    %get3A_13 = vector.shape_cast %get3A_12 : vector<1x1000x1xf32> to vector<1000x1xf32>
    %get3A_14 = arith.constant 1 : index
    %get3A_15 = arith.constant 0 : index
    %get3A_16 = arith.constant 0 : index
    %get3A_17 = vector.load %arg1[%get3A_14, %get3A_15, %get3A_16] : memref<2x1000x16xf32, #tpu.memory_space<vmem>>, vector<1x1000x1xf32>
    %get3A_18 = vector.shape_cast %get3A_17 : vector<1x1000x1xf32> to vector<1000x1xf32>
    %add3A_19 = arith.addf %get3A_13, %get3A_18 : vector<1000x1xf32>
    %max3A = arith.constant 1.000000e+00 : f32
    %max3A_20 = vector.broadcast %max3A : f32 to vector<1000x1xf32>
    %max3A_21 = arith.maximumf %add3A_19, %max3A_20 : vector<1000x1xf32>
    %div3A = vector.broadcast %max3A_21 : vector<1000x1xf32> to vector<1000x128xf32>
    %div3A_22 = arith.divf %add3A, %div3A : vector<1000x128xf32>
    %get3A_23 = arith.constant 0 : index
    %get3A_24 = arith.constant 0 : index
    %get3A_25 = vector.load %arg2[%get3A_23, %get3A_24] : memref<128x128xf32, #tpu.memory_space<vmem>>, vector<128x128xf32>
    %dot_general3A = arith.constant dense<0.000000e+00> : vector<1000x128xf32>
    %dot_general3A_26 = tpu.matmul %div3A_22, %get3A_25, %dot_general3A {dimension_numbers = #tpu.dot_dimension_numbers<[1], [0], [0], [1], [0, 0, 1, 1], [], []>, transpose_lhs_hint = false} : vector<1000x128xf32>, vector<128x128xf32>, vector<1000x128xf32> -> vector<1000x128xf32>
    %get3A_27 = arith.constant 0 : index
    %get3A_28 = arith.constant 0 : index
    %get3A_29 = vector.load %arg3[%get3A_27, %get3A_28] : memref<1x128xf32, #tpu.memory_space<vmem>>, vector<1x128xf32>
    %add3A_30 = vector.broadcast %get3A_29 : vector<1x128xf32> to vector<1000x128xf32>
    %add3A_31 = arith.addf %dot_general3A_26, %add3A_30 : vector<1000x128xf32>
    %swap3A = arith.constant 0 : index
    %swap3A_32 = arith.constant 0 : index
    %swap3A_33 = vector.load %arg4[%swap3A, %swap3A_32] : memref<1000x128xf32, #tpu.memory_space<vmem>>, vector<1000x128xf32>
    tpu.vector_store %arg4[%swap3A, %swap3A_32], %add3A_31 {strides = array<i32>} : memref<1000x128xf32, #tpu.memory_space<vmem>>, vector<1000x128xf32>,
    return
  }
}

</mosaic_0001>

<sc_bundles>
// kernel: kernel.4.cloned.1.call-start
scs
__scs_entry_jumppad:
0x0: {  	(pc) =	sbr.rel $0x88, $3  }
0x1: {  	(tag) =	ssettag $0x0;
	lr =	simm.s32 $0x1  }
0x2: {  	[smem:$0x3F9D] =	sst lr;
	_ =	strace $0xD0000000  }
0x3: {  	_ = 	snop  }
0x4: {  	_ = 	snop  }
0x5: {  	_ = 	snop  }
0x6: {  	_ = 	snop  }
0x7: {  	_ = 	snop  }
__scs_overlays_trampoline_lowered:
0x8: {  	[smem:$0x3FAC] =	sst s0  }
0x9: {  	[smem:$0x3FAD] =	sst s1  }
0xa: {  	[smem:$0x3FAE] =	sst s2  }
0xb: {  	[smem:$0x3FAF] =	sst s3  }
0xc: {  	[smem:$0x3FB0] =	sst s4  }
0xd: {  	[smem:$0x3FB1] =	sst s5  }
0xe: {  	[smem:$0x3FB2] =	sst s6  }
0xf: {  	[smem:$0x3FB3] =	sst s7  }
0x10: {  	[smem:$0x3FB4] =	sst s8  }
0x11: {  	[smem:$0x3FB5] =	sst s9;
	s0 =	simm.s32 @!p0 $0x0  }
0x12: {  	s1 =	sld [smem:$0x3F9B];
	s0 =	simm.s32 @p0 $0x1  }
0x13: {  	[smem:$0x3FB6] =	sst s0;
	s0 =	simm.s32 @!p1 $0x0  }
0x14: {  	s2 =	sld [smem:$0x3F9A];
	s0 =	simm.s32 @p1 $0x1  }
0x15: {  	[smem:$0x3FB7] =	sst s0;
	s0 =	simm.s32 @!p2 $0x0  }
0x16: {  	s3 =	sld [smem:$0x3FDB];
	s0 =	simm.s32 @p2 $0x1  }
0x17: {  	s4 =	simm.s32 $0x1BF5;
	[smem:$0x3FB9] =	sst s0  }
0x18: {  	s0 =	sld [smem:$0x3F9C];
	_ =	swait.ge [sflag:s4], $0x0  }
0x19: {  	s7 =	sld [smem:$0x3F9D]  }
0x1a: {  	s8 =	sadd.s32 $0xFFFFE003, lr  }
0x1b: {  	s9 =	sadd.s32 $0xFFFFFEF7, lr;
	s5 =	simm.s32 $0xFFFFFFFF;
	p2 =	slt.u32 s8, $0xFFFFF086  }
0x1c: {  	p1 =	slt.u32 s9, $0xF7A;
	s5 =	simm.s32 @!p2 $0x0  }
0x1d: {  	s5 =	simm.s32 @p1 $0x1;
	p0 =	seq.s32 s7, s2  }
0x1e: {  	s7 =	smul.u32 @!p0 $0xF7A, s2;
	p2 =	seq.s32 @!p0 s5, $0x0  }
0x1f: {  	s9 =	smul.u32 $0xF7A, s1;
	s8 =	simm.s32 @!p0 $0x1BF5;
	p2 =	por !p2, p0  }
0x20: {  	[sflag:s8] =	ssyncset.s32 @!p0 $0xFFFFF086;
	s6 =	sadd.s32 @!p0 s3, s7;
	s7 =	simm.s32 @!p0 $0x108  }
0x21: {  	s3 =	sadd.s32 s3, s9;
	s6 =	sadd.s32 @!p0 $0x88, s6;
	s7 =	simm.s32 @p2 $0x1082  }
0x22: {  	[simem:s7], [sflag:s8] =	dma.local @!p0 [hbm:s6], $0xF7A  }
0x23: {  	s9 =	sor.u32 $0xD0000000, s2;
	s6 =	simm.s32 $0x108;
	_ =	swait.ge @!p0 [sflag:s8], $0x0  }
0x24: {  	s3 =	sadd.s32 $0x88, s3;
	s6 =	simm.s32 @!p1 $0x1082;
	[sflag:s4] =	ssyncset.s32 $0xFFFFF086  }
0x25: {  	[simem:s6], [sflag:s4] =	dma.local [hbm:s3], $0xF7A  }
0x26: {  	[smem:$0x3F9D] =	sst s1;
	(tag) =	ssettag s2;
	_ =	strace s9  }
0x27: {  	s1 =	sld [smem:$0x3FAD]  }
0x28: {  	s2 =	sld [smem:$0x3FAE]  }
0x29: {  	s4 =	sld [smem:$0x3FB0]  }
0x2a: {  	p0 =	seq.s32 s5, $0x0;
	s5 =	sld [smem:$0x3FB1]  }
0x2b: {  	s6 =	sld [smem:$0x3FB2]  }
0x2c: {  	s7 =	sld [smem:$0x3FB3]  }
0x2d: {  	s3 =	simm.s32 $0x108;
	s8 =	sld [smem:$0x3FB4]  }
0x2e: {  	s3 =	simm.s32 @!p0 $0x1082;
	s9 =	sld [smem:$0x3FB5]  }
0x2f: {  	lr =	sadd.s32 s0, s3;
	s0 =	sld [smem:$0x3FAC]  }
0x30: {  	s3 =	sld [smem:$0x3FAF]  }
0x31: {  	[smem:$0x3FB8] =	sst s10  }
0x32: {  	s10 =	sld [smem:$0x3FB6];
	_ =	sdelay $0x3  }
0x33: {  	p0 =	seq.s32 s10, $0x1;
	s10 =	sld [smem:$0x3FB8];
	_ =	sdelay $0x3  }
0x34: {  	[smem:$0x3FB8] =	sst s10  }
0x35: {  	s10 =	sld [smem:$0x3FB7];
	_ =	sdelay $0x3  }
0x36: {  	p1 =	seq.s32 s10, $0x1;
	s10 =	sld [smem:$0x3FB8];
	_ =	sdelay $0x3  }
0x37: {  	[smem:$0x3FB8] =	sst s10  }
0x38: {  	s10 =	sld [smem:$0x3FB9]  }
0x39: {  	_ = 	snop;
	(pc) =	sbr.ind lr, $3  }
0x3a: {  	_ = 	snop  }
0x3b: {  	_ = 	snop  }
0x3c: {  	p2 =	seq.s32 s10, $0x1;
	s10 =	sld [smem:$0x3FB8]  }
0x3d: {  	_ =	shalt  }
0x3e: {  	_ =	shalt  }
0x3f: {  	_ =	shalt  }
0x40: {  	_ =	shalt  }
0x41: {  	_ =	shalt  }
0x42: {  	_ =	shalt  }
0x43: {  	_ =	shalt  }
0x44: {  	_ =	shalt  }
0x45: {  	_ =	shalt  }
0x46: {  	_ =	shalt  }
0x47: {  	_ =	shalt  }
0x48: {  	_ =	shalt  }
0x49: {  	_ =	shalt  }
0x4a: {  	_ =	shalt  }
0x4b: {  	_ =	shalt  }
0x4c: {  	_ =	shalt  }
0x4d: {  	_ =	shalt  }
0x4e: {  	_ =	shalt  }
0x4f: {  	_ =	shalt  }
0x50: {  	_ =	shalt  }
0x51: {  	_ =	shalt  }
0x52: {  	_ =	shalt  }
0x53: {  	_ =	shalt  }
0x54: {  	_ =	shalt  }
0x55: {  	_ =	shalt  }
0x56: {  	_ =	shalt  }
0x57: {  	_ =	shalt  }
0x58: {  	_ =	shalt  }
0x59: {  	_ =	shalt  }
0x5a: {  	_ =	shalt  }
0x5b: {  	_ =	shalt  }
0x5c: {  	_ =	shalt  }
0x5d: {  	_ =	shalt  }
0x5e: {  	_ =	shalt  }
0x5f: {  	_ =	shalt  }
0x60: {  	_ =	shalt  }
0x61: {  	_ =	shalt  }
0x62: {  	_ =	shalt  }
0x63: {  	_ =	shalt  }
0x64: {  	_ =	shalt  }
0x65: {  	_ =	shalt  }
0x66: {  	_ =	shalt  }
0x67: {  	_ =	shalt  }
0x68: {  	_ =	shalt  }
0x69: {  	_ =	shalt  }
0x6a: {  	_ =	shalt  }
0x6b: {  	_ =	shalt  }
0x6c: {  	_ =	shalt  }
0x6d: {  	_ =	shalt  }
0x6e: {  	_ =	shalt  }
0x6f: {  	_ =	shalt  }
0x70: {  	_ =	shalt  }
0x71: {  	_ =	shalt  }
0x72: {  	_ =	shalt  }
0x73: {  	_ =	shalt  }
0x74: {  	_ =	shalt  }
0x75: {  	_ =	shalt  }
0x76: {  	_ =	shalt  }
0x77: {  	_ =	shalt  }
0x78: {  	_ =	shalt  }
0x79: {  	_ =	shalt  }
0x7a: {  	_ =	shalt  }
0x7b: {  	_ =	shalt  }
0x7c: {  	_ =	shalt  }
0x7d: {  	_ =	shalt  }
0x7e: {  	_ =	shalt  }
0x7f: {  	_ =	shalt  }
0x80: {  	_ =	shalt  }
0x81: {  	_ =	shalt  }
0x82: {  	_ =	shalt  }
0x83: {  	_ =	shalt  }
0x84: {  	_ =	shalt  }
0x85: {  	_ =	shalt  }
0x86: {  	_ =	shalt  }
0x87: {  	_ =	shalt  }
.Lfunc_end0:
.L_simem_size_0:
called_computation_lowered:
.L_overlay_start_0:
0x88: {  	s2 =	sld [smem:$0x3FD9]  }
0x89: {  	s3 =	sld [smem:$0x3FFE];
	_ =	sdelay $0x1  }
0x8a: {  	s1 =	srdreg.scid  }
0x8b: {  	s0 =	sand.u32 $0x1, s1  }
0x8c: {  	s17 =	sshll.u32 s0, $0xA;
	s2 =	sadd.s32 s3, s2  }
0x8d: {  	s2 =	sadd.s32 s2, s17  }
0x8e: {  	[smem:$0x3FC4] =	sst s2  }
0x8f: {  	_ = 	snop  }
0x90: {  	s2 =	sld [smem:$0x3FC9]  }
0x91: {  	s18 =	sld [smem:$0x3FC8]  }
0x92: {  	s4 =	sld [smem:$0x3FD0];
	(tm) =	ssettm $0x1  }
0x93: {  	s5 =	sld [smem:$0x3FFB];
	_ =	sdelay $0x3  }
0x94: {  	_ =	strace s5  }
0x95: {  	s5 =	sld [smem:$0x3FFC];
	_ =	sdelay $0x3  }
0x96: {  	_ =	strace s5  }
0x97: {  	s5 =	sld [smem:$0x3FFD];
	_ =	sdelay $0x3  }
0x98: {  	_ =	strace s5  }
0x99: {  	_ =	strace $0x8FFFFFFF  }
0x9a: {  	s19 =	sld [smem:$0x3FDB];
	_ =	sdelay $0x1  }
0x9b: {  	s6 =	simm.s32 $_scs_section_size  }
0x9c: {  	s7 =	simm.s32 $_size__tile_overlayer_lowered;
	s8 =	simm.s32 $_tile_overlayer_lowered  }
0x9d: {  	s22 =	simm.s32 $0x1BFF;
	s21 =	sshll.u32 s8, $0x1;
	s5 =	sadd.s32 s6, s19  }
0x9e: {  	s9 =	simm.s32 $0x0;
	s20 =	sshll.u32 s7, $0x1;
	s7 =	sadd.s32 s21, s5  }
0x9f: {  	[timem:s9], [sflag:s22] =	dma.local [hbm:s7], s20  }
0xa0: {  	_ =	swait.ge [sflag:s22], s20  }
0xa1: {  	s6 =	ssub.s32 $0x0, s20;
	[sflag:s22] =	ssyncset.done $0x0  }
0xa2: {  	[sflag:s22] =	ssyncadd.s32 s6;
	_ =	sdelay $0x1  }
0xa3: {  	s23 =	simm.s32 $0x1B8B  }
0xa4: {  	_ =	swait.ge [sflag:s23], $0x1  }
0xa5: {  	[sflag:s23] =	ssyncset.done $0x0  }
0xa6: {  	s25 =	simm.s32 $0x1B8E;
	s24 =	sld [smem:$0x3FFE];
	[sflag:s23] =	ssyncadd.s32 $0xFFFFFFFF  }
0xa7: {  	s26 =	simm.s32 $execute0_lowered;
	[smem:$0x3FD2] =	sst s25  }
0xa8: {  	s7 =	sshll.u32 s26, $0x1;
	_ =	strace $0x80000046;
	[dreg:$0x1] =	wrdreg $0xFFFFFFFF  }
0xa9: {  	s28 =	simm.s32 $_size_execute0_lowered;
	s5 =	sadd.s32 s5, s7;
	[dreg:$0x0] =	wrdreg $0x0  }
0xaa: {  	s7 =	sshll.u32 s28, $0x1;
	[dreg:$0x2] =	wrdreg s5  }
0xab: {  	[dreg:$0x3] =	wrdreg s7  }
0xac: {  	[dreg:$0x4] =	wrdreg $0xC0  }
0xad: {  	_ =	task [dreg:s9], $0x5FFFF  }
0xae: {  	[dreg:$0x1] =	wrdreg $0xFFFFFFFF  }
0xaf: {  	[dreg:$0x0] =	wrdreg $0x60  }
0xb0: {  	[dreg:$0x2] =	wrdreg s2  }
0xb1: {  	[dreg:$0x3] =	wrdreg s18  }
0xb2: {  	[dreg:$0x4] =	wrdreg s24  }
0xb3: {  	[dreg:$0x5] =	wrdreg s4  }
0xb4: {  	[dreg:$0x6] =	wrdreg $0x1BC200  }
0xb5: {  	[dreg:$0x7] =	wrdreg $0x1DB600  }
0xb6: {  	[dreg:$0x8] =	wrdreg $0x9  }
0xb7: {  	_ =	task.clear_ibuf [dreg:s9], $0x9FFFF;
	_ =	strace $0x90000046  }
0xb8: {  	s29 =	simm.s32 $0x9;
	_ =	strace $0x80000048  }
0xb9: {  	_ =	swait.ge [sflag:s29], $0x1  }
0xba: {  	[sflag:s29] =	ssyncadd.s32 $0xFFFFFFFF  }
0xbb: {  	_ =	strace $0x90000048  }
0xbc: {  	_ =	sfence  }
0xbd: {  	s30 =	sld [smem:$0x0];
	_ =	sdelay $0x2  }
0xbe: {  	s31 =	sshll.u32 s1, $0xD;
	s1 =	sshrl.u32 s1, $0x2  }
0xbf: {  	s3 =	sand.u32 $0x4000, s31;
	s1 =	sadd.s32 s1, s30  }
0xc0: {  	s0 =	sor.u32 s3, s0;
	s1 =	sshll.u32 s1, $0x11  }
0xc1: {  	s0 =	sor.u32 s1, s0  }
0xc2: {  	s0 =	sadd.s32 $0x8F2B, s0  }
0xc3: {  	[sflag:s0] =	ssyncadd.remote.s32 $0x1  }
0xc4: {  	_ =	sfence.sel $0xFFFF  }
0xc5: {  	[dreg:$0x0] =	wrdreg $0xFFFFFFFF;
	(pc) =	sbr.abs _section_cstart, $3  }
0xc6: {  	[dreg:$0x1] =	wrdreg $0xFFFFFFFF  }
0xc7: {  	_ =	task.clear_ibuf [dreg:s9], $0x2FFFF;
	_ =	strace $0x9FFFFFFF  }
0xc8: {  	(tm) =	ssettm $0x7FFFFFFF  }
0xc9: {  	_ =	shalt  }
tec
execute0_lowered:
.L_overlay_start_1:
0x0: {  	(tag) =	ssettag $0x1  }
0x1: {  	s5 =	rddreg [dreg:$0x0]  }
0x2: {  	s1 =	rddreg [dreg:$0x1]  }
0x3: {  	s6 =	rddreg [dreg:$0x2];
	s0 =	srdreg.scid  }
0x4: {  	s7 =	rddreg [dreg:$0x3];
	s14 =	sand.u32 $0x1, s0  }
0x5: {  	s2 =	rddreg [dreg:$0x4];
	s13 =	stileid.u32;
	s0 =	sshll.u32 s14, $0x4  }
0x6: {  	s3 =	rddreg [dreg:$0x5];
	s4 =	simm.s32 $0x0;
	s16 =	sor.u32 s13, s0  }
0x7: {  	[smem:$0x7FF] =	sst s4;
	s19 =	sshll.u32 s13, $0x7;
	s0 =	smul.u32 $0xA0, s16  }
0x8: {  	_ =	strace $0x80000047;
	[smem:$0x7FD] =	sst s14;
	s8 =	smul.u32 $0x1900, s16  }
0x9: {  	s9 =	smul.u32 $0x32, s16;
	s10 =	sor.u32 $0x20, s16;
	s23 =	sor.u32 $0x40, s16  }
0xa: {  	s28 =	sor.u32 $0x60, s16;
	s30 =	sor.u32 $0x80, s16;
	s11 =	smul.u32 $0x1900, s10  }
0xb: {  	s12 =	sor.u32 $0xA0, s16;
	s18 =	smul.u32 $0x32, s10;
	s8 =	sadd.s32 s5, s8  }
0xc: {  	s10 =	sadd.s32 s19, s6;
	s17 =	sadd.s32 s1, s9;
	[dreg:$0x7] =	wrdreg s8  }
0xd: {  	s25 =	smul.u32 $0x1900, s23;
	s24 =	sadd.s32 $0xE00, s10;
	[dreg:$0x8] =	wrdreg s17  }
0xe: {  	s29 =	smul.u32 $0x1900, s28;
	s20 =	sadd.s32 s5, s11;
	[dreg:$0xd] =	wrdreg s24  }
0xf: {  	s0 =	sadd.s32 s0, s6;
	s21 =	sadd.s32 s1, s18;
	[dreg:$0x9] =	wrdreg s20  }
0x10: {  	s31 =	smul.u32 $0x1900, s30;
	s22 =	sadd.s32 $0x1600, s0;
	[dreg:$0xa] =	wrdreg s21  }
0x11: {  	s9 =	smul.u32 $0x32, s28;
	s26 =	sadd.s32 s5, s25;
	[dreg:$0xb] =	wrdreg s22  }
0x12: {  	s0 =	sshll.u32 s13, $0xA;
	s11 =	sadd.s32 s5, s31;
	[dreg:$0xe] =	wrdreg s26  }
0x13: {  	s10 =	smul.u32 $0x32, s30;
	s7 =	sadd.s32 s7, s0;
	[dreg:$0x12] =	wrdreg s11  }
0x14: {  	s8 =	smul.u32 $0x32, s23;
	s9 =	sadd.s32 s1, s9;
	[dreg:$0xc] =	wrdreg s7  }
0x15: {  	s17 =	smul.u32 $0x1900, s12;
	s15 =	sadd.s32 s1, s10;
	[dreg:$0x11] =	wrdreg s9  }
0x16: {  	s28 =	smul.u32 $0x3E80, s14;
	[dreg:$0x13] =	wrdreg s15  }
0x17: {  	s8 =	sadd.s32 s1, s8;
	s19 =	sadd.s32 s5, s17;
	s17 =	rddreg [dreg:$0x7]  }
0x18: {  	s18 =	sadd.s32 $0x3A00, s6;
	s7 =	sadd.s32 s5, s29;
	[dreg:$0xf] =	wrdreg s8  }
0x19: {  	s6 =	sadd.s32 $0x2A00, s6;
	s24 =	smul.u32 $0x1F400, s14;
	[dreg:$0x10] =	wrdreg s7  }
0x1a: {  	s20 =	sor.u32 $0xC0, s16;
	s15 =	simm.s32 $0x19820;
	[dreg:$0x14] =	wrdreg s19  }
0x1b: {  	s10 =	sshll.u32 s13, $0xD;
	s21 =	smul.u32 $0x1900, s20;
	[dreg:$0x1e] =	wrdreg s15  }
0x1c: {  	[tilespmem:s4], [sflag:$0x1] =	stream.linear.gather [hbm4b:s17+s4], $0xC800, $0x38;
	[tilespmem:$0x1DF48] =	vst v63  }
0x1d: {  	s9 =	smul.u32 $0x32, s20;
	s26 =	sadd.s32 s10, s24;
	s19 =	rddreg [dreg:$0x9]  }
0x1e: {  	s8 =	smul.u32 $0x32, s12;
	s7 =	sadd.s32 s5, s21;
	s21 =	rddreg [dreg:$0xa]  }
0x1f: {  	s29 =	sshrl.u32 s26, $0x3;
	s23 =	sadd.s32 s1, s9;
	[dreg:$0x16] =	wrdreg s7  }
0x20: {  	s12 =	sor.u32 $0xE0, s16;
	s30 =	sadd.s32 s18, s29;
	[dreg:$0x17] =	wrdreg s23  }
0x21: {  	s31 =	sadd.s32 s0, s28;
	s22 =	smul.u32 $0x1900, s12;
	[dreg:$0x1a] =	wrdreg s30  }
0x22: {  	s25 =	smul.u32 $0x32, s12;
	s8 =	sadd.s32 s1, s8;
	s23 =	rddreg [dreg:$0xb]  }
0x23: {  	s9 =	sshrl.u32 s28, $0x3;
	[dreg:$0x15] =	wrdreg s8;
	s5 =	sadd.s32 s5, s22  }
0x24: {  	s12 =	sadd.s32 s6, s9;
	s1 =	sadd.s32 s1, s25;
	[dreg:$0x18] =	wrdreg s5  }
0x25: {  	s20 =	simm.s32 $0x19000;
	s14 =	sadd.s32 $0x780, s12;
	[dreg:$0x19] =	wrdreg s1  }
0x26: {  	s7 =	sshrl.u32 s31, $0x3;
	s8 =	sshrl.u32 s24, $0x3;
	[dreg:$0x1d] =	wrdreg s14  }
0x27: {  	s22 =	simm.s32 $0x1B820;
	s5 =	sadd.s32 s18, s8;
	s18 =	rddreg [dreg:$0x8]  }
0x28: {  	[tilespmem:s20], [sflag:$0x3] =	stream.linear.gather [hbm4b:s18+s4], $0x190, $0x38;
	[tilespmem:$0x1DF48] =	vst v63  }
0x29: {  	s26 =	simm.s32 $0xC800;
	s1 =	sadd.s32 s6, s7;
	[dreg:$0x1f] =	wrdreg s22  }
0x2a: {  	[tilespmem:s26], [sflag:$0x2] =	stream.linear.gather [hbm4b:s19+s4], $0xC800, $0x38;
	[tilespmem:$0x1DF48] =	vst v63  }
0x2b: {  	s9 =	simm.s32 $0x19190;
	[dreg:$0x1b] =	wrdreg s1;
	s11 =	sadd.s32 $0x3C00, s5  }
0x2c: {  	[tilespmem:s9], [sflag:$0x4] =	stream.linear.gather [hbm4b:s21+s4], $0x190, $0x38;
	[tilespmem:$0x1DF48] =	vst v63  }
0x2d: {  	s24 =	simm.s32 $0x7;
	s8 =	simm.s32 $0x19320;
	[dreg:$0x1c] =	wrdreg s11  }
0x2e: {  	[tilespmem:s8], [sflag:$0x7] =	stream.linear.gather [hbm4b:s23+s4], $0x500, $0x38;
	[tilespmem:$0x1DF48] =	vst v63  }
0x2f: {  	_ =	swait.ge [sflag:s24], $0x500  }
0x30: {  	s25 =	rddreg [dreg:$0xc];
	[sflag:s24] =	ssyncset.done $0x0  }
0x31: {  	s28 =	rddreg [dreg:$0x1e];
	[sflag:s24] =	ssyncadd.s32 $0xFFFFFB00  }
0x32: {  	[tilespmem:s28], [sflag:$0x7] =	stream.linear.gather [hbm4b:s25+s4], $0x2000, $0x38;
	[tilespmem:$0x1DF48] =	vst v63  }
0x33: {  	_ =	swait.ge [sflag:s24], $0x2000  }
0x34: {  	s29 =	rddreg [dreg:$0xd];
	[sflag:s24] =	ssyncset.done $0x0  }
0x35: {  	s30 =	rddreg [dreg:$0x1f];
	[sflag:s24] =	ssyncadd.s32 $0xFFFFE000  }
0x36: {  	[tilespmem:s30], [sflag:$0x7] =	stream.linear.gather [hbm4b:s29+s4], $0x400, $0x38;
	[tilespmem:$0x1DF48] =	vst v63  }
0x37: {  	p0 =	seq.s32 s13, $0xF;
	_ =	swait.ge [sflag:s24], $0x400  }
0x38: {  	s12 =	simm.s32 @p0 $0x7;
	s5 =	sadd.s32 $0x1E000, s2;
	[sflag:s24] =	ssyncset.done $0x0  }
0x39: {  	s1 =	simm.s32 @p0 $0x19820;
	[smem:$0x7F9] =	sst s5;
	[sflag:s24] =	ssyncadd.s32 $0xFFFFFC00  }
0x3a: {  	[spmem:s5] =	stream.linear.scatter @p0 [tilespmem:s1], [sflag:$0x7], $0x1400, $0x38;
	[tilespmem:$0x1DF48] =	vst v63  }
0x3b: {  	_ =	swait.ge @p0 [sflag:s12], $0x1400  }
0x3c: {  	s5 =	sadd.s32 $0x3C00, s3;
	[sflag:s12] =	ssyncset.done @p0 $0x0  }
0x3d: {  	s1 =	simm.s32 @p0 $0x1B820;
	[smem:$0x7FA] =	sst s5;
	[sflag:s12] =	ssyncadd.s32 @p0 $0xFFFFEC00  }
0x3e: {  	[spmem:s5] =	stream.linear.scatter @p0 [tilespmem:s1], [sflag:$0x7], $0x280, $0x38;
	[tilespmem:$0x1DF48] =	vst v63  }
0x3f: {  	_ =	swait.ge @p0 [sflag:s12], $0x280  }
0x40: {  	s15 =	simm.s32 @!p0 $0x7;
	s5 =	sadd.s32 s10, s2;
	[sflag:s12] =	ssyncset.done @p0 $0x0  }
0x41: {  	s1 =	simm.s32 @!p0 $0x19820;
	[smem:$0x7FB] =	sst s5;
	[sflag:s12] =	ssyncadd.s32 @p0 $0xFFFFFD80  }
0x42: {  	[spmem:s5] =	stream.linear.scatter @!p0 [tilespmem:s1], [sflag:$0x7], $0x2000, $0x38;
	[tilespmem:$0x1DF48] =	vst v63  }
0x43: {  	_ =	swait.ge @!p0 [sflag:s15], $0x2000  }
0x44: {  	s1 =	sadd.s32 s0, s3;
	[sflag:s15] =	ssyncset.done @!p0 $0x0  }
0x45: {  	s0 =	simm.s32 @!p0 $0x1B820;
	[smem:$0x7FC] =	sst s1;
	[sflag:s15] =	ssyncadd.s32 @!p0 $0xFFFFE000  }
0x46: {  	[spmem:s1] =	stream.linear.scatter @!p0 [tilespmem:s0], [sflag:$0x7], $0x400, $0x38;
	[tilespmem:$0x1DF48] =	vst v63  }
0x47: {  	_ =	swait.ge @!p0 [sflag:s15], $0x400  }
0x48: {  	[sflag:s15] =	ssyncset.done @!p0 $0x0  }
0x49: {  	[sflag:s15] =	ssyncadd.s32 @!p0 $0xFFFFFC00  }
0x4a: {  	s21 =	simm.s32 $0x1;
	[bflag:$0x0] =	sbarrier.arrive $0xFFFF  }
0x4b: {  	_ =	swait.ge [sflag:s21], $0xC800  }
0x4c: {  	[sflag:s21] =	ssyncset.done $0x0  }
0x4d: {  	s6 =	simm.s32 $0x3;
	[sflag:s21] =	ssyncadd.s32 $0xFFFF3800  }
0x4e: {  	_ =	swait.ge [sflag:s6], $0x190  }
0x4f: {  	[sflag:s6] =	ssyncset.done $0x0  }
0x50: {  	s22 =	simm.s32 $0x50;
	[sflag:s6] =	ssyncadd.s32 $0xFFFFFE70  }
0x51: {  	[spmem:s2] =	stream.indirect.scatter.add.f32 [tilespmem:s4], [sflag:$0x5], $0x80, s20, s22, $0xb8;
	[tilespmem:$0x1DF48] =	vst v63  }
0x52: {  	_ = 	snop  }
0x53: {  	[spmem:s3] =	stream.indirect.scatter.add.f32 [tilespmem:s8], [sflag:$0x5], $0x10, s20, s22, $0xb8;
	[tilespmem:$0x1DF48] =	vst v63  }
0x54: {  	s31 =	simm.s32 $0x2800;
	s25 =	simm.s32 $0x19050  }
0x55: {  	[spmem:s2] =	stream.indirect.scatter.add.f32 [tilespmem:s31], [sflag:$0x5], $0x80, s25, s22, $0xb8;
	[tilespmem:$0x1DF48] =	vst v63  }
0x56: {  	_ = 	snop  }
0x57: {  	[spmem:s3] =	stream.indirect.scatter.add.f32 [tilespmem:s8], [sflag:$0x5], $0x10, s25, s22, $0xb8;
	[tilespmem:$0x1DF48] =	vst v63  }
0x58: {  	s28 =	simm.s32 $0x190A0;
	s0 =	simm.s32 $0x5000  }
0x59: {  	[spmem:s2] =	stream.indirect.scatter.add.f32 [tilespmem:s0], [sflag:$0x5], $0x80, s28, s22, $0xb8;
	[tilespmem:$0x1DF48] =	vst v63  }
0x5a: {  	_ = 	snop  }
0x5b: {  	[spmem:s3] =	stream.indirect.scatter.add.f32 [tilespmem:s8], [sflag:$0x5], $0x10, s28, s22, $0xb8;
	[tilespmem:$0x1DF48] =	vst v63  }
0x5c: {  	s30 =	simm.s32 $0x190F0;
	s5 =	simm.s32 $0x7800  }
0x5d: {  	[spmem:s2] =	stream.indirect.scatter.add.f32 [tilespmem:s5], [sflag:$0x5], $0x80, s30, s22, $0xb8;
	[tilespmem:$0x1DF48] =	vst v63  }
0x5e: {  	_ = 	snop  }
0x5f: {  	[spmem:s3] =	stream.indirect.scatter.add.f32 [tilespmem:s8], [sflag:$0x5], $0x10, s30, s22, $0xb8;
	[tilespmem:$0x1DF48] =	vst v63  }
0x60: {  	s7 =	simm.s32 $0xA000;
	s18 =	simm.s32 $0x19140  }
0x61: {  	[spmem:s2] =	stream.indirect.scatter.add.f32 [tilespmem:s7], [sflag:$0x5], $0x80, s18, s22, $0xb8;
	[tilespmem:$0x1DF48] =	vst v63  }
0x62: {  	s5 =	simm.s32 $0x2  }
0x63: {  	[spmem:s3] =	stream.indirect.scatter.add.f32 [tilespmem:s8], [sflag:$0x5], $0x10, s18, s22, $0xb8;
	[tilespmem:$0x1DF48] =	vst v63  }
0x64: {  	_ =	swait.ge [sflag:s5], $0xC800  }
0x65: {  	[sflag:s5] =	ssyncset.done $0x0  }
0x66: {  	s1 =	simm.s32 $0x4;
	[sflag:s5] =	ssyncadd.s32 $0xFFFF3800  }
0x67: {  	_ =	swait.ge [sflag:s1], $0x190  }
0x68: {  	[sflag:s1] =	ssyncset.done $0x0  }
0x69: {  	[sflag:s1] =	ssyncadd.s32 $0xFFFFFE70  }
0x6a: {  	[spmem:s2] =	stream.indirect.scatter.add.f32 [tilespmem:s26], [sflag:$0x6], $0x80, s9, s22, $0xb8;
	[tilespmem:$0x1DF48] =	vst v63  }
0x6b: {  	_ = 	snop  }
0x6c: {  	[spmem:s3] =	stream.indirect.scatter.add.f32 [tilespmem:s8], [sflag:$0x6], $0x10, s9, s22, $0xb8;
	[tilespmem:$0x1DF48] =	vst v63  }
0x6d: {  	s17 =	simm.s32 $0x191E0;
	s10 =	simm.s32 $0xF000  }
0x6e: {  	[spmem:s2] =	stream.indirect.scatter.add.f32 [tilespmem:s10], [sflag:$0x6], $0x80, s17, s22, $0xb8;
	[tilespmem:$0x1DF48] =	vst v63  }
0x6f: {  	_ = 	snop  }
0x70: {  	[spmem:s3] =	stream.indirect.scatter.add.f32 [tilespmem:s8], [sflag:$0x6], $0x10, s17, s22, $0xb8;
	[tilespmem:$0x1DF48] =	vst v63  }
0x71: {  	s14 =	simm.s32 $0x19230;
	s11 =	simm.s32 $0x11800  }
0x72: {  	[spmem:s2] =	stream.indirect.scatter.add.f32 [tilespmem:s11], [sflag:$0x6], $0x80, s14, s22, $0xb8;
	[tilespmem:$0x1DF48] =	vst v63  }
0x73: {  	_ = 	snop  }
0x74: {  	[spmem:s3] =	stream.indirect.scatter.add.f32 [tilespmem:s8], [sflag:$0x6], $0x10, s14, s22, $0xb8;
	[tilespmem:$0x1DF48] =	vst v63  }
0x75: {  	s13 =	simm.s32 $0x14000;
	s11 =	simm.s32 $0x19280  }
0x76: {  	[spmem:s2] =	stream.indirect.scatter.add.f32 [tilespmem:s13], [sflag:$0x6], $0x80, s11, s22, $0xb8;
	[tilespmem:$0x1DF48] =	vst v63  }
0x77: {  	_ = 	snop  }
0x78: {  	[spmem:s3] =	stream.indirect.scatter.add.f32 [tilespmem:s8], [sflag:$0x6], $0x10, s11, s22, $0xb8;
	[tilespmem:$0x1DF48] =	vst v63  }
0x79: {  	s31 =	simm.s32 $0x16800;
	s7 =	simm.s32 $0x192D0  }
0x7a: {  	[spmem:s2] =	stream.indirect.scatter.add.f32 [tilespmem:s31], [sflag:$0x6], $0x80, s7, s22, $0xb8;
	[tilespmem:$0x1DF48] =	vst v63  }
0x7b: {  	s10 =	simm.s32 $0x5  }
0x7c: {  	[spmem:s3] =	stream.indirect.scatter.add.f32 [tilespmem:s8], [sflag:$0x6], $0x10, s7, s22, $0xb8;
	[tilespmem:$0x1DF48] =	vst v63  }
0x7d: {  	_ =	swait.ge [sflag:s10], $0x2800  }
0x7e: {  	[sflag:s10] =	ssyncset.done $0x0  }
0x7f: {  	[sflag:s10] =	ssyncadd.s32 $0xFFFFD800  }
0x80: {  	_ =	swait.ge [sflag:s10], $0x500  }
0x81: {  	[sflag:s10] =	ssyncset.done $0x0  }
0x82: {  	[sflag:s10] =	ssyncadd.s32 $0xFFFFFB00  }
0x83: {  	_ =	swait.ge [sflag:s10], $0x2800  }
0x84: {  	[sflag:s10] =	ssyncset.done $0x0  }
0x85: {  	[sflag:s10] =	ssyncadd.s32 $0xFFFFD800  }
0x86: {  	_ =	swait.ge [sflag:s10], $0x500  }
0x87: {  	[sflag:s10] =	ssyncset.done $0x0  }
0x88: {  	[sflag:s10] =	ssyncadd.s32 $0xFFFFFB00  }
0x89: {  	_ =	swait.ge [sflag:s10], $0x2800  }
0x8a: {  	[sflag:s10] =	ssyncset.done $0x0  }
0x8b: {  	[sflag:s10] =	ssyncadd.s32 $0xFFFFD800  }
0x8c: {  	_ =	swait.ge [sflag:s10], $0x500  }
0x8d: {  	[sflag:s10] =	ssyncset.done $0x0  }
0x8e: {  	[sflag:s10] =	ssyncadd.s32 $0xFFFFFB00  }
0x8f: {  	_ =	swait.ge [sflag:s10], $0x2800  }
0x90: {  	[sflag:s10] =	ssyncset.done $0x0  }
0x91: {  	[sflag:s10] =	ssyncadd.s32 $0xFFFFD800  }
0x92: {  	_ =	swait.ge [sflag:s10], $0x500  }
0x93: {  	[sflag:s10] =	ssyncset.done $0x0  }
0x94: {  	[sflag:s10] =	ssyncadd.s32 $0xFFFFFB00  }
0x95: {  	_ =	swait.ge [sflag:s10], $0x2800  }
0x96: {  	[sflag:s10] =	ssyncset.done $0x0  }
0x97: {  	[sflag:s10] =	ssyncadd.s32 $0xFFFFD800  }
0x98: {  	_ =	swait.ge [sflag:s10], $0x500  }
0x99: {  	[sflag:s10] =	ssyncset.done $0x0  }
0x9a: {  	s13 =	rddreg [dreg:$0xe];
	[sflag:s10] =	ssyncadd.s32 $0xFFFFFB00  }
0x9b: {  	[tilespmem:s4], [sflag:$0x1] =	stream.linear.gather [hbm4b:s13+s4], $0xC800, $0x38;
	[tilespmem:$0x1DF48] =	vst v63  }
0x9c: {  	s24 =	rddreg [dreg:$0xf]  }
0x9d: {  	[tilespmem:s20], [sflag:$0x3] =	stream.linear.gather [hbm4b:s24+s4], $0x190, $0x38;
	[tilespmem:$0x1DF48] =	vst v63  }
0x9e: {  	_ =	swait.ge [sflag:s21], $0xC800  }
0x9f: {  	[sflag:s21] =	ssyncset.done $0x0  }
0xa0: {  	[sflag:s21] =	ssyncadd.s32 $0xFFFF3800  }
0xa1: {  	_ =	swait.ge [sflag:s6], $0x190  }
0xa2: {  	[sflag:s6] =	ssyncset.done $0x0  }
0xa3: {  	[sflag:s6] =	ssyncadd.s32 $0xFFFFFE70  }
0xa4: {  	[spmem:s2] =	stream.indirect.scatter.add.f32 [tilespmem:s4], [sflag:$0x5], $0x80, s20, s22, $0xb8;
	[tilespmem:$0x1DF48] =	vst v63  }
0xa5: {  	_ = 	snop  }
0xa6: {  	[spmem:s3] =	stream.indirect.scatter.add.f32 [tilespmem:s8], [sflag:$0x5], $0x10, s20, s22, $0xb8;
	[tilespmem:$0x1DF48] =	vst v63  }
0xa7: {  	s29 =	simm.s32 $0x2800  }
0xa8: {  	[spmem:s2] =	stream.indirect.scatter.add.f32 [tilespmem:s29], [sflag:$0x5], $0x80, s25, s22, $0xb8;
	[tilespmem:$0x1DF48] =	vst v63  }
0xa9: {  	_ = 	snop  }
0xaa: {  	[spmem:s3] =	stream.indirect.scatter.add.f32 [tilespmem:s8], [sflag:$0x5], $0x10, s25, s22, $0xb8;
	[tilespmem:$0x1DF48] =	vst v63  }
0xab: {  	s23 =	simm.s32 $0x5000  }
0xac: {  	[spmem:s2] =	stream.indirect.scatter.add.f32 [tilespmem:s23], [sflag:$0x5], $0x80, s28, s22, $0xb8;
	[tilespmem:$0x1DF48] =	vst v63  }
0xad: {  	_ = 	snop  }
0xae: {  	[spmem:s3] =	stream.indirect.scatter.add.f32 [tilespmem:s8], [sflag:$0x5], $0x10, s28, s22, $0xb8;
	[tilespmem:$0x1DF48] =	vst v63  }
0xaf: {  	s19 =	simm.s32 $0x7800  }
0xb0: {  	[spmem:s2] =	stream.indirect.scatter.add.f32 [tilespmem:s19], [sflag:$0x5], $0x80, s30, s22, $0xb8;
	[tilespmem:$0x1DF48] =	vst v63  }
0xb1: {  	_ = 	snop  }
0xb2: {  	[spmem:s3] =	stream.indirect.scatter.add.f32 [tilespmem:s8], [sflag:$0x5], $0x10, s30, s22, $0xb8;
	[tilespmem:$0x1DF48] =	vst v63  }
0xb3: {  	s0 =	simm.s32 $0xA000  }
0xb4: {  	[spmem:s2] =	stream.indirect.scatter.add.f32 [tilespmem:s0], [sflag:$0x5], $0x80, s18, s22, $0xb8;
	[tilespmem:$0x1DF48] =	vst v63  }
0xb5: {  	s13 =	simm.s32 $0x6  }
0xb6: {  	[spmem:s3] =	stream.indirect.scatter.add.f32 [tilespmem:s8], [sflag:$0x5], $0x10, s18, s22, $0xb8;
	[tilespmem:$0x1DF48] =	vst v63  }
0xb7: {  	_ =	swait.ge [sflag:s13], $0x2800  }
0xb8: {  	[sflag:s13] =	ssyncset.done $0x0  }
0xb9: {  	[sflag:s13] =	ssyncadd.s32 $0xFFFFD800  }
0xba: {  	_ =	swait.ge [sflag:s13], $0x500  }
0xbb: {  	[sflag:s13] =	ssyncset.done $0x0  }
0xbc: {  	[sflag:s13] =	ssyncadd.s32 $0xFFFFFB00  }
0xbd: {  	_ =	swait.ge [sflag:s13], $0x2800  }
0xbe: {  	[sflag:s13] =	ssyncset.done $0x0  }
0xbf: {  	[sflag:s13] =	ssyncadd.s32 $0xFFFFD800  }
0xc0: {  	_ =	swait.ge [sflag:s13], $0x500  }
0xc1: {  	[sflag:s13] =	ssyncset.done $0x0  }
0xc2: {  	[sflag:s13] =	ssyncadd.s32 $0xFFFFFB00  }
0xc3: {  	_ =	swait.ge [sflag:s13], $0x2800  }
0xc4: {  	[sflag:s13] =	ssyncset.done $0x0  }
0xc5: {  	[sflag:s13] =	ssyncadd.s32 $0xFFFFD800  }
0xc6: {  	_ =	swait.ge [sflag:s13], $0x500  }
0xc7: {  	[sflag:s13] =	ssyncset.done $0x0  }
0xc8: {  	[sflag:s13] =	ssyncadd.s32 $0xFFFFFB00  }
0xc9: {  	_ =	swait.ge [sflag:s13], $0x2800  }
0xca: {  	[sflag:s13] =	ssyncset.done $0x0  }
0xcb: {  	[sflag:s13] =	ssyncadd.s32 $0xFFFFD800  }
0xcc: {  	_ =	swait.ge [sflag:s13], $0x500  }
0xcd: {  	[sflag:s13] =	ssyncset.done $0x0  }
0xce: {  	[sflag:s13] =	ssyncadd.s32 $0xFFFFFB00  }
0xcf: {  	_ =	swait.ge [sflag:s13], $0x2800  }
0xd0: {  	[sflag:s13] =	ssyncset.done $0x0  }
0xd1: {  	[sflag:s13] =	ssyncadd.s32 $0xFFFFD800  }
0xd2: {  	_ =	swait.ge [sflag:s13], $0x500  }
0xd3: {  	[sflag:s13] =	ssyncset.done $0x0  }
0xd4: {  	s19 =	rddreg [dreg:$0x10];
	[sflag:s13] =	ssyncadd.s32 $0xFFFFFB00  }
0xd5: {  	[tilespmem:s26], [sflag:$0x2] =	stream.linear.gather [hbm4b:s19+s4], $0xC800, $0x38;
	[tilespmem:$0x1DF48] =	vst v63  }
0xd6: {  	s23 =	rddreg [dreg:$0x11]  }
0xd7: {  	[tilespmem:s9], [sflag:$0x4] =	stream.linear.gather [hbm4b:s23+s4], $0x190, $0x38;
	[tilespmem:$0x1DF48] =	vst v63  }
0xd8: {  	_ =	swait.ge [sflag:s5], $0xC800  }
0xd9: {  	[sflag:s5] =	ssyncset.done $0x0  }
0xda: {  	[sflag:s5] =	ssyncadd.s32 $0xFFFF3800  }
0xdb: {  	_ =	swait.ge [sflag:s1], $0x190  }
0xdc: {  	[sflag:s1] =	ssyncset.done $0x0  }
0xdd: {  	[sflag:s1] =	ssyncadd.s32 $0xFFFFFE70  }
0xde: {  	[spmem:s2] =	stream.indirect.scatter.add.f32 [tilespmem:s26], [sflag:$0x6], $0x80, s9, s22, $0xb8;
	[tilespmem:$0x1DF48] =	vst v63  }
0xdf: {  	_ = 	snop  }
0xe0: {  	[spmem:s3] =	stream.indirect.scatter.add.f32 [tilespmem:s8], [sflag:$0x6], $0x10, s9, s22, $0xb8;
	[tilespmem:$0x1DF48] =	vst v63  }
0xe1: {  	s29 =	simm.s32 $0xF000  }
0xe2: {  	[spmem:s2] =	stream.indirect.scatter.add.f32 [tilespmem:s29], [sflag:$0x6], $0x80, s17, s22, $0xb8;
	[tilespmem:$0x1DF48] =	vst v63  }
0xe3: {  	_ = 	snop  }
0xe4: {  	[spmem:s3] =	stream.indirect.scatter.add.f32 [tilespmem:s8], [sflag:$0x6], $0x10, s17, s22, $0xb8;
	[tilespmem:$0x1DF48] =	vst v63  }
0xe5: {  	s19 =	simm.s32 $0x11800  }
0xe6: {  	[spmem:s2] =	stream.indirect.scatter.add.f32 [tilespmem:s19], [sflag:$0x6], $0x80, s14, s22, $0xb8;
	[tilespmem:$0x1DF48] =	vst v63  }
0xe7: {  	_ = 	snop  }
0xe8: {  	[spmem:s3] =	stream.indirect.scatter.add.f32 [tilespmem:s8], [sflag:$0x6], $0x10, s14, s22, $0xb8;
	[tilespmem:$0x1DF48] =	vst v63  }
0xe9: {  	s23 =	simm.s32 $0x14000  }
0xea: {  	[spmem:s2] =	stream.indirect.scatter.add.f32 [tilespmem:s23], [sflag:$0x6], $0x80, s11, s22, $0xb8;
	[tilespmem:$0x1DF48] =	vst v63  }
0xeb: {  	_ = 	snop  }
0xec: {  	[spmem:s3] =	stream.indirect.scatter.add.f32 [tilespmem:s8], [sflag:$0x6], $0x10, s11, s22, $0xb8;
	[tilespmem:$0x1DF48] =	vst v63  }
0xed: {  	_ = 	snop  }
0xee: {  	[spmem:s2] =	stream.indirect.scatter.add.f32 [tilespmem:s31], [sflag:$0x6], $0x80, s7, s22, $0xb8;
	[tilespmem:$0x1DF48] =	vst v63  }
0xef: {  	_ = 	snop  }
0xf0: {  	[spmem:s3] =	stream.indirect.scatter.add.f32 [tilespmem:s8], [sflag:$0x6], $0x10, s7, s22, $0xb8;
	[tilespmem:$0x1DF48] =	vst v63  }
0xf1: {  	_ =	swait.ge [sflag:s10], $0x2800  }
0xf2: {  	[sflag:s10] =	ssyncset.done $0x0  }
0xf3: {  	[sflag:s10] =	ssyncadd.s32 $0xFFFFD800  }
0xf4: {  	_ =	swait.ge [sflag:s10], $0x500  }
0xf5: {  	[sflag:s10] =	ssyncset.done $0x0  }
0xf6: {  	[sflag:s10] =	ssyncadd.s32 $0xFFFFFB00  }
0xf7: {  	_ =	swait.ge [sflag:s10], $0x2800  }
0xf8: {  	[sflag:s10] =	ssyncset.done $0x0  }
0xf9: {  	[sflag:s10] =	ssyncadd.s32 $0xFFFFD800  }
0xfa: {  	_ =	swait.ge [sflag:s10], $0x500  }
0xfb: {  	[sflag:s10] =	ssyncset.done $0x0  }
0xfc: {  	[sflag:s10] =	ssyncadd.s32 $0xFFFFFB00  }
0xfd: {  	_ =	swait.ge [sflag:s10], $0x2800  }
0xfe: {  	[sflag:s10] =	ssyncset.done $0x0  }
0xff: {  	[sflag:s10] =	ssyncadd.s32 $0xFFFFD800  }
0x100: {  	_ =	swait.ge [sflag:s10], $0x500  }
0x101: {  	[sflag:s10] =	ssyncset.done $0x0  }
0x102: {  	[sflag:s10] =	ssyncadd.s32 $0xFFFFFB00  }
0x103: {  	_ =	swait.ge [sflag:s10], $0x2800  }
0x104: {  	[sflag:s10] =	ssyncset.done $0x0  }
0x105: {  	[sflag:s10] =	ssyncadd.s32 $0xFFFFD800  }
0x106: {  	_ =	swait.ge [sflag:s10], $0x500  }
0x107: {  	[sflag:s10] =	ssyncset.done $0x0  }
0x108: {  	[sflag:s10] =	ssyncadd.s32 $0xFFFFFB00  }
0x109: {  	_ =	swait.ge [sflag:s10], $0x2800  }
0x10a: {  	[sflag:s10] =	ssyncset.done $0x0  }
0x10b: {  	[sflag:s10] =	ssyncadd.s32 $0xFFFFD800  }
0x10c: {  	_ =	swait.ge [sflag:s10], $0x500  }
0x10d: {  	[sflag:s10] =	ssyncset.done $0x0  }
0x10e: {  	s0 =	rddreg [dreg:$0x12];
	[sflag:s10] =	ssyncadd.s32 $0xFFFFFB00  }
0x10f: {  	[tilespmem:s4], [sflag:$0x1] =	stream.linear.gather [hbm4b:s0+s4], $0xC800, $0x38;
	[tilespmem:$0x1DF48] =	vst v63  }
0x110: {  	s24 =	rddreg [dreg:$0x13]  }
0x111: {  	[tilespmem:s20], [sflag:$0x3] =	stream.linear.gather [hbm4b:s24+s4], $0x190, $0x38;
	[tilespmem:$0x1DF48] =	vst v63  }
0x112: {  	_ =	swait.ge [sflag:s21], $0xC800  }
0x113: {  	[sflag:s21] =	ssyncset.done $0x0  }
0x114: {  	[sflag:s21] =	ssyncadd.s32 $0xFFFF3800  }
0x115: {  	_ =	swait.ge [sflag:s6], $0x190  }
0x116: {  	[sflag:s6] =	ssyncset.done $0x0  }
0x117: {  	[sflag:s6] =	ssyncadd.s32 $0xFFFFFE70  }
0x118: {  	[spmem:s2] =	stream.indirect.scatter.add.f32 [tilespmem:s4], [sflag:$0x5], $0x80, s20, s22, $0xb8;
	[tilespmem:$0x1DF48] =	vst v63  }
0x119: {  	_ = 	snop  }
0x11a: {  	[spmem:s3] =	stream.indirect.scatter.add.f32 [tilespmem:s8], [sflag:$0x5], $0x10, s20, s22, $0xb8;
	[tilespmem:$0x1DF48] =	vst v63  }
0x11b: {  	s24 =	simm.s32 $0x2800  }
0x11c: {  	[spmem:s2] =	stream.indirect.scatter.add.f32 [tilespmem:s24], [sflag:$0x5], $0x80, s25, s22, $0xb8;
	[tilespmem:$0x1DF48] =	vst v63  }
0x11d: {  	_ = 	snop  }
0x11e: {  	[spmem:s3] =	stream.indirect.scatter.add.f32 [tilespmem:s8], [sflag:$0x5], $0x10, s25, s22, $0xb8;
	[tilespmem:$0x1DF48] =	vst v63  }
0x11f: {  	s24 =	simm.s32 $0x5000  }
0x120: {  	[spmem:s2] =	stream.indirect.scatter.add.f32 [tilespmem:s24], [sflag:$0x5], $0x80, s28, s22, $0xb8;
	[tilespmem:$0x1DF48] =	vst v63  }
0x121: {  	_ = 	snop  }
0x122: {  	[spmem:s3] =	stream.indirect.scatter.add.f32 [tilespmem:s8], [sflag:$0x5], $0x10, s28, s22, $0xb8;
	[tilespmem:$0x1DF48] =	vst v63  }
0x123: {  	s24 =	simm.s32 $0x7800  }
0x124: {  	[spmem:s2] =	stream.indirect.scatter.add.f32 [tilespmem:s24], [sflag:$0x5], $0x80, s30, s22, $0xb8;
	[tilespmem:$0x1DF48] =	vst v63  }
0x125: {  	_ = 	snop  }
0x126: {  	[spmem:s3] =	stream.indirect.scatter.add.f32 [tilespmem:s8], [sflag:$0x5], $0x10, s30, s22, $0xb8;
	[tilespmem:$0x1DF48] =	vst v63  }
0x127: {  	s24 =	simm.s32 $0xA000  }
0x128: {  	[spmem:s2] =	stream.indirect.scatter.add.f32 [tilespmem:s24], [sflag:$0x5], $0x80, s18, s22, $0xb8;
	[tilespmem:$0x1DF48] =	vst v63  }
0x129: {  	_ = 	snop  }
0x12a: {  	[spmem:s3] =	stream.indirect.scatter.add.f32 [tilespmem:s8], [sflag:$0x5], $0x10, s18, s22, $0xb8;
	[tilespmem:$0x1DF48] =	vst v63  }
0x12b: {  	_ =	swait.ge [sflag:s13], $0x2800  }
0x12c: {  	[sflag:s13] =	ssyncset.done $0x0  }
0x12d: {  	[sflag:s13] =	ssyncadd.s32 $0xFFFFD800  }
0x12e: {  	_ =	swait.ge [sflag:s13], $0x500  }
0x12f: {  	[sflag:s13] =	ssyncset.done $0x0  }
0x130: {  	[sflag:s13] =	ssyncadd.s32 $0xFFFFFB00  }
0x131: {  	_ =	swait.ge [sflag:s13], $0x2800  }
0x132: {  	[sflag:s13] =	ssyncset.done $0x0  }
0x133: {  	[sflag:s13] =	ssyncadd.s32 $0xFFFFD800  }
0x134: {  	_ =	swait.ge [sflag:s13], $0x500  }
0x135: {  	[sflag:s13] =	ssyncset.done $0x0  }
0x136: {  	[sflag:s13] =	ssyncadd.s32 $0xFFFFFB00  }
0x137: {  	_ =	swait.ge [sflag:s13], $0x2800  }
0x138: {  	[sflag:s13] =	ssyncset.done $0x0  }
0x139: {  	[sflag:s13] =	ssyncadd.s32 $0xFFFFD800  }
0x13a: {  	_ =	swait.ge [sflag:s13], $0x500  }
0x13b: {  	[sflag:s13] =	ssyncset.done $0x0  }
0x13c: {  	[sflag:s13] =	ssyncadd.s32 $0xFFFFFB00  }
0x13d: {  	_ =	swait.ge [sflag:s13], $0x2800  }
0x13e: {  	[sflag:s13] =	ssyncset.done $0x0  }
0x13f: {  	[sflag:s13] =	ssyncadd.s32 $0xFFFFD800  }
0x140: {  	_ =	swait.ge [sflag:s13], $0x500  }
0x141: {  	[sflag:s13] =	ssyncset.done $0x0  }
0x142: {  	[sflag:s13] =	ssyncadd.s32 $0xFFFFFB00  }
0x143: {  	_ =	swait.ge [sflag:s13], $0x2800  }
0x144: {  	[sflag:s13] =	ssyncset.done $0x0  }
0x145: {  	[sflag:s13] =	ssyncadd.s32 $0xFFFFD800  }
0x146: {  	_ =	swait.ge [sflag:s13], $0x500  }
0x147: {  	[sflag:s13] =	ssyncset.done $0x0  }
0x148: {  	s0 =	rddreg [dreg:$0x14];
	[sflag:s13] =	ssyncadd.s32 $0xFFFFFB00  }
0x149: {  	[tilespmem:s26], [sflag:$0x2] =	stream.linear.gather [hbm4b:s0+s4], $0xC800, $0x38;
	[tilespmem:$0x1DF48] =	vst v63  }
0x14a: {  	s24 =	rddreg [dreg:$0x15]  }
0x14b: {  	[tilespmem:s9], [sflag:$0x4] =	stream.linear.gather [hbm4b:s24+s4], $0x190, $0x38;
	[tilespmem:$0x1DF48] =	vst v63  }
0x14c: {  	_ =	swait.ge [sflag:s5], $0xC800  }
0x14d: {  	[sflag:s5] =	ssyncset.done $0x0  }
0x14e: {  	[sflag:s5] =	ssyncadd.s32 $0xFFFF3800  }
0x14f: {  	_ =	swait.ge [sflag:s1], $0x190  }
0x150: {  	[sflag:s1] =	ssyncset.done $0x0  }
0x151: {  	[sflag:s1] =	ssyncadd.s32 $0xFFFFFE70  }
0x152: {  	[spmem:s2] =	stream.indirect.scatter.add.f32 [tilespmem:s26], [sflag:$0x6], $0x80, s9, s22, $0xb8;
	[tilespmem:$0x1DF48] =	vst v63  }
0x153: {  	_ = 	snop  }
0x154: {  	[spmem:s3] =	stream.indirect.scatter.add.f32 [tilespmem:s8], [sflag:$0x6], $0x10, s9, s22, $0xb8;
	[tilespmem:$0x1DF48] =	vst v63  }
0x155: {  	s29 =	simm.s32 $0xF000  }
0x156: {  	[spmem:s2] =	stream.indirect.scatter.add.f32 [tilespmem:s29], [sflag:$0x6], $0x80, s17, s22, $0xb8;
	[tilespmem:$0x1DF48] =	vst v63  }
0x157: {  	_ = 	snop  }
0x158: {  	[spmem:s3] =	stream.indirect.scatter.add.f32 [tilespmem:s8], [sflag:$0x6], $0x10, s17, s22, $0xb8;
	[tilespmem:$0x1DF48] =	vst v63  }
0x159: {  	s19 =	simm.s32 $0x11800  }
0x15a: {  	[spmem:s2] =	stream.indirect.scatter.add.f32 [tilespmem:s19], [sflag:$0x6], $0x80, s14, s22, $0xb8;
	[tilespmem:$0x1DF48] =	vst v63  }
0x15b: {  	_ = 	snop  }
0x15c: {  	[spmem:s3] =	stream.indirect.scatter.add.f32 [tilespmem:s8], [sflag:$0x6], $0x10, s14, s22, $0xb8;
	[tilespmem:$0x1DF48] =	vst v63  }
0x15d: {  	s23 =	simm.s32 $0x14000  }
0x15e: {  	[spmem:s2] =	stream.indirect.scatter.add.f32 [tilespmem:s23], [sflag:$0x6], $0x80, s11, s22, $0xb8;
	[tilespmem:$0x1DF48] =	vst v63  }
0x15f: {  	_ = 	snop  }
0x160: {  	[spmem:s3] =	stream.indirect.scatter.add.f32 [tilespmem:s8], [sflag:$0x6], $0x10, s11, s22, $0xb8;
	[tilespmem:$0x1DF48] =	vst v63  }
0x161: {  	_ = 	snop  }
0x162: {  	[spmem:s2] =	stream.indirect.scatter.add.f32 [tilespmem:s31], [sflag:$0x6], $0x80, s7, s22, $0xb8;
	[tilespmem:$0x1DF48] =	vst v63  }
0x163: {  	_ = 	snop  }
0x164: {  	[spmem:s3] =	stream.indirect.scatter.add.f32 [tilespmem:s8], [sflag:$0x6], $0x10, s7, s22, $0xb8;
	[tilespmem:$0x1DF48] =	vst v63  }
0x165: {  	_ =	swait.ge [sflag:s10], $0x2800  }
0x166: {  	[sflag:s10] =	ssyncset.done $0x0  }
0x167: {  	[sflag:s10] =	ssyncadd.s32 $0xFFFFD800  }
0x168: {  	_ =	swait.ge [sflag:s10], $0x500  }
0x169: {  	[sflag:s10] =	ssyncset.done $0x0  }
0x16a: {  	[sflag:s10] =	ssyncadd.s32 $0xFFFFFB00  }
0x16b: {  	_ =	swait.ge [sflag:s10], $0x2800  }
0x16c: {  	[sflag:s10] =	ssyncset.done $0x0  }
0x16d: {  	[sflag:s10] =	ssyncadd.s32 $0xFFFFD800  }
0x16e: {  	_ =	swait.ge [sflag:s10], $0x500  }
0x16f: {  	[sflag:s10] =	ssyncset.done $0x0  }
0x170: {  	[sflag:s10] =	ssyncadd.s32 $0xFFFFFB00  }
0x171: {  	_ =	swait.ge [sflag:s10], $0x2800  }
0x172: {  	[sflag:s10] =	ssyncset.done $0x0  }
0x173: {  	[sflag:s10] =	ssyncadd.s32 $0xFFFFD800  }
0x174: {  	_ =	swait.ge [sflag:s10], $0x500  }
0x175: {  	[sflag:s10] =	ssyncset.done $0x0  }
0x176: {  	[sflag:s10] =	ssyncadd.s32 $0xFFFFFB00  }
0x177: {  	_ =	swait.ge [sflag:s10], $0x2800  }
0x178: {  	[sflag:s10] =	ssyncset.done $0x0  }
0x179: {  	[sflag:s10] =	ssyncadd.s32 $0xFFFFD800  }
0x17a: {  	_ =	swait.ge [sflag:s10], $0x500  }
0x17b: {  	[sflag:s10] =	ssyncset.done $0x0  }
0x17c: {  	[sflag:s10] =	ssyncadd.s32 $0xFFFFFB00  }
0x17d: {  	_ =	swait.ge [sflag:s10], $0x2800  }
0x17e: {  	[sflag:s10] =	ssyncset.done $0x0  }
0x17f: {  	[sflag:s10] =	ssyncadd.s32 $0xFFFFD800  }
0x180: {  	_ =	swait.ge [sflag:s10], $0x500  }
0x181: {  	[sflag:s10] =	ssyncset.done $0x0  }
0x182: {  	s19 =	rddreg [dreg:$0x16];
	[sflag:s10] =	ssyncadd.s32 $0xFFFFFB00  }
0x183: {  	[tilespmem:s4], [sflag:$0x1] =	stream.linear.gather [hbm4b:s19+s4], $0xC800, $0x38;
	[tilespmem:$0x1DF48] =	vst v63  }
0x184: {  	s23 =	rddreg [dreg:$0x17]  }
0x185: {  	[tilespmem:s20], [sflag:$0x3] =	stream.linear.gather [hbm4b:s23+s4], $0x190, $0x38;
	[tilespmem:$0x1DF48] =	vst v63  }
0x186: {  	_ =	swait.ge [sflag:s21], $0xC800  }
0x187: {  	[sflag:s21] =	ssyncset.done $0x0  }
0x188: {  	[sflag:s21] =	ssyncadd.s32 $0xFFFF3800  }
0x189: {  	_ =	swait.ge [sflag:s6], $0x190  }
0x18a: {  	[sflag:s6] =	ssyncset.done $0x0  }
0x18b: {  	[sflag:s6] =	ssyncadd.s32 $0xFFFFFE70  }
0x18c: {  	[spmem:s2] =	stream.indirect.scatter.add.f32 [tilespmem:s4], [sflag:$0x5], $0x80, s20, s22, $0xb8;
	[tilespmem:$0x1DF48] =	vst v63  }
0x18d: {  	_ = 	snop  }
0x18e: {  	[spmem:s3] =	stream.indirect.scatter.add.f32 [tilespmem:s8], [sflag:$0x5], $0x10, s20, s22, $0xb8;
	[tilespmem:$0x1DF48] =	vst v63  }
0x18f: {  	s24 =	simm.s32 $0x2800  }
0x190: {  	[spmem:s2] =	stream.indirect.scatter.add.f32 [tilespmem:s24], [sflag:$0x5], $0x80, s25, s22, $0xb8;
	[tilespmem:$0x1DF48] =	vst v63  }
0x191: {  	_ = 	snop  }
0x192: {  	[spmem:s3] =	stream.indirect.scatter.add.f32 [tilespmem:s8], [sflag:$0x5], $0x10, s25, s22, $0xb8;
	[tilespmem:$0x1DF48] =	vst v63  }
0x193: {  	s25 =	simm.s32 $0x5000  }
0x194: {  	[spmem:s2] =	stream.indirect.scatter.add.f32 [tilespmem:s25], [sflag:$0x5], $0x80, s28, s22, $0xb8;
	[tilespmem:$0x1DF48] =	vst v63  }
0x195: {  	_ = 	snop  }
0x196: {  	[spmem:s3] =	stream.indirect.scatter.add.f32 [tilespmem:s8], [sflag:$0x5], $0x10, s28, s22, $0xb8;
	[tilespmem:$0x1DF48] =	vst v63  }
0x197: {  	s26 =	simm.s32 $0x7800  }
0x198: {  	[spmem:s2] =	stream.indirect.scatter.add.f32 [tilespmem:s26], [sflag:$0x5], $0x80, s30, s22, $0xb8;
	[tilespmem:$0x1DF48] =	vst v63  }
0x199: {  	_ = 	snop  }
0x19a: {  	[spmem:s3] =	stream.indirect.scatter.add.f32 [tilespmem:s8], [sflag:$0x5], $0x10, s30, s22, $0xb8;
	[tilespmem:$0x1DF48] =	vst v63  }
0x19b: {  	s28 =	simm.s32 $0xA000  }
0x19c: {  	[spmem:s2] =	stream.indirect.scatter.add.f32 [tilespmem:s28], [sflag:$0x5], $0x80, s18, s22, $0xb8;
	[tilespmem:$0x1DF48] =	vst v63  }
0x19d: {  	_ = 	snop  }
0x19e: {  	[spmem:s3] =	stream.indirect.scatter.add.f32 [tilespmem:s8], [sflag:$0x5], $0x10, s18, s22, $0xb8;
	[tilespmem:$0x1DF48] =	vst v63  }
0x19f: {  	_ =	swait.ge [sflag:s13], $0x2800  }
0x1a0: {  	[sflag:s13] =	ssyncset.done $0x0  }
0x1a1: {  	[sflag:s13] =	ssyncadd.s32 $0xFFFFD800  }
0x1a2: {  	_ =	swait.ge [sflag:s13], $0x500  }
0x1a3: {  	[sflag:s13] =	ssyncset.done $0x0  }
0x1a4: {  	[sflag:s13] =	ssyncadd.s32 $0xFFFFFB00  }
0x1a5: {  	_ =	swait.ge [sflag:s13], $0x2800  }
0x1a6: {  	[sflag:s13] =	ssyncset.done $0x0  }
0x1a7: {  	[sflag:s13] =	ssyncadd.s32 $0xFFFFD800  }
0x1a8: {  	_ =	swait.ge [sflag:s13], $0x500  }
0x1a9: {  	[sflag:s13] =	ssyncset.done $0x0  }
0x1aa: {  	[sflag:s13] =	ssyncadd.s32 $0xFFFFFB00  }
0x1ab: {  	_ =	swait.ge [sflag:s13], $0x2800  }
0x1ac: {  	[sflag:s13] =	ssyncset.done $0x0  }
0x1ad: {  	[sflag:s13] =	ssyncadd.s32 $0xFFFFD800  }
0x1ae: {  	_ =	swait.ge [sflag:s13], $0x500  }
0x1af: {  	[sflag:s13] =	ssyncset.done $0x0  }
0x1b0: {  	[sflag:s13] =	ssyncadd.s32 $0xFFFFFB00  }
0x1b1: {  	_ =	swait.ge [sflag:s13], $0x2800  }
0x1b2: {  	[sflag:s13] =	ssyncset.done $0x0  }
0x1b3: {  	[sflag:s13] =	ssyncadd.s32 $0xFFFFD800  }
0x1b4: {  	_ =	swait.ge [sflag:s13], $0x500  }
0x1b5: {  	[sflag:s13] =	ssyncset.done $0x0  }
0x1b6: {  	[sflag:s13] =	ssyncadd.s32 $0xFFFFFB00  }
0x1b7: {  	_ =	swait.ge [sflag:s13], $0x2800  }
0x1b8: {  	[sflag:s13] =	ssyncset.done $0x0  }
0x1b9: {  	[sflag:s13] =	ssyncadd.s32 $0xFFFFD800  }
0x1ba: {  	p1 =	sgt.u32 s16, $0x19;
	_ =	swait.ge [sflag:s13], $0x500  }
0x1bb: {  	s5 =	simm.s32 @!p1 $0x0;
	[sflag:s13] =	ssyncset.done $0x0  }
0x1bc: {  	s1 =	simm.s32 @!p1 $0xC800;
	s0 =	rddreg [dreg:$0x18];
	[sflag:s13] =	ssyncadd.s32 $0xFFFFFB00  }
0x1bd: {  	[tilespmem:s1], [sflag:$0x2] =	stream.linear.gather @!p1 [hbm4b:s0+s5], $0xC800, $0x38;
	[tilespmem:$0x1DF48] =	vst v63  }
0x1be: {  	s16 =	rddreg [dreg:$0x19];
	s0 =	simm.s32 @!p1 $0x19190  }
0x1bf: {  	[tilespmem:s0], [sflag:$0x4] =	stream.linear.gather @!p1 [hbm4b:s16+s5], $0x190, $0x38;
	[tilespmem:$0x1DF48] =	vst v63  }
0x1c0: {  	s5 =	simm.s32 @!p1 $0x2  }
0x1c1: {  	_ =	swait.ge @!p1 [sflag:s5], $0xC800  }
0x1c2: {  	[sflag:s5] =	ssyncset.done @!p1 $0x0  }
0x1c3: {  	[sflag:s5] =	ssyncadd.s32 @!p1 $0xFFFF3800;
	s5 =	simm.s32 @!p1 $0x4  }
0x1c4: {  	_ =	swait.ge @!p1 [sflag:s5], $0x190  }
0x1c5: {  	[sflag:s5] =	ssyncset.done @!p1 $0x0  }
0x1c6: {  	[sflag:s5] =	ssyncadd.s32 @!p1 $0xFFFFFE70;
	s5 =	simm.s32 @!p1 $0x50  }
0x1c7: {  	[spmem:s2] =	stream.indirect.scatter.add.f32 @!p1 [tilespmem:s1], [sflag:$0x6], $0x80, s0, s5, $0xb8;
	[tilespmem:$0x1DF48] =	vst v63  }
0x1c8: {  	s1 =	simm.s32 @!p1 $0x19320  }
0x1c9: {  	[spmem:s3] =	stream.indirect.scatter.add.f32 @!p1 [tilespmem:s1], [sflag:$0x6], $0x10, s0, s5, $0xb8;
	[tilespmem:$0x1DF48] =	vst v63  }
0x1ca: {  	s6 =	simm.s32 @!p1 $0xF000;
	s0 =	simm.s32 @!p1 $0x191E0  }
0x1cb: {  	[spmem:s2] =	stream.indirect.scatter.add.f32 @!p1 [tilespmem:s6], [sflag:$0x6], $0x80, s0, s5, $0xb8;
	[tilespmem:$0x1DF48] =	vst v63  }
0x1cc: {  	_ = 	snop  }
0x1cd: {  	[spmem:s3] =	stream.indirect.scatter.add.f32 @!p1 [tilespmem:s1], [sflag:$0x6], $0x10, s0, s5, $0xb8;
	[tilespmem:$0x1DF48] =	vst v63  }
0x1ce: {  	s6 =	simm.s32 @!p1 $0x11800;
	s0 =	simm.s32 @!p1 $0x19230  }
0x1cf: {  	[spmem:s2] =	stream.indirect.scatter.add.f32 @!p1 [tilespmem:s6], [sflag:$0x6], $0x80, s0, s5, $0xb8;
	[tilespmem:$0x1DF48] =	vst v63  }
0x1d0: {  	_ = 	snop  }
0x1d1: {  	[spmem:s3] =	stream.indirect.scatter.add.f32 @!p1 [tilespmem:s1], [sflag:$0x6], $0x10, s0, s5, $0xb8;
	[tilespmem:$0x1DF48] =	vst v63  }
0x1d2: {  	s6 =	simm.s32 @!p1 $0x14000;
	s0 =	simm.s32 @!p1 $0x19280  }
0x1d3: {  	[spmem:s2] =	stream.indirect.scatter.add.f32 @!p1 [tilespmem:s6], [sflag:$0x6], $0x80, s0, s5, $0xb8;
	[tilespmem:$0x1DF48] =	vst v63  }
0x1d4: {  	_ = 	snop  }
0x1d5: {  	[spmem:s3] =	stream.indirect.scatter.add.f32 @!p1 [tilespmem:s1], [sflag:$0x6], $0x10, s0, s5, $0xb8;
	[tilespmem:$0x1DF48] =	vst v63  }
0x1d6: {  	s6 =	simm.s32 @!p1 $0x16800;
	s0 =	simm.s32 @!p1 $0x192D0  }
0x1d7: {  	[spmem:s2] =	stream.indirect.scatter.add.f32 @!p1 [tilespmem:s6], [sflag:$0x6], $0x80, s0, s5, $0xb8;
	[tilespmem:$0x1DF48] =	vst v63  }
0x1d8: {  	_ = 	snop  }
0x1d9: {  	[spmem:s3] =	stream.indirect.scatter.add.f32 @!p1 [tilespmem:s1], [sflag:$0x6], $0x10, s0, s5, $0xb8;
	[tilespmem:$0x1DF48] =	vst v63  }
0x1da: {  	_ =	swait.ge [sflag:s10], $0x2800  }
0x1db: {  	[sflag:s10] =	ssyncset.done $0x0  }
0x1dc: {  	[sflag:s10] =	ssyncadd.s32 $0xFFFFD800  }
0x1dd: {  	_ =	swait.ge [sflag:s10], $0x500  }
0x1de: {  	[sflag:s10] =	ssyncset.done $0x0  }
0x1df: {  	[sflag:s10] =	ssyncadd.s32 $0xFFFFFB00  }
0x1e0: {  	_ =	swait.ge [sflag:s10], $0x2800  }
0x1e1: {  	[sflag:s10] =	ssyncset.done $0x0  }
0x1e2: {  	[sflag:s10] =	ssyncadd.s32 $0xFFFFD800  }
0x1e3: {  	_ =	swait.ge [sflag:s10], $0x500  }
0x1e4: {  	[sflag:s10] =	ssyncset.done $0x0  }
0x1e5: {  	[sflag:s10] =	ssyncadd.s32 $0xFFFFFB00  }
0x1e6: {  	_ =	swait.ge [sflag:s10], $0x2800  }
0x1e7: {  	[sflag:s10] =	ssyncset.done $0x0  }
0x1e8: {  	[sflag:s10] =	ssyncadd.s32 $0xFFFFD800  }
0x1e9: {  	_ =	swait.ge [sflag:s10], $0x500  }
0x1ea: {  	[sflag:s10] =	ssyncset.done $0x0  }
0x1eb: {  	[sflag:s10] =	ssyncadd.s32 $0xFFFFFB00  }
0x1ec: {  	_ =	swait.ge [sflag:s10], $0x2800  }
0x1ed: {  	[sflag:s10] =	ssyncset.done $0x0  }
0x1ee: {  	[sflag:s10] =	ssyncadd.s32 $0xFFFFD800  }
0x1ef: {  	_ =	swait.ge [sflag:s10], $0x500  }
0x1f0: {  	[sflag:s10] =	ssyncset.done $0x0  }
0x1f1: {  	[sflag:s10] =	ssyncadd.s32 $0xFFFFFB00  }
0x1f2: {  	_ =	swait.ge [sflag:s10], $0x2800  }
0x1f3: {  	[sflag:s10] =	ssyncset.done $0x0  }
0x1f4: {  	[sflag:s10] =	ssyncadd.s32 $0xFFFFD800  }
0x1f5: {  	_ =	swait.ge [sflag:s10], $0x500  }
0x1f6: {  	[sflag:s10] =	ssyncset.done $0x0  }
0x1f7: {  	s24 =	simm.s32 @!p1 $0x6;
	[sflag:s10] =	ssyncadd.s32 $0xFFFFFB00  }
0x1f8: {  	_ =	swait.ge @!p1 [sflag:s24], $0x2800  }
0x1f9: {  	[sflag:s24] =	ssyncset.done @!p1 $0x0  }
0x1fa: {  	[sflag:s24] =	ssyncadd.s32 @!p1 $0xFFFFD800  }
0x1fb: {  	_ =	swait.ge @!p1 [sflag:s24], $0x500  }
0x1fc: {  	[sflag:s24] =	ssyncset.done @!p1 $0x0  }
0x1fd: {  	[sflag:s24] =	ssyncadd.s32 @!p1 $0xFFFFFB00  }
0x1fe: {  	_ =	swait.ge @!p1 [sflag:s24], $0x2800  }
0x1ff: {  	[sflag:s24] =	ssyncset.done @!p1 $0x0  }
0x200: {  	[sflag:s24] =	ssyncadd.s32 @!p1 $0xFFFFD800  }
0x201: {  	_ =	swait.ge @!p1 [sflag:s24], $0x500  }
0x202: {  	[sflag:s24] =	ssyncset.done @!p1 $0x0  }
0x203: {  	[sflag:s24] =	ssyncadd.s32 @!p1 $0xFFFFFB00  }
0x204: {  	_ =	swait.ge @!p1 [sflag:s24], $0x2800  }
0x205: {  	[sflag:s24] =	ssyncset.done @!p1 $0x0  }
0x206: {  	[sflag:s24] =	ssyncadd.s32 @!p1 $0xFFFFD800  }
0x207: {  	_ =	swait.ge @!p1 [sflag:s24], $0x500  }
0x208: {  	[sflag:s24] =	ssyncset.done @!p1 $0x0  }
0x209: {  	[sflag:s24] =	ssyncadd.s32 @!p1 $0xFFFFFB00  }
0x20a: {  	_ =	swait.ge @!p1 [sflag:s24], $0x2800  }
0x20b: {  	[sflag:s24] =	ssyncset.done @!p1 $0x0  }
0x20c: {  	[sflag:s24] =	ssyncadd.s32 @!p1 $0xFFFFD800  }
0x20d: {  	_ =	swait.ge @!p1 [sflag:s24], $0x500  }
0x20e: {  	[sflag:s24] =	ssyncset.done @!p1 $0x0  }
0x20f: {  	[sflag:s24] =	ssyncadd.s32 @!p1 $0xFFFFFB00  }
0x210: {  	_ =	swait.ge @!p1 [sflag:s24], $0x2800  }
0x211: {  	[sflag:s24] =	ssyncset.done @!p1 $0x0  }
0x212: {  	[sflag:s24] =	ssyncadd.s32 @!p1 $0xFFFFD800  }
0x213: {  	_ =	swait.ge @!p1 [sflag:s24], $0x500  }
0x214: {  	[sflag:s24] =	ssyncset.done @!p1 $0x0  }
0x215: {  	[sflag:s24] =	ssyncadd.s32 @!p1 $0xFFFFFB00  }
0x216: {  	[bflag:$0x0] =	sbarrier.arrive $0xFFFF  }
0x217: {  	s0 =	sld [smem:$0x7F9];
	_ =	sdelay $0x1  }
0x218: {  	s1 =	simm.s32 @p0 $0x19820  }
0x219: {  	[tilespmem:s1], [sflag:$0x7] =	stream.linear.gather @p0 [spmem:s0], $0x1400, $0x38;
	[tilespmem:$0x1DF48] =	vst v63  }
0x21a: {  	_ =	swait.ge @p0 [sflag:s12], $0x1400  }
0x21b: {  	s0 =	sld [smem:$0x7FA]  }
0x21c: {  	[sflag:s12] =	ssyncset.done @p0 $0x0  }
0x21d: {  	s5 =	simm.s32 @p0 $0x1B820;
	[sflag:s12] =	ssyncadd.s32 @p0 $0xFFFFEC00  }
0x21e: {  	[tilespmem:s5], [sflag:$0x7] =	stream.linear.gather @p0 [spmem:s0], $0x280, $0x38;
	[tilespmem:$0x1DF48] =	vst v63  }
0x21f: {  	_ =	swait.ge @p0 [sflag:s12], $0x280  }
0x220: {  	[sflag:s12] =	ssyncset.done @p0 $0x0  }
0x221: {  	s0 =	simm.s32 @p0 $0x0;
	s26 =	rddreg [dreg:$0x1c];
	[sflag:s12] =	ssyncadd.s32 @p0 $0xFFFFFD80  }
0x222: {  	[hbm4b:s26+s0] =	stream.linear.scatter @p0 [tilespmem:s1], [sflag:$0x7], $0x1400, $0x38;
	[tilespmem:$0x1DF48] =	vst v63  }
0x223: {  	_ =	swait.ge @p0 [sflag:s12], $0x1400  }
0x224: {  	[sflag:s12] =	ssyncset.done @p0 $0x0  }
0x225: {  	s26 =	rddreg [dreg:$0x1d];
	[sflag:s12] =	ssyncadd.s32 @p0 $0xFFFFEC00  }
0x226: {  	[hbm4b:s26+s0] =	stream.linear.scatter @p0 [tilespmem:s5], [sflag:$0x7], $0x280, $0x38;
	[tilespmem:$0x1DF48] =	vst v63  }
0x227: {  	_ =	swait.ge @p0 [sflag:s12], $0x280  }
0x228: {  	s0 =	sld [smem:$0x7FB]  }
0x229: {  	[sflag:s12] =	ssyncset.done @p0 $0x0  }
0x22a: {  	s1 =	simm.s32 @!p0 $0x19820;
	[sflag:s12] =	ssyncadd.s32 @p0 $0xFFFFFD80  }
0x22b: {  	[tilespmem:s1], [sflag:$0x7] =	stream.linear.gather @!p0 [spmem:s0], $0x2000, $0x38;
	[tilespmem:$0x1DF48] =	vst v63  }
0x22c: {  	_ =	swait.ge @!p0 [sflag:s15], $0x2000  }
0x22d: {  	s0 =	sld [smem:$0x7FC]  }
0x22e: {  	[sflag:s15] =	ssyncset.done @!p0 $0x0  }
0x22f: {  	s5 =	simm.s32 @!p0 $0x1B820;
	[sflag:s15] =	ssyncadd.s32 @!p0 $0xFFFFE000  }
0x230: {  	[tilespmem:s5], [sflag:$0x7] =	stream.linear.gather @!p0 [spmem:s0], $0x400, $0x38;
	[tilespmem:$0x1DF48] =	vst v63  }
0x231: {  	_ =	swait.ge @!p0 [sflag:s15], $0x400  }
0x232: {  	[sflag:s15] =	ssyncset.done @!p0 $0x0  }
0x233: {  	s0 =	simm.s32 @!p0 $0x0;
	s26 =	rddreg [dreg:$0x1a];
	[sflag:s15] =	ssyncadd.s32 @!p0 $0xFFFFFC00  }
0x234: {  	[hbm4b:s26+s0] =	stream.linear.scatter @!p0 [tilespmem:s1], [sflag:$0x7], $0x2000, $0x38;
	[tilespmem:$0x1DF48] =	vst v63  }
0x235: {  	_ =	swait.ge @!p0 [sflag:s15], $0x2000  }
0x236: {  	s29 =	sld [smem:$0x7FD];
	_ =	sdelay $0x2  }
0x237: {  	s30 =	ssub.s32 $0x2, s29  }
0x238: {  	s31 =	sshrl.u32 s30, $0x1  }
0x239: {  	s26 =	ssub.s32 s30, s31  }
0x23a: {  	s26 =	smax.u32 s26, $0x1  }
0x23b: {  	s26 =	sadd.s32 $0xFFFFFFFF, s26  }
0x23c: {  	p2 =	sne.s32 s26, $0x0  }
.Ltmp0:
0x23d: {  	_ = 	snop;
	(pc) =	sbr.rel @!p2 .LBB2_3-.Ltmp0, $4  }
0x23e: {  	_ = 	snop  }
0x23f: {  	[sflag:s15] =	ssyncset.done @!p0 $0x0  }
0x240: {  	s1 =	rddreg [dreg:$0x1b];
	[sflag:s15] =	ssyncadd.s32 @!p0 $0xFFFFE000  }
0x241: {  	[hbm4b:s1+s0] =	stream.linear.scatter @!p0 [tilespmem:s5], [sflag:$0x7], $0x400, $0x38;
	[tilespmem:$0x1DF48] =	vst v63  }
0x242: {  	s20 =	simm.s32 $0x19000;
	s11 =	simm.s32 $0xC800;
	s9 =	simm.s32 $0x19190  }
0x243: {  	s21 =	simm.s32 $0x1;
	s25 =	simm.s32 $0x19050;
	s28 =	simm.s32 $0x190A0  }
0x244: {  	s30 =	simm.s32 $0x190F0;
	s18 =	simm.s32 $0x4;
	s19 =	simm.s32 $0x191E0  }
.LBB2_2:
0x245: {  	_ =	swait.ge @!p0 [sflag:s15], $0x400  }
0x246: {  	[sflag:s15] =	ssyncset.done @!p0 $0x0  }
0x247: {  	s29 =	rddreg [dreg:$0x7];
	[sflag:s15] =	ssyncadd.s32 @!p0 $0xFFFFFC00  }
0x248: {  	[tilespmem:s4], [sflag:$0x1] =	stream.linear.gather [hbm4b:s29+s4], $0xC800, $0x38;
	[tilespmem:$0x1DF48] =	vst v63  }
0x249: {  	s31 =	rddreg [dreg:$0x8]  }
0x24a: {  	[tilespmem:s20], [sflag:$0x3] =	stream.linear.gather [hbm4b:s31+s4], $0x190, $0x38;
	[tilespmem:$0x1DF48] =	vst v63  }
0x24b: {  	s23 =	rddreg [dreg:$0x9]  }
0x24c: {  	[tilespmem:s11], [sflag:$0x2] =	stream.linear.gather [hbm4b:s23+s4], $0xC800, $0x38;
	[tilespmem:$0x1DF48] =	vst v63  }
0x24d: {  	s0 =	rddreg [dreg:$0xa]  }
0x24e: {  	[tilespmem:s9], [sflag:$0x4] =	stream.linear.gather [hbm4b:s0+s4], $0x190, $0x38;
	[tilespmem:$0x1DF48] =	vst v63  }
0x24f: {  	s6 =	simm.s32 $0x7;
	s1 =	rddreg [dreg:$0xb]  }
0x250: {  	[tilespmem:s8], [sflag:$0x7] =	stream.linear.gather [hbm4b:s1+s4], $0x500, $0x38;
	[tilespmem:$0x1DF48] =	vst v63  }
0x251: {  	_ =	swait.ge [sflag:s6], $0x500  }
0x252: {  	s5 =	rddreg [dreg:$0xc];
	[sflag:s6] =	ssyncset.done $0x0  }
0x253: {  	s7 =	rddreg [dreg:$0x1e];
	[sflag:s6] =	ssyncadd.s32 $0xFFFFFB00  }
0x254: {  	[tilespmem:s7], [sflag:$0x7] =	stream.linear.gather [hbm4b:s5+s4], $0x2000, $0x38;
	[tilespmem:$0x1DF48] =	vst v63  }
0x255: {  	_ =	swait.ge [sflag:s6], $0x2000  }
0x256: {  	[sflag:s6] =	ssyncset.done $0x0;
	s14 =	rddreg [dreg:$0xd]  }
0x257: {  	s16 =	rddreg [dreg:$0x1f];
	[sflag:s6] =	ssyncadd.s32 $0xFFFFE000  }
0x258: {  	[tilespmem:s16], [sflag:$0x7] =	stream.linear.gather [hbm4b:s14+s4], $0x400, $0x38;
	[tilespmem:$0x1DF48] =	vst v63  }
0x259: {  	_ =	swait.ge [sflag:s6], $0x400  }
0x25a: {  	s1 =	sld [smem:$0x7F9]  }
0x25b: {  	[sflag:s6] =	ssyncset.done $0x0  }
0x25c: {  	s0 =	simm.s32 @p0 $0x19820;
	[sflag:s6] =	ssyncadd.s32 $0xFFFFFC00  }
0x25d: {  	[spmem:s1] =	stream.linear.scatter @p0 [tilespmem:s0], [sflag:$0x7], $0x1400, $0x38;
	[tilespmem:$0x1DF48] =	vst v63  }
0x25e: {  	_ =	swait.ge @p0 [sflag:s12], $0x1400  }
0x25f: {  	s1 =	sld [smem:$0x7FA]  }
0x260: {  	[sflag:s12] =	ssyncset.done @p0 $0x0  }
0x261: {  	s0 =	simm.s32 @p0 $0x1B820;
	[sflag:s12] =	ssyncadd.s32 @p0 $0xFFFFEC00  }
0x262: {  	[spmem:s1] =	stream.linear.scatter @p0 [tilespmem:s0], [sflag:$0x7], $0x280, $0x38;
	[tilespmem:$0x1DF48] =	vst v63  }
0x263: {  	_ =	swait.ge @p0 [sflag:s12], $0x280  }
0x264: {  	s1 =	sld [smem:$0x7FB]  }
0x265: {  	[sflag:s12] =	ssyncset.done @p0 $0x0  }
0x266: {  	s0 =	simm.s32 @!p0 $0x19820;
	[sflag:s12] =	ssyncadd.s32 @p0 $0xFFFFFD80  }
0x267: {  	[spmem:s1] =	stream.linear.scatter @!p0 [tilespmem:s0], [sflag:$0x7], $0x2000, $0x38;
	[tilespmem:$0x1DF48] =	vst v63  }
0x268: {  	_ =	swait.ge @!p0 [sflag:s15], $0x2000  }
0x269: {  	s1 =	sld [smem:$0x7FC]  }
0x26a: {  	[sflag:s15] =	ssyncset.done @!p0 $0x0  }
0x26b: {  	s0 =	simm.s32 @!p0 $0x1B820;
	[sflag:s15] =	ssyncadd.s32 @!p0 $0xFFFFE000  }
0x26c: {  	[spmem:s1] =	stream.linear.scatter @!p0 [tilespmem:s0], [sflag:$0x7], $0x400, $0x38;
	[tilespmem:$0x1DF48] =	vst v63  }
0x26d: {  	_ =	swait.ge @!p0 [sflag:s15], $0x400  }
0x26e: {  	[sflag:s15] =	ssyncset.done @!p0 $0x0  }
0x26f: {  	[sflag:s15] =	ssyncadd.s32 @!p0 $0xFFFFFC00  }
0x270: {  	[bflag:$0x0] =	sbarrier.arrive $0xFFFF  }
0x271: {  	_ =	swait.ge [sflag:s21], $0xC800  }
0x272: {  	[sflag:s21] =	ssyncset.done $0x0  }
0x273: {  	s0 =	simm.s32 $0x3;
	[sflag:s21] =	ssyncadd.s32 $0xFFFF3800  }
0x274: {  	_ =	swait.ge [sflag:s0], $0x190  }
0x275: {  	[sflag:s0] =	ssyncset.done $0x0  }
0x276: {  	[sflag:s0] =	ssyncadd.s32 $0xFFFFFE70  }
0x277: {  	[spmem:s2] =	stream.indirect.scatter.add.f32 [tilespmem:s4], [sflag:$0x5], $0x80, s20, s22, $0xb8;
	[tilespmem:$0x1DF48] =	vst v63  }
0x278: {  	_ = 	snop  }
0x279: {  	[spmem:s3] =	stream.indirect.scatter.add.f32 [tilespmem:s8], [sflag:$0x5], $0x10, s20, s22, $0xb8;
	[tilespmem:$0x1DF48] =	vst v63  }
0x27a: {  	s17 =	simm.s32 $0x2800  }
0x27b: {  	[spmem:s2] =	stream.indirect.scatter.add.f32 [tilespmem:s17], [sflag:$0x5], $0x80, s25, s22, $0xb8;
	[tilespmem:$0x1DF48] =	vst v63  }
0x27c: {  	_ = 	snop  }
0x27d: {  	[spmem:s3] =	stream.indirect.scatter.add.f32 [tilespmem:s8], [sflag:$0x5], $0x10, s25, s22, $0xb8;
	[tilespmem:$0x1DF48] =	vst v63  }
0x27e: {  	s23 =	simm.s32 $0x5000  }
0x27f: {  	[spmem:s2] =	stream.indirect.scatter.add.f32 [tilespmem:s23], [sflag:$0x5], $0x80, s28, s22, $0xb8;
	[tilespmem:$0x1DF48] =	vst v63  }
0x280: {  	_ = 	snop  }
0x281: {  	[spmem:s3] =	stream.indirect.scatter.add.f32 [tilespmem:s8], [sflag:$0x5], $0x10, s28, s22, $0xb8;
	[tilespmem:$0x1DF48] =	vst v63  }
0x282: {  	s29 =	simm.s32 $0x7800  }
0x283: {  	[spmem:s2] =	stream.indirect.scatter.add.f32 [tilespmem:s29], [sflag:$0x5], $0x80, s30, s22, $0xb8;
	[tilespmem:$0x1DF48] =	vst v63  }
0x284: {  	_ = 	snop  }
0x285: {  	[spmem:s3] =	stream.indirect.scatter.add.f32 [tilespmem:s8], [sflag:$0x5], $0x10, s30, s22, $0xb8;
	[tilespmem:$0x1DF48] =	vst v63  }
0x286: {  	s5 =	simm.s32 $0xA000;
	s1 =	simm.s32 $0x19140  }
0x287: {  	[spmem:s2] =	stream.indirect.scatter.add.f32 [tilespmem:s5], [sflag:$0x5], $0x80, s1, s22, $0xb8;
	[tilespmem:$0x1DF48] =	vst v63  }
0x288: {  	s5 =	simm.s32 $0x2  }
0x289: {  	[spmem:s3] =	stream.indirect.scatter.add.f32 [tilespmem:s8], [sflag:$0x5], $0x10, s1, s22, $0xb8;
	[tilespmem:$0x1DF48] =	vst v63  }
0x28a: {  	_ =	swait.ge [sflag:s5], $0xC800  }
0x28b: {  	[sflag:s5] =	ssyncset.done $0x0  }
0x28c: {  	[sflag:s5] =	ssyncadd.s32 $0xFFFF3800  }
0x28d: {  	_ =	swait.ge [sflag:s18], $0x190  }
0x28e: {  	[sflag:s18] =	ssyncset.done $0x0  }
0x28f: {  	[sflag:s18] =	ssyncadd.s32 $0xFFFFFE70  }
0x290: {  	[spmem:s2] =	stream.indirect.scatter.add.f32 [tilespmem:s11], [sflag:$0x6], $0x80, s9, s22, $0xb8;
	[tilespmem:$0x1DF48] =	vst v63  }
0x291: {  	_ = 	snop  }
0x292: {  	[spmem:s3] =	stream.indirect.scatter.add.f32 [tilespmem:s8], [sflag:$0x6], $0x10, s9, s22, $0xb8;
	[tilespmem:$0x1DF48] =	vst v63  }
0x293: {  	s16 =	simm.s32 $0xF000  }
0x294: {  	[spmem:s2] =	stream.indirect.scatter.add.f32 [tilespmem:s16], [sflag:$0x6], $0x80, s19, s22, $0xb8;
	[tilespmem:$0x1DF48] =	vst v63  }
0x295: {  	_ = 	snop  }
0x296: {  	[spmem:s3] =	stream.indirect.scatter.add.f32 [tilespmem:s8], [sflag:$0x6], $0x10, s19, s22, $0xb8;
	[tilespmem:$0x1DF48] =	vst v63  }
0x297: {  	s17 =	simm.s32 $0x11800;
	s16 =	simm.s32 $0x19230  }
0x298: {  	[spmem:s2] =	stream.indirect.scatter.add.f32 [tilespmem:s17], [sflag:$0x6], $0x80, s16, s22, $0xb8;
	[tilespmem:$0x1DF48] =	vst v63  }
0x299: {  	_ = 	snop  }
0x29a: {  	[spmem:s3] =	stream.indirect.scatter.add.f32 [tilespmem:s8], [sflag:$0x6], $0x10, s16, s22, $0xb8;
	[tilespmem:$0x1DF48] =	vst v63  }
0x29b: {  	s23 =	simm.s32 $0x14000;
	s17 =	simm.s32 $0x19280  }
0x29c: {  	[spmem:s2] =	stream.indirect.scatter.add.f32 [tilespmem:s23], [sflag:$0x6], $0x80, s17, s22, $0xb8;
	[tilespmem:$0x1DF48] =	vst v63  }
0x29d: {  	_ = 	snop  }
0x29e: {  	[spmem:s3] =	stream.indirect.scatter.add.f32 [tilespmem:s8], [sflag:$0x6], $0x10, s17, s22, $0xb8;
	[tilespmem:$0x1DF48] =	vst v63  }
0x29f: {  	s31 =	simm.s32 $0x16800;
	s23 =	simm.s32 $0x192D0  }
0x2a0: {  	[spmem:s2] =	stream.indirect.scatter.add.f32 [tilespmem:s31], [sflag:$0x6], $0x80, s23, s22, $0xb8;
	[tilespmem:$0x1DF48] =	vst v63  }
0x2a1: {  	_ = 	snop  }
0x2a2: {  	[spmem:s3] =	stream.indirect.scatter.add.f32 [tilespmem:s8], [sflag:$0x6], $0x10, s23, s22, $0xb8;
	[tilespmem:$0x1DF48] =	vst v63  }
0x2a3: {  	_ =	swait.ge [sflag:s10], $0x2800  }
0x2a4: {  	[sflag:s10] =	ssyncset.done $0x0  }
0x2a5: {  	[sflag:s10] =	ssyncadd.s32 $0xFFFFD800  }
0x2a6: {  	_ =	swait.ge [sflag:s10], $0x500  }
0x2a7: {  	[sflag:s10] =	ssyncset.done $0x0  }
0x2a8: {  	[sflag:s10] =	ssyncadd.s32 $0xFFFFFB00  }
0x2a9: {  	_ =	swait.ge [sflag:s10], $0x2800  }
0x2aa: {  	[sflag:s10] =	ssyncset.done $0x0  }
0x2ab: {  	[sflag:s10] =	ssyncadd.s32 $0xFFFFD800  }
0x2ac: {  	_ =	swait.ge [sflag:s10], $0x500  }
0x2ad: {  	[sflag:s10] =	ssyncset.done $0x0  }
0x2ae: {  	[sflag:s10] =	ssyncadd.s32 $0xFFFFFB00  }
0x2af: {  	_ =	swait.ge [sflag:s10], $0x2800  }
0x2b0: {  	[sflag:s10] =	ssyncset.done $0x0  }
0x2b1: {  	[sflag:s10] =	ssyncadd.s32 $0xFFFFD800  }
0x2b2: {  	_ =	swait.ge [sflag:s10], $0x500  }
0x2b3: {  	[sflag:s10] =	ssyncset.done $0x0  }
0x2b4: {  	[sflag:s10] =	ssyncadd.s32 $0xFFFFFB00  }
0x2b5: {  	_ =	swait.ge [sflag:s10], $0x2800  }
0x2b6: {  	[sflag:s10] =	ssyncset.done $0x0  }
0x2b7: {  	[sflag:s10] =	ssyncadd.s32 $0xFFFFD800  }
0x2b8: {  	_ =	swait.ge [sflag:s10], $0x500  }
0x2b9: {  	[sflag:s10] =	ssyncset.done $0x0  }
0x2ba: {  	[sflag:s10] =	ssyncadd.s32 $0xFFFFFB00  }
0x2bb: {  	_ =	swait.ge [sflag:s10], $0x2800  }
0x2bc: {  	[sflag:s10] =	ssyncset.done $0x0  }
0x2bd: {  	[sflag:s10] =	ssyncadd.s32 $0xFFFFD800  }
0x2be: {  	_ =	swait.ge [sflag:s10], $0x500  }
0x2bf: {  	[sflag:s10] =	ssyncset.done $0x0  }
0x2c0: {  	s29 =	rddreg [dreg:$0xe];
	[sflag:s10] =	ssyncadd.s32 $0xFFFFFB00  }
0x2c1: {  	[tilespmem:s4], [sflag:$0x1] =	stream.linear.gather [hbm4b:s29+s4], $0xC800, $0x38;
	[tilespmem:$0x1DF48] =	vst v63  }
0x2c2: {  	s31 =	rddreg [dreg:$0xf]  }
0x2c3: {  	[tilespmem:s20], [sflag:$0x3] =	stream.linear.gather [hbm4b:s31+s4], $0x190, $0x38;
	[tilespmem:$0x1DF48] =	vst v63  }
0x2c4: {  	_ =	swait.ge [sflag:s21], $0xC800  }
0x2c5: {  	[sflag:s21] =	ssyncset.done $0x0  }
0x2c6: {  	[sflag:s21] =	ssyncadd.s32 $0xFFFF3800  }
0x2c7: {  	_ =	swait.ge [sflag:s0], $0x190  }
0x2c8: {  	[sflag:s0] =	ssyncset.done $0x0  }
0x2c9: {  	[sflag:s0] =	ssyncadd.s32 $0xFFFFFE70  }
0x2ca: {  	[spmem:s2] =	stream.indirect.scatter.add.f32 [tilespmem:s4], [sflag:$0x5], $0x80, s20, s22, $0xb8;
	[tilespmem:$0x1DF48] =	vst v63  }
0x2cb: {  	_ = 	snop  }
0x2cc: {  	[spmem:s3] =	stream.indirect.scatter.add.f32 [tilespmem:s8], [sflag:$0x5], $0x10, s20, s22, $0xb8;
	[tilespmem:$0x1DF48] =	vst v63  }
0x2cd: {  	s6 =	simm.s32 $0x2800  }
0x2ce: {  	[spmem:s2] =	stream.indirect.scatter.add.f32 [tilespmem:s6], [sflag:$0x5], $0x80, s25, s22, $0xb8;
	[tilespmem:$0x1DF48] =	vst v63  }
0x2cf: {  	_ = 	snop  }
0x2d0: {  	[spmem:s3] =	stream.indirect.scatter.add.f32 [tilespmem:s8], [sflag:$0x5], $0x10, s25, s22, $0xb8;
	[tilespmem:$0x1DF48] =	vst v63  }
0x2d1: {  	s7 =	simm.s32 $0x5000  }
0x2d2: {  	[spmem:s2] =	stream.indirect.scatter.add.f32 [tilespmem:s7], [sflag:$0x5], $0x80, s28, s22, $0xb8;
	[tilespmem:$0x1DF48] =	vst v63  }
0x2d3: {  	_ = 	snop  }
0x2d4: {  	[spmem:s3] =	stream.indirect.scatter.add.f32 [tilespmem:s8], [sflag:$0x5], $0x10, s28, s22, $0xb8;
	[tilespmem:$0x1DF48] =	vst v63  }
0x2d5: {  	s14 =	simm.s32 $0x7800  }
0x2d6: {  	[spmem:s2] =	stream.indirect.scatter.add.f32 [tilespmem:s14], [sflag:$0x5], $0x80, s30, s22, $0xb8;
	[tilespmem:$0x1DF48] =	vst v63  }
0x2d7: {  	_ = 	snop  }
0x2d8: {  	[spmem:s3] =	stream.indirect.scatter.add.f32 [tilespmem:s8], [sflag:$0x5], $0x10, s30, s22, $0xb8;
	[tilespmem:$0x1DF48] =	vst v63  }
0x2d9: {  	s31 =	simm.s32 $0xA000  }
0x2da: {  	[spmem:s2] =	stream.indirect.scatter.add.f32 [tilespmem:s31], [sflag:$0x5], $0x80, s1, s22, $0xb8;
	[tilespmem:$0x1DF48] =	vst v63  }
0x2db: {  	_ = 	snop  }
0x2dc: {  	[spmem:s3] =	stream.indirect.scatter.add.f32 [tilespmem:s8], [sflag:$0x5], $0x10, s1, s22, $0xb8;
	[tilespmem:$0x1DF48] =	vst v63  }
0x2dd: {  	_ =	swait.ge [sflag:s13], $0x2800  }
0x2de: {  	[sflag:s13] =	ssyncset.done $0x0  }
0x2df: {  	[sflag:s13] =	ssyncadd.s32 $0xFFFFD800  }
0x2e0: {  	_ =	swait.ge [sflag:s13], $0x500  }
0x2e1: {  	[sflag:s13] =	ssyncset.done $0x0  }
0x2e2: {  	[sflag:s13] =	ssyncadd.s32 $0xFFFFFB00  }
0x2e3: {  	_ =	swait.ge [sflag:s13], $0x2800  }
0x2e4: {  	[sflag:s13] =	ssyncset.done $0x0  }
0x2e5: {  	[sflag:s13] =	ssyncadd.s32 $0xFFFFD800  }
0x2e6: {  	_ =	swait.ge [sflag:s13], $0x500  }
0x2e7: {  	[sflag:s13] =	ssyncset.done $0x0  }
0x2e8: {  	[sflag:s13] =	ssyncadd.s32 $0xFFFFFB00  }
0x2e9: {  	_ =	swait.ge [sflag:s13], $0x2800  }
0x2ea: {  	[sflag:s13] =	ssyncset.done $0x0  }
0x2eb: {  	[sflag:s13] =	ssyncadd.s32 $0xFFFFD800  }
0x2ec: {  	_ =	swait.ge [sflag:s13], $0x500  }
0x2ed: {  	[sflag:s13] =	ssyncset.done $0x0  }
0x2ee: {  	[sflag:s13] =	ssyncadd.s32 $0xFFFFFB00  }
0x2ef: {  	_ =	swait.ge [sflag:s13], $0x2800  }
0x2f0: {  	[sflag:s13] =	ssyncset.done $0x0  }
0x2f1: {  	[sflag:s13] =	ssyncadd.s32 $0xFFFFD800  }
0x2f2: {  	_ =	swait.ge [sflag:s13], $0x500  }
0x2f3: {  	[sflag:s13] =	ssyncset.done $0x0  }
0x2f4: {  	[sflag:s13] =	ssyncadd.s32 $0xFFFFFB00  }
0x2f5: {  	_ =	swait.ge [sflag:s13], $0x2800  }
0x2f6: {  	[sflag:s13] =	ssyncset.done $0x0  }
0x2f7: {  	[sflag:s13] =	ssyncadd.s32 $0xFFFFD800  }
0x2f8: {  	_ =	swait.ge [sflag:s13], $0x500  }
0x2f9: {  	[sflag:s13] =	ssyncset.done $0x0  }
0x2fa: {  	s29 =	rddreg [dreg:$0x10];
	[sflag:s13] =	ssyncadd.s32 $0xFFFFFB00  }
0x2fb: {  	[tilespmem:s11], [sflag:$0x2] =	stream.linear.gather [hbm4b:s29+s4], $0xC800, $0x38;
	[tilespmem:$0x1DF48] =	vst v63  }
0x2fc: {  	s31 =	rddreg [dreg:$0x11]  }
0x2fd: {  	[tilespmem:s9], [sflag:$0x4] =	stream.linear.gather [hbm4b:s31+s4], $0x190, $0x38;
	[tilespmem:$0x1DF48] =	vst v63  }
0x2fe: {  	_ =	swait.ge [sflag:s5], $0xC800  }
0x2ff: {  	[sflag:s5] =	ssyncset.done $0x0  }
0x300: {  	[sflag:s5] =	ssyncadd.s32 $0xFFFF3800  }
0x301: {  	_ =	swait.ge [sflag:s18], $0x190  }
0x302: {  	[sflag:s18] =	ssyncset.done $0x0  }
0x303: {  	[sflag:s18] =	ssyncadd.s32 $0xFFFFFE70  }
0x304: {  	[spmem:s2] =	stream.indirect.scatter.add.f32 [tilespmem:s11], [sflag:$0x6], $0x80, s9, s22, $0xb8;
	[tilespmem:$0x1DF48] =	vst v63  }
0x305: {  	_ = 	snop  }
0x306: {  	[spmem:s3] =	stream.indirect.scatter.add.f32 [tilespmem:s8], [sflag:$0x6], $0x10, s9, s22, $0xb8;
	[tilespmem:$0x1DF48] =	vst v63  }
0x307: {  	s31 =	simm.s32 $0xF000  }
0x308: {  	[spmem:s2] =	stream.indirect.scatter.add.f32 [tilespmem:s31], [sflag:$0x6], $0x80, s19, s22, $0xb8;
	[tilespmem:$0x1DF48] =	vst v63  }
0x309: {  	_ = 	snop  }
0x30a: {  	[spmem:s3] =	stream.indirect.scatter.add.f32 [tilespmem:s8], [sflag:$0x6], $0x10, s19, s22, $0xb8;
	[tilespmem:$0x1DF48] =	vst v63  }
0x30b: {  	s31 =	simm.s32 $0x11800  }
0x30c: {  	[spmem:s2] =	stream.indirect.scatter.add.f32 [tilespmem:s31], [sflag:$0x6], $0x80, s16, s22, $0xb8;
	[tilespmem:$0x1DF48] =	vst v63  }
0x30d: {  	_ = 	snop  }
0x30e: {  	[spmem:s3] =	stream.indirect.scatter.add.f32 [tilespmem:s8], [sflag:$0x6], $0x10, s16, s22, $0xb8;
	[tilespmem:$0x1DF48] =	vst v63  }
0x30f: {  	s31 =	simm.s32 $0x14000  }
0x310: {  	[spmem:s2] =	stream.indirect.scatter.add.f32 [tilespmem:s31], [sflag:$0x6], $0x80, s17, s22, $0xb8;
	[tilespmem:$0x1DF48] =	vst v63  }
0x311: {  	_ = 	snop  }
0x312: {  	[spmem:s3] =	stream.indirect.scatter.add.f32 [tilespmem:s8], [sflag:$0x6], $0x10, s17, s22, $0xb8;
	[tilespmem:$0x1DF48] =	vst v63  }
0x313: {  	s31 =	simm.s32 $0x16800  }
0x314: {  	[spmem:s2] =	stream.indirect.scatter.add.f32 [tilespmem:s31], [sflag:$0x6], $0x80, s23, s22, $0xb8;
	[tilespmem:$0x1DF48] =	vst v63  }
0x315: {  	_ = 	snop  }
0x316: {  	[spmem:s3] =	stream.indirect.scatter.add.f32 [tilespmem:s8], [sflag:$0x6], $0x10, s23, s22, $0xb8;
	[tilespmem:$0x1DF48] =	vst v63  }
0x317: {  	_ =	swait.ge [sflag:s10], $0x2800  }
0x318: {  	[sflag:s10] =	ssyncset.done $0x0  }
0x319: {  	[sflag:s10] =	ssyncadd.s32 $0xFFFFD800  }
0x31a: {  	_ =	swait.ge [sflag:s10], $0x500  }
0x31b: {  	[sflag:s10] =	ssyncset.done $0x0  }
0x31c: {  	[sflag:s10] =	ssyncadd.s32 $0xFFFFFB00  }
0x31d: {  	_ =	swait.ge [sflag:s10], $0x2800  }
0x31e: {  	[sflag:s10] =	ssyncset.done $0x0  }
0x31f: {  	[sflag:s10] =	ssyncadd.s32 $0xFFFFD800  }
0x320: {  	_ =	swait.ge [sflag:s10], $0x500  }
0x321: {  	[sflag:s10] =	ssyncset.done $0x0  }
0x322: {  	[sflag:s10] =	ssyncadd.s32 $0xFFFFFB00  }
0x323: {  	_ =	swait.ge [sflag:s10], $0x2800  }
0x324: {  	[sflag:s10] =	ssyncset.done $0x0  }
0x325: {  	[sflag:s10] =	ssyncadd.s32 $0xFFFFD800  }
0x326: {  	_ =	swait.ge [sflag:s10], $0x500  }
0x327: {  	[sflag:s10] =	ssyncset.done $0x0  }
0x328: {  	[sflag:s10] =	ssyncadd.s32 $0xFFFFFB00  }
0x329: {  	_ =	swait.ge [sflag:s10], $0x2800  }
0x32a: {  	[sflag:s10] =	ssyncset.done $0x0  }
0x32b: {  	[sflag:s10] =	ssyncadd.s32 $0xFFFFD800  }
0x32c: {  	_ =	swait.ge [sflag:s10], $0x500  }
0x32d: {  	[sflag:s10] =	ssyncset.done $0x0  }
0x32e: {  	[sflag:s10] =	ssyncadd.s32 $0xFFFFFB00  }
0x32f: {  	_ =	swait.ge [sflag:s10], $0x2800  }
0x330: {  	[sflag:s10] =	ssyncset.done $0x0  }
0x331: {  	[sflag:s10] =	ssyncadd.s32 $0xFFFFD800  }
0x332: {  	_ =	swait.ge [sflag:s10], $0x500  }
0x333: {  	[sflag:s10] =	ssyncset.done $0x0  }
0x334: {  	s29 =	rddreg [dreg:$0x12];
	[sflag:s10] =	ssyncadd.s32 $0xFFFFFB00  }
0x335: {  	[tilespmem:s4], [sflag:$0x1] =	stream.linear.gather [hbm4b:s29+s4], $0xC800, $0x38;
	[tilespmem:$0x1DF48] =	vst v63  }
0x336: {  	s31 =	rddreg [dreg:$0x13]  }
0x337: {  	[tilespmem:s20], [sflag:$0x3] =	stream.linear.gather [hbm4b:s31+s4], $0x190, $0x38;
	[tilespmem:$0x1DF48] =	vst v63  }
0x338: {  	_ =	swait.ge [sflag:s21], $0xC800  }
0x339: {  	[sflag:s21] =	ssyncset.done $0x0  }
0x33a: {  	[sflag:s21] =	ssyncadd.s32 $0xFFFF3800  }
0x33b: {  	_ =	swait.ge [sflag:s0], $0x190  }
0x33c: {  	[sflag:s0] =	ssyncset.done $0x0  }
0x33d: {  	[sflag:s0] =	ssyncadd.s32 $0xFFFFFE70  }
0x33e: {  	[spmem:s2] =	stream.indirect.scatter.add.f32 [tilespmem:s4], [sflag:$0x5], $0x80, s20, s22, $0xb8;
	[tilespmem:$0x1DF48] =	vst v63  }
0x33f: {  	_ = 	snop  }
0x340: {  	[spmem:s3] =	stream.indirect.scatter.add.f32 [tilespmem:s8], [sflag:$0x5], $0x10, s20, s22, $0xb8;
	[tilespmem:$0x1DF48] =	vst v63  }
0x341: {  	s6 =	simm.s32 $0x2800  }
0x342: {  	[spmem:s2] =	stream.indirect.scatter.add.f32 [tilespmem:s6], [sflag:$0x5], $0x80, s25, s22, $0xb8;
	[tilespmem:$0x1DF48] =	vst v63  }
0x343: {  	_ = 	snop  }
0x344: {  	[spmem:s3] =	stream.indirect.scatter.add.f32 [tilespmem:s8], [sflag:$0x5], $0x10, s25, s22, $0xb8;
	[tilespmem:$0x1DF48] =	vst v63  }
0x345: {  	s7 =	simm.s32 $0x5000  }
0x346: {  	[spmem:s2] =	stream.indirect.scatter.add.f32 [tilespmem:s7], [sflag:$0x5], $0x80, s28, s22, $0xb8;
	[tilespmem:$0x1DF48] =	vst v63  }
0x347: {  	_ = 	snop  }
0x348: {  	[spmem:s3] =	stream.indirect.scatter.add.f32 [tilespmem:s8], [sflag:$0x5], $0x10, s28, s22, $0xb8;
	[tilespmem:$0x1DF48] =	vst v63  }
0x349: {  	s14 =	simm.s32 $0x7800  }
0x34a: {  	[spmem:s2] =	stream.indirect.scatter.add.f32 [tilespmem:s14], [sflag:$0x5], $0x80, s30, s22, $0xb8;
	[tilespmem:$0x1DF48] =	vst v63  }
0x34b: {  	_ = 	snop  }
0x34c: {  	[spmem:s3] =	stream.indirect.scatter.add.f32 [tilespmem:s8], [sflag:$0x5], $0x10, s30, s22, $0xb8;
	[tilespmem:$0x1DF48] =	vst v63  }
0x34d: {  	s31 =	simm.s32 $0xA000  }
0x34e: {  	[spmem:s2] =	stream.indirect.scatter.add.f32 [tilespmem:s31], [sflag:$0x5], $0x80, s1, s22, $0xb8;
	[tilespmem:$0x1DF48] =	vst v63  }
0x34f: {  	_ = 	snop  }
0x350: {  	[spmem:s3] =	stream.indirect.scatter.add.f32 [tilespmem:s8], [sflag:$0x5], $0x10, s1, s22, $0xb8;
	[tilespmem:$0x1DF48] =	vst v63  }
0x351: {  	_ =	swait.ge [sflag:s13], $0x2800  }
0x352: {  	[sflag:s13] =	ssyncset.done $0x0  }
0x353: {  	[sflag:s13] =	ssyncadd.s32 $0xFFFFD800  }
0x354: {  	_ =	swait.ge [sflag:s13], $0x500  }
0x355: {  	[sflag:s13] =	ssyncset.done $0x0  }
0x356: {  	[sflag:s13] =	ssyncadd.s32 $0xFFFFFB00  }
0x357: {  	_ =	swait.ge [sflag:s13], $0x2800  }
0x358: {  	[sflag:s13] =	ssyncset.done $0x0  }
0x359: {  	[sflag:s13] =	ssyncadd.s32 $0xFFFFD800  }
0x35a: {  	_ =	swait.ge [sflag:s13], $0x500  }
0x35b: {  	[sflag:s13] =	ssyncset.done $0x0  }
0x35c: {  	[sflag:s13] =	ssyncadd.s32 $0xFFFFFB00  }
0x35d: {  	_ =	swait.ge [sflag:s13], $0x2800  }
0x35e: {  	[sflag:s13] =	ssyncset.done $0x0  }
0x35f: {  	[sflag:s13] =	ssyncadd.s32 $0xFFFFD800  }
0x360: {  	_ =	swait.ge [sflag:s13], $0x500  }
0x361: {  	[sflag:s13] =	ssyncset.done $0x0  }
0x362: {  	[sflag:s13] =	ssyncadd.s32 $0xFFFFFB00  }
0x363: {  	_ =	swait.ge [sflag:s13], $0x2800  }
0x364: {  	[sflag:s13] =	ssyncset.done $0x0  }
0x365: {  	[sflag:s13] =	ssyncadd.s32 $0xFFFFD800  }
0x366: {  	_ =	swait.ge [sflag:s13], $0x500  }
0x367: {  	[sflag:s13] =	ssyncset.done $0x0  }
0x368: {  	[sflag:s13] =	ssyncadd.s32 $0xFFFFFB00  }
0x369: {  	_ =	swait.ge [sflag:s13], $0x2800  }
0x36a: {  	[sflag:s13] =	ssyncset.done $0x0  }
0x36b: {  	[sflag:s13] =	ssyncadd.s32 $0xFFFFD800  }
0x36c: {  	_ =	swait.ge [sflag:s13], $0x500  }
0x36d: {  	[sflag:s13] =	ssyncset.done $0x0  }
0x36e: {  	s29 =	rddreg [dreg:$0x14];
	[sflag:s13] =	ssyncadd.s32 $0xFFFFFB00  }
0x36f: {  	[tilespmem:s11], [sflag:$0x2] =	stream.linear.gather [hbm4b:s29+s4], $0xC800, $0x38;
	[tilespmem:$0x1DF48] =	vst v63  }
0x370: {  	s31 =	rddreg [dreg:$0x15]  }
0x371: {  	[tilespmem:s9], [sflag:$0x4] =	stream.linear.gather [hbm4b:s31+s4], $0x190, $0x38;
	[tilespmem:$0x1DF48] =	vst v63  }
0x372: {  	_ =	swait.ge [sflag:s5], $0xC800  }
0x373: {  	[sflag:s5] =	ssyncset.done $0x0  }
0x374: {  	[sflag:s5] =	ssyncadd.s32 $0xFFFF3800  }
0x375: {  	_ =	swait.ge [sflag:s18], $0x190  }
0x376: {  	[sflag:s18] =	ssyncset.done $0x0  }
0x377: {  	[sflag:s18] =	ssyncadd.s32 $0xFFFFFE70  }
0x378: {  	[spmem:s2] =	stream.indirect.scatter.add.f32 [tilespmem:s11], [sflag:$0x6], $0x80, s9, s22, $0xb8;
	[tilespmem:$0x1DF48] =	vst v63  }
0x379: {  	_ = 	snop  }
0x37a: {  	[spmem:s3] =	stream.indirect.scatter.add.f32 [tilespmem:s8], [sflag:$0x6], $0x10, s9, s22, $0xb8;
	[tilespmem:$0x1DF48] =	vst v63  }
0x37b: {  	s31 =	simm.s32 $0xF000  }
0x37c: {  	[spmem:s2] =	stream.indirect.scatter.add.f32 [tilespmem:s31], [sflag:$0x6], $0x80, s19, s22, $0xb8;
	[tilespmem:$0x1DF48] =	vst v63  }
0x37d: {  	_ = 	snop  }
0x37e: {  	[spmem:s3] =	stream.indirect.scatter.add.f32 [tilespmem:s8], [sflag:$0x6], $0x10, s19, s22, $0xb8;
	[tilespmem:$0x1DF48] =	vst v63  }
0x37f: {  	s29 =	simm.s32 $0x11800  }
0x380: {  	[spmem:s2] =	stream.indirect.scatter.add.f32 [tilespmem:s29], [sflag:$0x6], $0x80, s16, s22, $0xb8;
	[tilespmem:$0x1DF48] =	vst v63  }
0x381: {  	_ = 	snop  }
0x382: {  	[spmem:s3] =	stream.indirect.scatter.add.f32 [tilespmem:s8], [sflag:$0x6], $0x10, s16, s22, $0xb8;
	[tilespmem:$0x1DF48] =	vst v63  }
0x383: {  	s31 =	simm.s32 $0x14000  }
0x384: {  	[spmem:s2] =	stream.indirect.scatter.add.f32 [tilespmem:s31], [sflag:$0x6], $0x80, s17, s22, $0xb8;
	[tilespmem:$0x1DF48] =	vst v63  }
0x385: {  	_ = 	snop  }
0x386: {  	[spmem:s3] =	stream.indirect.scatter.add.f32 [tilespmem:s8], [sflag:$0x6], $0x10, s17, s22, $0xb8;
	[tilespmem:$0x1DF48] =	vst v63  }
0x387: {  	s16 =	simm.s32 $0x16800  }
0x388: {  	[spmem:s2] =	stream.indirect.scatter.add.f32 [tilespmem:s16], [sflag:$0x6], $0x80, s23, s22, $0xb8;
	[tilespmem:$0x1DF48] =	vst v63  }
0x389: {  	_ = 	snop  }
0x38a: {  	[spmem:s3] =	stream.indirect.scatter.add.f32 [tilespmem:s8], [sflag:$0x6], $0x10, s23, s22, $0xb8;
	[tilespmem:$0x1DF48] =	vst v63  }
0x38b: {  	_ =	swait.ge [sflag:s10], $0x2800  }
0x38c: {  	[sflag:s10] =	ssyncset.done $0x0  }
0x38d: {  	[sflag:s10] =	ssyncadd.s32 $0xFFFFD800  }
0x38e: {  	_ =	swait.ge [sflag:s10], $0x500  }
0x38f: {  	[sflag:s10] =	ssyncset.done $0x0  }
0x390: {  	[sflag:s10] =	ssyncadd.s32 $0xFFFFFB00  }
0x391: {  	_ =	swait.ge [sflag:s10], $0x2800  }
0x392: {  	[sflag:s10] =	ssyncset.done $0x0  }
0x393: {  	[sflag:s10] =	ssyncadd.s32 $0xFFFFD800  }
0x394: {  	_ =	swait.ge [sflag:s10], $0x500  }
0x395: {  	[sflag:s10] =	ssyncset.done $0x0  }
0x396: {  	[sflag:s10] =	ssyncadd.s32 $0xFFFFFB00  }
0x397: {  	_ =	swait.ge [sflag:s10], $0x2800  }
0x398: {  	[sflag:s10] =	ssyncset.done $0x0  }
0x399: {  	[sflag:s10] =	ssyncadd.s32 $0xFFFFD800  }
0x39a: {  	_ =	swait.ge [sflag:s10], $0x500  }
0x39b: {  	[sflag:s10] =	ssyncset.done $0x0  }
0x39c: {  	[sflag:s10] =	ssyncadd.s32 $0xFFFFFB00  }
0x39d: {  	_ =	swait.ge [sflag:s10], $0x2800  }
0x39e: {  	[sflag:s10] =	ssyncset.done $0x0  }
0x39f: {  	[sflag:s10] =	ssyncadd.s32 $0xFFFFD800  }
0x3a0: {  	_ =	swait.ge [sflag:s10], $0x500  }
0x3a1: {  	[sflag:s10] =	ssyncset.done $0x0  }
0x3a2: {  	[sflag:s10] =	ssyncadd.s32 $0xFFFFFB00  }
0x3a3: {  	_ =	swait.ge [sflag:s10], $0x2800  }
0x3a4: {  	[sflag:s10] =	ssyncset.done $0x0  }
0x3a5: {  	[sflag:s10] =	ssyncadd.s32 $0xFFFFD800  }
0x3a6: {  	_ =	swait.ge [sflag:s10], $0x500  }
0x3a7: {  	[sflag:s10] =	ssyncset.done $0x0  }
0x3a8: {  	s17 =	rddreg [dreg:$0x16];
	[sflag:s10] =	ssyncadd.s32 $0xFFFFFB00  }
0x3a9: {  	[tilespmem:s4], [sflag:$0x1] =	stream.linear.gather [hbm4b:s17+s4], $0xC800, $0x38;
	[tilespmem:$0x1DF48] =	vst v63  }
0x3aa: {  	s23 =	rddreg [dreg:$0x17]  }
0x3ab: {  	[tilespmem:s20], [sflag:$0x3] =	stream.linear.gather [hbm4b:s23+s4], $0x190, $0x38;
	[tilespmem:$0x1DF48] =	vst v63  }
0x3ac: {  	_ =	swait.ge [sflag:s21], $0xC800  }
0x3ad: {  	[sflag:s21] =	ssyncset.done $0x0  }
0x3ae: {  	[sflag:s21] =	ssyncadd.s32 $0xFFFF3800  }
0x3af: {  	_ =	swait.ge [sflag:s0], $0x190  }
0x3b0: {  	[sflag:s0] =	ssyncset.done $0x0  }
0x3b1: {  	[sflag:s0] =	ssyncadd.s32 $0xFFFFFE70  }
0x3b2: {  	[spmem:s2] =	stream.indirect.scatter.add.f32 [tilespmem:s4], [sflag:$0x5], $0x80, s20, s22, $0xb8;
	[tilespmem:$0x1DF48] =	vst v63  }
0x3b3: {  	_ = 	snop  }
0x3b4: {  	[spmem:s3] =	stream.indirect.scatter.add.f32 [tilespmem:s8], [sflag:$0x5], $0x10, s20, s22, $0xb8;
	[tilespmem:$0x1DF48] =	vst v63  }
0x3b5: {  	s6 =	simm.s32 $0x2800  }
0x3b6: {  	[spmem:s2] =	stream.indirect.scatter.add.f32 [tilespmem:s6], [sflag:$0x5], $0x80, s25, s22, $0xb8;
	[tilespmem:$0x1DF48] =	vst v63  }
0x3b7: {  	_ = 	snop  }
0x3b8: {  	[spmem:s3] =	stream.indirect.scatter.add.f32 [tilespmem:s8], [sflag:$0x5], $0x10, s25, s22, $0xb8;
	[tilespmem:$0x1DF48] =	vst v63  }
0x3b9: {  	s7 =	simm.s32 $0x5000  }
0x3ba: {  	[spmem:s2] =	stream.indirect.scatter.add.f32 [tilespmem:s7], [sflag:$0x5], $0x80, s28, s22, $0xb8;
	[tilespmem:$0x1DF48] =	vst v63  }
0x3bb: {  	_ = 	snop  }
0x3bc: {  	[spmem:s3] =	stream.indirect.scatter.add.f32 [tilespmem:s8], [sflag:$0x5], $0x10, s28, s22, $0xb8;
	[tilespmem:$0x1DF48] =	vst v63  }
0x3bd: {  	s14 =	simm.s32 $0x7800  }
0x3be: {  	[spmem:s2] =	stream.indirect.scatter.add.f32 [tilespmem:s14], [sflag:$0x5], $0x80, s30, s22, $0xb8;
	[tilespmem:$0x1DF48] =	vst v63  }
0x3bf: {  	_ = 	snop  }
0x3c0: {  	[spmem:s3] =	stream.indirect.scatter.add.f32 [tilespmem:s8], [sflag:$0x5], $0x10, s30, s22, $0xb8;
	[tilespmem:$0x1DF48] =	vst v63  }
0x3c1: {  	s31 =	simm.s32 $0xA000  }
0x3c2: {  	[spmem:s2] =	stream.indirect.scatter.add.f32 [tilespmem:s31], [sflag:$0x5], $0x80, s1, s22, $0xb8;
	[tilespmem:$0x1DF48] =	vst v63  }
0x3c3: {  	_ = 	snop  }
0x3c4: {  	[spmem:s3] =	stream.indirect.scatter.add.f32 [tilespmem:s8], [sflag:$0x5], $0x10, s1, s22, $0xb8;
	[tilespmem:$0x1DF48] =	vst v63  }
0x3c5: {  	_ =	swait.ge [sflag:s13], $0x2800  }
0x3c6: {  	[sflag:s13] =	ssyncset.done $0x0  }
0x3c7: {  	[sflag:s13] =	ssyncadd.s32 $0xFFFFD800  }
0x3c8: {  	_ =	swait.ge [sflag:s13], $0x500  }
0x3c9: {  	[sflag:s13] =	ssyncset.done $0x0  }
0x3ca: {  	[sflag:s13] =	ssyncadd.s32 $0xFFFFFB00  }
0x3cb: {  	_ =	swait.ge [sflag:s13], $0x2800  }
0x3cc: {  	[sflag:s13] =	ssyncset.done $0x0  }
0x3cd: {  	[sflag:s13] =	ssyncadd.s32 $0xFFFFD800  }
0x3ce: {  	_ =	swait.ge [sflag:s13], $0x500  }
0x3cf: {  	[sflag:s13] =	ssyncset.done $0x0  }
0x3d0: {  	[sflag:s13] =	ssyncadd.s32 $0xFFFFFB00  }
0x3d1: {  	_ =	swait.ge [sflag:s13], $0x2800  }
0x3d2: {  	[sflag:s13] =	ssyncset.done $0x0  }
0x3d3: {  	[sflag:s13] =	ssyncadd.s32 $0xFFFFD800  }
0x3d4: {  	_ =	swait.ge [sflag:s13], $0x500  }
0x3d5: {  	[sflag:s13] =	ssyncset.done $0x0  }
0x3d6: {  	[sflag:s13] =	ssyncadd.s32 $0xFFFFFB00  }
0x3d7: {  	_ =	swait.ge [sflag:s13], $0x2800  }
0x3d8: {  	[sflag:s13] =	ssyncset.done $0x0  }
0x3d9: {  	[sflag:s13] =	ssyncadd.s32 $0xFFFFD800  }
0x3da: {  	_ =	swait.ge [sflag:s13], $0x500  }
0x3db: {  	[sflag:s13] =	ssyncset.done $0x0  }
0x3dc: {  	[sflag:s13] =	ssyncadd.s32 $0xFFFFFB00  }
0x3dd: {  	_ =	swait.ge [sflag:s13], $0x2800  }
0x3de: {  	[sflag:s13] =	ssyncset.done $0x0  }
0x3df: {  	[sflag:s13] =	ssyncadd.s32 $0xFFFFD800  }
0x3e0: {  	_ =	swait.ge [sflag:s13], $0x500  }
0x3e1: {  	s0 =	simm.s32 @!p1 $0xC800;
	[sflag:s13] =	ssyncset.done $0x0  }
0x3e2: {  	s1 =	simm.s32 @!p1 $0x0;
	s29 =	rddreg [dreg:$0x18];
	[sflag:s13] =	ssyncadd.s32 $0xFFFFFB00  }
0x3e3: {  	[tilespmem:s0], [sflag:$0x2] =	stream.linear.gather @!p1 [hbm4b:s29+s1], $0xC800, $0x38;
	[tilespmem:$0x1DF48] =	vst v63  }
0x3e4: {  	s5 =	simm.s32 @!p1 $0x19190;
	s31 =	rddreg [dreg:$0x19]  }
0x3e5: {  	[tilespmem:s5], [sflag:$0x4] =	stream.linear.gather @!p1 [hbm4b:s31+s1], $0x190, $0x38;
	[tilespmem:$0x1DF48] =	vst v63  }
0x3e6: {  	s1 =	simm.s32 @!p1 $0x2  }
0x3e7: {  	_ =	swait.ge @!p1 [sflag:s1], $0xC800  }
0x3e8: {  	[sflag:s1] =	ssyncset.done @!p1 $0x0  }
0x3e9: {  	[sflag:s1] =	ssyncadd.s32 @!p1 $0xFFFF3800;
	s1 =	simm.s32 @!p1 $0x4  }
0x3ea: {  	_ =	swait.ge @!p1 [sflag:s1], $0x190  }
0x3eb: {  	[sflag:s1] =	ssyncset.done @!p1 $0x0  }
0x3ec: {  	[sflag:s1] =	ssyncadd.s32 @!p1 $0xFFFFFE70;
	s1 =	simm.s32 @!p1 $0x50  }
0x3ed: {  	[spmem:s2] =	stream.indirect.scatter.add.f32 @!p1 [tilespmem:s0], [sflag:$0x6], $0x80, s5, s1, $0xb8;
	[tilespmem:$0x1DF48] =	vst v63  }
0x3ee: {  	s0 =	simm.s32 @!p1 $0x19320  }
0x3ef: {  	[spmem:s3] =	stream.indirect.scatter.add.f32 @!p1 [tilespmem:s0], [sflag:$0x6], $0x10, s5, s1, $0xb8;
	[tilespmem:$0x1DF48] =	vst v63  }
0x3f0: {  	s6 =	simm.s32 @!p1 $0xF000;
	s5 =	simm.s32 @!p1 $0x191E0  }
0x3f1: {  	[spmem:s2] =	stream.indirect.scatter.add.f32 @!p1 [tilespmem:s6], [sflag:$0x6], $0x80, s5, s1, $0xb8;
	[tilespmem:$0x1DF48] =	vst v63  }
0x3f2: {  	_ = 	snop  }
0x3f3: {  	[spmem:s3] =	stream.indirect.scatter.add.f32 @!p1 [tilespmem:s0], [sflag:$0x6], $0x10, s5, s1, $0xb8;
	[tilespmem:$0x1DF48] =	vst v63  }
0x3f4: {  	s6 =	simm.s32 @!p1 $0x11800;
	s5 =	simm.s32 @!p1 $0x19230  }
0x3f5: {  	[spmem:s2] =	stream.indirect.scatter.add.f32 @!p1 [tilespmem:s6], [sflag:$0x6], $0x80, s5, s1, $0xb8;
	[tilespmem:$0x1DF48] =	vst v63  }
0x3f6: {  	_ = 	snop  }
0x3f7: {  	[spmem:s3] =	stream.indirect.scatter.add.f32 @!p1 [tilespmem:s0], [sflag:$0x6], $0x10, s5, s1, $0xb8;
	[tilespmem:$0x1DF48] =	vst v63  }
0x3f8: {  	s6 =	simm.s32 @!p1 $0x14000;
	s5 =	simm.s32 @!p1 $0x19280  }
0x3f9: {  	[spmem:s2] =	stream.indirect.scatter.add.f32 @!p1 [tilespmem:s6], [sflag:$0x6], $0x80, s5, s1, $0xb8;
	[tilespmem:$0x1DF48] =	vst v63  }
0x3fa: {  	_ = 	snop  }
0x3fb: {  	[spmem:s3] =	stream.indirect.scatter.add.f32 @!p1 [tilespmem:s0], [sflag:$0x6], $0x10, s5, s1, $0xb8;
	[tilespmem:$0x1DF48] =	vst v63  }
0x3fc: {  	s6 =	simm.s32 @!p1 $0x16800;
	s5 =	simm.s32 @!p1 $0x192D0  }
0x3fd: {  	[spmem:s2] =	stream.indirect.scatter.add.f32 @!p1 [tilespmem:s6], [sflag:$0x6], $0x80, s5, s1, $0xb8;
	[tilespmem:$0x1DF48] =	vst v63  }
0x3fe: {  	_ = 	snop  }
0x3ff: {  	[spmem:s3] =	stream.indirect.scatter.add.f32 @!p1 [tilespmem:s0], [sflag:$0x6], $0x10, s5, s1, $0xb8;
	[tilespmem:$0x1DF48] =	vst v63  }
0x400: {  	_ =	swait.ge [sflag:s10], $0x2800  }
0x401: {  	[sflag:s10] =	ssyncset.done $0x0  }
0x402: {  	[sflag:s10] =	ssyncadd.s32 $0xFFFFD800  }
0x403: {  	_ =	swait.ge [sflag:s10], $0x500  }
0x404: {  	[sflag:s10] =	ssyncset.done $0x0  }
0x405: {  	[sflag:s10] =	ssyncadd.s32 $0xFFFFFB00  }
0x406: {  	_ =	swait.ge [sflag:s10], $0x2800  }
0x407: {  	[sflag:s10] =	ssyncset.done $0x0  }
0x408: {  	[sflag:s10] =	ssyncadd.s32 $0xFFFFD800  }
0x409: {  	_ =	swait.ge [sflag:s10], $0x500  }
0x40a: {  	[sflag:s10] =	ssyncset.done $0x0  }
0x40b: {  	[sflag:s10] =	ssyncadd.s32 $0xFFFFFB00  }
0x40c: {  	_ =	swait.ge [sflag:s10], $0x2800  }
0x40d: {  	[sflag:s10] =	ssyncset.done $0x0  }
0x40e: {  	[sflag:s10] =	ssyncadd.s32 $0xFFFFD800  }
0x40f: {  	_ =	swait.ge [sflag:s10], $0x500  }
0x410: {  	[sflag:s10] =	ssyncset.done $0x0  }
0x411: {  	[sflag:s10] =	ssyncadd.s32 $0xFFFFFB00  }
0x412: {  	_ =	swait.ge [sflag:s10], $0x2800  }
0x413: {  	[sflag:s10] =	ssyncset.done $0x0  }
0x414: {  	[sflag:s10] =	ssyncadd.s32 $0xFFFFD800  }
0x415: {  	_ =	swait.ge [sflag:s10], $0x500  }
0x416: {  	[sflag:s10] =	ssyncset.done $0x0  }
0x417: {  	[sflag:s10] =	ssyncadd.s32 $0xFFFFFB00  }
0x418: {  	_ =	swait.ge [sflag:s10], $0x2800  }
0x419: {  	[sflag:s10] =	ssyncset.done $0x0  }
0x41a: {  	[sflag:s10] =	ssyncadd.s32 $0xFFFFD800  }
0x41b: {  	_ =	swait.ge [sflag:s10], $0x500  }
0x41c: {  	[sflag:s10] =	ssyncset.done $0x0  }
0x41d: {  	[sflag:s10] =	ssyncadd.s32 $0xFFFFFB00  }
0x41e: {  	_ =	swait.ge @!p1 [sflag:s24], $0x2800  }
0x41f: {  	[sflag:s24] =	ssyncset.done @!p1 $0x0  }
0x420: {  	[sflag:s24] =	ssyncadd.s32 @!p1 $0xFFFFD800  }
0x421: {  	_ =	swait.ge @!p1 [sflag:s24], $0x500  }
0x422: {  	[sflag:s24] =	ssyncset.done @!p1 $0x0  }
0x423: {  	[sflag:s24] =	ssyncadd.s32 @!p1 $0xFFFFFB00  }
0x424: {  	_ =	swait.ge @!p1 [sflag:s24], $0x2800  }
0x425: {  	[sflag:s24] =	ssyncset.done @!p1 $0x0  }
0x426: {  	[sflag:s24] =	ssyncadd.s32 @!p1 $0xFFFFD800  }
0x427: {  	_ =	swait.ge @!p1 [sflag:s24], $0x500  }
0x428: {  	[sflag:s24] =	ssyncset.done @!p1 $0x0  }
0x429: {  	[sflag:s24] =	ssyncadd.s32 @!p1 $0xFFFFFB00  }
0x42a: {  	_ =	swait.ge @!p1 [sflag:s24], $0x2800  }
0x42b: {  	[sflag:s24] =	ssyncset.done @!p1 $0x0  }
0x42c: {  	[sflag:s24] =	ssyncadd.s32 @!p1 $0xFFFFD800  }
0x42d: {  	_ =	swait.ge @!p1 [sflag:s24], $0x500  }
0x42e: {  	[sflag:s24] =	ssyncset.done @!p1 $0x0  }
0x42f: {  	[sflag:s24] =	ssyncadd.s32 @!p1 $0xFFFFFB00  }
0x430: {  	_ =	swait.ge @!p1 [sflag:s24], $0x2800  }
0x431: {  	[sflag:s24] =	ssyncset.done @!p1 $0x0  }
0x432: {  	[sflag:s24] =	ssyncadd.s32 @!p1 $0xFFFFD800  }
0x433: {  	_ =	swait.ge @!p1 [sflag:s24], $0x500  }
0x434: {  	[sflag:s24] =	ssyncset.done @!p1 $0x0  }
0x435: {  	[sflag:s24] =	ssyncadd.s32 @!p1 $0xFFFFFB00  }
0x436: {  	_ =	swait.ge @!p1 [sflag:s24], $0x2800  }
0x437: {  	[sflag:s24] =	ssyncset.done @!p1 $0x0  }
0x438: {  	[sflag:s24] =	ssyncadd.s32 @!p1 $0xFFFFD800  }
0x439: {  	_ =	swait.ge @!p1 [sflag:s24], $0x500  }
0x43a: {  	[sflag:s24] =	ssyncset.done @!p1 $0x0  }
0x43b: {  	[sflag:s24] =	ssyncadd.s32 @!p1 $0xFFFFFB00  }
0x43c: {  	[bflag:$0x0] =	sbarrier.arrive $0xFFFF  }
0x43d: {  	s0 =	sld [smem:$0x7F9];
	_ =	sdelay $0x1  }
0x43e: {  	s5 =	simm.s32 @p0 $0x19820  }
0x43f: {  	[tilespmem:s5], [sflag:$0x7] =	stream.linear.gather @p0 [spmem:s0], $0x1400, $0x38;
	[tilespmem:$0x1DF48] =	vst v63  }
0x440: {  	_ =	swait.ge @p0 [sflag:s12], $0x1400  }
0x441: {  	s0 =	sld [smem:$0x7FA]  }
0x442: {  	[sflag:s12] =	ssyncset.done @p0 $0x0  }
0x443: {  	s1 =	simm.s32 @p0 $0x1B820;
	[sflag:s12] =	ssyncadd.s32 @p0 $0xFFFFEC00  }
0x444: {  	[tilespmem:s1], [sflag:$0x7] =	stream.linear.gather @p0 [spmem:s0], $0x280, $0x38;
	[tilespmem:$0x1DF48] =	vst v63  }
0x445: {  	_ =	swait.ge @p0 [sflag:s12], $0x280  }
0x446: {  	[sflag:s12] =	ssyncset.done @p0 $0x0  }
0x447: {  	s0 =	simm.s32 @p0 $0x0;
	s29 =	rddreg [dreg:$0x1c];
	[sflag:s12] =	ssyncadd.s32 @p0 $0xFFFFFD80  }
0x448: {  	[hbm4b:s29+s0] =	stream.linear.scatter @p0 [tilespmem:s5], [sflag:$0x7], $0x1400, $0x38;
	[tilespmem:$0x1DF48] =	vst v63  }
0x449: {  	_ =	swait.ge @p0 [sflag:s12], $0x1400  }
0x44a: {  	[sflag:s12] =	ssyncset.done @p0 $0x0  }
0x44b: {  	s29 =	rddreg [dreg:$0x1d];
	[sflag:s12] =	ssyncadd.s32 @p0 $0xFFFFEC00  }
0x44c: {  	[hbm4b:s29+s0] =	stream.linear.scatter @p0 [tilespmem:s1], [sflag:$0x7], $0x280, $0x38;
	[tilespmem:$0x1DF48] =	vst v63  }
0x44d: {  	_ =	swait.ge @p0 [sflag:s12], $0x280  }
0x44e: {  	s0 =	sld [smem:$0x7FB]  }
0x44f: {  	[sflag:s12] =	ssyncset.done @p0 $0x0  }
0x450: {  	s5 =	simm.s32 @!p0 $0x19820;
	[sflag:s12] =	ssyncadd.s32 @p0 $0xFFFFFD80  }
0x451: {  	[tilespmem:s5], [sflag:$0x7] =	stream.linear.gather @!p0 [spmem:s0], $0x2000, $0x38;
	[tilespmem:$0x1DF48] =	vst v63  }
0x452: {  	_ =	swait.ge @!p0 [sflag:s15], $0x2000  }
0x453: {  	s0 =	sld [smem:$0x7FC]  }
0x454: {  	[sflag:s15] =	ssyncset.done @!p0 $0x0  }
0x455: {  	s1 =	simm.s32 @!p0 $0x1B820;
	[sflag:s15] =	ssyncadd.s32 @!p0 $0xFFFFE000  }
0x456: {  	[tilespmem:s1], [sflag:$0x7] =	stream.linear.gather @!p0 [spmem:s0], $0x400, $0x38;
	[tilespmem:$0x1DF48] =	vst v63  }
0x457: {  	s26 =	sadd.s32 $0xFFFFFFFF, s26;
	_ =	swait.ge @!p0 [sflag:s15], $0x400  }
0x458: {  	p2 =	sne.s32 s26, $0x0;
	[sflag:s15] =	ssyncset.done @!p0 $0x0  }
0x459: {  	s0 =	simm.s32 @!p0 $0x0;
	s29 =	rddreg [dreg:$0x1a];
	[sflag:s15] =	ssyncadd.s32 @!p0 $0xFFFFFC00  }
0x45a: {  	[hbm4b:s29+s0] =	stream.linear.scatter @!p0 [tilespmem:s5], [sflag:$0x7], $0x2000, $0x38;
	[tilespmem:$0x1DF48] =	vst v63  }
.Ltmp1:
0x45b: {  	_ = 	snop;
	(pc) =	sbr.rel @p2 .LBB2_2-.Ltmp1, $4  }
0x45c: {  	_ =	swait.ge @!p0 [sflag:s15], $0x2000  }
0x45d: {  	[sflag:s15] =	ssyncset.done @!p0 $0x0  }
0x45e: {  	s29 =	rddreg [dreg:$0x1b];
	[sflag:s15] =	ssyncadd.s32 @!p0 $0xFFFFE000  }
0x45f: {  	[hbm4b:s29+s0] =	stream.linear.scatter @!p0 [tilespmem:s1], [sflag:$0x7], $0x400, $0x38;
	[tilespmem:$0x1DF48] =	vst v63  }
.LBB2_3:
0x460: {  	_ =	swait.ge @!p0 [sflag:s15], $0x400  }
0x461: {  	[sflag:s15] =	ssyncset.done @!p0 $0x0  }
0x462: {  	[sflag:s15] =	ssyncadd.s32 @!p0 $0xFFFFFC00  }
0x463: {  	_ =	sfence.sel $0x180000  }
0x464: {  	[bflag:$0x0] =	sbarrier.arrive $0xFFFF  }
0x465: {  	_ =	strace $0x90000047  }
0x466: {  	s0 =	stileid.u32;
	[bflag:$0x2] =	sbarrier.arrive $0xFFFF  }
0x467: {  	p0 =	sne.s32 s0, $0x0;
	s0 =	rddreg [dreg:$0x6]  }
0x468: {  	s0 =	sadd.s32 @!p0 $0x100000, s0  }
0x469: {  	[sflag:s0] =	ssyncadd.tile.s32 @!p0 $0x1;
	_ =	shalt  }
.Lfunc_end2:
_tile_overlayer_lowered:
.L_overlay_start_2:
0x46a: {  	(tag) =	ssettag $0x2  }
0x46b: {  	s0 =	rddreg [dreg:$0x0];
	s2 =	stileid.u32  }
0x46c: {  	s1 =	rddreg [dreg:$0x1];
	p0 =	sne.s32 s2, $0x0  }
0x46d: {  	s3 =	rddreg [dreg:$0x2];
	[bflag:$0x3] =	sbarrier.arrive $0xFFFF;
	s2 =	simm.s32 @!p0 $0x1C07  }
0x46e: {  	[timem:s3], [sflag:s2] =	dma.local @!p0 [hbm:s0], s1  }
0x46f: {  	s0 =	simm.s32 @!p0 $0x7  }
0x470: {  	_ =	swait.ge @!p0 [sflag:s0], s1  }
0x471: {  	s1 =	ssub.s32 @!p0 $0x0, s1;
	[sflag:s0] =	ssyncset.done @!p0 $0x0  }
0x472: {  	[sflag:s0] =	ssyncadd.s32 @!p0 s1  }
0x473: {  	[bflag:$0x3] =	sbarrier.arrive $0xFFFF  }
0x474: {  	_ =	shalt  }

</sc_bundles>
